<compile_context>
chip_gen: v7x
topology: tpu7x:2x2x1
jax: 0.10.2.dev20260603
libtpu: 0.0.44.dev20260713+nightly
codegen_flags: <defaults>
</compile_context>

<pallas_src>
import functools

import jax
import jax.numpy as jnp
from jax import lax
from jax.experimental import pallas as pl
from jax.experimental.pallas import tpu as pltpu
from jax.experimental.pallas import tpu_sc as plsc

_N = 10000
_E = 320000
_B = 64
_K = 30
_TOT = 97
_C1, _C2 = 16, 32
_KW2 = 5
_HID = 128
_NCLS = 2
_DENSE = 352
_NW = 32
_CH = 128
_NCH = 80
_EPW = _NCH * _CH
_EPAD = _NW * _EPW
_NPAD = 10112
_RPT = _NPAD // 16
_GW = 104
_BKPAD = 2048



def _seg_sum_body(y_hbm, srcs_hbm, dsts_hbm, zeros_hbm, out_hbm,
                  src_v, dst_v, rows0, sem0, stage_v, acc):
    c = lax.axis_index("c")
    s = lax.axis_index("s")
    wid = s * 2 + c
    plsc.subcore_barrier()
    pl.delay(16384)
    plsc.subcore_barrier()
    pltpu.sync_copy(zeros_hbm, acc.at[pl.ds(s * _RPT, _RPT)])
    pltpu.sync_copy(srcs_hbm.at[wid], src_v)
    pltpu.sync_copy(dsts_hbm.at[wid], dst_v)
    plsc.subcore_barrier()
    pl.delay(2048)
    plsc.subcore_barrier()

    def step(j, carry):
        pltpu.async_copy(y_hbm.at[src_v.at[j]], rows0, sem0).wait()
        pltpu.sync_copy(rows0, acc.at[dst_v.at[j]], add=True)
        return carry

    lax.fori_loop(0, _NCH, step, 0)
    plsc.subcore_barrier()
    pl.delay(2048)
    plsc.subcore_barrier()
    pltpu.sync_copy(acc.at[pl.ds(s * _RPT, _RPT)], stage_v)
    pltpu.sync_copy(stage_v, out_hbm.at[c].at[pl.ds(s * _RPT, _RPT)])
    pltpu.sync_copy(out_hbm.at[c].at[pl.ds(s * _RPT, _RPT)], stage_v)
    plsc.subcore_barrier()
    pl.delay(16384)
    plsc.subcore_barrier()


_seg_cache = {}


def _seg(width):
    if width not in _seg_cache:
        mesh = plsc.VectorSubcoreMesh(core_axis_name="c",
                                      subcore_axis_name="s")
        _seg_cache[width] = functools.partial(
            pl.kernel,
            out_type=jax.ShapeDtypeStruct((2, _NPAD, width), jnp.float32),
            mesh=mesh,
            compiler_params=pltpu.CompilerParams(use_tc_tiling_on_sc=False),
            scratch_types=[
                pltpu.VMEM((_NCH, _CH), jnp.int32),
                pltpu.VMEM((_NCH, _CH), jnp.int32),
                pltpu.VMEM((_CH, width), jnp.float32),
                pltpu.SemaphoreType.DMA,
                pltpu.VMEM((_RPT, width), jnp.float32),
                pltpu.VMEM_SHARED((_NPAD, width), jnp.float32),
            ],
        )(_seg_sum_body)
    return _seg_cache[width]



def _pool_gather_body(cat_hbm, idx_hbm, out_hbm, idx_v, rows_v, sem):
    c = lax.axis_index("c")
    s = lax.axis_index("s")
    wid = s * 2 + c
    plsc.subcore_barrier()
    pl.delay(8192)
    plsc.subcore_barrier()
    pltpu.sync_copy(idx_hbm.at[wid], idx_v)
    pltpu.async_copy(cat_hbm.at[idx_v.at[0]], rows_v, sem).wait()
    pltpu.sync_copy(rows_v, out_hbm.at[pl.ds(wid * (_BKPAD // _NW),
                                             _BKPAD // _NW)])
    pltpu.sync_copy(out_hbm.at[pl.ds(wid * (_BKPAD // _NW),
                                     _BKPAD // _NW)], rows_v)
    plsc.subcore_barrier()
    pl.delay(16384)
    plsc.subcore_barrier()


def _pool_gather(cat, idx3):
    if "pool" not in _seg_cache:
        _seg_cache["pool"] = functools.partial(
            pl.kernel,
            out_type=jax.ShapeDtypeStruct((_BKPAD, _GW), jnp.float32),
            mesh=plsc.VectorSubcoreMesh(core_axis_name="c",
                                        subcore_axis_name="s"),
            compiler_params=pltpu.CompilerParams(use_tc_tiling_on_sc=False),
            scratch_types=[
                pltpu.VMEM((1, _BKPAD // _NW), jnp.int32),
                pltpu.VMEM((_BKPAD // _NW, _GW), jnp.float32),
                pltpu.SemaphoreType.DMA,
            ],
        )(_pool_gather_body)
    return _seg_cache["pool"](cat, idx3)



def _layer_body(msg_ref, x_ref, w_ref, t_ref):
    msg = (msg_ref[0] + msg_ref[1]) + x_ref[...]
    t_ref[...] = jnp.dot(msg, w_ref[...], preferred_element_type=jnp.float32)


def _layer(msgp, x, deg, W):
    t = pl.pallas_call(
        _layer_body,
        out_shape=jax.ShapeDtypeStruct((_NPAD, W.shape[1]), jnp.float32),
    )(msgp, x, W)
    return jnp.tanh(t / deg)


def _layer1_body(m_ref, x_ref, w_ref, t_ref):
    msg = m_ref[...] + x_ref[...]
    t_ref[...] = jnp.dot(msg, w_ref[...], preferred_element_type=jnp.float32)


def _layer1(m1full, x, deg, W):
    t = pl.pallas_call(
        _layer1_body,
        out_shape=jax.ShapeDtypeStruct((_NPAD, W.shape[1]), jnp.float32),
    )(m1full, x, W)
    return jnp.tanh(t / deg)


def _deg_body(s_ref, deg_ref):
    deg_ref[...] = (s_ref[0] + s_ref[1])[:, :1] + 1.0


def _deg(s_parts):
    return pl.pallas_call(
        _deg_body,
        out_shape=jax.ShapeDtypeStruct((_NPAD, 1), jnp.float32),
    )(s_parts)



def _topk_body(gid_ref, key_ref, topi_ref):
    gid = gid_ref[...]
    key = key_ref[...]
    iota_b = lax.broadcasted_iota(jnp.int32, (_B, _NPAD), 0)
    mask = gid == iota_b
    s = jnp.where(mask, key, -jnp.inf)
    iota = lax.broadcasted_iota(jnp.int32, (_B, _NPAD), 1)
    cols = []
    for _ in range(_K):
        m = jnp.max(s, axis=1, keepdims=True)
        hit = s == m
        idx = jnp.min(jnp.where(hit, iota, _NPAD), axis=1, keepdims=True)
        cols.append(jnp.where(m == -jnp.inf, _N, idx))
        s = jnp.where(iota == idx, -jnp.inf, s)
    topi_ref[...] = jnp.concatenate(cols, axis=1)


def _topk(gid_pad, key_pad):
    return pl.pallas_call(
        _topk_body,
        out_shape=jax.ShapeDtypeStruct((_B, _K), jnp.int32),
    )(gid_pad, key_pad)



def _head_body(pooled_ref, cw1_ref, cb1_ref, cw2_ref, cb2_ref,
               fw1p_ref, fb1_ref, fw2_ref, fb2_ref, oh_ref,
               logits_ref, loss_ref):
    pooled = pooled_ref[...]
    x = pooled[: _B * _K, :_TOT]
    cw1t = cw1_ref[...][:, 0, :].T
    x1 = jnp.maximum(jnp.dot(x, cw1t, preferred_element_type=jnp.float32)
                     + cb1_ref[...][None, :], 0.0)
    x1 = x1.reshape(_B, _K // 2, 2, _C1)
    xp = jnp.max(x1, axis=2)
    acc = jnp.zeros((_B * 11, _C2), jnp.float32)
    cw2 = cw2_ref[...]
    for dk in range(_KW2):
        sl = xp[:, dk:dk + 11, :].reshape(_B * 11, _C1)
        acc = acc + jnp.dot(sl, cw2[:, :, dk].T,
                            preferred_element_type=jnp.float32)
    x2 = jnp.maximum(acc + cb2_ref[...][None, :], 0.0)
    x3 = x2.reshape(_B, 11, _C2)
    hacc = jnp.zeros((_B, _HID), jnp.float32) + fb1_ref[...][None, :]
    for j in range(11):
        hacc = hacc + jnp.dot(x3[:, j, :], fw1p_ref[j],
                              preferred_element_type=jnp.float32)
    h = jnp.maximum(hacc, 0.0)
    logits = jnp.dot(h, fw2_ref[...],
                     preferred_element_type=jnp.float32) + fb2_ref[...][None, :]
    m = jnp.max(logits, axis=1, keepdims=True)
    lse = m + jnp.log(jnp.sum(jnp.exp(logits - m), axis=1, keepdims=True))
    logp = logits - lse
    logits_ref[...] = logits
    loss_ref[...] = jnp.reshape(-jnp.sum(logp * oh_ref[...]) / _B, (1, 1))


def _head(pooled, cw1, cb1, cw2, cb2, fw1p, fb1, fw2, fb2, oh):
    return pl.pallas_call(
        _head_body,
        out_shape=(jax.ShapeDtypeStruct((_B, _NCLS), jnp.float32),
                   jax.ShapeDtypeStruct((1, 1), jnp.float32)),
    )(pooled, cw1, cb1, cw2, cb2, fw1p, fb1, fw2, fb2, oh)



def _pack(idx):
    pad = _EPAD - _E
    return jnp.concatenate([idx, jnp.full((pad,), _N, jnp.int32)]
                           ).reshape(_NW, _NCH, _CH)


def kernel(node_feat, edge_index, graph_ids, labels, W1, W2, W3, W4,
           cw1, cb1, cw2, cb2, fw1, fb1, fw2, fb2):
    src = edge_index[0].astype(jnp.int32)
    dst = edge_index[1].astype(jnp.int32)
    gid = graph_ids.astype(jnp.int32)
    order = jnp.argsort(dst, stable=True)
    srcs = _pack(src[order])
    dsts = _pack(dst[order])
    z32 = jnp.zeros((_RPT, 32), jnp.float32)
    z8 = jnp.zeros((_RPT, 8), jnp.float32)

    ones8 = jnp.zeros((_NPAD, 8), jnp.float32).at[:_N, 0].set(1.0)
    s_ones = _seg(8)(ones8, srcs, dsts, z8)
    deg = _deg(s_ones)

    x_pad = jnp.zeros((_NPAD, 128), jnp.float32).at[:_N].set(node_feat)
    mq = [_seg(32)(x_pad[:, q * 32:(q + 1) * 32], srcs, dsts, z32)
          for q in range(4)]
    m1full = jnp.concatenate([p[0] + p[1] for p in mq], axis=1)
    h1 = _layer1(m1full, x_pad, deg, W1)
    m2 = _seg(32)(h1, srcs, dsts, z32)
    h2 = _layer(m2, h1, deg, W2)
    m3 = _seg(32)(h2, srcs, dsts, z32)
    h3 = _layer(m3, h2, deg, W3)
    m4 = _seg(32)(h3, srcs, dsts, z32)
    h4 = _layer(m4, h3, deg, W4)

    cat = jnp.concatenate(
        [h1, h2, h3, h4, jnp.zeros((_NPAD, _GW - _TOT), jnp.float32)], axis=1)
    rowmask = (jnp.arange(_NPAD) < _N)[:, None]
    cat = jnp.where(rowmask, cat, 0.0)

    gid_pad = jnp.full((1, _NPAD), -1, jnp.int32).at[0, :_N].set(gid)
    key_pad = cat[:, _TOT - 1][None, :]
    topi = _topk(gid_pad, key_pad)

    idx_flat = jnp.full((_BKPAD,), _N, jnp.int32).at[: _B * _K].set(
        topi.reshape(-1))
    idx3 = idx_flat.reshape(_NW, 1, _BKPAD // _NW)
    pooled_rows = _pool_gather(cat, idx3)

    fw1p = fw1.reshape(_C2, 11, _HID).transpose(1, 0, 2)
    oh = (labels.astype(jnp.int32)[:, None]
          == jnp.arange(_NCLS, dtype=jnp.int32)[None, :]).astype(jnp.float32)
    logits, loss = _head(pooled_rows, cw1, cb1, cw2, cb2, fw1p, fb1, fw2,
                         fb2, oh)
    return logits, loss.reshape(())

# --- scband reference (transcript-rebuilt; emitter-appended) ---
"""Pipeline reference for scband-classifier-48206712931025 (READ-ONLY COPY).

The authoritative reference and input builder live on the scoring server;
editing this copy changes nothing except your own understanding.
"""

import jax, jax.numpy as jnp
import numpy as np

N = 10000
E = 320000
B = 64
FEAT = 128
LATENT = [32, 32, 32, 1]
TOT = sum(LATENT)  # 97
K = 30
C1, C2 = 16, 32
KW2 = 5
HID = 128
NCLS = 2
DENSE = ((K // 2) - KW2 + 1) * C2  # 352


def setup_inputs(seed: int = 0):
    key = jax.random.key(seed)
    ks = jax.random.split(key, 16)
    node_feat = jax.random.normal(ks[0], (N, FEAT), dtype=jnp.float32)
    edge_index = jax.random.randint(ks[1], (2, E), 0, N, dtype=jnp.int32)
    graph_ids = jnp.sort(jax.random.randint(ks[2], (N,), 0, B, dtype=jnp.int32))
    labels = jax.random.randint(ks[3], (B,), 0, NCLS, dtype=jnp.int32)
    dims = [FEAT] + LATENT
    W1 = jax.random.normal(ks[4], (dims[0], dims[1]), dtype=jnp.float32) * 0.1
    W2 = jax.random.normal(ks[5], (dims[1], dims[2]), dtype=jnp.float32) * 0.1
    W3 = jax.random.normal(ks[6], (dims[2], dims[3]), dtype=jnp.float32) * 0.1
    W4 = jax.random.normal(ks[7], (dims[3], dims[4]), dtype=jnp.float32) * 0.1
    cw1 = jax.random.normal(ks[8], (C1, 1, TOT), dtype=jnp.float32) * 0.1
    cb1 = jnp.zeros((C1,), dtype=jnp.float32)
    cw2 = jax.random.normal(ks[9], (C2, C1, KW2), dtype=jnp.float32) * 0.1
    cb2 = jnp.zeros((C2,), dtype=jnp.float32)
    fw1 = jax.random.normal(ks[10], (DENSE, HID), dtype=jnp.float32) * 0.05
    fb1 = jnp.zeros((HID,), dtype=jnp.float32)
    fw2 = jax.random.normal(ks[11], (HID, NCLS), dtype=jnp.float32) * 0.05
    fb2 = jnp.zeros((NCLS,), dtype=jnp.float32)
    return {"node_feat": node_feat, "edge_index": edge_index, "graph_ids": graph_ids,
            "labels": labels, "W1": W1, "W2": W2, "W3": W3, "W4": W4,
            "cw1": cw1, "cb1": cb1, "cw2": cw2, "cb2": cb2,
            "fw1": fw1, "fb1": fb1, "fw2": fw2, "fb2": fb2}


def _gconv(x, src, dst, W, deg):
    # A_hat X W / deg, tanh  (A_hat = A + I)
    msg = jax.ops.segment_sum(x[src], dst, num_segments=N) + x
    return jnp.tanh((msg @ W) / deg[:, None])


def reference(node_feat, edge_index, graph_ids, labels, W1, W2, W3, W4,
              cw1, cb1, cw2, cb2, fw1, fb1, fw2, fb2):
    src = edge_index[0].astype(jnp.int32)
    dst = edge_index[1].astype(jnp.int32)
    gid = graph_ids.astype(jnp.int32)
    deg = jax.ops.segment_sum(jnp.ones((E,), jnp.float32), dst, num_segments=N) + 1.0
    h1 = _gconv(node_feat, src, dst, W1, deg)
    h2 = _gconv(h1, src, dst, W2, deg)
    h3 = _gconv(h2, src, dst, W3, deg)
    h4 = _gconv(h3, src, dst, W4, deg)
    cat = jnp.concatenate([h1, h2, h3, h4], axis=1)  # [N, TOT]
    # SortPooling: per-graph top-k nodes by last latent channel
    sort_key = cat[:, -1]  # [N]
    mask = (gid[None, :] == jnp.arange(B, dtype=jnp.int32)[:, None])  # [B, N]
    scores = jnp.where(mask, sort_key[None, :], -jnp.inf)
    topv, topi = jax.lax.top_k(scores, K)  # [B, K]
    pooled = cat[topi]  # [B, K, TOT]
    valid = jnp.isfinite(topv)
    pooled = jnp.where(valid[..., None], pooled, 0.0)
    # 1D conv head
    x = pooled.reshape(B, 1, K * TOT)
    dn = ('NCH', 'OIH', 'NCH')
    x = jax.lax.conv_general_dilated(x, cw1, window_strides=(TOT,), padding='VALID',
                                     dimension_numbers=dn) + cb1[None, :, None]
    x = jax.nn.relu(x)  # [B, C1, K]
    x = jax.lax.reduce_window(x, -jnp.inf, jax.lax.max, (1, 1, 2), (1, 1, 2), 'VALID')  # [B, C1, K//2]
    x = jax.lax.conv_general_dilated(x, cw2, window_strides=(1,), padding='VALID',
                                     dimension_numbers=dn) + cb2[None, :, None]
    x = jax.nn.relu(x)  # [B, C2, K//2-4]
    flat = x.reshape(B, -1)  # [B, DENSE]
    h = jax.nn.relu(flat @ fw1 + fb1)
    logits = h @ fw2 + fb2
    logp = jax.nn.log_softmax(logits, axis=-1)
    loss = -jnp.mean(jnp.take_along_axis(logp, labels.astype(jnp.int32)[:, None], axis=1))
    return logits, loss

if __name__ == "__main__":
    import jax
    _d = setup_inputs()
    print(jax.jit(kernel)(*tuple(_d.values())))

</pallas_src>

<mosaic_0001>
#map = affine_map<(d0, d1) -> (0, 0)>
#map1 = affine_map<(d0, d1) -> (0, 0, 0)>
module attributes {stable_mosaic.version = 14 : i64} {
  func.func @_seg_sum_body(%arg0: i32, %arg1: i32, %arg2: memref<10112x32xf32, #tpu.memory_space<hbm>>, %arg3: memref<32x80x128xi32, #tpu.memory_space<hbm>>, %arg4: memref<32x80x128xi32, #tpu.memory_space<hbm>>, %arg5: memref<632x32xf32, #tpu.memory_space<hbm>>, %arg6: memref<2x10112x32xf32, #tpu.memory_space<hbm>>, %arg7: memref<80x128xi32, #tpu.memory_space<vmem>>, %arg8: memref<80x128xi32, #tpu.memory_space<vmem>>, %arg9: memref<128x32xf32, #tpu.memory_space<vmem>>, %arg10: memref<!tpu.dma_semaphore, #tpu.memory_space<semaphore_mem>>, %arg11: memref<632x32xf32, #tpu.memory_space<vmem>>, %arg12: memref<10112x32xf32, #tpu.memory_space<vmem_shared>>) attributes {dimension_semantics = [#tpu.dimension_semantics<core_parallel>, #tpu.dimension_semantics<subcore_parallel>], iteration_bounds = array<i64: 2, 16>, scalar_prefetch = 0 : i64, scratch_operands = 6 : i64, tpu.core_type = #tpu.core_type<sc_vector_subcore>, window_params = [{transform_indices = #map}, {transform_indices = #map1}, {transform_indices = #map1}, {transform_indices = #map}, {transform_indices = #map1}]} {
    %mul3A = arith.constant 2 : i32
    %mul3A_0 = arith.muli %arg1, %mul3A : i32
    %add3A = arith.addi %mul3A_0, %arg0 : i32
    %barrier3A = arith.constant 0 : index
    tpu.barrier barrier_id(%barrier3A)
    %delay3A = arith.constant 16384 : i32
    tpu.delay %delay3A
    %barrier3A_1 = arith.constant 0 : index
    tpu.barrier barrier_id(%barrier3A_1)
    %mul3A_2 = arith.constant 632 : i32
    %mul3A_3 = arith.muli %arg1, %mul3A_2 : i32
    "tpu.region"() ({
      %run_scoped3A = tpu.sem_alloc : memref<!tpu.dma_semaphore, #tpu.memory_space<semaphore_mem>>
      %dma_start3A = arith.constant 0 : i32
      %dma_start3A_24 = tpu.memref_slice %arg12[%mul3A_3, %dma_start3A] : memref<10112x32xf32, #tpu.memory_space<vmem_shared>> -> memref<632x32xf32, #tpu.memory_space<vmem_shared>>
      tpu.enqueue_dma source(%arg5 : memref<632x32xf32, #tpu.memory_space<hbm>>) target(%dma_start3A_24 : memref<632x32xf32, #tpu.memory_space<vmem_shared>>) target_semaphore(%run_scoped3A : memref<!tpu.dma_semaphore, #tpu.memory_space<semaphore_mem>>)
      %dma_wait3A = arith.constant 0 : i32
      %dma_wait3A_25 = tpu.memref_slice %arg12[%mul3A_3, %dma_wait3A] : memref<10112x32xf32, #tpu.memory_space<vmem_shared>> -> memref<632x32xf32, #tpu.memory_space<vmem_shared>>
      tpu.wait_dma2 semaphore(%run_scoped3A : memref<!tpu.dma_semaphore, #tpu.memory_space<semaphore_mem>>) src(%arg5 : memref<632x32xf32, #tpu.memory_space<hbm>>) dst(%dma_wait3A_25 : memref<632x32xf32, #tpu.memory_space<vmem_shared>>)
      tpu.yield
    }) : () -> ()
    "tpu.region"() ({
      %run_scoped3A = tpu.sem_alloc : memref<!tpu.dma_semaphore, #tpu.memory_space<semaphore_mem>>
      %dma_start3A = arith.constant 0 : i32
      %dma_start3A_24 = arith.constant 0 : i32
      %dma_start3A_25 = tpu.memref_slice %arg3[%add3A, %dma_start3A, %dma_start3A_24] : memref<32x80x128xi32, #tpu.memory_space<hbm>> -> memref<1x80x128xi32, #tpu.memory_space<hbm>>
      %dma_start3A_26 = tpu.memref_squeeze %dma_start3A_25 : memref<1x80x128xi32, #tpu.memory_space<hbm>> -> memref<80x128xi32, #tpu.memory_space<hbm>>
      %dma_start3A_27 = arith.constant 0 : i32
      %dma_start3A_28 = arith.constant 0 : i32
      %dma_start3A_29 = tpu.memref_slice %arg3[%add3A, %dma_start3A_27, %dma_start3A_28] : memref<32x80x128xi32, #tpu.memory_space<hbm>> -> memref<1x80x128xi32, #tpu.memory_space<hbm>>
      %dma_start3A_30 = tpu.memref_squeeze %dma_start3A_29 : memref<1x80x128xi32, #tpu.memory_space<hbm>> -> memref<80x128xi32, #tpu.memory_space<hbm>>
      tpu.enqueue_dma source(%dma_start3A_30 : memref<80x128xi32, #tpu.memory_space<hbm>>) target(%arg7 : memref<80x128xi32, #tpu.memory_space<vmem>>) target_semaphore(%run_scoped3A : memref<!tpu.dma_semaphore, #tpu.memory_space<semaphore_mem>>)
      %dma_wait3A = arith.constant 0 : i32
      %dma_wait3A_31 = arith.constant 0 : i32
      %dma_wait3A_32 = tpu.memref_slice %arg3[%add3A, %dma_wait3A, %dma_wait3A_31] : memref<32x80x128xi32, #tpu.memory_space<hbm>> -> memref<1x80x128xi32, #tpu.memory_space<hbm>>
      %dma_wait3A_33 = tpu.memref_squeeze %dma_wait3A_32 : memref<1x80x128xi32, #tpu.memory_space<hbm>> -> memref<80x128xi32, #tpu.memory_space<hbm>>
      %dma_wait3A_34 = arith.constant 0 : i32
      %dma_wait3A_35 = arith.constant 0 : i32
      %dma_wait3A_36 = tpu.memref_slice %arg3[%add3A, %dma_wait3A_34, %dma_wait3A_35] : memref<32x80x128xi32, #tpu.memory_space<hbm>> -> memref<1x80x128xi32, #tpu.memory_space<hbm>>
      %dma_wait3A_37 = tpu.memref_squeeze %dma_wait3A_36 : memref<1x80x128xi32, #tpu.memory_space<hbm>> -> memref<80x128xi32, #tpu.memory_space<hbm>>
      tpu.wait_dma2 semaphore(%run_scoped3A : memref<!tpu.dma_semaphore, #tpu.memory_space<semaphore_mem>>) src(%dma_wait3A_37 : memref<80x128xi32, #tpu.memory_space<hbm>>) dst(%arg7 : memref<80x128xi32, #tpu.memory_space<vmem>>)
      tpu.yield
    }) : () -> ()
    "tpu.region"() ({
      %run_scoped3A = tpu.sem_alloc : memref<!tpu.dma_semaphore, #tpu.memory_space<semaphore_mem>>
      %dma_start3A = arith.constant 0 : i32
      %dma_start3A_24 = arith.constant 0 : i32
      %dma_start3A_25 = tpu.memref_slice %arg4[%add3A, %dma_start3A, %dma_start3A_24] : memref<32x80x128xi32, #tpu.memory_space<hbm>> -> memref<1x80x128xi32, #tpu.memory_space<hbm>>
      %dma_start3A_26 = tpu.memref_squeeze %dma_start3A_25 : memref<1x80x128xi32, #tpu.memory_space<hbm>> -> memref<80x128xi32, #tpu.memory_space<hbm>>
      %dma_start3A_27 = arith.constant 0 : i32
      %dma_start3A_28 = arith.constant 0 : i32
      %dma_start3A_29 = tpu.memref_slice %arg4[%add3A, %dma_start3A_27, %dma_start3A_28] : memref<32x80x128xi32, #tpu.memory_space<hbm>> -> memref<1x80x128xi32, #tpu.memory_space<hbm>>
      %dma_start3A_30 = tpu.memref_squeeze %dma_start3A_29 : memref<1x80x128xi32, #tpu.memory_space<hbm>> -> memref<80x128xi32, #tpu.memory_space<hbm>>
      tpu.enqueue_dma source(%dma_start3A_30 : memref<80x128xi32, #tpu.memory_space<hbm>>) target(%arg8 : memref<80x128xi32, #tpu.memory_space<vmem>>) target_semaphore(%run_scoped3A : memref<!tpu.dma_semaphore, #tpu.memory_space<semaphore_mem>>)
      %dma_wait3A = arith.constant 0 : i32
      %dma_wait3A_31 = arith.constant 0 : i32
      %dma_wait3A_32 = tpu.memref_slice %arg4[%add3A, %dma_wait3A, %dma_wait3A_31] : memref<32x80x128xi32, #tpu.memory_space<hbm>> -> memref<1x80x128xi32, #tpu.memory_space<hbm>>
      %dma_wait3A_33 = tpu.memref_squeeze %dma_wait3A_32 : memref<1x80x128xi32, #tpu.memory_space<hbm>> -> memref<80x128xi32, #tpu.memory_space<hbm>>
      %dma_wait3A_34 = arith.constant 0 : i32
      %dma_wait3A_35 = arith.constant 0 : i32
      %dma_wait3A_36 = tpu.memref_slice %arg4[%add3A, %dma_wait3A_34, %dma_wait3A_35] : memref<32x80x128xi32, #tpu.memory_space<hbm>> -> memref<1x80x128xi32, #tpu.memory_space<hbm>>
      %dma_wait3A_37 = tpu.memref_squeeze %dma_wait3A_36 : memref<1x80x128xi32, #tpu.memory_space<hbm>> -> memref<80x128xi32, #tpu.memory_space<hbm>>
      tpu.wait_dma2 semaphore(%run_scoped3A : memref<!tpu.dma_semaphore, #tpu.memory_space<semaphore_mem>>) src(%dma_wait3A_37 : memref<80x128xi32, #tpu.memory_space<hbm>>) dst(%arg8 : memref<80x128xi32, #tpu.memory_space<vmem>>)
      tpu.yield
    }) : () -> ()
    %barrier3A_4 = arith.constant 0 : index
    tpu.barrier barrier_id(%barrier3A_4)
    %delay3A_5 = arith.constant 2048 : i32
    tpu.delay %delay3A_5
    %barrier3A_6 = arith.constant 0 : index
    tpu.barrier barrier_id(%barrier3A_6)
    %scan3A = arith.constant 0 : i32
    %scan3A_7 = arith.constant 0 : i32
    %scan3A_8 = arith.constant 80 : i32
    %scan3A_9 = arith.addi %scan3A_7, %scan3A_8 : i32
    %scan3A_10 = arith.constant 1 : i32
    scf.for %scan3A_24 = %scan3A_7 to %scan3A_9 step %scan3A_10  : i32 {
      %dma_start3A = arith.constant 0 : i32
      %dma_start3A_25 = tpu.memref_slice %arg7[%scan3A_24, %dma_start3A] : memref<80x128xi32, #tpu.memory_space<vmem>> -> memref<1x128xi32, #tpu.memory_space<vmem>>
      %dma_start3A_26 = tpu.memref_squeeze %dma_start3A_25 : memref<1x128xi32, #tpu.memory_space<vmem>> -> memref<128xi32, #tpu.memory_space<vmem>>
      %dma_start3A_27 = arith.constant 0 : i32
      %dma_start3A_28 = arith.constant 0 : i32
      %dma_start3A_29 = tpu.memref_slice %arg2[%dma_start3A_27, %dma_start3A_28] : memref<10112x32xf32, #tpu.memory_space<hbm>> -> memref<10112x32xf32, #tpu.memory_space<hbm>>
      tpu.enqueue_indirect_dma source(%dma_start3A_29 : memref<10112x32xf32, #tpu.memory_space<hbm>>) target(%arg9 : memref<128x32xf32, #tpu.memory_space<vmem>>) offsets(%dma_start3A_26 : memref<128xi32, #tpu.memory_space<vmem>>) semaphore(%arg10 : memref<!tpu.dma_semaphore, #tpu.memory_space<semaphore_mem>>)
      %dma_wait3A = arith.constant 0 : i32
      %dma_wait3A_30 = tpu.memref_slice %arg7[%scan3A_24, %dma_wait3A] : memref<80x128xi32, #tpu.memory_space<vmem>> -> memref<1x128xi32, #tpu.memory_space<vmem>>
      %dma_wait3A_31 = tpu.memref_squeeze %dma_wait3A_30 : memref<1x128xi32, #tpu.memory_space<vmem>> -> memref<128xi32, #tpu.memory_space<vmem>>
      %dma_wait3A_32 = arith.constant 0 : i32
      %dma_wait3A_33 = arith.constant 0 : i32
      %dma_wait3A_34 = tpu.memref_slice %arg2[%dma_wait3A_32, %dma_wait3A_33] : memref<10112x32xf32, #tpu.memory_space<hbm>> -> memref<10112x32xf32, #tpu.memory_space<hbm>>
      tpu.wait_indirect_dma semaphore(%arg10 : memref<!tpu.dma_semaphore, #tpu.memory_space<semaphore_mem>>) src(%dma_wait3A_34 : memref<10112x32xf32, #tpu.memory_space<hbm>>) dst(%arg9 : memref<128x32xf32, #tpu.memory_space<vmem>>)
      "tpu.region"() ({
        %run_scoped3A = tpu.sem_alloc : memref<!tpu.dma_semaphore, #tpu.memory_space<semaphore_mem>>
        %dma_start3A_35 = arith.constant 0 : i32
        %dma_start3A_36 = tpu.memref_slice %arg8[%scan3A_24, %dma_start3A_35] : memref<80x128xi32, #tpu.memory_space<vmem>> -> memref<1x128xi32, #tpu.memory_space<vmem>>
        %dma_start3A_37 = tpu.memref_squeeze %dma_start3A_36 : memref<1x128xi32, #tpu.memory_space<vmem>> -> memref<128xi32, #tpu.memory_space<vmem>>
        %dma_start3A_38 = arith.constant 0 : i32
        %dma_start3A_39 = arith.constant 0 : i32
        %dma_start3A_40 = tpu.memref_slice %arg12[%dma_start3A_38, %dma_start3A_39] : memref<10112x32xf32, #tpu.memory_space<vmem_shared>> -> memref<10112x32xf32, #tpu.memory_space<vmem_shared>>
        tpu.enqueue_indirect_dma source(%arg9 : memref<128x32xf32, #tpu.memory_space<vmem>>) target(%dma_start3A_40 : memref<10112x32xf32, #tpu.memory_space<vmem_shared>>) offsets(%dma_start3A_37 : memref<128xi32, #tpu.memory_space<vmem>>) semaphore(%run_scoped3A : memref<!tpu.dma_semaphore, #tpu.memory_space<semaphore_mem>>) {add = true}
        %dma_wait3A_41 = arith.constant 0 : i32
        %dma_wait3A_42 = tpu.memref_slice %arg8[%scan3A_24, %dma_wait3A_41] : memref<80x128xi32, #tpu.memory_space<vmem>> -> memref<1x128xi32, #tpu.memory_space<vmem>>
        %dma_wait3A_43 = tpu.memref_squeeze %dma_wait3A_42 : memref<1x128xi32, #tpu.memory_space<vmem>> -> memref<128xi32, #tpu.memory_space<vmem>>
        %dma_wait3A_44 = arith.constant 0 : i32
        %dma_wait3A_45 = arith.constant 0 : i32
        %dma_wait3A_46 = tpu.memref_slice %arg12[%dma_wait3A_44, %dma_wait3A_45] : memref<10112x32xf32, #tpu.memory_space<vmem_shared>> -> memref<10112x32xf32, #tpu.memory_space<vmem_shared>>
        tpu.wait_indirect_dma semaphore(%run_scoped3A : memref<!tpu.dma_semaphore, #tpu.memory_space<semaphore_mem>>) src(%arg9 : memref<128x32xf32, #tpu.memory_space<vmem>>) dst(%dma_wait3A_46 : memref<10112x32xf32, #tpu.memory_space<vmem_shared>>)
        tpu.yield
      }) : () -> ()
    }
    %scan3A_11 = arith.constant 80 : i32
    %barrier3A_12 = arith.constant 0 : index
    tpu.barrier barrier_id(%barrier3A_12)
    %delay3A_13 = arith.constant 2048 : i32
    tpu.delay %delay3A_13
    %barrier3A_14 = arith.constant 0 : index
    tpu.barrier barrier_id(%barrier3A_14)
    %mul3A_15 = arith.constant 632 : i32
    %mul3A_16 = arith.muli %arg1, %mul3A_15 : i32
    "tpu.region"() ({
      %run_scoped3A = tpu.sem_alloc : memref<!tpu.dma_semaphore, #tpu.memory_space<semaphore_mem>>
      %dma_start3A = arith.constant 0 : i32
      %dma_start3A_24 = tpu.memref_slice %arg12[%mul3A_16, %dma_start3A] : memref<10112x32xf32, #tpu.memory_space<vmem_shared>> -> memref<632x32xf32, #tpu.memory_space<vmem_shared>>
      %dma_start3A_25 = arith.constant 0 : i32
      %dma_start3A_26 = tpu.memref_slice %arg12[%mul3A_16, %dma_start3A_25] : memref<10112x32xf32, #tpu.memory_space<vmem_shared>> -> memref<632x32xf32, #tpu.memory_space<vmem_shared>>
      tpu.enqueue_dma source(%dma_start3A_26 : memref<632x32xf32, #tpu.memory_space<vmem_shared>>) target(%arg11 : memref<632x32xf32, #tpu.memory_space<vmem>>) target_semaphore(%run_scoped3A : memref<!tpu.dma_semaphore, #tpu.memory_space<semaphore_mem>>)
      %dma_wait3A = arith.constant 0 : i32
      %dma_wait3A_27 = tpu.memref_slice %arg12[%mul3A_16, %dma_wait3A] : memref<10112x32xf32, #tpu.memory_space<vmem_shared>> -> memref<632x32xf32, #tpu.memory_space<vmem_shared>>
      %dma_wait3A_28 = arith.constant 0 : i32
      %dma_wait3A_29 = tpu.memref_slice %arg12[%mul3A_16, %dma_wait3A_28] : memref<10112x32xf32, #tpu.memory_space<vmem_shared>> -> memref<632x32xf32, #tpu.memory_space<vmem_shared>>
      tpu.wait_dma2 semaphore(%run_scoped3A : memref<!tpu.dma_semaphore, #tpu.memory_space<semaphore_mem>>) src(%dma_wait3A_29 : memref<632x32xf32, #tpu.memory_space<vmem_shared>>) dst(%arg11 : memref<632x32xf32, #tpu.memory_space<vmem>>)
      tpu.yield
    }) : () -> ()
    %mul3A_17 = arith.constant 632 : i32
    %mul3A_18 = arith.muli %arg1, %mul3A_17 : i32
    "tpu.region"() ({
      %run_scoped3A = tpu.sem_alloc : memref<!tpu.dma_semaphore, #tpu.memory_space<semaphore_mem>>
      %dma_start3A = arith.constant 0 : i32
      %dma_start3A_24 = arith.constant 0 : i32
      %dma_start3A_25 = tpu.memref_slice %arg6[%arg0, %dma_start3A, %dma_start3A_24] : memref<2x10112x32xf32, #tpu.memory_space<hbm>> -> memref<1x10112x32xf32, #tpu.memory_space<hbm>>
      %dma_start3A_26 = tpu.memref_squeeze %dma_start3A_25 : memref<1x10112x32xf32, #tpu.memory_space<hbm>> -> memref<10112x32xf32, #tpu.memory_space<hbm>>
      %dma_start3A_27 = arith.constant 0 : i32
      %dma_start3A_28 = tpu.memref_slice %dma_start3A_26[%mul3A_18, %dma_start3A_27] : memref<10112x32xf32, #tpu.memory_space<hbm>> -> memref<632x32xf32, #tpu.memory_space<hbm>>
      %dma_start3A_29 = arith.constant 0 : i32
      %dma_start3A_30 = arith.constant 0 : i32
      %dma_start3A_31 = tpu.memref_slice %arg6[%arg0, %dma_start3A_29, %dma_start3A_30] : memref<2x10112x32xf32, #tpu.memory_space<hbm>> -> memref<1x10112x32xf32, #tpu.memory_space<hbm>>
      %dma_start3A_32 = tpu.memref_squeeze %dma_start3A_31 : memref<1x10112x32xf32, #tpu.memory_space<hbm>> -> memref<10112x32xf32, #tpu.memory_space<hbm>>
      %dma_start3A_33 = arith.constant 0 : i32
      %dma_start3A_34 = tpu.memref_slice %dma_start3A_32[%mul3A_18, %dma_start3A_33] : memref<10112x32xf32, #tpu.memory_space<hbm>> -> memref<632x32xf32, #tpu.memory_space<hbm>>
      tpu.enqueue_dma source(%arg11 : memref<632x32xf32, #tpu.memory_space<vmem>>) target(%dma_start3A_34 : memref<632x32xf32, #tpu.memory_space<hbm>>) target_semaphore(%run_scoped3A : memref<!tpu.dma_semaphore, #tpu.memory_space<semaphore_mem>>)
      %dma_wait3A = arith.constant 0 : i32
      %dma_wait3A_35 = arith.constant 0 : i32
      %dma_wait3A_36 = tpu.memref_slice %arg6[%arg0, %dma_wait3A, %dma_wait3A_35] : memref<2x10112x32xf32, #tpu.memory_space<hbm>> -> memref<1x10112x32xf32, #tpu.memory_space<hbm>>
      %dma_wait3A_37 = tpu.memref_squeeze %dma_wait3A_36 : memref<1x10112x32xf32, #tpu.memory_space<hbm>> -> memref<10112x32xf32, #tpu.memory_space<hbm>>
      %dma_wait3A_38 = arith.constant 0 : i32
      %dma_wait3A_39 = tpu.memref_slice %dma_wait3A_37[%mul3A_18, %dma_wait3A_38] : memref<10112x32xf32, #tpu.memory_space<hbm>> -> memref<632x32xf32, #tpu.memory_space<hbm>>
      %dma_wait3A_40 = arith.constant 0 : i32
      %dma_wait3A_41 = arith.constant 0 : i32
      %dma_wait3A_42 = tpu.memref_slice %arg6[%arg0, %dma_wait3A_40, %dma_wait3A_41] : memref<2x10112x32xf32, #tpu.memory_space<hbm>> -> memref<1x10112x32xf32, #tpu.memory_space<hbm>>
      %dma_wait3A_43 = tpu.memref_squeeze %dma_wait3A_42 : memref<1x10112x32xf32, #tpu.memory_space<hbm>> -> memref<10112x32xf32, #tpu.memory_space<hbm>>
      %dma_wait3A_44 = arith.constant 0 : i32
      %dma_wait3A_45 = tpu.memref_slice %dma_wait3A_43[%mul3A_18, %dma_wait3A_44] : memref<10112x32xf32, #tpu.memory_space<hbm>> -> memref<632x32xf32, #tpu.memory_space<hbm>>
      tpu.wait_dma2 semaphore(%run_scoped3A : memref<!tpu.dma_semaphore, #tpu.memory_space<semaphore_mem>>) src(%arg11 : memref<632x32xf32, #tpu.memory_space<vmem>>) dst(%dma_wait3A_45 : memref<632x32xf32, #tpu.memory_space<hbm>>)
      tpu.yield
    }) : () -> ()
    %mul3A_19 = arith.constant 632 : i32
    %mul3A_20 = arith.muli %arg1, %mul3A_19 : i32
    "tpu.region"() ({
      %run_scoped3A = tpu.sem_alloc : memref<!tpu.dma_semaphore, #tpu.memory_space<semaphore_mem>>
      %dma_start3A = arith.constant 0 : i32
      %dma_start3A_24 = arith.constant 0 : i32
      %dma_start3A_25 = tpu.memref_slice %arg6[%arg0, %dma_start3A, %dma_start3A_24] : memref<2x10112x32xf32, #tpu.memory_space<hbm>> -> memref<1x10112x32xf32, #tpu.memory_space<hbm>>
      %dma_start3A_26 = tpu.memref_squeeze %dma_start3A_25 : memref<1x10112x32xf32, #tpu.memory_space<hbm>> -> memref<10112x32xf32, #tpu.memory_space<hbm>>
      %dma_start3A_27 = arith.constant 0 : i32
      %dma_start3A_28 = tpu.memref_slice %dma_start3A_26[%mul3A_20, %dma_start3A_27] : memref<10112x32xf32, #tpu.memory_space<hbm>> -> memref<632x32xf32, #tpu.memory_space<hbm>>
      %dma_start3A_29 = arith.constant 0 : i32
      %dma_start3A_30 = arith.constant 0 : i32
      %dma_start3A_31 = tpu.memref_slice %arg6[%arg0, %dma_start3A_29, %dma_start3A_30] : memref<2x10112x32xf32, #tpu.memory_space<hbm>> -> memref<1x10112x32xf32, #tpu.memory_space<hbm>>
      %dma_start3A_32 = tpu.memref_squeeze %dma_start3A_31 : memref<1x10112x32xf32, #tpu.memory_space<hbm>> -> memref<10112x32xf32, #tpu.memory_space<hbm>>
      %dma_start3A_33 = arith.constant 0 : i32
      %dma_start3A_34 = tpu.memref_slice %dma_start3A_32[%mul3A_20, %dma_start3A_33] : memref<10112x32xf32, #tpu.memory_space<hbm>> -> memref<632x32xf32, #tpu.memory_space<hbm>>
      tpu.enqueue_dma source(%dma_start3A_34 : memref<632x32xf32, #tpu.memory_space<hbm>>) target(%arg11 : memref<632x32xf32, #tpu.memory_space<vmem>>) target_semaphore(%run_scoped3A : memref<!tpu.dma_semaphore, #tpu.memory_space<semaphore_mem>>)
      %dma_wait3A = arith.constant 0 : i32
      %dma_wait3A_35 = arith.constant 0 : i32
      %dma_wait3A_36 = tpu.memref_slice %arg6[%arg0, %dma_wait3A, %dma_wait3A_35] : memref<2x10112x32xf32, #tpu.memory_space<hbm>> -> memref<1x10112x32xf32, #tpu.memory_space<hbm>>
      %dma_wait3A_37 = tpu.memref_squeeze %dma_wait3A_36 : memref<1x10112x32xf32, #tpu.memory_space<hbm>> -> memref<10112x32xf32, #tpu.memory_space<hbm>>
      %dma_wait3A_38 = arith.constant 0 : i32
      %dma_wait3A_39 = tpu.memref_slice %dma_wait3A_37[%mul3A_20, %dma_wait3A_38] : memref<10112x32xf32, #tpu.memory_space<hbm>> -> memref<632x32xf32, #tpu.memory_space<hbm>>
      %dma_wait3A_40 = arith.constant 0 : i32
      %dma_wait3A_41 = arith.constant 0 : i32
      %dma_wait3A_42 = tpu.memref_slice %arg6[%arg0, %dma_wait3A_40, %dma_wait3A_41] : memref<2x10112x32xf32, #tpu.memory_space<hbm>> -> memref<1x10112x32xf32, #tpu.memory_space<hbm>>
      %dma_wait3A_43 = tpu.memref_squeeze %dma_wait3A_42 : memref<1x10112x32xf32, #tpu.memory_space<hbm>> -> memref<10112x32xf32, #tpu.memory_space<hbm>>
      %dma_wait3A_44 = arith.constant 0 : i32
      %dma_wait3A_45 = tpu.memref_slice %dma_wait3A_43[%mul3A_20, %dma_wait3A_44] : memref<10112x32xf32, #tpu.memory_space<hbm>> -> memref<632x32xf32, #tpu.memory_space<hbm>>
      tpu.wait_dma2 semaphore(%run_scoped3A : memref<!tpu.dma_semaphore, #tpu.memory_space<semaphore_mem>>) src(%dma_wait3A_45 : memref<632x32xf32, #tpu.memory_space<hbm>>) dst(%arg11 : memref<632x32xf32, #tpu.memory_space<vmem>>)
      tpu.yield
    }) : () -> ()
    %barrier3A_21 = arith.constant 0 : index
    tpu.barrier barrier_id(%barrier3A_21)
    %delay3A_22 = arith.constant 16384 : i32
    tpu.delay %delay3A_22
    %barrier3A_23 = arith.constant 0 : index
    tpu.barrier barrier_id(%barrier3A_23)
    return
  }
}

#map = affine_map<(d0, d1) -> (0, 0)>
#map1 = affine_map<(d0, d1) -> (0, 0, 0)>
module attributes {stable_mosaic.version = 14 : i64} {
  func.func @_seg_sum_body(%arg0: i32, %arg1: i32, %arg2: memref<10112x32xf32, #tpu.memory_space<hbm>>, %arg3: memref<32x80x128xi32, #tpu.memory_space<hbm>>, %arg4: memref<32x80x128xi32, #tpu.memory_space<hbm>>, %arg5: memref<632x32xf32, #tpu.memory_space<hbm>>, %arg6: memref<2x10112x32xf32, #tpu.memory_space<hbm>>, %arg7: memref<80x128xi32, #tpu.memory_space<vmem>>, %arg8: memref<80x128xi32, #tpu.memory_space<vmem>>, %arg9: memref<128x32xf32, #tpu.memory_space<vmem>>, %arg10: memref<!tpu.dma_semaphore, #tpu.memory_space<semaphore_mem>>, %arg11: memref<632x32xf32, #tpu.memory_space<vmem>>, %arg12: memref<10112x32xf32, #tpu.memory_space<vmem_shared>>) attributes {dimension_semantics = [#tpu.dimension_semantics<core_parallel>, #tpu.dimension_semantics<subcore_parallel>], iteration_bounds = array<i64: 2, 16>, scalar_prefetch = 0 : i64, scratch_operands = 6 : i64, tpu.core_type = #tpu.core_type<sc_vector_subcore>, window_params = [{transform_indices = #map}, {transform_indices = #map1}, {transform_indices = #map1}, {transform_indices = #map}, {transform_indices = #map1}]} {
    %mul3A = arith.constant 2 : i32
    %mul3A_0 = arith.muli %arg1, %mul3A : i32
    %add3A = arith.addi %mul3A_0, %arg0 : i32
    %barrier3A = arith.constant 0 : index
    tpu.barrier barrier_id(%barrier3A)
    %delay3A = arith.constant 16384 : i32
    tpu.delay %delay3A
    %barrier3A_1 = arith.constant 0 : index
    tpu.barrier barrier_id(%barrier3A_1)
    %mul3A_2 = arith.constant 632 : i32
    %mul3A_3 = arith.muli %arg1, %mul3A_2 : i32
    "tpu.region"() ({
      %run_scoped3A = tpu.sem_alloc : memref<!tpu.dma_semaphore, #tpu.memory_space<semaphore_mem>>
      %dma_start3A = arith.constant 0 : i32
      %dma_start3A_24 = tpu.memref_slice %arg12[%mul3A_3, %dma_start3A] : memref<10112x32xf32, #tpu.memory_space<vmem_shared>> -> memref<632x32xf32, #tpu.memory_space<vmem_shared>>
      tpu.enqueue_dma source(%arg5 : memref<632x32xf32, #tpu.memory_space<hbm>>) target(%dma_start3A_24 : memref<632x32xf32, #tpu.memory_space<vmem_shared>>) target_semaphore(%run_scoped3A : memref<!tpu.dma_semaphore, #tpu.memory_space<semaphore_mem>>)
      %dma_wait3A = arith.constant 0 : i32
      %dma_wait3A_25 = tpu.memref_slice %arg12[%mul3A_3, %dma_wait3A] : memref<10112x32xf32, #tpu.memory_space<vmem_shared>> -> memref<632x32xf32, #tpu.memory_space<vmem_shared>>
      tpu.wait_dma2 semaphore(%run_scoped3A : memref<!tpu.dma_semaphore, #tpu.memory_space<semaphore_mem>>) src(%arg5 : memref<632x32xf32, #tpu.memory_space<hbm>>) dst(%dma_wait3A_25 : memref<632x32xf32, #tpu.memory_space<vmem_shared>>)
      tpu.yield
    }) : () -> ()
    "tpu.region"() ({
      %run_scoped3A = tpu.sem_alloc : memref<!tpu.dma_semaphore, #tpu.memory_space<semaphore_mem>>
      %dma_start3A = arith.constant 0 : i32
      %dma_start3A_24 = arith.constant 0 : i32
      %dma_start3A_25 = tpu.memref_slice %arg3[%add3A, %dma_start3A, %dma_start3A_24] : memref<32x80x128xi32, #tpu.memory_space<hbm>> -> memref<1x80x128xi32, #tpu.memory_space<hbm>>
      %dma_start3A_26 = tpu.memref_squeeze %dma_start3A_25 : memref<1x80x128xi32, #tpu.memory_space<hbm>> -> memref<80x128xi32, #tpu.memory_space<hbm>>
      %dma_start3A_27 = arith.constant 0 : i32
      %dma_start3A_28 = arith.constant 0 : i32
      %dma_start3A_29 = tpu.memref_slice %arg3[%add3A, %dma_start3A_27, %dma_start3A_28] : memref<32x80x128xi32, #tpu.memory_space<hbm>> -> memref<1x80x128xi32, #tpu.memory_space<hbm>>
      %dma_start3A_30 = tpu.memref_squeeze %dma_start3A_29 : memref<1x80x128xi32, #tpu.memory_space<hbm>> -> memref<80x128xi32, #tpu.memory_space<hbm>>
      tpu.enqueue_dma source(%dma_start3A_30 : memref<80x128xi32, #tpu.memory_space<hbm>>) target(%arg7 : memref<80x128xi32, #tpu.memory_space<vmem>>) target_semaphore(%run_scoped3A : memref<!tpu.dma_semaphore, #tpu.memory_space<semaphore_mem>>)
      %dma_wait3A = arith.constant 0 : i32
      %dma_wait3A_31 = arith.constant 0 : i32
      %dma_wait3A_32 = tpu.memref_slice %arg3[%add3A, %dma_wait3A, %dma_wait3A_31] : memref<32x80x128xi32, #tpu.memory_space<hbm>> -> memref<1x80x128xi32, #tpu.memory_space<hbm>>
      %dma_wait3A_33 = tpu.memref_squeeze %dma_wait3A_32 : memref<1x80x128xi32, #tpu.memory_space<hbm>> -> memref<80x128xi32, #tpu.memory_space<hbm>>
      %dma_wait3A_34 = arith.constant 0 : i32
      %dma_wait3A_35 = arith.constant 0 : i32
      %dma_wait3A_36 = tpu.memref_slice %arg3[%add3A, %dma_wait3A_34, %dma_wait3A_35] : memref<32x80x128xi32, #tpu.memory_space<hbm>> -> memref<1x80x128xi32, #tpu.memory_space<hbm>>
      %dma_wait3A_37 = tpu.memref_squeeze %dma_wait3A_36 : memref<1x80x128xi32, #tpu.memory_space<hbm>> -> memref<80x128xi32, #tpu.memory_space<hbm>>
      tpu.wait_dma2 semaphore(%run_scoped3A : memref<!tpu.dma_semaphore, #tpu.memory_space<semaphore_mem>>) src(%dma_wait3A_37 : memref<80x128xi32, #tpu.memory_space<hbm>>) dst(%arg7 : memref<80x128xi32, #tpu.memory_space<vmem>>)
      tpu.yield
    }) : () -> ()
    "tpu.region"() ({
      %run_scoped3A = tpu.sem_alloc : memref<!tpu.dma_semaphore, #tpu.memory_space<semaphore_mem>>
      %dma_start3A = arith.constant 0 : i32
      %dma_start3A_24 = arith.constant 0 : i32
      %dma_start3A_25 = tpu.memref_slice %arg4[%add3A, %dma_start3A, %dma_start3A_24] : memref<32x80x128xi32, #tpu.memory_space<hbm>> -> memref<1x80x128xi32, #tpu.memory_space<hbm>>
      %dma_start3A_26 = tpu.memref_squeeze %dma_start3A_25 : memref<1x80x128xi32, #tpu.memory_space<hbm>> -> memref<80x128xi32, #tpu.memory_space<hbm>>
      %dma_start3A_27 = arith.constant 0 : i32
      %dma_start3A_28 = arith.constant 0 : i32
      %dma_start3A_29 = tpu.memref_slice %arg4[%add3A, %dma_start3A_27, %dma_start3A_28] : memref<32x80x128xi32, #tpu.memory_space<hbm>> -> memref<1x80x128xi32, #tpu.memory_space<hbm>>
      %dma_start3A_30 = tpu.memref_squeeze %dma_start3A_29 : memref<1x80x128xi32, #tpu.memory_space<hbm>> -> memref<80x128xi32, #tpu.memory_space<hbm>>
      tpu.enqueue_dma source(%dma_start3A_30 : memref<80x128xi32, #tpu.memory_space<hbm>>) target(%arg8 : memref<80x128xi32, #tpu.memory_space<vmem>>) target_semaphore(%run_scoped3A : memref<!tpu.dma_semaphore, #tpu.memory_space<semaphore_mem>>)
      %dma_wait3A = arith.constant 0 : i32
      %dma_wait3A_31 = arith.constant 0 : i32
      %dma_wait3A_32 = tpu.memref_slice %arg4[%add3A, %dma_wait3A, %dma_wait3A_31] : memref<32x80x128xi32, #tpu.memory_space<hbm>> -> memref<1x80x128xi32, #tpu.memory_space<hbm>>
      %dma_wait3A_33 = tpu.memref_squeeze %dma_wait3A_32 : memref<1x80x128xi32, #tpu.memory_space<hbm>> -> memref<80x128xi32, #tpu.memory_space<hbm>>
      %dma_wait3A_34 = arith.constant 0 : i32
      %dma_wait3A_35 = arith.constant 0 : i32
      %dma_wait3A_36 = tpu.memref_slice %arg4[%add3A, %dma_wait3A_34, %dma_wait3A_35] : memref<32x80x128xi32, #tpu.memory_space<hbm>> -> memref<1x80x128xi32, #tpu.memory_space<hbm>>
      %dma_wait3A_37 = tpu.memref_squeeze %dma_wait3A_36 : memref<1x80x128xi32, #tpu.memory_space<hbm>> -> memref<80x128xi32, #tpu.memory_space<hbm>>
      tpu.wait_dma2 semaphore(%run_scoped3A : memref<!tpu.dma_semaphore, #tpu.memory_space<semaphore_mem>>) src(%dma_wait3A_37 : memref<80x128xi32, #tpu.memory_space<hbm>>) dst(%arg8 : memref<80x128xi32, #tpu.memory_space<vmem>>)
      tpu.yield
    }) : () -> ()
    %barrier3A_4 = arith.constant 0 : index
    tpu.barrier barrier_id(%barrier3A_4)
    %delay3A_5 = arith.constant 2048 : i32
    tpu.delay %delay3A_5
    %barrier3A_6 = arith.constant 0 : index
    tpu.barrier barrier_id(%barrier3A_6)
    %scan3A = arith.constant 0 : i32
    %scan3A_7 = arith.constant 0 : i32
    %scan3A_8 = arith.constant 80 : i32
    %scan3A_9 = arith.addi %scan3A_7, %scan3A_8 : i32
    %scan3A_10 = arith.constant 1 : i32
    scf.for %scan3A_24 = %scan3A_7 to %scan3A_9 step %scan3A_10  : i32 {
      %dma_start3A = arith.constant 0 : i32
      %dma_start3A_25 = tpu.memref_slice %arg7[%scan3A_24, %dma_start3A] : memref<80x128xi32, #tpu.memory_space<vmem>> -> memref<1x128xi32, #tpu.memory_space<vmem>>
      %dma_start3A_26 = tpu.memref_squeeze %dma_start3A_25 : memref<1x128xi32, #tpu.memory_space<vmem>> -> memref<128xi32, #tpu.memory_space<vmem>>
      %dma_start3A_27 = arith.constant 0 : i32
      %dma_start3A_28 = arith.constant 0 : i32
      %dma_start3A_29 = tpu.memref_slice %arg2[%dma_start3A_27, %dma_start3A_28] : memref<10112x32xf32, #tpu.memory_space<hbm>> -> memref<10112x32xf32, #tpu.memory_space<hbm>>
      tpu.enqueue_indirect_dma source(%dma_start3A_29 : memref<10112x32xf32, #tpu.memory_space<hbm>>) target(%arg9 : memref<128x32xf32, #tpu.memory_space<vmem>>) offsets(%dma_start3A_26 : memref<128xi32, #tpu.memory_space<vmem>>) semaphore(%arg10 : memref<!tpu.dma_semaphore, #tpu.memory_space<semaphore_mem>>)
      %dma_wait3A = arith.constant 0 : i32
      %dma_wait3A_30 = tpu.memref_slice %arg7[%scan3A_24, %dma_wait3A] : memref<80x128xi32, #tpu.memory_space<vmem>> -> memref<1x128xi32, #tpu.memory_space<vmem>>
      %dma_wait3A_31 = tpu.memref_squeeze %dma_wait3A_30 : memref<1x128xi32, #tpu.memory_space<vmem>> -> memref<128xi32, #tpu.memory_space<vmem>>
      %dma_wait3A_32 = arith.constant 0 : i32
      %dma_wait3A_33 = arith.constant 0 : i32
      %dma_wait3A_34 = tpu.memref_slice %arg2[%dma_wait3A_32, %dma_wait3A_33] : memref<10112x32xf32, #tpu.memory_space<hbm>> -> memref<10112x32xf32, #tpu.memory_space<hbm>>
      tpu.wait_indirect_dma semaphore(%arg10 : memref<!tpu.dma_semaphore, #tpu.memory_space<semaphore_mem>>) src(%dma_wait3A_34 : memref<10112x32xf32, #tpu.memory_space<hbm>>) dst(%arg9 : memref<128x32xf32, #tpu.memory_space<vmem>>)
      "tpu.region"() ({
        %run_scoped3A = tpu.sem_alloc : memref<!tpu.dma_semaphore, #tpu.memory_space<semaphore_mem>>
        %dma_start3A_35 = arith.constant 0 : i32
        %dma_start3A_36 = tpu.memref_slice %arg8[%scan3A_24, %dma_start3A_35] : memref<80x128xi32, #tpu.memory_space<vmem>> -> memref<1x128xi32, #tpu.memory_space<vmem>>
        %dma_start3A_37 = tpu.memref_squeeze %dma_start3A_36 : memref<1x128xi32, #tpu.memory_space<vmem>> -> memref<128xi32, #tpu.memory_space<vmem>>
        %dma_start3A_38 = arith.constant 0 : i32
        %dma_start3A_39 = arith.constant 0 : i32
        %dma_start3A_40 = tpu.memref_slice %arg12[%dma_start3A_38, %dma_start3A_39] : memref<10112x32xf32, #tpu.memory_space<vmem_shared>> -> memref<10112x32xf32, #tpu.memory_space<vmem_shared>>
        tpu.enqueue_indirect_dma source(%arg9 : memref<128x32xf32, #tpu.memory_space<vmem>>) target(%dma_start3A_40 : memref<10112x32xf32, #tpu.memory_space<vmem_shared>>) offsets(%dma_start3A_37 : memref<128xi32, #tpu.memory_space<vmem>>) semaphore(%run_scoped3A : memref<!tpu.dma_semaphore, #tpu.memory_space<semaphore_mem>>) {add = true}
        %dma_wait3A_41 = arith.constant 0 : i32
        %dma_wait3A_42 = tpu.memref_slice %arg8[%scan3A_24, %dma_wait3A_41] : memref<80x128xi32, #tpu.memory_space<vmem>> -> memref<1x128xi32, #tpu.memory_space<vmem>>
        %dma_wait3A_43 = tpu.memref_squeeze %dma_wait3A_42 : memref<1x128xi32, #tpu.memory_space<vmem>> -> memref<128xi32, #tpu.memory_space<vmem>>
        %dma_wait3A_44 = arith.constant 0 : i32
        %dma_wait3A_45 = arith.constant 0 : i32
        %dma_wait3A_46 = tpu.memref_slice %arg12[%dma_wait3A_44, %dma_wait3A_45] : memref<10112x32xf32, #tpu.memory_space<vmem_shared>> -> memref<10112x32xf32, #tpu.memory_space<vmem_shared>>
        tpu.wait_indirect_dma semaphore(%run_scoped3A : memref<!tpu.dma_semaphore, #tpu.memory_space<semaphore_mem>>) src(%arg9 : memref<128x32xf32, #tpu.memory_space<vmem>>) dst(%dma_wait3A_46 : memref<10112x32xf32, #tpu.memory_space<vmem_shared>>)
        tpu.yield
      }) : () -> ()
    }
    %scan3A_11 = arith.constant 80 : i32
    %barrier3A_12 = arith.constant 0 : index
    tpu.barrier barrier_id(%barrier3A_12)
    %delay3A_13 = arith.constant 2048 : i32
    tpu.delay %delay3A_13
    %barrier3A_14 = arith.constant 0 : index
    tpu.barrier barrier_id(%barrier3A_14)
    %mul3A_15 = arith.constant 632 : i32
    %mul3A_16 = arith.muli %arg1, %mul3A_15 : i32
    "tpu.region"() ({
      %run_scoped3A = tpu.sem_alloc : memref<!tpu.dma_semaphore, #tpu.memory_space<semaphore_mem>>
      %dma_start3A = arith.constant 0 : i32
      %dma_start3A_24 = tpu.memref_slice %arg12[%mul3A_16, %dma_start3A] : memref<10112x32xf32, #tpu.memory_space<vmem_shared>> -> memref<632x32xf32, #tpu.memory_space<vmem_shared>>
      %dma_start3A_25 = arith.constant 0 : i32
      %dma_start3A_26 = tpu.memref_slice %arg12[%mul3A_16, %dma_start3A_25] : memref<10112x32xf32, #tpu.memory_space<vmem_shared>> -> memref<632x32xf32, #tpu.memory_space<vmem_shared>>
      tpu.enqueue_dma source(%dma_start3A_26 : memref<632x32xf32, #tpu.memory_space<vmem_shared>>) target(%arg11 : memref<632x32xf32, #tpu.memory_space<vmem>>) target_semaphore(%run_scoped3A : memref<!tpu.dma_semaphore, #tpu.memory_space<semaphore_mem>>)
      %dma_wait3A = arith.constant 0 : i32
      %dma_wait3A_27 = tpu.memref_slice %arg12[%mul3A_16, %dma_wait3A] : memref<10112x32xf32, #tpu.memory_space<vmem_shared>> -> memref<632x32xf32, #tpu.memory_space<vmem_shared>>
      %dma_wait3A_28 = arith.constant 0 : i32
      %dma_wait3A_29 = tpu.memref_slice %arg12[%mul3A_16, %dma_wait3A_28] : memref<10112x32xf32, #tpu.memory_space<vmem_shared>> -> memref<632x32xf32, #tpu.memory_space<vmem_shared>>
      tpu.wait_dma2 semaphore(%run_scoped3A : memref<!tpu.dma_semaphore, #tpu.memory_space<semaphore_mem>>) src(%dma_wait3A_29 : memref<632x32xf32, #tpu.memory_space<vmem_shared>>) dst(%arg11 : memref<632x32xf32, #tpu.memory_space<vmem>>)
      tpu.yield
    }) : () -> ()
    %mul3A_17 = arith.constant 632 : i32
    %mul3A_18 = arith.muli %arg1, %mul3A_17 : i32
    "tpu.region"() ({
      %run_scoped3A = tpu.sem_alloc : memref<!tpu.dma_semaphore, #tpu.memory_space<semaphore_mem>>
      %dma_start3A = arith.constant 0 : i32
      %dma_start3A_24 = arith.constant 0 : i32
      %dma_start3A_25 = tpu.memref_slice %arg6[%arg0, %dma_start3A, %dma_start3A_24] : memref<2x10112x32xf32, #tpu.memory_space<hbm>> -> memref<1x10112x32xf32, #tpu.memory_space<hbm>>
      %dma_start3A_26 = tpu.memref_squeeze %dma_start3A_25 : memref<1x10112x32xf32, #tpu.memory_space<hbm>> -> memref<10112x32xf32, #tpu.memory_space<hbm>>
      %dma_start3A_27 = arith.constant 0 : i32
      %dma_start3A_28 = tpu.memref_slice %dma_start3A_26[%mul3A_18, %dma_start3A_27] : memref<10112x32xf32, #tpu.memory_space<hbm>> -> memref<632x32xf32, #tpu.memory_space<hbm>>
      %dma_start3A_29 = arith.constant 0 : i32
      %dma_start3A_30 = arith.constant 0 : i32
      %dma_start3A_31 = tpu.memref_slice %arg6[%arg0, %dma_start3A_29, %dma_start3A_30] : memref<2x10112x32xf32, #tpu.memory_space<hbm>> -> memref<1x10112x32xf32, #tpu.memory_space<hbm>>
      %dma_start3A_32 = tpu.memref_squeeze %dma_start3A_31 : memref<1x10112x32xf32, #tpu.memory_space<hbm>> -> memref<10112x32xf32, #tpu.memory_space<hbm>>
      %dma_start3A_33 = arith.constant 0 : i32
      %dma_start3A_34 = tpu.memref_slice %dma_start3A_32[%mul3A_18, %dma_start3A_33] : memref<10112x32xf32, #tpu.memory_space<hbm>> -> memref<632x32xf32, #tpu.memory_space<hbm>>
      tpu.enqueue_dma source(%arg11 : memref<632x32xf32, #tpu.memory_space<vmem>>) target(%dma_start3A_34 : memref<632x32xf32, #tpu.memory_space<hbm>>) target_semaphore(%run_scoped3A : memref<!tpu.dma_semaphore, #tpu.memory_space<semaphore_mem>>)
      %dma_wait3A = arith.constant 0 : i32
      %dma_wait3A_35 = arith.constant 0 : i32
      %dma_wait3A_36 = tpu.memref_slice %arg6[%arg0, %dma_wait3A, %dma_wait3A_35] : memref<2x10112x32xf32, #tpu.memory_space<hbm>> -> memref<1x10112x32xf32, #tpu.memory_space<hbm>>
      %dma_wait3A_37 = tpu.memref_squeeze %dma_wait3A_36 : memref<1x10112x32xf32, #tpu.memory_space<hbm>> -> memref<10112x32xf32, #tpu.memory_space<hbm>>
      %dma_wait3A_38 = arith.constant 0 : i32
      %dma_wait3A_39 = tpu.memref_slice %dma_wait3A_37[%mul3A_18, %dma_wait3A_38] : memref<10112x32xf32, #tpu.memory_space<hbm>> -> memref<632x32xf32, #tpu.memory_space<hbm>>
      %dma_wait3A_40 = arith.constant 0 : i32
      %dma_wait3A_41 = arith.constant 0 : i32
      %dma_wait3A_42 = tpu.memref_slice %arg6[%arg0, %dma_wait3A_40, %dma_wait3A_41] : memref<2x10112x32xf32, #tpu.memory_space<hbm>> -> memref<1x10112x32xf32, #tpu.memory_space<hbm>>
      %dma_wait3A_43 = tpu.memref_squeeze %dma_wait3A_42 : memref<1x10112x32xf32, #tpu.memory_space<hbm>> -> memref<10112x32xf32, #tpu.memory_space<hbm>>
      %dma_wait3A_44 = arith.constant 0 : i32
      %dma_wait3A_45 = tpu.memref_slice %dma_wait3A_43[%mul3A_18, %dma_wait3A_44] : memref<10112x32xf32, #tpu.memory_space<hbm>> -> memref<632x32xf32, #tpu.memory_space<hbm>>
      tpu.wait_dma2 semaphore(%run_scoped3A : memref<!tpu.dma_semaphore, #tpu.memory_space<semaphore_mem>>) src(%arg11 : memref<632x32xf32, #tpu.memory_space<vmem>>) dst(%dma_wait3A_45 : memref<632x32xf32, #tpu.memory_space<hbm>>)
      tpu.yield
    }) : () -> ()
    %mul3A_19 = arith.constant 632 : i32
    %mul3A_20 = arith.muli %arg1, %mul3A_19 : i32
    "tpu.region"() ({
      %run_scoped3A = tpu.sem_alloc : memref<!tpu.dma_semaphore, #tpu.memory_space<semaphore_mem>>
      %dma_start3A = arith.constant 0 : i32
      %dma_start3A_24 = arith.constant 0 : i32
      %dma_start3A_25 = tpu.memref_slice %arg6[%arg0, %dma_start3A, %dma_start3A_24] : memref<2x10112x32xf32, #tpu.memory_space<hbm>> -> memref<1x10112x32xf32, #tpu.memory_space<hbm>>
      %dma_start3A_26 = tpu.memref_squeeze %dma_start3A_25 : memref<1x10112x32xf32, #tpu.memory_space<hbm>> -> memref<10112x32xf32, #tpu.memory_space<hbm>>
      %dma_start3A_27 = arith.constant 0 : i32
      %dma_start3A_28 = tpu.memref_slice %dma_start3A_26[%mul3A_20, %dma_start3A_27] : memref<10112x32xf32, #tpu.memory_space<hbm>> -> memref<632x32xf32, #tpu.memory_space<hbm>>
      %dma_start3A_29 = arith.constant 0 : i32
      %dma_start3A_30 = arith.constant 0 : i32
      %dma_start3A_31 = tpu.memref_slice %arg6[%arg0, %dma_start3A_29, %dma_start3A_30] : memref<2x10112x32xf32, #tpu.memory_space<hbm>> -> memref<1x10112x32xf32, #tpu.memory_space<hbm>>
      %dma_start3A_32 = tpu.memref_squeeze %dma_start3A_31 : memref<1x10112x32xf32, #tpu.memory_space<hbm>> -> memref<10112x32xf32, #tpu.memory_space<hbm>>
      %dma_start3A_33 = arith.constant 0 : i32
      %dma_start3A_34 = tpu.memref_slice %dma_start3A_32[%mul3A_20, %dma_start3A_33] : memref<10112x32xf32, #tpu.memory_space<hbm>> -> memref<632x32xf32, #tpu.memory_space<hbm>>
      tpu.enqueue_dma source(%dma_start3A_34 : memref<632x32xf32, #tpu.memory_space<hbm>>) target(%arg11 : memref<632x32xf32, #tpu.memory_space<vmem>>) target_semaphore(%run_scoped3A : memref<!tpu.dma_semaphore, #tpu.memory_space<semaphore_mem>>)
      %dma_wait3A = arith.constant 0 : i32
      %dma_wait3A_35 = arith.constant 0 : i32
      %dma_wait3A_36 = tpu.memref_slice %arg6[%arg0, %dma_wait3A, %dma_wait3A_35] : memref<2x10112x32xf32, #tpu.memory_space<hbm>> -> memref<1x10112x32xf32, #tpu.memory_space<hbm>>
      %dma_wait3A_37 = tpu.memref_squeeze %dma_wait3A_36 : memref<1x10112x32xf32, #tpu.memory_space<hbm>> -> memref<10112x32xf32, #tpu.memory_space<hbm>>
      %dma_wait3A_38 = arith.constant 0 : i32
      %dma_wait3A_39 = tpu.memref_slice %dma_wait3A_37[%mul3A_20, %dma_wait3A_38] : memref<10112x32xf32, #tpu.memory_space<hbm>> -> memref<632x32xf32, #tpu.memory_space<hbm>>
      %dma_wait3A_40 = arith.constant 0 : i32
      %dma_wait3A_41 = arith.constant 0 : i32
      %dma_wait3A_42 = tpu.memref_slice %arg6[%arg0, %dma_wait3A_40, %dma_wait3A_41] : memref<2x10112x32xf32, #tpu.memory_space<hbm>> -> memref<1x10112x32xf32, #tpu.memory_space<hbm>>
      %dma_wait3A_43 = tpu.memref_squeeze %dma_wait3A_42 : memref<1x10112x32xf32, #tpu.memory_space<hbm>> -> memref<10112x32xf32, #tpu.memory_space<hbm>>
      %dma_wait3A_44 = arith.constant 0 : i32
      %dma_wait3A_45 = tpu.memref_slice %dma_wait3A_43[%mul3A_20, %dma_wait3A_44] : memref<10112x32xf32, #tpu.memory_space<hbm>> -> memref<632x32xf32, #tpu.memory_space<hbm>>
      tpu.wait_dma2 semaphore(%run_scoped3A : memref<!tpu.dma_semaphore, #tpu.memory_space<semaphore_mem>>) src(%dma_wait3A_45 : memref<632x32xf32, #tpu.memory_space<hbm>>) dst(%arg11 : memref<632x32xf32, #tpu.memory_space<vmem>>)
      tpu.yield
    }) : () -> ()
    %barrier3A_21 = arith.constant 0 : index
    tpu.barrier barrier_id(%barrier3A_21)
    %delay3A_22 = arith.constant 16384 : i32
    tpu.delay %delay3A_22
    %barrier3A_23 = arith.constant 0 : index
    tpu.barrier barrier_id(%barrier3A_23)
    return
  }
}

#map = affine_map<(d0, d1) -> (0, 0)>
#map1 = affine_map<(d0, d1) -> (0, 0, 0)>
module attributes {stable_mosaic.version = 14 : i64} {
  func.func @_seg_sum_body(%arg0: i32, %arg1: i32, %arg2: memref<10112x32xf32, #tpu.memory_space<hbm>>, %arg3: memref<32x80x128xi32, #tpu.memory_space<hbm>>, %arg4: memref<32x80x128xi32, #tpu.memory_space<hbm>>, %arg5: memref<632x32xf32, #tpu.memory_space<hbm>>, %arg6: memref<2x10112x32xf32, #tpu.memory_space<hbm>>, %arg7: memref<80x128xi32, #tpu.memory_space<vmem>>, %arg8: memref<80x128xi32, #tpu.memory_space<vmem>>, %arg9: memref<128x32xf32, #tpu.memory_space<vmem>>, %arg10: memref<!tpu.dma_semaphore, #tpu.memory_space<semaphore_mem>>, %arg11: memref<632x32xf32, #tpu.memory_space<vmem>>, %arg12: memref<10112x32xf32, #tpu.memory_space<vmem_shared>>) attributes {dimension_semantics = [#tpu.dimension_semantics<core_parallel>, #tpu.dimension_semantics<subcore_parallel>], iteration_bounds = array<i64: 2, 16>, scalar_prefetch = 0 : i64, scratch_operands = 6 : i64, tpu.core_type = #tpu.core_type<sc_vector_subcore>, window_params = [{transform_indices = #map}, {transform_indices = #map1}, {transform_indices = #map1}, {transform_indices = #map}, {transform_indices = #map1}]} {
    %mul3A = arith.constant 2 : i32
    %mul3A_0 = arith.muli %arg1, %mul3A : i32
    %add3A = arith.addi %mul3A_0, %arg0 : i32
    %barrier3A = arith.constant 0 : index
    tpu.barrier barrier_id(%barrier3A)
    %delay3A = arith.constant 16384 : i32
    tpu.delay %delay3A
    %barrier3A_1 = arith.constant 0 : index
    tpu.barrier barrier_id(%barrier3A_1)
    %mul3A_2 = arith.constant 632 : i32
    %mul3A_3 = arith.muli %arg1, %mul3A_2 : i32
    "tpu.region"() ({
      %run_scoped3A = tpu.sem_alloc : memref<!tpu.dma_semaphore, #tpu.memory_space<semaphore_mem>>
      %dma_start3A = arith.constant 0 : i32
      %dma_start3A_24 = tpu.memref_slice %arg12[%mul3A_3, %dma_start3A] : memref<10112x32xf32, #tpu.memory_space<vmem_shared>> -> memref<632x32xf32, #tpu.memory_space<vmem_shared>>
      tpu.enqueue_dma source(%arg5 : memref<632x32xf32, #tpu.memory_space<hbm>>) target(%dma_start3A_24 : memref<632x32xf32, #tpu.memory_space<vmem_shared>>) target_semaphore(%run_scoped3A : memref<!tpu.dma_semaphore, #tpu.memory_space<semaphore_mem>>)
      %dma_wait3A = arith.constant 0 : i32
      %dma_wait3A_25 = tpu.memref_slice %arg12[%mul3A_3, %dma_wait3A] : memref<10112x32xf32, #tpu.memory_space<vmem_shared>> -> memref<632x32xf32, #tpu.memory_space<vmem_shared>>
      tpu.wait_dma2 semaphore(%run_scoped3A : memref<!tpu.dma_semaphore, #tpu.memory_space<semaphore_mem>>) src(%arg5 : memref<632x32xf32, #tpu.memory_space<hbm>>) dst(%dma_wait3A_25 : memref<632x32xf32, #tpu.memory_space<vmem_shared>>)
      tpu.yield
    }) : () -> ()
    "tpu.region"() ({
      %run_scoped3A = tpu.sem_alloc : memref<!tpu.dma_semaphore, #tpu.memory_space<semaphore_mem>>
      %dma_start3A = arith.constant 0 : i32
      %dma_start3A_24 = arith.constant 0 : i32
      %dma_start3A_25 = tpu.memref_slice %arg3[%add3A, %dma_start3A, %dma_start3A_24] : memref<32x80x128xi32, #tpu.memory_space<hbm>> -> memref<1x80x128xi32, #tpu.memory_space<hbm>>
      %dma_start3A_26 = tpu.memref_squeeze %dma_start3A_25 : memref<1x80x128xi32, #tpu.memory_space<hbm>> -> memref<80x128xi32, #tpu.memory_space<hbm>>
      %dma_start3A_27 = arith.constant 0 : i32
      %dma_start3A_28 = arith.constant 0 : i32
      %dma_start3A_29 = tpu.memref_slice %arg3[%add3A, %dma_start3A_27, %dma_start3A_28] : memref<32x80x128xi32, #tpu.memory_space<hbm>> -> memref<1x80x128xi32, #tpu.memory_space<hbm>>
      %dma_start3A_30 = tpu.memref_squeeze %dma_start3A_29 : memref<1x80x128xi32, #tpu.memory_space<hbm>> -> memref<80x128xi32, #tpu.memory_space<hbm>>
      tpu.enqueue_dma source(%dma_start3A_30 : memref<80x128xi32, #tpu.memory_space<hbm>>) target(%arg7 : memref<80x128xi32, #tpu.memory_space<vmem>>) target_semaphore(%run_scoped3A : memref<!tpu.dma_semaphore, #tpu.memory_space<semaphore_mem>>)
      %dma_wait3A = arith.constant 0 : i32
      %dma_wait3A_31 = arith.constant 0 : i32
      %dma_wait3A_32 = tpu.memref_slice %arg3[%add3A, %dma_wait3A, %dma_wait3A_31] : memref<32x80x128xi32, #tpu.memory_space<hbm>> -> memref<1x80x128xi32, #tpu.memory_space<hbm>>
      %dma_wait3A_33 = tpu.memref_squeeze %dma_wait3A_32 : memref<1x80x128xi32, #tpu.memory_space<hbm>> -> memref<80x128xi32, #tpu.memory_space<hbm>>
      %dma_wait3A_34 = arith.constant 0 : i32
      %dma_wait3A_35 = arith.constant 0 : i32
      %dma_wait3A_36 = tpu.memref_slice %arg3[%add3A, %dma_wait3A_34, %dma_wait3A_35] : memref<32x80x128xi32, #tpu.memory_space<hbm>> -> memref<1x80x128xi32, #tpu.memory_space<hbm>>
      %dma_wait3A_37 = tpu.memref_squeeze %dma_wait3A_36 : memref<1x80x128xi32, #tpu.memory_space<hbm>> -> memref<80x128xi32, #tpu.memory_space<hbm>>
      tpu.wait_dma2 semaphore(%run_scoped3A : memref<!tpu.dma_semaphore, #tpu.memory_space<semaphore_mem>>) src(%dma_wait3A_37 : memref<80x128xi32, #tpu.memory_space<hbm>>) dst(%arg7 : memref<80x128xi32, #tpu.memory_space<vmem>>)
      tpu.yield
    }) : () -> ()
    "tpu.region"() ({
      %run_scoped3A = tpu.sem_alloc : memref<!tpu.dma_semaphore, #tpu.memory_space<semaphore_mem>>
      %dma_start3A = arith.constant 0 : i32
      %dma_start3A_24 = arith.constant 0 : i32
      %dma_start3A_25 = tpu.memref_slice %arg4[%add3A, %dma_start3A, %dma_start3A_24] : memref<32x80x128xi32, #tpu.memory_space<hbm>> -> memref<1x80x128xi32, #tpu.memory_space<hbm>>
      %dma_start3A_26 = tpu.memref_squeeze %dma_start3A_25 : memref<1x80x128xi32, #tpu.memory_space<hbm>> -> memref<80x128xi32, #tpu.memory_space<hbm>>
      %dma_start3A_27 = arith.constant 0 : i32
      %dma_start3A_28 = arith.constant 0 : i32
      %dma_start3A_29 = tpu.memref_slice %arg4[%add3A, %dma_start3A_27, %dma_start3A_28] : memref<32x80x128xi32, #tpu.memory_space<hbm>> -> memref<1x80x128xi32, #tpu.memory_space<hbm>>
      %dma_start3A_30 = tpu.memref_squeeze %dma_start3A_29 : memref<1x80x128xi32, #tpu.memory_space<hbm>> -> memref<80x128xi32, #tpu.memory_space<hbm>>
      tpu.enqueue_dma source(%dma_start3A_30 : memref<80x128xi32, #tpu.memory_space<hbm>>) target(%arg8 : memref<80x128xi32, #tpu.memory_space<vmem>>) target_semaphore(%run_scoped3A : memref<!tpu.dma_semaphore, #tpu.memory_space<semaphore_mem>>)
      %dma_wait3A = arith.constant 0 : i32
      %dma_wait3A_31 = arith.constant 0 : i32
      %dma_wait3A_32 = tpu.memref_slice %arg4[%add3A, %dma_wait3A, %dma_wait3A_31] : memref<32x80x128xi32, #tpu.memory_space<hbm>> -> memref<1x80x128xi32, #tpu.memory_space<hbm>>
      %dma_wait3A_33 = tpu.memref_squeeze %dma_wait3A_32 : memref<1x80x128xi32, #tpu.memory_space<hbm>> -> memref<80x128xi32, #tpu.memory_space<hbm>>
      %dma_wait3A_34 = arith.constant 0 : i32
      %dma_wait3A_35 = arith.constant 0 : i32
      %dma_wait3A_36 = tpu.memref_slice %arg4[%add3A, %dma_wait3A_34, %dma_wait3A_35] : memref<32x80x128xi32, #tpu.memory_space<hbm>> -> memref<1x80x128xi32, #tpu.memory_space<hbm>>
      %dma_wait3A_37 = tpu.memref_squeeze %dma_wait3A_36 : memref<1x80x128xi32, #tpu.memory_space<hbm>> -> memref<80x128xi32, #tpu.memory_space<hbm>>
      tpu.wait_dma2 semaphore(%run_scoped3A : memref<!tpu.dma_semaphore, #tpu.memory_space<semaphore_mem>>) src(%dma_wait3A_37 : memref<80x128xi32, #tpu.memory_space<hbm>>) dst(%arg8 : memref<80x128xi32, #tpu.memory_space<vmem>>)
      tpu.yield
    }) : () -> ()
    %barrier3A_4 = arith.constant 0 : index
    tpu.barrier barrier_id(%barrier3A_4)
    %delay3A_5 = arith.constant 2048 : i32
    tpu.delay %delay3A_5
    %barrier3A_6 = arith.constant 0 : index
    tpu.barrier barrier_id(%barrier3A_6)
    %scan3A = arith.constant 0 : i32
    %scan3A_7 = arith.constant 0 : i32
    %scan3A_8 = arith.constant 80 : i32
    %scan3A_9 = arith.addi %scan3A_7, %scan3A_8 : i32
    %scan3A_10 = arith.constant 1 : i32
    scf.for %scan3A_24 = %scan3A_7 to %scan3A_9 step %scan3A_10  : i32 {
      %dma_start3A = arith.constant 0 : i32
      %dma_start3A_25 = tpu.memref_slice %arg7[%scan3A_24, %dma_start3A] : memref<80x128xi32, #tpu.memory_space<vmem>> -> memref<1x128xi32, #tpu.memory_space<vmem>>
      %dma_start3A_26 = tpu.memref_squeeze %dma_start3A_25 : memref<1x128xi32, #tpu.memory_space<vmem>> -> memref<128xi32, #tpu.memory_space<vmem>>
      %dma_start3A_27 = arith.constant 0 : i32
      %dma_start3A_28 = arith.constant 0 : i32
      %dma_start3A_29 = tpu.memref_slice %arg2[%dma_start3A_27, %dma_start3A_28] : memref<10112x32xf32, #tpu.memory_space<hbm>> -> memref<10112x32xf32, #tpu.memory_space<hbm>>
      tpu.enqueue_indirect_dma source(%dma_start3A_29 : memref<10112x32xf32, #tpu.memory_space<hbm>>) target(%arg9 : memref<128x32xf32, #tpu.memory_space<vmem>>) offsets(%dma_start3A_26 : memref<128xi32, #tpu.memory_space<vmem>>) semaphore(%arg10 : memref<!tpu.dma_semaphore, #tpu.memory_space<semaphore_mem>>)
      %dma_wait3A = arith.constant 0 : i32
      %dma_wait3A_30 = tpu.memref_slice %arg7[%scan3A_24, %dma_wait3A] : memref<80x128xi32, #tpu.memory_space<vmem>> -> memref<1x128xi32, #tpu.memory_space<vmem>>
      %dma_wait3A_31 = tpu.memref_squeeze %dma_wait3A_30 : memref<1x128xi32, #tpu.memory_space<vmem>> -> memref<128xi32, #tpu.memory_space<vmem>>
      %dma_wait3A_32 = arith.constant 0 : i32
      %dma_wait3A_33 = arith.constant 0 : i32
      %dma_wait3A_34 = tpu.memref_slice %arg2[%dma_wait3A_32, %dma_wait3A_33] : memref<10112x32xf32, #tpu.memory_space<hbm>> -> memref<10112x32xf32, #tpu.memory_space<hbm>>
      tpu.wait_indirect_dma semaphore(%arg10 : memref<!tpu.dma_semaphore, #tpu.memory_space<semaphore_mem>>) src(%dma_wait3A_34 : memref<10112x32xf32, #tpu.memory_space<hbm>>) dst(%arg9 : memref<128x32xf32, #tpu.memory_space<vmem>>)
      "tpu.region"() ({
        %run_scoped3A = tpu.sem_alloc : memref<!tpu.dma_semaphore, #tpu.memory_space<semaphore_mem>>
        %dma_start3A_35 = arith.constant 0 : i32
        %dma_start3A_36 = tpu.memref_slice %arg8[%scan3A_24, %dma_start3A_35] : memref<80x128xi32, #tpu.memory_space<vmem>> -> memref<1x128xi32, #tpu.memory_space<vmem>>
        %dma_start3A_37 = tpu.memref_squeeze %dma_start3A_36 : memref<1x128xi32, #tpu.memory_space<vmem>> -> memref<128xi32, #tpu.memory_space<vmem>>
        %dma_start3A_38 = arith.constant 0 : i32
        %dma_start3A_39 = arith.constant 0 : i32
        %dma_start3A_40 = tpu.memref_slice %arg12[%dma_start3A_38, %dma_start3A_39] : memref<10112x32xf32, #tpu.memory_space<vmem_shared>> -> memref<10112x32xf32, #tpu.memory_space<vmem_shared>>
        tpu.enqueue_indirect_dma source(%arg9 : memref<128x32xf32, #tpu.memory_space<vmem>>) target(%dma_start3A_40 : memref<10112x32xf32, #tpu.memory_space<vmem_shared>>) offsets(%dma_start3A_37 : memref<128xi32, #tpu.memory_space<vmem>>) semaphore(%run_scoped3A : memref<!tpu.dma_semaphore, #tpu.memory_space<semaphore_mem>>) {add = true}
        %dma_wait3A_41 = arith.constant 0 : i32
        %dma_wait3A_42 = tpu.memref_slice %arg8[%scan3A_24, %dma_wait3A_41] : memref<80x128xi32, #tpu.memory_space<vmem>> -> memref<1x128xi32, #tpu.memory_space<vmem>>
        %dma_wait3A_43 = tpu.memref_squeeze %dma_wait3A_42 : memref<1x128xi32, #tpu.memory_space<vmem>> -> memref<128xi32, #tpu.memory_space<vmem>>
        %dma_wait3A_44 = arith.constant 0 : i32
        %dma_wait3A_45 = arith.constant 0 : i32
        %dma_wait3A_46 = tpu.memref_slice %arg12[%dma_wait3A_44, %dma_wait3A_45] : memref<10112x32xf32, #tpu.memory_space<vmem_shared>> -> memref<10112x32xf32, #tpu.memory_space<vmem_shared>>
        tpu.wait_indirect_dma semaphore(%run_scoped3A : memref<!tpu.dma_semaphore, #tpu.memory_space<semaphore_mem>>) src(%arg9 : memref<128x32xf32, #tpu.memory_space<vmem>>) dst(%dma_wait3A_46 : memref<10112x32xf32, #tpu.memory_space<vmem_shared>>)
        tpu.yield
      }) : () -> ()
    }
    %scan3A_11 = arith.constant 80 : i32
    %barrier3A_12 = arith.constant 0 : index
    tpu.barrier barrier_id(%barrier3A_12)
    %delay3A_13 = arith.constant 2048 : i32
    tpu.delay %delay3A_13
    %barrier3A_14 = arith.constant 0 : index
    tpu.barrier barrier_id(%barrier3A_14)
    %mul3A_15 = arith.constant 632 : i32
    %mul3A_16 = arith.muli %arg1, %mul3A_15 : i32
    "tpu.region"() ({
      %run_scoped3A = tpu.sem_alloc : memref<!tpu.dma_semaphore, #tpu.memory_space<semaphore_mem>>
      %dma_start3A = arith.constant 0 : i32
      %dma_start3A_24 = tpu.memref_slice %arg12[%mul3A_16, %dma_start3A] : memref<10112x32xf32, #tpu.memory_space<vmem_shared>> -> memref<632x32xf32, #tpu.memory_space<vmem_shared>>
      %dma_start3A_25 = arith.constant 0 : i32
      %dma_start3A_26 = tpu.memref_slice %arg12[%mul3A_16, %dma_start3A_25] : memref<10112x32xf32, #tpu.memory_space<vmem_shared>> -> memref<632x32xf32, #tpu.memory_space<vmem_shared>>
      tpu.enqueue_dma source(%dma_start3A_26 : memref<632x32xf32, #tpu.memory_space<vmem_shared>>) target(%arg11 : memref<632x32xf32, #tpu.memory_space<vmem>>) target_semaphore(%run_scoped3A : memref<!tpu.dma_semaphore, #tpu.memory_space<semaphore_mem>>)
      %dma_wait3A = arith.constant 0 : i32
      %dma_wait3A_27 = tpu.memref_slice %arg12[%mul3A_16, %dma_wait3A] : memref<10112x32xf32, #tpu.memory_space<vmem_shared>> -> memref<632x32xf32, #tpu.memory_space<vmem_shared>>
      %dma_wait3A_28 = arith.constant 0 : i32
      %dma_wait3A_29 = tpu.memref_slice %arg12[%mul3A_16, %dma_wait3A_28] : memref<10112x32xf32, #tpu.memory_space<vmem_shared>> -> memref<632x32xf32, #tpu.memory_space<vmem_shared>>
      tpu.wait_dma2 semaphore(%run_scoped3A : memref<!tpu.dma_semaphore, #tpu.memory_space<semaphore_mem>>) src(%dma_wait3A_29 : memref<632x32xf32, #tpu.memory_space<vmem_shared>>) dst(%arg11 : memref<632x32xf32, #tpu.memory_space<vmem>>)
      tpu.yield
    }) : () -> ()
    %mul3A_17 = arith.constant 632 : i32
    %mul3A_18 = arith.muli %arg1, %mul3A_17 : i32
    "tpu.region"() ({
      %run_scoped3A = tpu.sem_alloc : memref<!tpu.dma_semaphore, #tpu.memory_space<semaphore_mem>>
      %dma_start3A = arith.constant 0 : i32
      %dma_start3A_24 = arith.constant 0 : i32
      %dma_start3A_25 = tpu.memref_slice %arg6[%arg0, %dma_start3A, %dma_start3A_24] : memref<2x10112x32xf32, #tpu.memory_space<hbm>> -> memref<1x10112x32xf32, #tpu.memory_space<hbm>>
      %dma_start3A_26 = tpu.memref_squeeze %dma_start3A_25 : memref<1x10112x32xf32, #tpu.memory_space<hbm>> -> memref<10112x32xf32, #tpu.memory_space<hbm>>
      %dma_start3A_27 = arith.constant 0 : i32
      %dma_start3A_28 = tpu.memref_slice %dma_start3A_26[%mul3A_18, %dma_start3A_27] : memref<10112x32xf32, #tpu.memory_space<hbm>> -> memref<632x32xf32, #tpu.memory_space<hbm>>
      %dma_start3A_29 = arith.constant 0 : i32
      %dma_start3A_30 = arith.constant 0 : i32
      %dma_start3A_31 = tpu.memref_slice %arg6[%arg0, %dma_start3A_29, %dma_start3A_30] : memref<2x10112x32xf32, #tpu.memory_space<hbm>> -> memref<1x10112x32xf32, #tpu.memory_space<hbm>>
      %dma_start3A_32 = tpu.memref_squeeze %dma_start3A_31 : memref<1x10112x32xf32, #tpu.memory_space<hbm>> -> memref<10112x32xf32, #tpu.memory_space<hbm>>
      %dma_start3A_33 = arith.constant 0 : i32
      %dma_start3A_34 = tpu.memref_slice %dma_start3A_32[%mul3A_18, %dma_start3A_33] : memref<10112x32xf32, #tpu.memory_space<hbm>> -> memref<632x32xf32, #tpu.memory_space<hbm>>
      tpu.enqueue_dma source(%arg11 : memref<632x32xf32, #tpu.memory_space<vmem>>) target(%dma_start3A_34 : memref<632x32xf32, #tpu.memory_space<hbm>>) target_semaphore(%run_scoped3A : memref<!tpu.dma_semaphore, #tpu.memory_space<semaphore_mem>>)
      %dma_wait3A = arith.constant 0 : i32
      %dma_wait3A_35 = arith.constant 0 : i32
      %dma_wait3A_36 = tpu.memref_slice %arg6[%arg0, %dma_wait3A, %dma_wait3A_35] : memref<2x10112x32xf32, #tpu.memory_space<hbm>> -> memref<1x10112x32xf32, #tpu.memory_space<hbm>>
      %dma_wait3A_37 = tpu.memref_squeeze %dma_wait3A_36 : memref<1x10112x32xf32, #tpu.memory_space<hbm>> -> memref<10112x32xf32, #tpu.memory_space<hbm>>
      %dma_wait3A_38 = arith.constant 0 : i32
      %dma_wait3A_39 = tpu.memref_slice %dma_wait3A_37[%mul3A_18, %dma_wait3A_38] : memref<10112x32xf32, #tpu.memory_space<hbm>> -> memref<632x32xf32, #tpu.memory_space<hbm>>
      %dma_wait3A_40 = arith.constant 0 : i32
      %dma_wait3A_41 = arith.constant 0 : i32
      %dma_wait3A_42 = tpu.memref_slice %arg6[%arg0, %dma_wait3A_40, %dma_wait3A_41] : memref<2x10112x32xf32, #tpu.memory_space<hbm>> -> memref<1x10112x32xf32, #tpu.memory_space<hbm>>
      %dma_wait3A_43 = tpu.memref_squeeze %dma_wait3A_42 : memref<1x10112x32xf32, #tpu.memory_space<hbm>> -> memref<10112x32xf32, #tpu.memory_space<hbm>>
      %dma_wait3A_44 = arith.constant 0 : i32
      %dma_wait3A_45 = tpu.memref_slice %dma_wait3A_43[%mul3A_18, %dma_wait3A_44] : memref<10112x32xf32, #tpu.memory_space<hbm>> -> memref<632x32xf32, #tpu.memory_space<hbm>>
      tpu.wait_dma2 semaphore(%run_scoped3A : memref<!tpu.dma_semaphore, #tpu.memory_space<semaphore_mem>>) src(%arg11 : memref<632x32xf32, #tpu.memory_space<vmem>>) dst(%dma_wait3A_45 : memref<632x32xf32, #tpu.memory_space<hbm>>)
      tpu.yield
    }) : () -> ()
    %mul3A_19 = arith.constant 632 : i32
    %mul3A_20 = arith.muli %arg1, %mul3A_19 : i32
    "tpu.region"() ({
      %run_scoped3A = tpu.sem_alloc : memref<!tpu.dma_semaphore, #tpu.memory_space<semaphore_mem>>
      %dma_start3A = arith.constant 0 : i32
      %dma_start3A_24 = arith.constant 0 : i32
      %dma_start3A_25 = tpu.memref_slice %arg6[%arg0, %dma_start3A, %dma_start3A_24] : memref<2x10112x32xf32, #tpu.memory_space<hbm>> -> memref<1x10112x32xf32, #tpu.memory_space<hbm>>
      %dma_start3A_26 = tpu.memref_squeeze %dma_start3A_25 : memref<1x10112x32xf32, #tpu.memory_space<hbm>> -> memref<10112x32xf32, #tpu.memory_space<hbm>>
      %dma_start3A_27 = arith.constant 0 : i32
      %dma_start3A_28 = tpu.memref_slice %dma_start3A_26[%mul3A_20, %dma_start3A_27] : memref<10112x32xf32, #tpu.memory_space<hbm>> -> memref<632x32xf32, #tpu.memory_space<hbm>>
      %dma_start3A_29 = arith.constant 0 : i32
      %dma_start3A_30 = arith.constant 0 : i32
      %dma_start3A_31 = tpu.memref_slice %arg6[%arg0, %dma_start3A_29, %dma_start3A_30] : memref<2x10112x32xf32, #tpu.memory_space<hbm>> -> memref<1x10112x32xf32, #tpu.memory_space<hbm>>
      %dma_start3A_32 = tpu.memref_squeeze %dma_start3A_31 : memref<1x10112x32xf32, #tpu.memory_space<hbm>> -> memref<10112x32xf32, #tpu.memory_space<hbm>>
      %dma_start3A_33 = arith.constant 0 : i32
      %dma_start3A_34 = tpu.memref_slice %dma_start3A_32[%mul3A_20, %dma_start3A_33] : memref<10112x32xf32, #tpu.memory_space<hbm>> -> memref<632x32xf32, #tpu.memory_space<hbm>>
      tpu.enqueue_dma source(%dma_start3A_34 : memref<632x32xf32, #tpu.memory_space<hbm>>) target(%arg11 : memref<632x32xf32, #tpu.memory_space<vmem>>) target_semaphore(%run_scoped3A : memref<!tpu.dma_semaphore, #tpu.memory_space<semaphore_mem>>)
      %dma_wait3A = arith.constant 0 : i32
      %dma_wait3A_35 = arith.constant 0 : i32
      %dma_wait3A_36 = tpu.memref_slice %arg6[%arg0, %dma_wait3A, %dma_wait3A_35] : memref<2x10112x32xf32, #tpu.memory_space<hbm>> -> memref<1x10112x32xf32, #tpu.memory_space<hbm>>
      %dma_wait3A_37 = tpu.memref_squeeze %dma_wait3A_36 : memref<1x10112x32xf32, #tpu.memory_space<hbm>> -> memref<10112x32xf32, #tpu.memory_space<hbm>>
      %dma_wait3A_38 = arith.constant 0 : i32
      %dma_wait3A_39 = tpu.memref_slice %dma_wait3A_37[%mul3A_20, %dma_wait3A_38] : memref<10112x32xf32, #tpu.memory_space<hbm>> -> memref<632x32xf32, #tpu.memory_space<hbm>>
      %dma_wait3A_40 = arith.constant 0 : i32
      %dma_wait3A_41 = arith.constant 0 : i32
      %dma_wait3A_42 = tpu.memref_slice %arg6[%arg0, %dma_wait3A_40, %dma_wait3A_41] : memref<2x10112x32xf32, #tpu.memory_space<hbm>> -> memref<1x10112x32xf32, #tpu.memory_space<hbm>>
      %dma_wait3A_43 = tpu.memref_squeeze %dma_wait3A_42 : memref<1x10112x32xf32, #tpu.memory_space<hbm>> -> memref<10112x32xf32, #tpu.memory_space<hbm>>
      %dma_wait3A_44 = arith.constant 0 : i32
      %dma_wait3A_45 = tpu.memref_slice %dma_wait3A_43[%mul3A_20, %dma_wait3A_44] : memref<10112x32xf32, #tpu.memory_space<hbm>> -> memref<632x32xf32, #tpu.memory_space<hbm>>
      tpu.wait_dma2 semaphore(%run_scoped3A : memref<!tpu.dma_semaphore, #tpu.memory_space<semaphore_mem>>) src(%dma_wait3A_45 : memref<632x32xf32, #tpu.memory_space<hbm>>) dst(%arg11 : memref<632x32xf32, #tpu.memory_space<vmem>>)
      tpu.yield
    }) : () -> ()
    %barrier3A_21 = arith.constant 0 : index
    tpu.barrier barrier_id(%barrier3A_21)
    %delay3A_22 = arith.constant 16384 : i32
    tpu.delay %delay3A_22
    %barrier3A_23 = arith.constant 0 : index
    tpu.barrier barrier_id(%barrier3A_23)
    return
  }
}

#map = affine_map<(d0, d1) -> (0, 0)>
#map1 = affine_map<(d0, d1) -> (0, 0, 0)>
module attributes {stable_mosaic.version = 14 : i64} {
  func.func @_seg_sum_body(%arg0: i32, %arg1: i32, %arg2: memref<10112x32xf32, #tpu.memory_space<hbm>>, %arg3: memref<32x80x128xi32, #tpu.memory_space<hbm>>, %arg4: memref<32x80x128xi32, #tpu.memory_space<hbm>>, %arg5: memref<632x32xf32, #tpu.memory_space<hbm>>, %arg6: memref<2x10112x32xf32, #tpu.memory_space<hbm>>, %arg7: memref<80x128xi32, #tpu.memory_space<vmem>>, %arg8: memref<80x128xi32, #tpu.memory_space<vmem>>, %arg9: memref<128x32xf32, #tpu.memory_space<vmem>>, %arg10: memref<!tpu.dma_semaphore, #tpu.memory_space<semaphore_mem>>, %arg11: memref<632x32xf32, #tpu.memory_space<vmem>>, %arg12: memref<10112x32xf32, #tpu.memory_space<vmem_shared>>) attributes {dimension_semantics = [#tpu.dimension_semantics<core_parallel>, #tpu.dimension_semantics<subcore_parallel>], iteration_bounds = array<i64: 2, 16>, scalar_prefetch = 0 : i64, scratch_operands = 6 : i64, tpu.core_type = #tpu.core_type<sc_vector_subcore>, window_params = [{transform_indices = #map}, {transform_indices = #map1}, {transform_indices = #map1}, {transform_indices = #map}, {transform_indices = #map1}]} {
    %mul3A = arith.constant 2 : i32
    %mul3A_0 = arith.muli %arg1, %mul3A : i32
    %add3A = arith.addi %mul3A_0, %arg0 : i32
    %barrier3A = arith.constant 0 : index
    tpu.barrier barrier_id(%barrier3A)
    %delay3A = arith.constant 16384 : i32
    tpu.delay %delay3A
    %barrier3A_1 = arith.constant 0 : index
    tpu.barrier barrier_id(%barrier3A_1)
    %mul3A_2 = arith.constant 632 : i32
    %mul3A_3 = arith.muli %arg1, %mul3A_2 : i32
    "tpu.region"() ({
      %run_scoped3A = tpu.sem_alloc : memref<!tpu.dma_semaphore, #tpu.memory_space<semaphore_mem>>
      %dma_start3A = arith.constant 0 : i32
      %dma_start3A_24 = tpu.memref_slice %arg12[%mul3A_3, %dma_start3A] : memref<10112x32xf32, #tpu.memory_space<vmem_shared>> -> memref<632x32xf32, #tpu.memory_space<vmem_shared>>
      tpu.enqueue_dma source(%arg5 : memref<632x32xf32, #tpu.memory_space<hbm>>) target(%dma_start3A_24 : memref<632x32xf32, #tpu.memory_space<vmem_shared>>) target_semaphore(%run_scoped3A : memref<!tpu.dma_semaphore, #tpu.memory_space<semaphore_mem>>)
      %dma_wait3A = arith.constant 0 : i32
      %dma_wait3A_25 = tpu.memref_slice %arg12[%mul3A_3, %dma_wait3A] : memref<10112x32xf32, #tpu.memory_space<vmem_shared>> -> memref<632x32xf32, #tpu.memory_space<vmem_shared>>
      tpu.wait_dma2 semaphore(%run_scoped3A : memref<!tpu.dma_semaphore, #tpu.memory_space<semaphore_mem>>) src(%arg5 : memref<632x32xf32, #tpu.memory_space<hbm>>) dst(%dma_wait3A_25 : memref<632x32xf32, #tpu.memory_space<vmem_shared>>)
      tpu.yield
    }) : () -> ()
    "tpu.region"() ({
      %run_scoped3A = tpu.sem_alloc : memref<!tpu.dma_semaphore, #tpu.memory_space<semaphore_mem>>
      %dma_start3A = arith.constant 0 : i32
      %dma_start3A_24 = arith.constant 0 : i32
      %dma_start3A_25 = tpu.memref_slice %arg3[%add3A, %dma_start3A, %dma_start3A_24] : memref<32x80x128xi32, #tpu.memory_space<hbm>> -> memref<1x80x128xi32, #tpu.memory_space<hbm>>
      %dma_start3A_26 = tpu.memref_squeeze %dma_start3A_25 : memref<1x80x128xi32, #tpu.memory_space<hbm>> -> memref<80x128xi32, #tpu.memory_space<hbm>>
      %dma_start3A_27 = arith.constant 0 : i32
      %dma_start3A_28 = arith.constant 0 : i32
      %dma_start3A_29 = tpu.memref_slice %arg3[%add3A, %dma_start3A_27, %dma_start3A_28] : memref<32x80x128xi32, #tpu.memory_space<hbm>> -> memref<1x80x128xi32, #tpu.memory_space<hbm>>
      %dma_start3A_30 = tpu.memref_squeeze %dma_start3A_29 : memref<1x80x128xi32, #tpu.memory_space<hbm>> -> memref<80x128xi32, #tpu.memory_space<hbm>>
      tpu.enqueue_dma source(%dma_start3A_30 : memref<80x128xi32, #tpu.memory_space<hbm>>) target(%arg7 : memref<80x128xi32, #tpu.memory_space<vmem>>) target_semaphore(%run_scoped3A : memref<!tpu.dma_semaphore, #tpu.memory_space<semaphore_mem>>)
      %dma_wait3A = arith.constant 0 : i32
      %dma_wait3A_31 = arith.constant 0 : i32
      %dma_wait3A_32 = tpu.memref_slice %arg3[%add3A, %dma_wait3A, %dma_wait3A_31] : memref<32x80x128xi32, #tpu.memory_space<hbm>> -> memref<1x80x128xi32, #tpu.memory_space<hbm>>
      %dma_wait3A_33 = tpu.memref_squeeze %dma_wait3A_32 : memref<1x80x128xi32, #tpu.memory_space<hbm>> -> memref<80x128xi32, #tpu.memory_space<hbm>>
      %dma_wait3A_34 = arith.constant 0 : i32
      %dma_wait3A_35 = arith.constant 0 : i32
      %dma_wait3A_36 = tpu.memref_slice %arg3[%add3A, %dma_wait3A_34, %dma_wait3A_35] : memref<32x80x128xi32, #tpu.memory_space<hbm>> -> memref<1x80x128xi32, #tpu.memory_space<hbm>>
      %dma_wait3A_37 = tpu.memref_squeeze %dma_wait3A_36 : memref<1x80x128xi32, #tpu.memory_space<hbm>> -> memref<80x128xi32, #tpu.memory_space<hbm>>
      tpu.wait_dma2 semaphore(%run_scoped3A : memref<!tpu.dma_semaphore, #tpu.memory_space<semaphore_mem>>) src(%dma_wait3A_37 : memref<80x128xi32, #tpu.memory_space<hbm>>) dst(%arg7 : memref<80x128xi32, #tpu.memory_space<vmem>>)
      tpu.yield
    }) : () -> ()
    "tpu.region"() ({
      %run_scoped3A = tpu.sem_alloc : memref<!tpu.dma_semaphore, #tpu.memory_space<semaphore_mem>>
      %dma_start3A = arith.constant 0 : i32
      %dma_start3A_24 = arith.constant 0 : i32
      %dma_start3A_25 = tpu.memref_slice %arg4[%add3A, %dma_start3A, %dma_start3A_24] : memref<32x80x128xi32, #tpu.memory_space<hbm>> -> memref<1x80x128xi32, #tpu.memory_space<hbm>>
      %dma_start3A_26 = tpu.memref_squeeze %dma_start3A_25 : memref<1x80x128xi32, #tpu.memory_space<hbm>> -> memref<80x128xi32, #tpu.memory_space<hbm>>
      %dma_start3A_27 = arith.constant 0 : i32
      %dma_start3A_28 = arith.constant 0 : i32
      %dma_start3A_29 = tpu.memref_slice %arg4[%add3A, %dma_start3A_27, %dma_start3A_28] : memref<32x80x128xi32, #tpu.memory_space<hbm>> -> memref<1x80x128xi32, #tpu.memory_space<hbm>>
      %dma_start3A_30 = tpu.memref_squeeze %dma_start3A_29 : memref<1x80x128xi32, #tpu.memory_space<hbm>> -> memref<80x128xi32, #tpu.memory_space<hbm>>
      tpu.enqueue_dma source(%dma_start3A_30 : memref<80x128xi32, #tpu.memory_space<hbm>>) target(%arg8 : memref<80x128xi32, #tpu.memory_space<vmem>>) target_semaphore(%run_scoped3A : memref<!tpu.dma_semaphore, #tpu.memory_space<semaphore_mem>>)
      %dma_wait3A = arith.constant 0 : i32
      %dma_wait3A_31 = arith.constant 0 : i32
      %dma_wait3A_32 = tpu.memref_slice %arg4[%add3A, %dma_wait3A, %dma_wait3A_31] : memref<32x80x128xi32, #tpu.memory_space<hbm>> -> memref<1x80x128xi32, #tpu.memory_space<hbm>>
      %dma_wait3A_33 = tpu.memref_squeeze %dma_wait3A_32 : memref<1x80x128xi32, #tpu.memory_space<hbm>> -> memref<80x128xi32, #tpu.memory_space<hbm>>
      %dma_wait3A_34 = arith.constant 0 : i32
      %dma_wait3A_35 = arith.constant 0 : i32
      %dma_wait3A_36 = tpu.memref_slice %arg4[%add3A, %dma_wait3A_34, %dma_wait3A_35] : memref<32x80x128xi32, #tpu.memory_space<hbm>> -> memref<1x80x128xi32, #tpu.memory_space<hbm>>
      %dma_wait3A_37 = tpu.memref_squeeze %dma_wait3A_36 : memref<1x80x128xi32, #tpu.memory_space<hbm>> -> memref<80x128xi32, #tpu.memory_space<hbm>>
      tpu.wait_dma2 semaphore(%run_scoped3A : memref<!tpu.dma_semaphore, #tpu.memory_space<semaphore_mem>>) src(%dma_wait3A_37 : memref<80x128xi32, #tpu.memory_space<hbm>>) dst(%arg8 : memref<80x128xi32, #tpu.memory_space<vmem>>)
      tpu.yield
    }) : () -> ()
    %barrier3A_4 = arith.constant 0 : index
    tpu.barrier barrier_id(%barrier3A_4)
    %delay3A_5 = arith.constant 2048 : i32
    tpu.delay %delay3A_5
    %barrier3A_6 = arith.constant 0 : index
    tpu.barrier barrier_id(%barrier3A_6)
    %scan3A = arith.constant 0 : i32
    %scan3A_7 = arith.constant 0 : i32
    %scan3A_8 = arith.constant 80 : i32
    %scan3A_9 = arith.addi %scan3A_7, %scan3A_8 : i32
    %scan3A_10 = arith.constant 1 : i32
    scf.for %scan3A_24 = %scan3A_7 to %scan3A_9 step %scan3A_10  : i32 {
      %dma_start3A = arith.constant 0 : i32
      %dma_start3A_25 = tpu.memref_slice %arg7[%scan3A_24, %dma_start3A] : memref<80x128xi32, #tpu.memory_space<vmem>> -> memref<1x128xi32, #tpu.memory_space<vmem>>
      %dma_start3A_26 = tpu.memref_squeeze %dma_start3A_25 : memref<1x128xi32, #tpu.memory_space<vmem>> -> memref<128xi32, #tpu.memory_space<vmem>>
      %dma_start3A_27 = arith.constant 0 : i32
      %dma_start3A_28 = arith.constant 0 : i32
      %dma_start3A_29 = tpu.memref_slice %arg2[%dma_start3A_27, %dma_start3A_28] : memref<10112x32xf32, #tpu.memory_space<hbm>> -> memref<10112x32xf32, #tpu.memory_space<hbm>>
      tpu.enqueue_indirect_dma source(%dma_start3A_29 : memref<10112x32xf32, #tpu.memory_space<hbm>>) target(%arg9 : memref<128x32xf32, #tpu.memory_space<vmem>>) offsets(%dma_start3A_26 : memref<128xi32, #tpu.memory_space<vmem>>) semaphore(%arg10 : memref<!tpu.dma_semaphore, #tpu.memory_space<semaphore_mem>>)
      %dma_wait3A = arith.constant 0 : i32
      %dma_wait3A_30 = tpu.memref_slice %arg7[%scan3A_24, %dma_wait3A] : memref<80x128xi32, #tpu.memory_space<vmem>> -> memref<1x128xi32, #tpu.memory_space<vmem>>
      %dma_wait3A_31 = tpu.memref_squeeze %dma_wait3A_30 : memref<1x128xi32, #tpu.memory_space<vmem>> -> memref<128xi32, #tpu.memory_space<vmem>>
      %dma_wait3A_32 = arith.constant 0 : i32
      %dma_wait3A_33 = arith.constant 0 : i32
      %dma_wait3A_34 = tpu.memref_slice %arg2[%dma_wait3A_32, %dma_wait3A_33] : memref<10112x32xf32, #tpu.memory_space<hbm>> -> memref<10112x32xf32, #tpu.memory_space<hbm>>
      tpu.wait_indirect_dma semaphore(%arg10 : memref<!tpu.dma_semaphore, #tpu.memory_space<semaphore_mem>>) src(%dma_wait3A_34 : memref<10112x32xf32, #tpu.memory_space<hbm>>) dst(%arg9 : memref<128x32xf32, #tpu.memory_space<vmem>>)
      "tpu.region"() ({
        %run_scoped3A = tpu.sem_alloc : memref<!tpu.dma_semaphore, #tpu.memory_space<semaphore_mem>>
        %dma_start3A_35 = arith.constant 0 : i32
        %dma_start3A_36 = tpu.memref_slice %arg8[%scan3A_24, %dma_start3A_35] : memref<80x128xi32, #tpu.memory_space<vmem>> -> memref<1x128xi32, #tpu.memory_space<vmem>>
        %dma_start3A_37 = tpu.memref_squeeze %dma_start3A_36 : memref<1x128xi32, #tpu.memory_space<vmem>> -> memref<128xi32, #tpu.memory_space<vmem>>
        %dma_start3A_38 = arith.constant 0 : i32
        %dma_start3A_39 = arith.constant 0 : i32
        %dma_start3A_40 = tpu.memref_slice %arg12[%dma_start3A_38, %dma_start3A_39] : memref<10112x32xf32, #tpu.memory_space<vmem_shared>> -> memref<10112x32xf32, #tpu.memory_space<vmem_shared>>
        tpu.enqueue_indirect_dma source(%arg9 : memref<128x32xf32, #tpu.memory_space<vmem>>) target(%dma_start3A_40 : memref<10112x32xf32, #tpu.memory_space<vmem_shared>>) offsets(%dma_start3A_37 : memref<128xi32, #tpu.memory_space<vmem>>) semaphore(%run_scoped3A : memref<!tpu.dma_semaphore, #tpu.memory_space<semaphore_mem>>) {add = true}
        %dma_wait3A_41 = arith.constant 0 : i32
        %dma_wait3A_42 = tpu.memref_slice %arg8[%scan3A_24, %dma_wait3A_41] : memref<80x128xi32, #tpu.memory_space<vmem>> -> memref<1x128xi32, #tpu.memory_space<vmem>>
        %dma_wait3A_43 = tpu.memref_squeeze %dma_wait3A_42 : memref<1x128xi32, #tpu.memory_space<vmem>> -> memref<128xi32, #tpu.memory_space<vmem>>
        %dma_wait3A_44 = arith.constant 0 : i32
        %dma_wait3A_45 = arith.constant 0 : i32
        %dma_wait3A_46 = tpu.memref_slice %arg12[%dma_wait3A_44, %dma_wait3A_45] : memref<10112x32xf32, #tpu.memory_space<vmem_shared>> -> memref<10112x32xf32, #tpu.memory_space<vmem_shared>>
        tpu.wait_indirect_dma semaphore(%run_scoped3A : memref<!tpu.dma_semaphore, #tpu.memory_space<semaphore_mem>>) src(%arg9 : memref<128x32xf32, #tpu.memory_space<vmem>>) dst(%dma_wait3A_46 : memref<10112x32xf32, #tpu.memory_space<vmem_shared>>)
        tpu.yield
      }) : () -> ()
    }
    %scan3A_11 = arith.constant 80 : i32
    %barrier3A_12 = arith.constant 0 : index
    tpu.barrier barrier_id(%barrier3A_12)
    %delay3A_13 = arith.constant 2048 : i32
    tpu.delay %delay3A_13
    %barrier3A_14 = arith.constant 0 : index
    tpu.barrier barrier_id(%barrier3A_14)
    %mul3A_15 = arith.constant 632 : i32
    %mul3A_16 = arith.muli %arg1, %mul3A_15 : i32
    "tpu.region"() ({
      %run_scoped3A = tpu.sem_alloc : memref<!tpu.dma_semaphore, #tpu.memory_space<semaphore_mem>>
      %dma_start3A = arith.constant 0 : i32
      %dma_start3A_24 = tpu.memref_slice %arg12[%mul3A_16, %dma_start3A] : memref<10112x32xf32, #tpu.memory_space<vmem_shared>> -> memref<632x32xf32, #tpu.memory_space<vmem_shared>>
      %dma_start3A_25 = arith.constant 0 : i32
      %dma_start3A_26 = tpu.memref_slice %arg12[%mul3A_16, %dma_start3A_25] : memref<10112x32xf32, #tpu.memory_space<vmem_shared>> -> memref<632x32xf32, #tpu.memory_space<vmem_shared>>
      tpu.enqueue_dma source(%dma_start3A_26 : memref<632x32xf32, #tpu.memory_space<vmem_shared>>) target(%arg11 : memref<632x32xf32, #tpu.memory_space<vmem>>) target_semaphore(%run_scoped3A : memref<!tpu.dma_semaphore, #tpu.memory_space<semaphore_mem>>)
      %dma_wait3A = arith.constant 0 : i32
      %dma_wait3A_27 = tpu.memref_slice %arg12[%mul3A_16, %dma_wait3A] : memref<10112x32xf32, #tpu.memory_space<vmem_shared>> -> memref<632x32xf32, #tpu.memory_space<vmem_shared>>
      %dma_wait3A_28 = arith.constant 0 : i32
      %dma_wait3A_29 = tpu.memref_slice %arg12[%mul3A_16, %dma_wait3A_28] : memref<10112x32xf32, #tpu.memory_space<vmem_shared>> -> memref<632x32xf32, #tpu.memory_space<vmem_shared>>
      tpu.wait_dma2 semaphore(%run_scoped3A : memref<!tpu.dma_semaphore, #tpu.memory_space<semaphore_mem>>) src(%dma_wait3A_29 : memref<632x32xf32, #tpu.memory_space<vmem_shared>>) dst(%arg11 : memref<632x32xf32, #tpu.memory_space<vmem>>)
      tpu.yield
    }) : () -> ()
    %mul3A_17 = arith.constant 632 : i32
    %mul3A_18 = arith.muli %arg1, %mul3A_17 : i32
    "tpu.region"() ({
      %run_scoped3A = tpu.sem_alloc : memref<!tpu.dma_semaphore, #tpu.memory_space<semaphore_mem>>
      %dma_start3A = arith.constant 0 : i32
      %dma_start3A_24 = arith.constant 0 : i32
      %dma_start3A_25 = tpu.memref_slice %arg6[%arg0, %dma_start3A, %dma_start3A_24] : memref<2x10112x32xf32, #tpu.memory_space<hbm>> -> memref<1x10112x32xf32, #tpu.memory_space<hbm>>
      %dma_start3A_26 = tpu.memref_squeeze %dma_start3A_25 : memref<1x10112x32xf32, #tpu.memory_space<hbm>> -> memref<10112x32xf32, #tpu.memory_space<hbm>>
      %dma_start3A_27 = arith.constant 0 : i32
      %dma_start3A_28 = tpu.memref_slice %dma_start3A_26[%mul3A_18, %dma_start3A_27] : memref<10112x32xf32, #tpu.memory_space<hbm>> -> memref<632x32xf32, #tpu.memory_space<hbm>>
      %dma_start3A_29 = arith.constant 0 : i32
      %dma_start3A_30 = arith.constant 0 : i32
      %dma_start3A_31 = tpu.memref_slice %arg6[%arg0, %dma_start3A_29, %dma_start3A_30] : memref<2x10112x32xf32, #tpu.memory_space<hbm>> -> memref<1x10112x32xf32, #tpu.memory_space<hbm>>
      %dma_start3A_32 = tpu.memref_squeeze %dma_start3A_31 : memref<1x10112x32xf32, #tpu.memory_space<hbm>> -> memref<10112x32xf32, #tpu.memory_space<hbm>>
      %dma_start3A_33 = arith.constant 0 : i32
      %dma_start3A_34 = tpu.memref_slice %dma_start3A_32[%mul3A_18, %dma_start3A_33] : memref<10112x32xf32, #tpu.memory_space<hbm>> -> memref<632x32xf32, #tpu.memory_space<hbm>>
      tpu.enqueue_dma source(%arg11 : memref<632x32xf32, #tpu.memory_space<vmem>>) target(%dma_start3A_34 : memref<632x32xf32, #tpu.memory_space<hbm>>) target_semaphore(%run_scoped3A : memref<!tpu.dma_semaphore, #tpu.memory_space<semaphore_mem>>)
      %dma_wait3A = arith.constant 0 : i32
      %dma_wait3A_35 = arith.constant 0 : i32
      %dma_wait3A_36 = tpu.memref_slice %arg6[%arg0, %dma_wait3A, %dma_wait3A_35] : memref<2x10112x32xf32, #tpu.memory_space<hbm>> -> memref<1x10112x32xf32, #tpu.memory_space<hbm>>
      %dma_wait3A_37 = tpu.memref_squeeze %dma_wait3A_36 : memref<1x10112x32xf32, #tpu.memory_space<hbm>> -> memref<10112x32xf32, #tpu.memory_space<hbm>>
      %dma_wait3A_38 = arith.constant 0 : i32
      %dma_wait3A_39 = tpu.memref_slice %dma_wait3A_37[%mul3A_18, %dma_wait3A_38] : memref<10112x32xf32, #tpu.memory_space<hbm>> -> memref<632x32xf32, #tpu.memory_space<hbm>>
      %dma_wait3A_40 = arith.constant 0 : i32
      %dma_wait3A_41 = arith.constant 0 : i32
      %dma_wait3A_42 = tpu.memref_slice %arg6[%arg0, %dma_wait3A_40, %dma_wait3A_41] : memref<2x10112x32xf32, #tpu.memory_space<hbm>> -> memref<1x10112x32xf32, #tpu.memory_space<hbm>>
      %dma_wait3A_43 = tpu.memref_squeeze %dma_wait3A_42 : memref<1x10112x32xf32, #tpu.memory_space<hbm>> -> memref<10112x32xf32, #tpu.memory_space<hbm>>
      %dma_wait3A_44 = arith.constant 0 : i32
      %dma_wait3A_45 = tpu.memref_slice %dma_wait3A_43[%mul3A_18, %dma_wait3A_44] : memref<10112x32xf32, #tpu.memory_space<hbm>> -> memref<632x32xf32, #tpu.memory_space<hbm>>
      tpu.wait_dma2 semaphore(%run_scoped3A : memref<!tpu.dma_semaphore, #tpu.memory_space<semaphore_mem>>) src(%arg11 : memref<632x32xf32, #tpu.memory_space<vmem>>) dst(%dma_wait3A_45 : memref<632x32xf32, #tpu.memory_space<hbm>>)
      tpu.yield
    }) : () -> ()
    %mul3A_19 = arith.constant 632 : i32
    %mul3A_20 = arith.muli %arg1, %mul3A_19 : i32
    "tpu.region"() ({
      %run_scoped3A = tpu.sem_alloc : memref<!tpu.dma_semaphore, #tpu.memory_space<semaphore_mem>>
      %dma_start3A = arith.constant 0 : i32
      %dma_start3A_24 = arith.constant 0 : i32
      %dma_start3A_25 = tpu.memref_slice %arg6[%arg0, %dma_start3A, %dma_start3A_24] : memref<2x10112x32xf32, #tpu.memory_space<hbm>> -> memref<1x10112x32xf32, #tpu.memory_space<hbm>>
      %dma_start3A_26 = tpu.memref_squeeze %dma_start3A_25 : memref<1x10112x32xf32, #tpu.memory_space<hbm>> -> memref<10112x32xf32, #tpu.memory_space<hbm>>
      %dma_start3A_27 = arith.constant 0 : i32
      %dma_start3A_28 = tpu.memref_slice %dma_start3A_26[%mul3A_20, %dma_start3A_27] : memref<10112x32xf32, #tpu.memory_space<hbm>> -> memref<632x32xf32, #tpu.memory_space<hbm>>
      %dma_start3A_29 = arith.constant 0 : i32
      %dma_start3A_30 = arith.constant 0 : i32
      %dma_start3A_31 = tpu.memref_slice %arg6[%arg0, %dma_start3A_29, %dma_start3A_30] : memref<2x10112x32xf32, #tpu.memory_space<hbm>> -> memref<1x10112x32xf32, #tpu.memory_space<hbm>>
      %dma_start3A_32 = tpu.memref_squeeze %dma_start3A_31 : memref<1x10112x32xf32, #tpu.memory_space<hbm>> -> memref<10112x32xf32, #tpu.memory_space<hbm>>
      %dma_start3A_33 = arith.constant 0 : i32
      %dma_start3A_34 = tpu.memref_slice %dma_start3A_32[%mul3A_20, %dma_start3A_33] : memref<10112x32xf32, #tpu.memory_space<hbm>> -> memref<632x32xf32, #tpu.memory_space<hbm>>
      tpu.enqueue_dma source(%dma_start3A_34 : memref<632x32xf32, #tpu.memory_space<hbm>>) target(%arg11 : memref<632x32xf32, #tpu.memory_space<vmem>>) target_semaphore(%run_scoped3A : memref<!tpu.dma_semaphore, #tpu.memory_space<semaphore_mem>>)
      %dma_wait3A = arith.constant 0 : i32
      %dma_wait3A_35 = arith.constant 0 : i32
      %dma_wait3A_36 = tpu.memref_slice %arg6[%arg0, %dma_wait3A, %dma_wait3A_35] : memref<2x10112x32xf32, #tpu.memory_space<hbm>> -> memref<1x10112x32xf32, #tpu.memory_space<hbm>>
      %dma_wait3A_37 = tpu.memref_squeeze %dma_wait3A_36 : memref<1x10112x32xf32, #tpu.memory_space<hbm>> -> memref<10112x32xf32, #tpu.memory_space<hbm>>
      %dma_wait3A_38 = arith.constant 0 : i32
      %dma_wait3A_39 = tpu.memref_slice %dma_wait3A_37[%mul3A_20, %dma_wait3A_38] : memref<10112x32xf32, #tpu.memory_space<hbm>> -> memref<632x32xf32, #tpu.memory_space<hbm>>
      %dma_wait3A_40 = arith.constant 0 : i32
      %dma_wait3A_41 = arith.constant 0 : i32
      %dma_wait3A_42 = tpu.memref_slice %arg6[%arg0, %dma_wait3A_40, %dma_wait3A_41] : memref<2x10112x32xf32, #tpu.memory_space<hbm>> -> memref<1x10112x32xf32, #tpu.memory_space<hbm>>
      %dma_wait3A_43 = tpu.memref_squeeze %dma_wait3A_42 : memref<1x10112x32xf32, #tpu.memory_space<hbm>> -> memref<10112x32xf32, #tpu.memory_space<hbm>>
      %dma_wait3A_44 = arith.constant 0 : i32
      %dma_wait3A_45 = tpu.memref_slice %dma_wait3A_43[%mul3A_20, %dma_wait3A_44] : memref<10112x32xf32, #tpu.memory_space<hbm>> -> memref<632x32xf32, #tpu.memory_space<hbm>>
      tpu.wait_dma2 semaphore(%run_scoped3A : memref<!tpu.dma_semaphore, #tpu.memory_space<semaphore_mem>>) src(%dma_wait3A_45 : memref<632x32xf32, #tpu.memory_space<hbm>>) dst(%arg11 : memref<632x32xf32, #tpu.memory_space<vmem>>)
      tpu.yield
    }) : () -> ()
    %barrier3A_21 = arith.constant 0 : index
    tpu.barrier barrier_id(%barrier3A_21)
    %delay3A_22 = arith.constant 16384 : i32
    tpu.delay %delay3A_22
    %barrier3A_23 = arith.constant 0 : index
    tpu.barrier barrier_id(%barrier3A_23)
    return
  }
}

#map = affine_map<(d0, d1) -> (0, 0)>
#map1 = affine_map<(d0, d1) -> (0, 0, 0)>
module attributes {stable_mosaic.version = 14 : i64} {
  func.func @_seg_sum_body(%arg0: i32, %arg1: i32, %arg2: memref<10112x8xf32, #tpu.memory_space<hbm>>, %arg3: memref<32x80x128xi32, #tpu.memory_space<hbm>>, %arg4: memref<32x80x128xi32, #tpu.memory_space<hbm>>, %arg5: memref<632x8xf32, #tpu.memory_space<hbm>>, %arg6: memref<2x10112x8xf32, #tpu.memory_space<hbm>>, %arg7: memref<80x128xi32, #tpu.memory_space<vmem>>, %arg8: memref<80x128xi32, #tpu.memory_space<vmem>>, %arg9: memref<128x8xf32, #tpu.memory_space<vmem>>, %arg10: memref<!tpu.dma_semaphore, #tpu.memory_space<semaphore_mem>>, %arg11: memref<632x8xf32, #tpu.memory_space<vmem>>, %arg12: memref<10112x8xf32, #tpu.memory_space<vmem_shared>>) attributes {dimension_semantics = [#tpu.dimension_semantics<core_parallel>, #tpu.dimension_semantics<subcore_parallel>], iteration_bounds = array<i64: 2, 16>, scalar_prefetch = 0 : i64, scratch_operands = 6 : i64, tpu.core_type = #tpu.core_type<sc_vector_subcore>, window_params = [{transform_indices = #map}, {transform_indices = #map1}, {transform_indices = #map1}, {transform_indices = #map}, {transform_indices = #map1}]} {
    %mul3A = arith.constant 2 : i32
    %mul3A_0 = arith.muli %arg1, %mul3A : i32
    %add3A = arith.addi %mul3A_0, %arg0 : i32
    %barrier3A = arith.constant 0 : index
    tpu.barrier barrier_id(%barrier3A)
    %delay3A = arith.constant 16384 : i32
    tpu.delay %delay3A
    %barrier3A_1 = arith.constant 0 : index
    tpu.barrier barrier_id(%barrier3A_1)
    %mul3A_2 = arith.constant 632 : i32
    %mul3A_3 = arith.muli %arg1, %mul3A_2 : i32
    "tpu.region"() ({
      %run_scoped3A = tpu.sem_alloc : memref<!tpu.dma_semaphore, #tpu.memory_space<semaphore_mem>>
      %dma_start3A = arith.constant 0 : i32
      %dma_start3A_24 = tpu.memref_slice %arg12[%mul3A_3, %dma_start3A] : memref<10112x8xf32, #tpu.memory_space<vmem_shared>> -> memref<632x8xf32, #tpu.memory_space<vmem_shared>>
      tpu.enqueue_dma source(%arg5 : memref<632x8xf32, #tpu.memory_space<hbm>>) target(%dma_start3A_24 : memref<632x8xf32, #tpu.memory_space<vmem_shared>>) target_semaphore(%run_scoped3A : memref<!tpu.dma_semaphore, #tpu.memory_space<semaphore_mem>>)
      %dma_wait3A = arith.constant 0 : i32
      %dma_wait3A_25 = tpu.memref_slice %arg12[%mul3A_3, %dma_wait3A] : memref<10112x8xf32, #tpu.memory_space<vmem_shared>> -> memref<632x8xf32, #tpu.memory_space<vmem_shared>>
      tpu.wait_dma2 semaphore(%run_scoped3A : memref<!tpu.dma_semaphore, #tpu.memory_space<semaphore_mem>>) src(%arg5 : memref<632x8xf32, #tpu.memory_space<hbm>>) dst(%dma_wait3A_25 : memref<632x8xf32, #tpu.memory_space<vmem_shared>>)
      tpu.yield
    }) : () -> ()
    "tpu.region"() ({
      %run_scoped3A = tpu.sem_alloc : memref<!tpu.dma_semaphore, #tpu.memory_space<semaphore_mem>>
      %dma_start3A = arith.constant 0 : i32
      %dma_start3A_24 = arith.constant 0 : i32
      %dma_start3A_25 = tpu.memref_slice %arg3[%add3A, %dma_start3A, %dma_start3A_24] : memref<32x80x128xi32, #tpu.memory_space<hbm>> -> memref<1x80x128xi32, #tpu.memory_space<hbm>>
      %dma_start3A_26 = tpu.memref_squeeze %dma_start3A_25 : memref<1x80x128xi32, #tpu.memory_space<hbm>> -> memref<80x128xi32, #tpu.memory_space<hbm>>
      %dma_start3A_27 = arith.constant 0 : i32
      %dma_start3A_28 = arith.constant 0 : i32
      %dma_start3A_29 = tpu.memref_slice %arg3[%add3A, %dma_start3A_27, %dma_start3A_28] : memref<32x80x128xi32, #tpu.memory_space<hbm>> -> memref<1x80x128xi32, #tpu.memory_space<hbm>>
      %dma_start3A_30 = tpu.memref_squeeze %dma_start3A_29 : memref<1x80x128xi32, #tpu.memory_space<hbm>> -> memref<80x128xi32, #tpu.memory_space<hbm>>
      tpu.enqueue_dma source(%dma_start3A_30 : memref<80x128xi32, #tpu.memory_space<hbm>>) target(%arg7 : memref<80x128xi32, #tpu.memory_space<vmem>>) target_semaphore(%run_scoped3A : memref<!tpu.dma_semaphore, #tpu.memory_space<semaphore_mem>>)
      %dma_wait3A = arith.constant 0 : i32
      %dma_wait3A_31 = arith.constant 0 : i32
      %dma_wait3A_32 = tpu.memref_slice %arg3[%add3A, %dma_wait3A, %dma_wait3A_31] : memref<32x80x128xi32, #tpu.memory_space<hbm>> -> memref<1x80x128xi32, #tpu.memory_space<hbm>>
      %dma_wait3A_33 = tpu.memref_squeeze %dma_wait3A_32 : memref<1x80x128xi32, #tpu.memory_space<hbm>> -> memref<80x128xi32, #tpu.memory_space<hbm>>
      %dma_wait3A_34 = arith.constant 0 : i32
      %dma_wait3A_35 = arith.constant 0 : i32
      %dma_wait3A_36 = tpu.memref_slice %arg3[%add3A, %dma_wait3A_34, %dma_wait3A_35] : memref<32x80x128xi32, #tpu.memory_space<hbm>> -> memref<1x80x128xi32, #tpu.memory_space<hbm>>
      %dma_wait3A_37 = tpu.memref_squeeze %dma_wait3A_36 : memref<1x80x128xi32, #tpu.memory_space<hbm>> -> memref<80x128xi32, #tpu.memory_space<hbm>>
      tpu.wait_dma2 semaphore(%run_scoped3A : memref<!tpu.dma_semaphore, #tpu.memory_space<semaphore_mem>>) src(%dma_wait3A_37 : memref<80x128xi32, #tpu.memory_space<hbm>>) dst(%arg7 : memref<80x128xi32, #tpu.memory_space<vmem>>)
      tpu.yield
    }) : () -> ()
    "tpu.region"() ({
      %run_scoped3A = tpu.sem_alloc : memref<!tpu.dma_semaphore, #tpu.memory_space<semaphore_mem>>
      %dma_start3A = arith.constant 0 : i32
      %dma_start3A_24 = arith.constant 0 : i32
      %dma_start3A_25 = tpu.memref_slice %arg4[%add3A, %dma_start3A, %dma_start3A_24] : memref<32x80x128xi32, #tpu.memory_space<hbm>> -> memref<1x80x128xi32, #tpu.memory_space<hbm>>
      %dma_start3A_26 = tpu.memref_squeeze %dma_start3A_25 : memref<1x80x128xi32, #tpu.memory_space<hbm>> -> memref<80x128xi32, #tpu.memory_space<hbm>>
      %dma_start3A_27 = arith.constant 0 : i32
      %dma_start3A_28 = arith.constant 0 : i32
      %dma_start3A_29 = tpu.memref_slice %arg4[%add3A, %dma_start3A_27, %dma_start3A_28] : memref<32x80x128xi32, #tpu.memory_space<hbm>> -> memref<1x80x128xi32, #tpu.memory_space<hbm>>
      %dma_start3A_30 = tpu.memref_squeeze %dma_start3A_29 : memref<1x80x128xi32, #tpu.memory_space<hbm>> -> memref<80x128xi32, #tpu.memory_space<hbm>>
      tpu.enqueue_dma source(%dma_start3A_30 : memref<80x128xi32, #tpu.memory_space<hbm>>) target(%arg8 : memref<80x128xi32, #tpu.memory_space<vmem>>) target_semaphore(%run_scoped3A : memref<!tpu.dma_semaphore, #tpu.memory_space<semaphore_mem>>)
      %dma_wait3A = arith.constant 0 : i32
      %dma_wait3A_31 = arith.constant 0 : i32
      %dma_wait3A_32 = tpu.memref_slice %arg4[%add3A, %dma_wait3A, %dma_wait3A_31] : memref<32x80x128xi32, #tpu.memory_space<hbm>> -> memref<1x80x128xi32, #tpu.memory_space<hbm>>
      %dma_wait3A_33 = tpu.memref_squeeze %dma_wait3A_32 : memref<1x80x128xi32, #tpu.memory_space<hbm>> -> memref<80x128xi32, #tpu.memory_space<hbm>>
      %dma_wait3A_34 = arith.constant 0 : i32
      %dma_wait3A_35 = arith.constant 0 : i32
      %dma_wait3A_36 = tpu.memref_slice %arg4[%add3A, %dma_wait3A_34, %dma_wait3A_35] : memref<32x80x128xi32, #tpu.memory_space<hbm>> -> memref<1x80x128xi32, #tpu.memory_space<hbm>>
      %dma_wait3A_37 = tpu.memref_squeeze %dma_wait3A_36 : memref<1x80x128xi32, #tpu.memory_space<hbm>> -> memref<80x128xi32, #tpu.memory_space<hbm>>
      tpu.wait_dma2 semaphore(%run_scoped3A : memref<!tpu.dma_semaphore, #tpu.memory_space<semaphore_mem>>) src(%dma_wait3A_37 : memref<80x128xi32, #tpu.memory_space<hbm>>) dst(%arg8 : memref<80x128xi32, #tpu.memory_space<vmem>>)
      tpu.yield
    }) : () -> ()
    %barrier3A_4 = arith.constant 0 : index
    tpu.barrier barrier_id(%barrier3A_4)
    %delay3A_5 = arith.constant 2048 : i32
    tpu.delay %delay3A_5
    %barrier3A_6 = arith.constant 0 : index
    tpu.barrier barrier_id(%barrier3A_6)
    %scan3A = arith.constant 0 : i32
    %scan3A_7 = arith.constant 0 : i32
    %scan3A_8 = arith.constant 80 : i32
    %scan3A_9 = arith.addi %scan3A_7, %scan3A_8 : i32
    %scan3A_10 = arith.constant 1 : i32
    scf.for %scan3A_24 = %scan3A_7 to %scan3A_9 step %scan3A_10  : i32 {
      %dma_start3A = arith.constant 0 : i32
      %dma_start3A_25 = tpu.memref_slice %arg7[%scan3A_24, %dma_start3A] : memref<80x128xi32, #tpu.memory_space<vmem>> -> memref<1x128xi32, #tpu.memory_space<vmem>>
      %dma_start3A_26 = tpu.memref_squeeze %dma_start3A_25 : memref<1x128xi32, #tpu.memory_space<vmem>> -> memref<128xi32, #tpu.memory_space<vmem>>
      %dma_start3A_27 = arith.constant 0 : i32
      %dma_start3A_28 = arith.constant 0 : i32
      %dma_start3A_29 = tpu.memref_slice %arg2[%dma_start3A_27, %dma_start3A_28] : memref<10112x8xf32, #tpu.memory_space<hbm>> -> memref<10112x8xf32, #tpu.memory_space<hbm>>
      tpu.enqueue_indirect_dma source(%dma_start3A_29 : memref<10112x8xf32, #tpu.memory_space<hbm>>) target(%arg9 : memref<128x8xf32, #tpu.memory_space<vmem>>) offsets(%dma_start3A_26 : memref<128xi32, #tpu.memory_space<vmem>>) semaphore(%arg10 : memref<!tpu.dma_semaphore, #tpu.memory_space<semaphore_mem>>)
      %dma_wait3A = arith.constant 0 : i32
      %dma_wait3A_30 = tpu.memref_slice %arg7[%scan3A_24, %dma_wait3A] : memref<80x128xi32, #tpu.memory_space<vmem>> -> memref<1x128xi32, #tpu.memory_space<vmem>>
      %dma_wait3A_31 = tpu.memref_squeeze %dma_wait3A_30 : memref<1x128xi32, #tpu.memory_space<vmem>> -> memref<128xi32, #tpu.memory_space<vmem>>
      %dma_wait3A_32 = arith.constant 0 : i32
      %dma_wait3A_33 = arith.constant 0 : i32
      %dma_wait3A_34 = tpu.memref_slice %arg2[%dma_wait3A_32, %dma_wait3A_33] : memref<10112x8xf32, #tpu.memory_space<hbm>> -> memref<10112x8xf32, #tpu.memory_space<hbm>>
      tpu.wait_indirect_dma semaphore(%arg10 : memref<!tpu.dma_semaphore, #tpu.memory_space<semaphore_mem>>) src(%dma_wait3A_34 : memref<10112x8xf32, #tpu.memory_space<hbm>>) dst(%arg9 : memref<128x8xf32, #tpu.memory_space<vmem>>)
      "tpu.region"() ({
        %run_scoped3A = tpu.sem_alloc : memref<!tpu.dma_semaphore, #tpu.memory_space<semaphore_mem>>
        %dma_start3A_35 = arith.constant 0 : i32
        %dma_start3A_36 = tpu.memref_slice %arg8[%scan3A_24, %dma_start3A_35] : memref<80x128xi32, #tpu.memory_space<vmem>> -> memref<1x128xi32, #tpu.memory_space<vmem>>
        %dma_start3A_37 = tpu.memref_squeeze %dma_start3A_36 : memref<1x128xi32, #tpu.memory_space<vmem>> -> memref<128xi32, #tpu.memory_space<vmem>>
        %dma_start3A_38 = arith.constant 0 : i32
        %dma_start3A_39 = arith.constant 0 : i32
        %dma_start3A_40 = tpu.memref_slice %arg12[%dma_start3A_38, %dma_start3A_39] : memref<10112x8xf32, #tpu.memory_space<vmem_shared>> -> memref<10112x8xf32, #tpu.memory_space<vmem_shared>>
        tpu.enqueue_indirect_dma source(%arg9 : memref<128x8xf32, #tpu.memory_space<vmem>>) target(%dma_start3A_40 : memref<10112x8xf32, #tpu.memory_space<vmem_shared>>) offsets(%dma_start3A_37 : memref<128xi32, #tpu.memory_space<vmem>>) semaphore(%run_scoped3A : memref<!tpu.dma_semaphore, #tpu.memory_space<semaphore_mem>>) {add = true}
        %dma_wait3A_41 = arith.constant 0 : i32
        %dma_wait3A_42 = tpu.memref_slice %arg8[%scan3A_24, %dma_wait3A_41] : memref<80x128xi32, #tpu.memory_space<vmem>> -> memref<1x128xi32, #tpu.memory_space<vmem>>
        %dma_wait3A_43 = tpu.memref_squeeze %dma_wait3A_42 : memref<1x128xi32, #tpu.memory_space<vmem>> -> memref<128xi32, #tpu.memory_space<vmem>>
        %dma_wait3A_44 = arith.constant 0 : i32
        %dma_wait3A_45 = arith.constant 0 : i32
        %dma_wait3A_46 = tpu.memref_slice %arg12[%dma_wait3A_44, %dma_wait3A_45] : memref<10112x8xf32, #tpu.memory_space<vmem_shared>> -> memref<10112x8xf32, #tpu.memory_space<vmem_shared>>
        tpu.wait_indirect_dma semaphore(%run_scoped3A : memref<!tpu.dma_semaphore, #tpu.memory_space<semaphore_mem>>) src(%arg9 : memref<128x8xf32, #tpu.memory_space<vmem>>) dst(%dma_wait3A_46 : memref<10112x8xf32, #tpu.memory_space<vmem_shared>>)
        tpu.yield
      }) : () -> ()
    }
    %scan3A_11 = arith.constant 80 : i32
    %barrier3A_12 = arith.constant 0 : index
    tpu.barrier barrier_id(%barrier3A_12)
    %delay3A_13 = arith.constant 2048 : i32
    tpu.delay %delay3A_13
    %barrier3A_14 = arith.constant 0 : index
    tpu.barrier barrier_id(%barrier3A_14)
    %mul3A_15 = arith.constant 632 : i32
    %mul3A_16 = arith.muli %arg1, %mul3A_15 : i32
    "tpu.region"() ({
      %run_scoped3A = tpu.sem_alloc : memref<!tpu.dma_semaphore, #tpu.memory_space<semaphore_mem>>
      %dma_start3A = arith.constant 0 : i32
      %dma_start3A_24 = tpu.memref_slice %arg12[%mul3A_16, %dma_start3A] : memref<10112x8xf32, #tpu.memory_space<vmem_shared>> -> memref<632x8xf32, #tpu.memory_space<vmem_shared>>
      %dma_start3A_25 = arith.constant 0 : i32
      %dma_start3A_26 = tpu.memref_slice %arg12[%mul3A_16, %dma_start3A_25] : memref<10112x8xf32, #tpu.memory_space<vmem_shared>> -> memref<632x8xf32, #tpu.memory_space<vmem_shared>>
      tpu.enqueue_dma source(%dma_start3A_26 : memref<632x8xf32, #tpu.memory_space<vmem_shared>>) target(%arg11 : memref<632x8xf32, #tpu.memory_space<vmem>>) target_semaphore(%run_scoped3A : memref<!tpu.dma_semaphore, #tpu.memory_space<semaphore_mem>>)
      %dma_wait3A = arith.constant 0 : i32
      %dma_wait3A_27 = tpu.memref_slice %arg12[%mul3A_16, %dma_wait3A] : memref<10112x8xf32, #tpu.memory_space<vmem_shared>> -> memref<632x8xf32, #tpu.memory_space<vmem_shared>>
      %dma_wait3A_28 = arith.constant 0 : i32
      %dma_wait3A_29 = tpu.memref_slice %arg12[%mul3A_16, %dma_wait3A_28] : memref<10112x8xf32, #tpu.memory_space<vmem_shared>> -> memref<632x8xf32, #tpu.memory_space<vmem_shared>>
      tpu.wait_dma2 semaphore(%run_scoped3A : memref<!tpu.dma_semaphore, #tpu.memory_space<semaphore_mem>>) src(%dma_wait3A_29 : memref<632x8xf32, #tpu.memory_space<vmem_shared>>) dst(%arg11 : memref<632x8xf32, #tpu.memory_space<vmem>>)
      tpu.yield
    }) : () -> ()
    %mul3A_17 = arith.constant 632 : i32
    %mul3A_18 = arith.muli %arg1, %mul3A_17 : i32
    "tpu.region"() ({
      %run_scoped3A = tpu.sem_alloc : memref<!tpu.dma_semaphore, #tpu.memory_space<semaphore_mem>>
      %dma_start3A = arith.constant 0 : i32
      %dma_start3A_24 = arith.constant 0 : i32
      %dma_start3A_25 = tpu.memref_slice %arg6[%arg0, %dma_start3A, %dma_start3A_24] : memref<2x10112x8xf32, #tpu.memory_space<hbm>> -> memref<1x10112x8xf32, #tpu.memory_space<hbm>>
      %dma_start3A_26 = tpu.memref_squeeze %dma_start3A_25 : memref<1x10112x8xf32, #tpu.memory_space<hbm>> -> memref<10112x8xf32, #tpu.memory_space<hbm>>
      %dma_start3A_27 = arith.constant 0 : i32
      %dma_start3A_28 = tpu.memref_slice %dma_start3A_26[%mul3A_18, %dma_start3A_27] : memref<10112x8xf32, #tpu.memory_space<hbm>> -> memref<632x8xf32, #tpu.memory_space<hbm>>
      %dma_start3A_29 = arith.constant 0 : i32
      %dma_start3A_30 = arith.constant 0 : i32
      %dma_start3A_31 = tpu.memref_slice %arg6[%arg0, %dma_start3A_29, %dma_start3A_30] : memref<2x10112x8xf32, #tpu.memory_space<hbm>> -> memref<1x10112x8xf32, #tpu.memory_space<hbm>>
      %dma_start3A_32 = tpu.memref_squeeze %dma_start3A_31 : memref<1x10112x8xf32, #tpu.memory_space<hbm>> -> memref<10112x8xf32, #tpu.memory_space<hbm>>
      %dma_start3A_33 = arith.constant 0 : i32
      %dma_start3A_34 = tpu.memref_slice %dma_start3A_32[%mul3A_18, %dma_start3A_33] : memref<10112x8xf32, #tpu.memory_space<hbm>> -> memref<632x8xf32, #tpu.memory_space<hbm>>
      tpu.enqueue_dma source(%arg11 : memref<632x8xf32, #tpu.memory_space<vmem>>) target(%dma_start3A_34 : memref<632x8xf32, #tpu.memory_space<hbm>>) target_semaphore(%run_scoped3A : memref<!tpu.dma_semaphore, #tpu.memory_space<semaphore_mem>>)
      %dma_wait3A = arith.constant 0 : i32
      %dma_wait3A_35 = arith.constant 0 : i32
      %dma_wait3A_36 = tpu.memref_slice %arg6[%arg0, %dma_wait3A, %dma_wait3A_35] : memref<2x10112x8xf32, #tpu.memory_space<hbm>> -> memref<1x10112x8xf32, #tpu.memory_space<hbm>>
      %dma_wait3A_37 = tpu.memref_squeeze %dma_wait3A_36 : memref<1x10112x8xf32, #tpu.memory_space<hbm>> -> memref<10112x8xf32, #tpu.memory_space<hbm>>
      %dma_wait3A_38 = arith.constant 0 : i32
      %dma_wait3A_39 = tpu.memref_slice %dma_wait3A_37[%mul3A_18, %dma_wait3A_38] : memref<10112x8xf32, #tpu.memory_space<hbm>> -> memref<632x8xf32, #tpu.memory_space<hbm>>
      %dma_wait3A_40 = arith.constant 0 : i32
      %dma_wait3A_41 = arith.constant 0 : i32
      %dma_wait3A_42 = tpu.memref_slice %arg6[%arg0, %dma_wait3A_40, %dma_wait3A_41] : memref<2x10112x8xf32, #tpu.memory_space<hbm>> -> memref<1x10112x8xf32, #tpu.memory_space<hbm>>
      %dma_wait3A_43 = tpu.memref_squeeze %dma_wait3A_42 : memref<1x10112x8xf32, #tpu.memory_space<hbm>> -> memref<10112x8xf32, #tpu.memory_space<hbm>>
      %dma_wait3A_44 = arith.constant 0 : i32
      %dma_wait3A_45 = tpu.memref_slice %dma_wait3A_43[%mul3A_18, %dma_wait3A_44] : memref<10112x8xf32, #tpu.memory_space<hbm>> -> memref<632x8xf32, #tpu.memory_space<hbm>>
      tpu.wait_dma2 semaphore(%run_scoped3A : memref<!tpu.dma_semaphore, #tpu.memory_space<semaphore_mem>>) src(%arg11 : memref<632x8xf32, #tpu.memory_space<vmem>>) dst(%dma_wait3A_45 : memref<632x8xf32, #tpu.memory_space<hbm>>)
      tpu.yield
    }) : () -> ()
    %mul3A_19 = arith.constant 632 : i32
    %mul3A_20 = arith.muli %arg1, %mul3A_19 : i32
    "tpu.region"() ({
      %run_scoped3A = tpu.sem_alloc : memref<!tpu.dma_semaphore, #tpu.memory_space<semaphore_mem>>
      %dma_start3A = arith.constant 0 : i32
      %dma_start3A_24 = arith.constant 0 : i32
      %dma_start3A_25 = tpu.memref_slice %arg6[%arg0, %dma_start3A, %dma_start3A_24] : memref<2x10112x8xf32, #tpu.memory_space<hbm>> -> memref<1x10112x8xf32, #tpu.memory_space<hbm>>
      %dma_start3A_26 = tpu.memref_squeeze %dma_start3A_25 : memref<1x10112x8xf32, #tpu.memory_space<hbm>> -> memref<10112x8xf32, #tpu.memory_space<hbm>>
      %dma_start3A_27 = arith.constant 0 : i32
      %dma_start3A_28 = tpu.memref_slice %dma_start3A_26[%mul3A_20, %dma_start3A_27] : memref<10112x8xf32, #tpu.memory_space<hbm>> -> memref<632x8xf32, #tpu.memory_space<hbm>>
      %dma_start3A_29 = arith.constant 0 : i32
      %dma_start3A_30 = arith.constant 0 : i32
      %dma_start3A_31 = tpu.memref_slice %arg6[%arg0, %dma_start3A_29, %dma_start3A_30] : memref<2x10112x8xf32, #tpu.memory_space<hbm>> -> memref<1x10112x8xf32, #tpu.memory_space<hbm>>
      %dma_start3A_32 = tpu.memref_squeeze %dma_start3A_31 : memref<1x10112x8xf32, #tpu.memory_space<hbm>> -> memref<10112x8xf32, #tpu.memory_space<hbm>>
      %dma_start3A_33 = arith.constant 0 : i32
      %dma_start3A_34 = tpu.memref_slice %dma_start3A_32[%mul3A_20, %dma_start3A_33] : memref<10112x8xf32, #tpu.memory_space<hbm>> -> memref<632x8xf32, #tpu.memory_space<hbm>>
      tpu.enqueue_dma source(%dma_start3A_34 : memref<632x8xf32, #tpu.memory_space<hbm>>) target(%arg11 : memref<632x8xf32, #tpu.memory_space<vmem>>) target_semaphore(%run_scoped3A : memref<!tpu.dma_semaphore, #tpu.memory_space<semaphore_mem>>)
      %dma_wait3A = arith.constant 0 : i32
      %dma_wait3A_35 = arith.constant 0 : i32
      %dma_wait3A_36 = tpu.memref_slice %arg6[%arg0, %dma_wait3A, %dma_wait3A_35] : memref<2x10112x8xf32, #tpu.memory_space<hbm>> -> memref<1x10112x8xf32, #tpu.memory_space<hbm>>
      %dma_wait3A_37 = tpu.memref_squeeze %dma_wait3A_36 : memref<1x10112x8xf32, #tpu.memory_space<hbm>> -> memref<10112x8xf32, #tpu.memory_space<hbm>>
      %dma_wait3A_38 = arith.constant 0 : i32
      %dma_wait3A_39 = tpu.memref_slice %dma_wait3A_37[%mul3A_20, %dma_wait3A_38] : memref<10112x8xf32, #tpu.memory_space<hbm>> -> memref<632x8xf32, #tpu.memory_space<hbm>>
      %dma_wait3A_40 = arith.constant 0 : i32
      %dma_wait3A_41 = arith.constant 0 : i32
      %dma_wait3A_42 = tpu.memref_slice %arg6[%arg0, %dma_wait3A_40, %dma_wait3A_41] : memref<2x10112x8xf32, #tpu.memory_space<hbm>> -> memref<1x10112x8xf32, #tpu.memory_space<hbm>>
      %dma_wait3A_43 = tpu.memref_squeeze %dma_wait3A_42 : memref<1x10112x8xf32, #tpu.memory_space<hbm>> -> memref<10112x8xf32, #tpu.memory_space<hbm>>
      %dma_wait3A_44 = arith.constant 0 : i32
      %dma_wait3A_45 = tpu.memref_slice %dma_wait3A_43[%mul3A_20, %dma_wait3A_44] : memref<10112x8xf32, #tpu.memory_space<hbm>> -> memref<632x8xf32, #tpu.memory_space<hbm>>
      tpu.wait_dma2 semaphore(%run_scoped3A : memref<!tpu.dma_semaphore, #tpu.memory_space<semaphore_mem>>) src(%dma_wait3A_45 : memref<632x8xf32, #tpu.memory_space<hbm>>) dst(%arg11 : memref<632x8xf32, #tpu.memory_space<vmem>>)
      tpu.yield
    }) : () -> ()
    %barrier3A_21 = arith.constant 0 : index
    tpu.barrier barrier_id(%barrier3A_21)
    %delay3A_22 = arith.constant 16384 : i32
    tpu.delay %delay3A_22
    %barrier3A_23 = arith.constant 0 : index
    tpu.barrier barrier_id(%barrier3A_23)
    return
  }
}

#map = affine_map<(d0, d1) -> (0, 0)>
#map1 = affine_map<(d0, d1) -> (0, 0, 0)>
module attributes {stable_mosaic.version = 14 : i64} {
  func.func @_seg_sum_body(%arg0: i32, %arg1: i32, %arg2: memref<10112x32xf32, #tpu.memory_space<hbm>>, %arg3: memref<32x80x128xi32, #tpu.memory_space<hbm>>, %arg4: memref<32x80x128xi32, #tpu.memory_space<hbm>>, %arg5: memref<632x32xf32, #tpu.memory_space<hbm>>, %arg6: memref<2x10112x32xf32, #tpu.memory_space<hbm>>, %arg7: memref<80x128xi32, #tpu.memory_space<vmem>>, %arg8: memref<80x128xi32, #tpu.memory_space<vmem>>, %arg9: memref<128x32xf32, #tpu.memory_space<vmem>>, %arg10: memref<!tpu.dma_semaphore, #tpu.memory_space<semaphore_mem>>, %arg11: memref<632x32xf32, #tpu.memory_space<vmem>>, %arg12: memref<10112x32xf32, #tpu.memory_space<vmem_shared>>) attributes {dimension_semantics = [#tpu.dimension_semantics<core_parallel>, #tpu.dimension_semantics<subcore_parallel>], iteration_bounds = array<i64: 2, 16>, scalar_prefetch = 0 : i64, scratch_operands = 6 : i64, tpu.core_type = #tpu.core_type<sc_vector_subcore>, window_params = [{transform_indices = #map}, {transform_indices = #map1}, {transform_indices = #map1}, {transform_indices = #map}, {transform_indices = #map1}]} {
    %mul3A = arith.constant 2 : i32
    %mul3A_0 = arith.muli %arg1, %mul3A : i32
    %add3A = arith.addi %mul3A_0, %arg0 : i32
    %barrier3A = arith.constant 0 : index
    tpu.barrier barrier_id(%barrier3A)
    %delay3A = arith.constant 16384 : i32
    tpu.delay %delay3A
    %barrier3A_1 = arith.constant 0 : index
    tpu.barrier barrier_id(%barrier3A_1)
    %mul3A_2 = arith.constant 632 : i32
    %mul3A_3 = arith.muli %arg1, %mul3A_2 : i32
    "tpu.region"() ({
      %run_scoped3A = tpu.sem_alloc : memref<!tpu.dma_semaphore, #tpu.memory_space<semaphore_mem>>
      %dma_start3A = arith.constant 0 : i32
      %dma_start3A_24 = tpu.memref_slice %arg12[%mul3A_3, %dma_start3A] : memref<10112x32xf32, #tpu.memory_space<vmem_shared>> -> memref<632x32xf32, #tpu.memory_space<vmem_shared>>
      tpu.enqueue_dma source(%arg5 : memref<632x32xf32, #tpu.memory_space<hbm>>) target(%dma_start3A_24 : memref<632x32xf32, #tpu.memory_space<vmem_shared>>) target_semaphore(%run_scoped3A : memref<!tpu.dma_semaphore, #tpu.memory_space<semaphore_mem>>)
      %dma_wait3A = arith.constant 0 : i32
      %dma_wait3A_25 = tpu.memref_slice %arg12[%mul3A_3, %dma_wait3A] : memref<10112x32xf32, #tpu.memory_space<vmem_shared>> -> memref<632x32xf32, #tpu.memory_space<vmem_shared>>
      tpu.wait_dma2 semaphore(%run_scoped3A : memref<!tpu.dma_semaphore, #tpu.memory_space<semaphore_mem>>) src(%arg5 : memref<632x32xf32, #tpu.memory_space<hbm>>) dst(%dma_wait3A_25 : memref<632x32xf32, #tpu.memory_space<vmem_shared>>)
      tpu.yield
    }) : () -> ()
    "tpu.region"() ({
      %run_scoped3A = tpu.sem_alloc : memref<!tpu.dma_semaphore, #tpu.memory_space<semaphore_mem>>
      %dma_start3A = arith.constant 0 : i32
      %dma_start3A_24 = arith.constant 0 : i32
      %dma_start3A_25 = tpu.memref_slice %arg3[%add3A, %dma_start3A, %dma_start3A_24] : memref<32x80x128xi32, #tpu.memory_space<hbm>> -> memref<1x80x128xi32, #tpu.memory_space<hbm>>
      %dma_start3A_26 = tpu.memref_squeeze %dma_start3A_25 : memref<1x80x128xi32, #tpu.memory_space<hbm>> -> memref<80x128xi32, #tpu.memory_space<hbm>>
      %dma_start3A_27 = arith.constant 0 : i32
      %dma_start3A_28 = arith.constant 0 : i32
      %dma_start3A_29 = tpu.memref_slice %arg3[%add3A, %dma_start3A_27, %dma_start3A_28] : memref<32x80x128xi32, #tpu.memory_space<hbm>> -> memref<1x80x128xi32, #tpu.memory_space<hbm>>
      %dma_start3A_30 = tpu.memref_squeeze %dma_start3A_29 : memref<1x80x128xi32, #tpu.memory_space<hbm>> -> memref<80x128xi32, #tpu.memory_space<hbm>>
      tpu.enqueue_dma source(%dma_start3A_30 : memref<80x128xi32, #tpu.memory_space<hbm>>) target(%arg7 : memref<80x128xi32, #tpu.memory_space<vmem>>) target_semaphore(%run_scoped3A : memref<!tpu.dma_semaphore, #tpu.memory_space<semaphore_mem>>)
      %dma_wait3A = arith.constant 0 : i32
      %dma_wait3A_31 = arith.constant 0 : i32
      %dma_wait3A_32 = tpu.memref_slice %arg3[%add3A, %dma_wait3A, %dma_wait3A_31] : memref<32x80x128xi32, #tpu.memory_space<hbm>> -> memref<1x80x128xi32, #tpu.memory_space<hbm>>
      %dma_wait3A_33 = tpu.memref_squeeze %dma_wait3A_32 : memref<1x80x128xi32, #tpu.memory_space<hbm>> -> memref<80x128xi32, #tpu.memory_space<hbm>>
      %dma_wait3A_34 = arith.constant 0 : i32
      %dma_wait3A_35 = arith.constant 0 : i32
      %dma_wait3A_36 = tpu.memref_slice %arg3[%add3A, %dma_wait3A_34, %dma_wait3A_35] : memref<32x80x128xi32, #tpu.memory_space<hbm>> -> memref<1x80x128xi32, #tpu.memory_space<hbm>>
      %dma_wait3A_37 = tpu.memref_squeeze %dma_wait3A_36 : memref<1x80x128xi32, #tpu.memory_space<hbm>> -> memref<80x128xi32, #tpu.memory_space<hbm>>
      tpu.wait_dma2 semaphore(%run_scoped3A : memref<!tpu.dma_semaphore, #tpu.memory_space<semaphore_mem>>) src(%dma_wait3A_37 : memref<80x128xi32, #tpu.memory_space<hbm>>) dst(%arg7 : memref<80x128xi32, #tpu.memory_space<vmem>>)
      tpu.yield
    }) : () -> ()
    "tpu.region"() ({
      %run_scoped3A = tpu.sem_alloc : memref<!tpu.dma_semaphore, #tpu.memory_space<semaphore_mem>>
      %dma_start3A = arith.constant 0 : i32
      %dma_start3A_24 = arith.constant 0 : i32
      %dma_start3A_25 = tpu.memref_slice %arg4[%add3A, %dma_start3A, %dma_start3A_24] : memref<32x80x128xi32, #tpu.memory_space<hbm>> -> memref<1x80x128xi32, #tpu.memory_space<hbm>>
      %dma_start3A_26 = tpu.memref_squeeze %dma_start3A_25 : memref<1x80x128xi32, #tpu.memory_space<hbm>> -> memref<80x128xi32, #tpu.memory_space<hbm>>
      %dma_start3A_27 = arith.constant 0 : i32
      %dma_start3A_28 = arith.constant 0 : i32
      %dma_start3A_29 = tpu.memref_slice %arg4[%add3A, %dma_start3A_27, %dma_start3A_28] : memref<32x80x128xi32, #tpu.memory_space<hbm>> -> memref<1x80x128xi32, #tpu.memory_space<hbm>>
      %dma_start3A_30 = tpu.memref_squeeze %dma_start3A_29 : memref<1x80x128xi32, #tpu.memory_space<hbm>> -> memref<80x128xi32, #tpu.memory_space<hbm>>
      tpu.enqueue_dma source(%dma_start3A_30 : memref<80x128xi32, #tpu.memory_space<hbm>>) target(%arg8 : memref<80x128xi32, #tpu.memory_space<vmem>>) target_semaphore(%run_scoped3A : memref<!tpu.dma_semaphore, #tpu.memory_space<semaphore_mem>>)
      %dma_wait3A = arith.constant 0 : i32
      %dma_wait3A_31 = arith.constant 0 : i32
      %dma_wait3A_32 = tpu.memref_slice %arg4[%add3A, %dma_wait3A, %dma_wait3A_31] : memref<32x80x128xi32, #tpu.memory_space<hbm>> -> memref<1x80x128xi32, #tpu.memory_space<hbm>>
      %dma_wait3A_33 = tpu.memref_squeeze %dma_wait3A_32 : memref<1x80x128xi32, #tpu.memory_space<hbm>> -> memref<80x128xi32, #tpu.memory_space<hbm>>
      %dma_wait3A_34 = arith.constant 0 : i32
      %dma_wait3A_35 = arith.constant 0 : i32
      %dma_wait3A_36 = tpu.memref_slice %arg4[%add3A, %dma_wait3A_34, %dma_wait3A_35] : memref<32x80x128xi32, #tpu.memory_space<hbm>> -> memref<1x80x128xi32, #tpu.memory_space<hbm>>
      %dma_wait3A_37 = tpu.memref_squeeze %dma_wait3A_36 : memref<1x80x128xi32, #tpu.memory_space<hbm>> -> memref<80x128xi32, #tpu.memory_space<hbm>>
      tpu.wait_dma2 semaphore(%run_scoped3A : memref<!tpu.dma_semaphore, #tpu.memory_space<semaphore_mem>>) src(%dma_wait3A_37 : memref<80x128xi32, #tpu.memory_space<hbm>>) dst(%arg8 : memref<80x128xi32, #tpu.memory_space<vmem>>)
      tpu.yield
    }) : () -> ()
    %barrier3A_4 = arith.constant 0 : index
    tpu.barrier barrier_id(%barrier3A_4)
    %delay3A_5 = arith.constant 2048 : i32
    tpu.delay %delay3A_5
    %barrier3A_6 = arith.constant 0 : index
    tpu.barrier barrier_id(%barrier3A_6)
    %scan3A = arith.constant 0 : i32
    %scan3A_7 = arith.constant 0 : i32
    %scan3A_8 = arith.constant 80 : i32
    %scan3A_9 = arith.addi %scan3A_7, %scan3A_8 : i32
    %scan3A_10 = arith.constant 1 : i32
    scf.for %scan3A_24 = %scan3A_7 to %scan3A_9 step %scan3A_10  : i32 {
      %dma_start3A = arith.constant 0 : i32
      %dma_start3A_25 = tpu.memref_slice %arg7[%scan3A_24, %dma_start3A] : memref<80x128xi32, #tpu.memory_space<vmem>> -> memref<1x128xi32, #tpu.memory_space<vmem>>
      %dma_start3A_26 = tpu.memref_squeeze %dma_start3A_25 : memref<1x128xi32, #tpu.memory_space<vmem>> -> memref<128xi32, #tpu.memory_space<vmem>>
      %dma_start3A_27 = arith.constant 0 : i32
      %dma_start3A_28 = arith.constant 0 : i32
      %dma_start3A_29 = tpu.memref_slice %arg2[%dma_start3A_27, %dma_start3A_28] : memref<10112x32xf32, #tpu.memory_space<hbm>> -> memref<10112x32xf32, #tpu.memory_space<hbm>>
      tpu.enqueue_indirect_dma source(%dma_start3A_29 : memref<10112x32xf32, #tpu.memory_space<hbm>>) target(%arg9 : memref<128x32xf32, #tpu.memory_space<vmem>>) offsets(%dma_start3A_26 : memref<128xi32, #tpu.memory_space<vmem>>) semaphore(%arg10 : memref<!tpu.dma_semaphore, #tpu.memory_space<semaphore_mem>>)
      %dma_wait3A = arith.constant 0 : i32
      %dma_wait3A_30 = tpu.memref_slice %arg7[%scan3A_24, %dma_wait3A] : memref<80x128xi32, #tpu.memory_space<vmem>> -> memref<1x128xi32, #tpu.memory_space<vmem>>
      %dma_wait3A_31 = tpu.memref_squeeze %dma_wait3A_30 : memref<1x128xi32, #tpu.memory_space<vmem>> -> memref<128xi32, #tpu.memory_space<vmem>>
      %dma_wait3A_32 = arith.constant 0 : i32
      %dma_wait3A_33 = arith.constant 0 : i32
      %dma_wait3A_34 = tpu.memref_slice %arg2[%dma_wait3A_32, %dma_wait3A_33] : memref<10112x32xf32, #tpu.memory_space<hbm>> -> memref<10112x32xf32, #tpu.memory_space<hbm>>
      tpu.wait_indirect_dma semaphore(%arg10 : memref<!tpu.dma_semaphore, #tpu.memory_space<semaphore_mem>>) src(%dma_wait3A_34 : memref<10112x32xf32, #tpu.memory_space<hbm>>) dst(%arg9 : memref<128x32xf32, #tpu.memory_space<vmem>>)
      "tpu.region"() ({
        %run_scoped3A = tpu.sem_alloc : memref<!tpu.dma_semaphore, #tpu.memory_space<semaphore_mem>>
        %dma_start3A_35 = arith.constant 0 : i32
        %dma_start3A_36 = tpu.memref_slice %arg8[%scan3A_24, %dma_start3A_35] : memref<80x128xi32, #tpu.memory_space<vmem>> -> memref<1x128xi32, #tpu.memory_space<vmem>>
        %dma_start3A_37 = tpu.memref_squeeze %dma_start3A_36 : memref<1x128xi32, #tpu.memory_space<vmem>> -> memref<128xi32, #tpu.memory_space<vmem>>
        %dma_start3A_38 = arith.constant 0 : i32
        %dma_start3A_39 = arith.constant 0 : i32
        %dma_start3A_40 = tpu.memref_slice %arg12[%dma_start3A_38, %dma_start3A_39] : memref<10112x32xf32, #tpu.memory_space<vmem_shared>> -> memref<10112x32xf32, #tpu.memory_space<vmem_shared>>
        tpu.enqueue_indirect_dma source(%arg9 : memref<128x32xf32, #tpu.memory_space<vmem>>) target(%dma_start3A_40 : memref<10112x32xf32, #tpu.memory_space<vmem_shared>>) offsets(%dma_start3A_37 : memref<128xi32, #tpu.memory_space<vmem>>) semaphore(%run_scoped3A : memref<!tpu.dma_semaphore, #tpu.memory_space<semaphore_mem>>) {add = true}
        %dma_wait3A_41 = arith.constant 0 : i32
        %dma_wait3A_42 = tpu.memref_slice %arg8[%scan3A_24, %dma_wait3A_41] : memref<80x128xi32, #tpu.memory_space<vmem>> -> memref<1x128xi32, #tpu.memory_space<vmem>>
        %dma_wait3A_43 = tpu.memref_squeeze %dma_wait3A_42 : memref<1x128xi32, #tpu.memory_space<vmem>> -> memref<128xi32, #tpu.memory_space<vmem>>
        %dma_wait3A_44 = arith.constant 0 : i32
        %dma_wait3A_45 = arith.constant 0 : i32
        %dma_wait3A_46 = tpu.memref_slice %arg12[%dma_wait3A_44, %dma_wait3A_45] : memref<10112x32xf32, #tpu.memory_space<vmem_shared>> -> memref<10112x32xf32, #tpu.memory_space<vmem_shared>>
        tpu.wait_indirect_dma semaphore(%run_scoped3A : memref<!tpu.dma_semaphore, #tpu.memory_space<semaphore_mem>>) src(%arg9 : memref<128x32xf32, #tpu.memory_space<vmem>>) dst(%dma_wait3A_46 : memref<10112x32xf32, #tpu.memory_space<vmem_shared>>)
        tpu.yield
      }) : () -> ()
    }
    %scan3A_11 = arith.constant 80 : i32
    %barrier3A_12 = arith.constant 0 : index
    tpu.barrier barrier_id(%barrier3A_12)
    %delay3A_13 = arith.constant 2048 : i32
    tpu.delay %delay3A_13
    %barrier3A_14 = arith.constant 0 : index
    tpu.barrier barrier_id(%barrier3A_14)
    %mul3A_15 = arith.constant 632 : i32
    %mul3A_16 = arith.muli %arg1, %mul3A_15 : i32
    "tpu.region"() ({
      %run_scoped3A = tpu.sem_alloc : memref<!tpu.dma_semaphore, #tpu.memory_space<semaphore_mem>>
      %dma_start3A = arith.constant 0 : i32
      %dma_start3A_24 = tpu.memref_slice %arg12[%mul3A_16, %dma_start3A] : memref<10112x32xf32, #tpu.memory_space<vmem_shared>> -> memref<632x32xf32, #tpu.memory_space<vmem_shared>>
      %dma_start3A_25 = arith.constant 0 : i32
      %dma_start3A_26 = tpu.memref_slice %arg12[%mul3A_16, %dma_start3A_25] : memref<10112x32xf32, #tpu.memory_space<vmem_shared>> -> memref<632x32xf32, #tpu.memory_space<vmem_shared>>
      tpu.enqueue_dma source(%dma_start3A_26 : memref<632x32xf32, #tpu.memory_space<vmem_shared>>) target(%arg11 : memref<632x32xf32, #tpu.memory_space<vmem>>) target_semaphore(%run_scoped3A : memref<!tpu.dma_semaphore, #tpu.memory_space<semaphore_mem>>)
      %dma_wait3A = arith.constant 0 : i32
      %dma_wait3A_27 = tpu.memref_slice %arg12[%mul3A_16, %dma_wait3A] : memref<10112x32xf32, #tpu.memory_space<vmem_shared>> -> memref<632x32xf32, #tpu.memory_space<vmem_shared>>
      %dma_wait3A_28 = arith.constant 0 : i32
      %dma_wait3A_29 = tpu.memref_slice %arg12[%mul3A_16, %dma_wait3A_28] : memref<10112x32xf32, #tpu.memory_space<vmem_shared>> -> memref<632x32xf32, #tpu.memory_space<vmem_shared>>
      tpu.wait_dma2 semaphore(%run_scoped3A : memref<!tpu.dma_semaphore, #tpu.memory_space<semaphore_mem>>) src(%dma_wait3A_29 : memref<632x32xf32, #tpu.memory_space<vmem_shared>>) dst(%arg11 : memref<632x32xf32, #tpu.memory_space<vmem>>)
      tpu.yield
    }) : () -> ()
    %mul3A_17 = arith.constant 632 : i32
    %mul3A_18 = arith.muli %arg1, %mul3A_17 : i32
    "tpu.region"() ({
      %run_scoped3A = tpu.sem_alloc : memref<!tpu.dma_semaphore, #tpu.memory_space<semaphore_mem>>
      %dma_start3A = arith.constant 0 : i32
      %dma_start3A_24 = arith.constant 0 : i32
      %dma_start3A_25 = tpu.memref_slice %arg6[%arg0, %dma_start3A, %dma_start3A_24] : memref<2x10112x32xf32, #tpu.memory_space<hbm>> -> memref<1x10112x32xf32, #tpu.memory_space<hbm>>
      %dma_start3A_26 = tpu.memref_squeeze %dma_start3A_25 : memref<1x10112x32xf32, #tpu.memory_space<hbm>> -> memref<10112x32xf32, #tpu.memory_space<hbm>>
      %dma_start3A_27 = arith.constant 0 : i32
      %dma_start3A_28 = tpu.memref_slice %dma_start3A_26[%mul3A_18, %dma_start3A_27] : memref<10112x32xf32, #tpu.memory_space<hbm>> -> memref<632x32xf32, #tpu.memory_space<hbm>>
      %dma_start3A_29 = arith.constant 0 : i32
      %dma_start3A_30 = arith.constant 0 : i32
      %dma_start3A_31 = tpu.memref_slice %arg6[%arg0, %dma_start3A_29, %dma_start3A_30] : memref<2x10112x32xf32, #tpu.memory_space<hbm>> -> memref<1x10112x32xf32, #tpu.memory_space<hbm>>
      %dma_start3A_32 = tpu.memref_squeeze %dma_start3A_31 : memref<1x10112x32xf32, #tpu.memory_space<hbm>> -> memref<10112x32xf32, #tpu.memory_space<hbm>>
      %dma_start3A_33 = arith.constant 0 : i32
      %dma_start3A_34 = tpu.memref_slice %dma_start3A_32[%mul3A_18, %dma_start3A_33] : memref<10112x32xf32, #tpu.memory_space<hbm>> -> memref<632x32xf32, #tpu.memory_space<hbm>>
      tpu.enqueue_dma source(%arg11 : memref<632x32xf32, #tpu.memory_space<vmem>>) target(%dma_start3A_34 : memref<632x32xf32, #tpu.memory_space<hbm>>) target_semaphore(%run_scoped3A : memref<!tpu.dma_semaphore, #tpu.memory_space<semaphore_mem>>)
      %dma_wait3A = arith.constant 0 : i32
      %dma_wait3A_35 = arith.constant 0 : i32
      %dma_wait3A_36 = tpu.memref_slice %arg6[%arg0, %dma_wait3A, %dma_wait3A_35] : memref<2x10112x32xf32, #tpu.memory_space<hbm>> -> memref<1x10112x32xf32, #tpu.memory_space<hbm>>
      %dma_wait3A_37 = tpu.memref_squeeze %dma_wait3A_36 : memref<1x10112x32xf32, #tpu.memory_space<hbm>> -> memref<10112x32xf32, #tpu.memory_space<hbm>>
      %dma_wait3A_38 = arith.constant 0 : i32
      %dma_wait3A_39 = tpu.memref_slice %dma_wait3A_37[%mul3A_18, %dma_wait3A_38] : memref<10112x32xf32, #tpu.memory_space<hbm>> -> memref<632x32xf32, #tpu.memory_space<hbm>>
      %dma_wait3A_40 = arith.constant 0 : i32
      %dma_wait3A_41 = arith.constant 0 : i32
      %dma_wait3A_42 = tpu.memref_slice %arg6[%arg0, %dma_wait3A_40, %dma_wait3A_41] : memref<2x10112x32xf32, #tpu.memory_space<hbm>> -> memref<1x10112x32xf32, #tpu.memory_space<hbm>>
      %dma_wait3A_43 = tpu.memref_squeeze %dma_wait3A_42 : memref<1x10112x32xf32, #tpu.memory_space<hbm>> -> memref<10112x32xf32, #tpu.memory_space<hbm>>
      %dma_wait3A_44 = arith.constant 0 : i32
      %dma_wait3A_45 = tpu.memref_slice %dma_wait3A_43[%mul3A_18, %dma_wait3A_44] : memref<10112x32xf32, #tpu.memory_space<hbm>> -> memref<632x32xf32, #tpu.memory_space<hbm>>
      tpu.wait_dma2 semaphore(%run_scoped3A : memref<!tpu.dma_semaphore, #tpu.memory_space<semaphore_mem>>) src(%arg11 : memref<632x32xf32, #tpu.memory_space<vmem>>) dst(%dma_wait3A_45 : memref<632x32xf32, #tpu.memory_space<hbm>>)
      tpu.yield
    }) : () -> ()
    %mul3A_19 = arith.constant 632 : i32
    %mul3A_20 = arith.muli %arg1, %mul3A_19 : i32
    "tpu.region"() ({
      %run_scoped3A = tpu.sem_alloc : memref<!tpu.dma_semaphore, #tpu.memory_space<semaphore_mem>>
      %dma_start3A = arith.constant 0 : i32
      %dma_start3A_24 = arith.constant 0 : i32
      %dma_start3A_25 = tpu.memref_slice %arg6[%arg0, %dma_start3A, %dma_start3A_24] : memref<2x10112x32xf32, #tpu.memory_space<hbm>> -> memref<1x10112x32xf32, #tpu.memory_space<hbm>>
      %dma_start3A_26 = tpu.memref_squeeze %dma_start3A_25 : memref<1x10112x32xf32, #tpu.memory_space<hbm>> -> memref<10112x32xf32, #tpu.memory_space<hbm>>
      %dma_start3A_27 = arith.constant 0 : i32
      %dma_start3A_28 = tpu.memref_slice %dma_start3A_26[%mul3A_20, %dma_start3A_27] : memref<10112x32xf32, #tpu.memory_space<hbm>> -> memref<632x32xf32, #tpu.memory_space<hbm>>
      %dma_start3A_29 = arith.constant 0 : i32
      %dma_start3A_30 = arith.constant 0 : i32
      %dma_start3A_31 = tpu.memref_slice %arg6[%arg0, %dma_start3A_29, %dma_start3A_30] : memref<2x10112x32xf32, #tpu.memory_space<hbm>> -> memref<1x10112x32xf32, #tpu.memory_space<hbm>>
      %dma_start3A_32 = tpu.memref_squeeze %dma_start3A_31 : memref<1x10112x32xf32, #tpu.memory_space<hbm>> -> memref<10112x32xf32, #tpu.memory_space<hbm>>
      %dma_start3A_33 = arith.constant 0 : i32
      %dma_start3A_34 = tpu.memref_slice %dma_start3A_32[%mul3A_20, %dma_start3A_33] : memref<10112x32xf32, #tpu.memory_space<hbm>> -> memref<632x32xf32, #tpu.memory_space<hbm>>
      tpu.enqueue_dma source(%dma_start3A_34 : memref<632x32xf32, #tpu.memory_space<hbm>>) target(%arg11 : memref<632x32xf32, #tpu.memory_space<vmem>>) target_semaphore(%run_scoped3A : memref<!tpu.dma_semaphore, #tpu.memory_space<semaphore_mem>>)
      %dma_wait3A = arith.constant 0 : i32
      %dma_wait3A_35 = arith.constant 0 : i32
      %dma_wait3A_36 = tpu.memref_slice %arg6[%arg0, %dma_wait3A, %dma_wait3A_35] : memref<2x10112x32xf32, #tpu.memory_space<hbm>> -> memref<1x10112x32xf32, #tpu.memory_space<hbm>>
      %dma_wait3A_37 = tpu.memref_squeeze %dma_wait3A_36 : memref<1x10112x32xf32, #tpu.memory_space<hbm>> -> memref<10112x32xf32, #tpu.memory_space<hbm>>
      %dma_wait3A_38 = arith.constant 0 : i32
      %dma_wait3A_39 = tpu.memref_slice %dma_wait3A_37[%mul3A_20, %dma_wait3A_38] : memref<10112x32xf32, #tpu.memory_space<hbm>> -> memref<632x32xf32, #tpu.memory_space<hbm>>
      %dma_wait3A_40 = arith.constant 0 : i32
      %dma_wait3A_41 = arith.constant 0 : i32
      %dma_wait3A_42 = tpu.memref_slice %arg6[%arg0, %dma_wait3A_40, %dma_wait3A_41] : memref<2x10112x32xf32, #tpu.memory_space<hbm>> -> memref<1x10112x32xf32, #tpu.memory_space<hbm>>
      %dma_wait3A_43 = tpu.memref_squeeze %dma_wait3A_42 : memref<1x10112x32xf32, #tpu.memory_space<hbm>> -> memref<10112x32xf32, #tpu.memory_space<hbm>>
      %dma_wait3A_44 = arith.constant 0 : i32
      %dma_wait3A_45 = tpu.memref_slice %dma_wait3A_43[%mul3A_20, %dma_wait3A_44] : memref<10112x32xf32, #tpu.memory_space<hbm>> -> memref<632x32xf32, #tpu.memory_space<hbm>>
      tpu.wait_dma2 semaphore(%run_scoped3A : memref<!tpu.dma_semaphore, #tpu.memory_space<semaphore_mem>>) src(%dma_wait3A_45 : memref<632x32xf32, #tpu.memory_space<hbm>>) dst(%arg11 : memref<632x32xf32, #tpu.memory_space<vmem>>)
      tpu.yield
    }) : () -> ()
    %barrier3A_21 = arith.constant 0 : index
    tpu.barrier barrier_id(%barrier3A_21)
    %delay3A_22 = arith.constant 16384 : i32
    tpu.delay %delay3A_22
    %barrier3A_23 = arith.constant 0 : index
    tpu.barrier barrier_id(%barrier3A_23)
    return
  }
}

#map = affine_map<(d0, d1) -> (0, 0)>
#map1 = affine_map<(d0, d1) -> (0, 0, 0)>
module attributes {stable_mosaic.version = 14 : i64} {
  func.func @_seg_sum_body(%arg0: i32, %arg1: i32, %arg2: memref<10112x32xf32, #tpu.memory_space<hbm>>, %arg3: memref<32x80x128xi32, #tpu.memory_space<hbm>>, %arg4: memref<32x80x128xi32, #tpu.memory_space<hbm>>, %arg5: memref<632x32xf32, #tpu.memory_space<hbm>>, %arg6: memref<2x10112x32xf32, #tpu.memory_space<hbm>>, %arg7: memref<80x128xi32, #tpu.memory_space<vmem>>, %arg8: memref<80x128xi32, #tpu.memory_space<vmem>>, %arg9: memref<128x32xf32, #tpu.memory_space<vmem>>, %arg10: memref<!tpu.dma_semaphore, #tpu.memory_space<semaphore_mem>>, %arg11: memref<632x32xf32, #tpu.memory_space<vmem>>, %arg12: memref<10112x32xf32, #tpu.memory_space<vmem_shared>>) attributes {dimension_semantics = [#tpu.dimension_semantics<core_parallel>, #tpu.dimension_semantics<subcore_parallel>], iteration_bounds = array<i64: 2, 16>, scalar_prefetch = 0 : i64, scratch_operands = 6 : i64, tpu.core_type = #tpu.core_type<sc_vector_subcore>, window_params = [{transform_indices = #map}, {transform_indices = #map1}, {transform_indices = #map1}, {transform_indices = #map}, {transform_indices = #map1}]} {
    %mul3A = arith.constant 2 : i32
    %mul3A_0 = arith.muli %arg1, %mul3A : i32
    %add3A = arith.addi %mul3A_0, %arg0 : i32
    %barrier3A = arith.constant 0 : index
    tpu.barrier barrier_id(%barrier3A)
    %delay3A = arith.constant 16384 : i32
    tpu.delay %delay3A
    %barrier3A_1 = arith.constant 0 : index
    tpu.barrier barrier_id(%barrier3A_1)
    %mul3A_2 = arith.constant 632 : i32
    %mul3A_3 = arith.muli %arg1, %mul3A_2 : i32
    "tpu.region"() ({
      %run_scoped3A = tpu.sem_alloc : memref<!tpu.dma_semaphore, #tpu.memory_space<semaphore_mem>>
      %dma_start3A = arith.constant 0 : i32
      %dma_start3A_24 = tpu.memref_slice %arg12[%mul3A_3, %dma_start3A] : memref<10112x32xf32, #tpu.memory_space<vmem_shared>> -> memref<632x32xf32, #tpu.memory_space<vmem_shared>>
      tpu.enqueue_dma source(%arg5 : memref<632x32xf32, #tpu.memory_space<hbm>>) target(%dma_start3A_24 : memref<632x32xf32, #tpu.memory_space<vmem_shared>>) target_semaphore(%run_scoped3A : memref<!tpu.dma_semaphore, #tpu.memory_space<semaphore_mem>>)
      %dma_wait3A = arith.constant 0 : i32
      %dma_wait3A_25 = tpu.memref_slice %arg12[%mul3A_3, %dma_wait3A] : memref<10112x32xf32, #tpu.memory_space<vmem_shared>> -> memref<632x32xf32, #tpu.memory_space<vmem_shared>>
      tpu.wait_dma2 semaphore(%run_scoped3A : memref<!tpu.dma_semaphore, #tpu.memory_space<semaphore_mem>>) src(%arg5 : memref<632x32xf32, #tpu.memory_space<hbm>>) dst(%dma_wait3A_25 : memref<632x32xf32, #tpu.memory_space<vmem_shared>>)
      tpu.yield
    }) : () -> ()
    "tpu.region"() ({
      %run_scoped3A = tpu.sem_alloc : memref<!tpu.dma_semaphore, #tpu.memory_space<semaphore_mem>>
      %dma_start3A = arith.constant 0 : i32
      %dma_start3A_24 = arith.constant 0 : i32
      %dma_start3A_25 = tpu.memref_slice %arg3[%add3A, %dma_start3A, %dma_start3A_24] : memref<32x80x128xi32, #tpu.memory_space<hbm>> -> memref<1x80x128xi32, #tpu.memory_space<hbm>>
      %dma_start3A_26 = tpu.memref_squeeze %dma_start3A_25 : memref<1x80x128xi32, #tpu.memory_space<hbm>> -> memref<80x128xi32, #tpu.memory_space<hbm>>
      %dma_start3A_27 = arith.constant 0 : i32
      %dma_start3A_28 = arith.constant 0 : i32
      %dma_start3A_29 = tpu.memref_slice %arg3[%add3A, %dma_start3A_27, %dma_start3A_28] : memref<32x80x128xi32, #tpu.memory_space<hbm>> -> memref<1x80x128xi32, #tpu.memory_space<hbm>>
      %dma_start3A_30 = tpu.memref_squeeze %dma_start3A_29 : memref<1x80x128xi32, #tpu.memory_space<hbm>> -> memref<80x128xi32, #tpu.memory_space<hbm>>
      tpu.enqueue_dma source(%dma_start3A_30 : memref<80x128xi32, #tpu.memory_space<hbm>>) target(%arg7 : memref<80x128xi32, #tpu.memory_space<vmem>>) target_semaphore(%run_scoped3A : memref<!tpu.dma_semaphore, #tpu.memory_space<semaphore_mem>>)
      %dma_wait3A = arith.constant 0 : i32
      %dma_wait3A_31 = arith.constant 0 : i32
      %dma_wait3A_32 = tpu.memref_slice %arg3[%add3A, %dma_wait3A, %dma_wait3A_31] : memref<32x80x128xi32, #tpu.memory_space<hbm>> -> memref<1x80x128xi32, #tpu.memory_space<hbm>>
      %dma_wait3A_33 = tpu.memref_squeeze %dma_wait3A_32 : memref<1x80x128xi32, #tpu.memory_space<hbm>> -> memref<80x128xi32, #tpu.memory_space<hbm>>
      %dma_wait3A_34 = arith.constant 0 : i32
      %dma_wait3A_35 = arith.constant 0 : i32
      %dma_wait3A_36 = tpu.memref_slice %arg3[%add3A, %dma_wait3A_34, %dma_wait3A_35] : memref<32x80x128xi32, #tpu.memory_space<hbm>> -> memref<1x80x128xi32, #tpu.memory_space<hbm>>
      %dma_wait3A_37 = tpu.memref_squeeze %dma_wait3A_36 : memref<1x80x128xi32, #tpu.memory_space<hbm>> -> memref<80x128xi32, #tpu.memory_space<hbm>>
      tpu.wait_dma2 semaphore(%run_scoped3A : memref<!tpu.dma_semaphore, #tpu.memory_space<semaphore_mem>>) src(%dma_wait3A_37 : memref<80x128xi32, #tpu.memory_space<hbm>>) dst(%arg7 : memref<80x128xi32, #tpu.memory_space<vmem>>)
      tpu.yield
    }) : () -> ()
    "tpu.region"() ({
      %run_scoped3A = tpu.sem_alloc : memref<!tpu.dma_semaphore, #tpu.memory_space<semaphore_mem>>
      %dma_start3A = arith.constant 0 : i32
      %dma_start3A_24 = arith.constant 0 : i32
      %dma_start3A_25 = tpu.memref_slice %arg4[%add3A, %dma_start3A, %dma_start3A_24] : memref<32x80x128xi32, #tpu.memory_space<hbm>> -> memref<1x80x128xi32, #tpu.memory_space<hbm>>
      %dma_start3A_26 = tpu.memref_squeeze %dma_start3A_25 : memref<1x80x128xi32, #tpu.memory_space<hbm>> -> memref<80x128xi32, #tpu.memory_space<hbm>>
      %dma_start3A_27 = arith.constant 0 : i32
      %dma_start3A_28 = arith.constant 0 : i32
      %dma_start3A_29 = tpu.memref_slice %arg4[%add3A, %dma_start3A_27, %dma_start3A_28] : memref<32x80x128xi32, #tpu.memory_space<hbm>> -> memref<1x80x128xi32, #tpu.memory_space<hbm>>
      %dma_start3A_30 = tpu.memref_squeeze %dma_start3A_29 : memref<1x80x128xi32, #tpu.memory_space<hbm>> -> memref<80x128xi32, #tpu.memory_space<hbm>>
      tpu.enqueue_dma source(%dma_start3A_30 : memref<80x128xi32, #tpu.memory_space<hbm>>) target(%arg8 : memref<80x128xi32, #tpu.memory_space<vmem>>) target_semaphore(%run_scoped3A : memref<!tpu.dma_semaphore, #tpu.memory_space<semaphore_mem>>)
      %dma_wait3A = arith.constant 0 : i32
      %dma_wait3A_31 = arith.constant 0 : i32
      %dma_wait3A_32 = tpu.memref_slice %arg4[%add3A, %dma_wait3A, %dma_wait3A_31] : memref<32x80x128xi32, #tpu.memory_space<hbm>> -> memref<1x80x128xi32, #tpu.memory_space<hbm>>
      %dma_wait3A_33 = tpu.memref_squeeze %dma_wait3A_32 : memref<1x80x128xi32, #tpu.memory_space<hbm>> -> memref<80x128xi32, #tpu.memory_space<hbm>>
      %dma_wait3A_34 = arith.constant 0 : i32
      %dma_wait3A_35 = arith.constant 0 : i32
      %dma_wait3A_36 = tpu.memref_slice %arg4[%add3A, %dma_wait3A_34, %dma_wait3A_35] : memref<32x80x128xi32, #tpu.memory_space<hbm>> -> memref<1x80x128xi32, #tpu.memory_space<hbm>>
      %dma_wait3A_37 = tpu.memref_squeeze %dma_wait3A_36 : memref<1x80x128xi32, #tpu.memory_space<hbm>> -> memref<80x128xi32, #tpu.memory_space<hbm>>
      tpu.wait_dma2 semaphore(%run_scoped3A : memref<!tpu.dma_semaphore, #tpu.memory_space<semaphore_mem>>) src(%dma_wait3A_37 : memref<80x128xi32, #tpu.memory_space<hbm>>) dst(%arg8 : memref<80x128xi32, #tpu.memory_space<vmem>>)
      tpu.yield
    }) : () -> ()
    %barrier3A_4 = arith.constant 0 : index
    tpu.barrier barrier_id(%barrier3A_4)
    %delay3A_5 = arith.constant 2048 : i32
    tpu.delay %delay3A_5
    %barrier3A_6 = arith.constant 0 : index
    tpu.barrier barrier_id(%barrier3A_6)
    %scan3A = arith.constant 0 : i32
    %scan3A_7 = arith.constant 0 : i32
    %scan3A_8 = arith.constant 80 : i32
    %scan3A_9 = arith.addi %scan3A_7, %scan3A_8 : i32
    %scan3A_10 = arith.constant 1 : i32
    scf.for %scan3A_24 = %scan3A_7 to %scan3A_9 step %scan3A_10  : i32 {
      %dma_start3A = arith.constant 0 : i32
      %dma_start3A_25 = tpu.memref_slice %arg7[%scan3A_24, %dma_start3A] : memref<80x128xi32, #tpu.memory_space<vmem>> -> memref<1x128xi32, #tpu.memory_space<vmem>>
      %dma_start3A_26 = tpu.memref_squeeze %dma_start3A_25 : memref<1x128xi32, #tpu.memory_space<vmem>> -> memref<128xi32, #tpu.memory_space<vmem>>
      %dma_start3A_27 = arith.constant 0 : i32
      %dma_start3A_28 = arith.constant 0 : i32
      %dma_start3A_29 = tpu.memref_slice %arg2[%dma_start3A_27, %dma_start3A_28] : memref<10112x32xf32, #tpu.memory_space<hbm>> -> memref<10112x32xf32, #tpu.memory_space<hbm>>
      tpu.enqueue_indirect_dma source(%dma_start3A_29 : memref<10112x32xf32, #tpu.memory_space<hbm>>) target(%arg9 : memref<128x32xf32, #tpu.memory_space<vmem>>) offsets(%dma_start3A_26 : memref<128xi32, #tpu.memory_space<vmem>>) semaphore(%arg10 : memref<!tpu.dma_semaphore, #tpu.memory_space<semaphore_mem>>)
      %dma_wait3A = arith.constant 0 : i32
      %dma_wait3A_30 = tpu.memref_slice %arg7[%scan3A_24, %dma_wait3A] : memref<80x128xi32, #tpu.memory_space<vmem>> -> memref<1x128xi32, #tpu.memory_space<vmem>>
      %dma_wait3A_31 = tpu.memref_squeeze %dma_wait3A_30 : memref<1x128xi32, #tpu.memory_space<vmem>> -> memref<128xi32, #tpu.memory_space<vmem>>
      %dma_wait3A_32 = arith.constant 0 : i32
      %dma_wait3A_33 = arith.constant 0 : i32
      %dma_wait3A_34 = tpu.memref_slice %arg2[%dma_wait3A_32, %dma_wait3A_33] : memref<10112x32xf32, #tpu.memory_space<hbm>> -> memref<10112x32xf32, #tpu.memory_space<hbm>>
      tpu.wait_indirect_dma semaphore(%arg10 : memref<!tpu.dma_semaphore, #tpu.memory_space<semaphore_mem>>) src(%dma_wait3A_34 : memref<10112x32xf32, #tpu.memory_space<hbm>>) dst(%arg9 : memref<128x32xf32, #tpu.memory_space<vmem>>)
      "tpu.region"() ({
        %run_scoped3A = tpu.sem_alloc : memref<!tpu.dma_semaphore, #tpu.memory_space<semaphore_mem>>
        %dma_start3A_35 = arith.constant 0 : i32
        %dma_start3A_36 = tpu.memref_slice %arg8[%scan3A_24, %dma_start3A_35] : memref<80x128xi32, #tpu.memory_space<vmem>> -> memref<1x128xi32, #tpu.memory_space<vmem>>
        %dma_start3A_37 = tpu.memref_squeeze %dma_start3A_36 : memref<1x128xi32, #tpu.memory_space<vmem>> -> memref<128xi32, #tpu.memory_space<vmem>>
        %dma_start3A_38 = arith.constant 0 : i32
        %dma_start3A_39 = arith.constant 0 : i32
        %dma_start3A_40 = tpu.memref_slice %arg12[%dma_start3A_38, %dma_start3A_39] : memref<10112x32xf32, #tpu.memory_space<vmem_shared>> -> memref<10112x32xf32, #tpu.memory_space<vmem_shared>>
        tpu.enqueue_indirect_dma source(%arg9 : memref<128x32xf32, #tpu.memory_space<vmem>>) target(%dma_start3A_40 : memref<10112x32xf32, #tpu.memory_space<vmem_shared>>) offsets(%dma_start3A_37 : memref<128xi32, #tpu.memory_space<vmem>>) semaphore(%run_scoped3A : memref<!tpu.dma_semaphore, #tpu.memory_space<semaphore_mem>>) {add = true}
        %dma_wait3A_41 = arith.constant 0 : i32
        %dma_wait3A_42 = tpu.memref_slice %arg8[%scan3A_24, %dma_wait3A_41] : memref<80x128xi32, #tpu.memory_space<vmem>> -> memref<1x128xi32, #tpu.memory_space<vmem>>
        %dma_wait3A_43 = tpu.memref_squeeze %dma_wait3A_42 : memref<1x128xi32, #tpu.memory_space<vmem>> -> memref<128xi32, #tpu.memory_space<vmem>>
        %dma_wait3A_44 = arith.constant 0 : i32
        %dma_wait3A_45 = arith.constant 0 : i32
        %dma_wait3A_46 = tpu.memref_slice %arg12[%dma_wait3A_44, %dma_wait3A_45] : memref<10112x32xf32, #tpu.memory_space<vmem_shared>> -> memref<10112x32xf32, #tpu.memory_space<vmem_shared>>
        tpu.wait_indirect_dma semaphore(%run_scoped3A : memref<!tpu.dma_semaphore, #tpu.memory_space<semaphore_mem>>) src(%arg9 : memref<128x32xf32, #tpu.memory_space<vmem>>) dst(%dma_wait3A_46 : memref<10112x32xf32, #tpu.memory_space<vmem_shared>>)
        tpu.yield
      }) : () -> ()
    }
    %scan3A_11 = arith.constant 80 : i32
    %barrier3A_12 = arith.constant 0 : index
    tpu.barrier barrier_id(%barrier3A_12)
    %delay3A_13 = arith.constant 2048 : i32
    tpu.delay %delay3A_13
    %barrier3A_14 = arith.constant 0 : index
    tpu.barrier barrier_id(%barrier3A_14)
    %mul3A_15 = arith.constant 632 : i32
    %mul3A_16 = arith.muli %arg1, %mul3A_15 : i32
    "tpu.region"() ({
      %run_scoped3A = tpu.sem_alloc : memref<!tpu.dma_semaphore, #tpu.memory_space<semaphore_mem>>
      %dma_start3A = arith.constant 0 : i32
      %dma_start3A_24 = tpu.memref_slice %arg12[%mul3A_16, %dma_start3A] : memref<10112x32xf32, #tpu.memory_space<vmem_shared>> -> memref<632x32xf32, #tpu.memory_space<vmem_shared>>
      %dma_start3A_25 = arith.constant 0 : i32
      %dma_start3A_26 = tpu.memref_slice %arg12[%mul3A_16, %dma_start3A_25] : memref<10112x32xf32, #tpu.memory_space<vmem_shared>> -> memref<632x32xf32, #tpu.memory_space<vmem_shared>>
      tpu.enqueue_dma source(%dma_start3A_26 : memref<632x32xf32, #tpu.memory_space<vmem_shared>>) target(%arg11 : memref<632x32xf32, #tpu.memory_space<vmem>>) target_semaphore(%run_scoped3A : memref<!tpu.dma_semaphore, #tpu.memory_space<semaphore_mem>>)
      %dma_wait3A = arith.constant 0 : i32
      %dma_wait3A_27 = tpu.memref_slice %arg12[%mul3A_16, %dma_wait3A] : memref<10112x32xf32, #tpu.memory_space<vmem_shared>> -> memref<632x32xf32, #tpu.memory_space<vmem_shared>>
      %dma_wait3A_28 = arith.constant 0 : i32
      %dma_wait3A_29 = tpu.memref_slice %arg12[%mul3A_16, %dma_wait3A_28] : memref<10112x32xf32, #tpu.memory_space<vmem_shared>> -> memref<632x32xf32, #tpu.memory_space<vmem_shared>>
      tpu.wait_dma2 semaphore(%run_scoped3A : memref<!tpu.dma_semaphore, #tpu.memory_space<semaphore_mem>>) src(%dma_wait3A_29 : memref<632x32xf32, #tpu.memory_space<vmem_shared>>) dst(%arg11 : memref<632x32xf32, #tpu.memory_space<vmem>>)
      tpu.yield
    }) : () -> ()
    %mul3A_17 = arith.constant 632 : i32
    %mul3A_18 = arith.muli %arg1, %mul3A_17 : i32
    "tpu.region"() ({
      %run_scoped3A = tpu.sem_alloc : memref<!tpu.dma_semaphore, #tpu.memory_space<semaphore_mem>>
      %dma_start3A = arith.constant 0 : i32
      %dma_start3A_24 = arith.constant 0 : i32
      %dma_start3A_25 = tpu.memref_slice %arg6[%arg0, %dma_start3A, %dma_start3A_24] : memref<2x10112x32xf32, #tpu.memory_space<hbm>> -> memref<1x10112x32xf32, #tpu.memory_space<hbm>>
      %dma_start3A_26 = tpu.memref_squeeze %dma_start3A_25 : memref<1x10112x32xf32, #tpu.memory_space<hbm>> -> memref<10112x32xf32, #tpu.memory_space<hbm>>
      %dma_start3A_27 = arith.constant 0 : i32
      %dma_start3A_28 = tpu.memref_slice %dma_start3A_26[%mul3A_18, %dma_start3A_27] : memref<10112x32xf32, #tpu.memory_space<hbm>> -> memref<632x32xf32, #tpu.memory_space<hbm>>
      %dma_start3A_29 = arith.constant 0 : i32
      %dma_start3A_30 = arith.constant 0 : i32
      %dma_start3A_31 = tpu.memref_slice %arg6[%arg0, %dma_start3A_29, %dma_start3A_30] : memref<2x10112x32xf32, #tpu.memory_space<hbm>> -> memref<1x10112x32xf32, #tpu.memory_space<hbm>>
      %dma_start3A_32 = tpu.memref_squeeze %dma_start3A_31 : memref<1x10112x32xf32, #tpu.memory_space<hbm>> -> memref<10112x32xf32, #tpu.memory_space<hbm>>
      %dma_start3A_33 = arith.constant 0 : i32
      %dma_start3A_34 = tpu.memref_slice %dma_start3A_32[%mul3A_18, %dma_start3A_33] : memref<10112x32xf32, #tpu.memory_space<hbm>> -> memref<632x32xf32, #tpu.memory_space<hbm>>
      tpu.enqueue_dma source(%arg11 : memref<632x32xf32, #tpu.memory_space<vmem>>) target(%dma_start3A_34 : memref<632x32xf32, #tpu.memory_space<hbm>>) target_semaphore(%run_scoped3A : memref<!tpu.dma_semaphore, #tpu.memory_space<semaphore_mem>>)
      %dma_wait3A = arith.constant 0 : i32
      %dma_wait3A_35 = arith.constant 0 : i32
      %dma_wait3A_36 = tpu.memref_slice %arg6[%arg0, %dma_wait3A, %dma_wait3A_35] : memref<2x10112x32xf32, #tpu.memory_space<hbm>> -> memref<1x10112x32xf32, #tpu.memory_space<hbm>>
      %dma_wait3A_37 = tpu.memref_squeeze %dma_wait3A_36 : memref<1x10112x32xf32, #tpu.memory_space<hbm>> -> memref<10112x32xf32, #tpu.memory_space<hbm>>
      %dma_wait3A_38 = arith.constant 0 : i32
      %dma_wait3A_39 = tpu.memref_slice %dma_wait3A_37[%mul3A_18, %dma_wait3A_38] : memref<10112x32xf32, #tpu.memory_space<hbm>> -> memref<632x32xf32, #tpu.memory_space<hbm>>
      %dma_wait3A_40 = arith.constant 0 : i32
      %dma_wait3A_41 = arith.constant 0 : i32
      %dma_wait3A_42 = tpu.memref_slice %arg6[%arg0, %dma_wait3A_40, %dma_wait3A_41] : memref<2x10112x32xf32, #tpu.memory_space<hbm>> -> memref<1x10112x32xf32, #tpu.memory_space<hbm>>
      %dma_wait3A_43 = tpu.memref_squeeze %dma_wait3A_42 : memref<1x10112x32xf32, #tpu.memory_space<hbm>> -> memref<10112x32xf32, #tpu.memory_space<hbm>>
      %dma_wait3A_44 = arith.constant 0 : i32
      %dma_wait3A_45 = tpu.memref_slice %dma_wait3A_43[%mul3A_18, %dma_wait3A_44] : memref<10112x32xf32, #tpu.memory_space<hbm>> -> memref<632x32xf32, #tpu.memory_space<hbm>>
      tpu.wait_dma2 semaphore(%run_scoped3A : memref<!tpu.dma_semaphore, #tpu.memory_space<semaphore_mem>>) src(%arg11 : memref<632x32xf32, #tpu.memory_space<vmem>>) dst(%dma_wait3A_45 : memref<632x32xf32, #tpu.memory_space<hbm>>)
      tpu.yield
    }) : () -> ()
    %mul3A_19 = arith.constant 632 : i32
    %mul3A_20 = arith.muli %arg1, %mul3A_19 : i32
    "tpu.region"() ({
      %run_scoped3A = tpu.sem_alloc : memref<!tpu.dma_semaphore, #tpu.memory_space<semaphore_mem>>
      %dma_start3A = arith.constant 0 : i32
      %dma_start3A_24 = arith.constant 0 : i32
      %dma_start3A_25 = tpu.memref_slice %arg6[%arg0, %dma_start3A, %dma_start3A_24] : memref<2x10112x32xf32, #tpu.memory_space<hbm>> -> memref<1x10112x32xf32, #tpu.memory_space<hbm>>
      %dma_start3A_26 = tpu.memref_squeeze %dma_start3A_25 : memref<1x10112x32xf32, #tpu.memory_space<hbm>> -> memref<10112x32xf32, #tpu.memory_space<hbm>>
      %dma_start3A_27 = arith.constant 0 : i32
      %dma_start3A_28 = tpu.memref_slice %dma_start3A_26[%mul3A_20, %dma_start3A_27] : memref<10112x32xf32, #tpu.memory_space<hbm>> -> memref<632x32xf32, #tpu.memory_space<hbm>>
      %dma_start3A_29 = arith.constant 0 : i32
      %dma_start3A_30 = arith.constant 0 : i32
      %dma_start3A_31 = tpu.memref_slice %arg6[%arg0, %dma_start3A_29, %dma_start3A_30] : memref<2x10112x32xf32, #tpu.memory_space<hbm>> -> memref<1x10112x32xf32, #tpu.memory_space<hbm>>
      %dma_start3A_32 = tpu.memref_squeeze %dma_start3A_31 : memref<1x10112x32xf32, #tpu.memory_space<hbm>> -> memref<10112x32xf32, #tpu.memory_space<hbm>>
      %dma_start3A_33 = arith.constant 0 : i32
      %dma_start3A_34 = tpu.memref_slice %dma_start3A_32[%mul3A_20, %dma_start3A_33] : memref<10112x32xf32, #tpu.memory_space<hbm>> -> memref<632x32xf32, #tpu.memory_space<hbm>>
      tpu.enqueue_dma source(%dma_start3A_34 : memref<632x32xf32, #tpu.memory_space<hbm>>) target(%arg11 : memref<632x32xf32, #tpu.memory_space<vmem>>) target_semaphore(%run_scoped3A : memref<!tpu.dma_semaphore, #tpu.memory_space<semaphore_mem>>)
      %dma_wait3A = arith.constant 0 : i32
      %dma_wait3A_35 = arith.constant 0 : i32
      %dma_wait3A_36 = tpu.memref_slice %arg6[%arg0, %dma_wait3A, %dma_wait3A_35] : memref<2x10112x32xf32, #tpu.memory_space<hbm>> -> memref<1x10112x32xf32, #tpu.memory_space<hbm>>
      %dma_wait3A_37 = tpu.memref_squeeze %dma_wait3A_36 : memref<1x10112x32xf32, #tpu.memory_space<hbm>> -> memref<10112x32xf32, #tpu.memory_space<hbm>>
      %dma_wait3A_38 = arith.constant 0 : i32
      %dma_wait3A_39 = tpu.memref_slice %dma_wait3A_37[%mul3A_20, %dma_wait3A_38] : memref<10112x32xf32, #tpu.memory_space<hbm>> -> memref<632x32xf32, #tpu.memory_space<hbm>>
      %dma_wait3A_40 = arith.constant 0 : i32
      %dma_wait3A_41 = arith.constant 0 : i32
      %dma_wait3A_42 = tpu.memref_slice %arg6[%arg0, %dma_wait3A_40, %dma_wait3A_41] : memref<2x10112x32xf32, #tpu.memory_space<hbm>> -> memref<1x10112x32xf32, #tpu.memory_space<hbm>>
      %dma_wait3A_43 = tpu.memref_squeeze %dma_wait3A_42 : memref<1x10112x32xf32, #tpu.memory_space<hbm>> -> memref<10112x32xf32, #tpu.memory_space<hbm>>
      %dma_wait3A_44 = arith.constant 0 : i32
      %dma_wait3A_45 = tpu.memref_slice %dma_wait3A_43[%mul3A_20, %dma_wait3A_44] : memref<10112x32xf32, #tpu.memory_space<hbm>> -> memref<632x32xf32, #tpu.memory_space<hbm>>
      tpu.wait_dma2 semaphore(%run_scoped3A : memref<!tpu.dma_semaphore, #tpu.memory_space<semaphore_mem>>) src(%dma_wait3A_45 : memref<632x32xf32, #tpu.memory_space<hbm>>) dst(%arg11 : memref<632x32xf32, #tpu.memory_space<vmem>>)
      tpu.yield
    }) : () -> ()
    %barrier3A_21 = arith.constant 0 : index
    tpu.barrier barrier_id(%barrier3A_21)
    %delay3A_22 = arith.constant 16384 : i32
    tpu.delay %delay3A_22
    %barrier3A_23 = arith.constant 0 : index
    tpu.barrier barrier_id(%barrier3A_23)
    return
  }
}

#map = affine_map<(d0, d1) -> (0, 0)>
#map1 = affine_map<(d0, d1) -> (0, 0, 0)>
module attributes {stable_mosaic.version = 14 : i64} {
  func.func @_seg_sum_body(%arg0: i32, %arg1: i32, %arg2: memref<10112x32xf32, #tpu.memory_space<hbm>>, %arg3: memref<32x80x128xi32, #tpu.memory_space<hbm>>, %arg4: memref<32x80x128xi32, #tpu.memory_space<hbm>>, %arg5: memref<632x32xf32, #tpu.memory_space<hbm>>, %arg6: memref<2x10112x32xf32, #tpu.memory_space<hbm>>, %arg7: memref<80x128xi32, #tpu.memory_space<vmem>>, %arg8: memref<80x128xi32, #tpu.memory_space<vmem>>, %arg9: memref<128x32xf32, #tpu.memory_space<vmem>>, %arg10: memref<!tpu.dma_semaphore, #tpu.memory_space<semaphore_mem>>, %arg11: memref<632x32xf32, #tpu.memory_space<vmem>>, %arg12: memref<10112x32xf32, #tpu.memory_space<vmem_shared>>) attributes {dimension_semantics = [#tpu.dimension_semantics<core_parallel>, #tpu.dimension_semantics<subcore_parallel>], iteration_bounds = array<i64: 2, 16>, scalar_prefetch = 0 : i64, scratch_operands = 6 : i64, tpu.core_type = #tpu.core_type<sc_vector_subcore>, window_params = [{transform_indices = #map}, {transform_indices = #map1}, {transform_indices = #map1}, {transform_indices = #map}, {transform_indices = #map1}]} {
    %mul3A = arith.constant 2 : i32
    %mul3A_0 = arith.muli %arg1, %mul3A : i32
    %add3A = arith.addi %mul3A_0, %arg0 : i32
    %barrier3A = arith.constant 0 : index
    tpu.barrier barrier_id(%barrier3A)
    %delay3A = arith.constant 16384 : i32
    tpu.delay %delay3A
    %barrier3A_1 = arith.constant 0 : index
    tpu.barrier barrier_id(%barrier3A_1)
    %mul3A_2 = arith.constant 632 : i32
    %mul3A_3 = arith.muli %arg1, %mul3A_2 : i32
    "tpu.region"() ({
      %run_scoped3A = tpu.sem_alloc : memref<!tpu.dma_semaphore, #tpu.memory_space<semaphore_mem>>
      %dma_start3A = arith.constant 0 : i32
      %dma_start3A_24 = tpu.memref_slice %arg12[%mul3A_3, %dma_start3A] : memref<10112x32xf32, #tpu.memory_space<vmem_shared>> -> memref<632x32xf32, #tpu.memory_space<vmem_shared>>
      tpu.enqueue_dma source(%arg5 : memref<632x32xf32, #tpu.memory_space<hbm>>) target(%dma_start3A_24 : memref<632x32xf32, #tpu.memory_space<vmem_shared>>) target_semaphore(%run_scoped3A : memref<!tpu.dma_semaphore, #tpu.memory_space<semaphore_mem>>)
      %dma_wait3A = arith.constant 0 : i32
      %dma_wait3A_25 = tpu.memref_slice %arg12[%mul3A_3, %dma_wait3A] : memref<10112x32xf32, #tpu.memory_space<vmem_shared>> -> memref<632x32xf32, #tpu.memory_space<vmem_shared>>
      tpu.wait_dma2 semaphore(%run_scoped3A : memref<!tpu.dma_semaphore, #tpu.memory_space<semaphore_mem>>) src(%arg5 : memref<632x32xf32, #tpu.memory_space<hbm>>) dst(%dma_wait3A_25 : memref<632x32xf32, #tpu.memory_space<vmem_shared>>)
      tpu.yield
    }) : () -> ()
    "tpu.region"() ({
      %run_scoped3A = tpu.sem_alloc : memref<!tpu.dma_semaphore, #tpu.memory_space<semaphore_mem>>
      %dma_start3A = arith.constant 0 : i32
      %dma_start3A_24 = arith.constant 0 : i32
      %dma_start3A_25 = tpu.memref_slice %arg3[%add3A, %dma_start3A, %dma_start3A_24] : memref<32x80x128xi32, #tpu.memory_space<hbm>> -> memref<1x80x128xi32, #tpu.memory_space<hbm>>
      %dma_start3A_26 = tpu.memref_squeeze %dma_start3A_25 : memref<1x80x128xi32, #tpu.memory_space<hbm>> -> memref<80x128xi32, #tpu.memory_space<hbm>>
      %dma_start3A_27 = arith.constant 0 : i32
      %dma_start3A_28 = arith.constant 0 : i32
      %dma_start3A_29 = tpu.memref_slice %arg3[%add3A, %dma_start3A_27, %dma_start3A_28] : memref<32x80x128xi32, #tpu.memory_space<hbm>> -> memref<1x80x128xi32, #tpu.memory_space<hbm>>
      %dma_start3A_30 = tpu.memref_squeeze %dma_start3A_29 : memref<1x80x128xi32, #tpu.memory_space<hbm>> -> memref<80x128xi32, #tpu.memory_space<hbm>>
      tpu.enqueue_dma source(%dma_start3A_30 : memref<80x128xi32, #tpu.memory_space<hbm>>) target(%arg7 : memref<80x128xi32, #tpu.memory_space<vmem>>) target_semaphore(%run_scoped3A : memref<!tpu.dma_semaphore, #tpu.memory_space<semaphore_mem>>)
      %dma_wait3A = arith.constant 0 : i32
      %dma_wait3A_31 = arith.constant 0 : i32
      %dma_wait3A_32 = tpu.memref_slice %arg3[%add3A, %dma_wait3A, %dma_wait3A_31] : memref<32x80x128xi32, #tpu.memory_space<hbm>> -> memref<1x80x128xi32, #tpu.memory_space<hbm>>
      %dma_wait3A_33 = tpu.memref_squeeze %dma_wait3A_32 : memref<1x80x128xi32, #tpu.memory_space<hbm>> -> memref<80x128xi32, #tpu.memory_space<hbm>>
      %dma_wait3A_34 = arith.constant 0 : i32
      %dma_wait3A_35 = arith.constant 0 : i32
      %dma_wait3A_36 = tpu.memref_slice %arg3[%add3A, %dma_wait3A_34, %dma_wait3A_35] : memref<32x80x128xi32, #tpu.memory_space<hbm>> -> memref<1x80x128xi32, #tpu.memory_space<hbm>>
      %dma_wait3A_37 = tpu.memref_squeeze %dma_wait3A_36 : memref<1x80x128xi32, #tpu.memory_space<hbm>> -> memref<80x128xi32, #tpu.memory_space<hbm>>
      tpu.wait_dma2 semaphore(%run_scoped3A : memref<!tpu.dma_semaphore, #tpu.memory_space<semaphore_mem>>) src(%dma_wait3A_37 : memref<80x128xi32, #tpu.memory_space<hbm>>) dst(%arg7 : memref<80x128xi32, #tpu.memory_space<vmem>>)
      tpu.yield
    }) : () -> ()
    "tpu.region"() ({
      %run_scoped3A = tpu.sem_alloc : memref<!tpu.dma_semaphore, #tpu.memory_space<semaphore_mem>>
      %dma_start3A = arith.constant 0 : i32
      %dma_start3A_24 = arith.constant 0 : i32
      %dma_start3A_25 = tpu.memref_slice %arg4[%add3A, %dma_start3A, %dma_start3A_24] : memref<32x80x128xi32, #tpu.memory_space<hbm>> -> memref<1x80x128xi32, #tpu.memory_space<hbm>>
      %dma_start3A_26 = tpu.memref_squeeze %dma_start3A_25 : memref<1x80x128xi32, #tpu.memory_space<hbm>> -> memref<80x128xi32, #tpu.memory_space<hbm>>
      %dma_start3A_27 = arith.constant 0 : i32
      %dma_start3A_28 = arith.constant 0 : i32
      %dma_start3A_29 = tpu.memref_slice %arg4[%add3A, %dma_start3A_27, %dma_start3A_28] : memref<32x80x128xi32, #tpu.memory_space<hbm>> -> memref<1x80x128xi32, #tpu.memory_space<hbm>>
      %dma_start3A_30 = tpu.memref_squeeze %dma_start3A_29 : memref<1x80x128xi32, #tpu.memory_space<hbm>> -> memref<80x128xi32, #tpu.memory_space<hbm>>
      tpu.enqueue_dma source(%dma_start3A_30 : memref<80x128xi32, #tpu.memory_space<hbm>>) target(%arg8 : memref<80x128xi32, #tpu.memory_space<vmem>>) target_semaphore(%run_scoped3A : memref<!tpu.dma_semaphore, #tpu.memory_space<semaphore_mem>>)
      %dma_wait3A = arith.constant 0 : i32
      %dma_wait3A_31 = arith.constant 0 : i32
      %dma_wait3A_32 = tpu.memref_slice %arg4[%add3A, %dma_wait3A, %dma_wait3A_31] : memref<32x80x128xi32, #tpu.memory_space<hbm>> -> memref<1x80x128xi32, #tpu.memory_space<hbm>>
      %dma_wait3A_33 = tpu.memref_squeeze %dma_wait3A_32 : memref<1x80x128xi32, #tpu.memory_space<hbm>> -> memref<80x128xi32, #tpu.memory_space<hbm>>
      %dma_wait3A_34 = arith.constant 0 : i32
      %dma_wait3A_35 = arith.constant 0 : i32
      %dma_wait3A_36 = tpu.memref_slice %arg4[%add3A, %dma_wait3A_34, %dma_wait3A_35] : memref<32x80x128xi32, #tpu.memory_space<hbm>> -> memref<1x80x128xi32, #tpu.memory_space<hbm>>
      %dma_wait3A_37 = tpu.memref_squeeze %dma_wait3A_36 : memref<1x80x128xi32, #tpu.memory_space<hbm>> -> memref<80x128xi32, #tpu.memory_space<hbm>>
      tpu.wait_dma2 semaphore(%run_scoped3A : memref<!tpu.dma_semaphore, #tpu.memory_space<semaphore_mem>>) src(%dma_wait3A_37 : memref<80x128xi32, #tpu.memory_space<hbm>>) dst(%arg8 : memref<80x128xi32, #tpu.memory_space<vmem>>)
      tpu.yield
    }) : () -> ()
    %barrier3A_4 = arith.constant 0 : index
    tpu.barrier barrier_id(%barrier3A_4)
    %delay3A_5 = arith.constant 2048 : i32
    tpu.delay %delay3A_5
    %barrier3A_6 = arith.constant 0 : index
    tpu.barrier barrier_id(%barrier3A_6)
    %scan3A = arith.constant 0 : i32
    %scan3A_7 = arith.constant 0 : i32
    %scan3A_8 = arith.constant 80 : i32
    %scan3A_9 = arith.addi %scan3A_7, %scan3A_8 : i32
    %scan3A_10 = arith.constant 1 : i32
    scf.for %scan3A_24 = %scan3A_7 to %scan3A_9 step %scan3A_10  : i32 {
      %dma_start3A = arith.constant 0 : i32
      %dma_start3A_25 = tpu.memref_slice %arg7[%scan3A_24, %dma_start3A] : memref<80x128xi32, #tpu.memory_space<vmem>> -> memref<1x128xi32, #tpu.memory_space<vmem>>
      %dma_start3A_26 = tpu.memref_squeeze %dma_start3A_25 : memref<1x128xi32, #tpu.memory_space<vmem>> -> memref<128xi32, #tpu.memory_space<vmem>>
      %dma_start3A_27 = arith.constant 0 : i32
      %dma_start3A_28 = arith.constant 0 : i32
      %dma_start3A_29 = tpu.memref_slice %arg2[%dma_start3A_27, %dma_start3A_28] : memref<10112x32xf32, #tpu.memory_space<hbm>> -> memref<10112x32xf32, #tpu.memory_space<hbm>>
      tpu.enqueue_indirect_dma source(%dma_start3A_29 : memref<10112x32xf32, #tpu.memory_space<hbm>>) target(%arg9 : memref<128x32xf32, #tpu.memory_space<vmem>>) offsets(%dma_start3A_26 : memref<128xi32, #tpu.memory_space<vmem>>) semaphore(%arg10 : memref<!tpu.dma_semaphore, #tpu.memory_space<semaphore_mem>>)
      %dma_wait3A = arith.constant 0 : i32
      %dma_wait3A_30 = tpu.memref_slice %arg7[%scan3A_24, %dma_wait3A] : memref<80x128xi32, #tpu.memory_space<vmem>> -> memref<1x128xi32, #tpu.memory_space<vmem>>
      %dma_wait3A_31 = tpu.memref_squeeze %dma_wait3A_30 : memref<1x128xi32, #tpu.memory_space<vmem>> -> memref<128xi32, #tpu.memory_space<vmem>>
      %dma_wait3A_32 = arith.constant 0 : i32
      %dma_wait3A_33 = arith.constant 0 : i32
      %dma_wait3A_34 = tpu.memref_slice %arg2[%dma_wait3A_32, %dma_wait3A_33] : memref<10112x32xf32, #tpu.memory_space<hbm>> -> memref<10112x32xf32, #tpu.memory_space<hbm>>
      tpu.wait_indirect_dma semaphore(%arg10 : memref<!tpu.dma_semaphore, #tpu.memory_space<semaphore_mem>>) src(%dma_wait3A_34 : memref<10112x32xf32, #tpu.memory_space<hbm>>) dst(%arg9 : memref<128x32xf32, #tpu.memory_space<vmem>>)
      "tpu.region"() ({
        %run_scoped3A = tpu.sem_alloc : memref<!tpu.dma_semaphore, #tpu.memory_space<semaphore_mem>>
        %dma_start3A_35 = arith.constant 0 : i32
        %dma_start3A_36 = tpu.memref_slice %arg8[%scan3A_24, %dma_start3A_35] : memref<80x128xi32, #tpu.memory_space<vmem>> -> memref<1x128xi32, #tpu.memory_space<vmem>>
        %dma_start3A_37 = tpu.memref_squeeze %dma_start3A_36 : memref<1x128xi32, #tpu.memory_space<vmem>> -> memref<128xi32, #tpu.memory_space<vmem>>
        %dma_start3A_38 = arith.constant 0 : i32
        %dma_start3A_39 = arith.constant 0 : i32
        %dma_start3A_40 = tpu.memref_slice %arg12[%dma_start3A_38, %dma_start3A_39] : memref<10112x32xf32, #tpu.memory_space<vmem_shared>> -> memref<10112x32xf32, #tpu.memory_space<vmem_shared>>
        tpu.enqueue_indirect_dma source(%arg9 : memref<128x32xf32, #tpu.memory_space<vmem>>) target(%dma_start3A_40 : memref<10112x32xf32, #tpu.memory_space<vmem_shared>>) offsets(%dma_start3A_37 : memref<128xi32, #tpu.memory_space<vmem>>) semaphore(%run_scoped3A : memref<!tpu.dma_semaphore, #tpu.memory_space<semaphore_mem>>) {add = true}
        %dma_wait3A_41 = arith.constant 0 : i32
        %dma_wait3A_42 = tpu.memref_slice %arg8[%scan3A_24, %dma_wait3A_41] : memref<80x128xi32, #tpu.memory_space<vmem>> -> memref<1x128xi32, #tpu.memory_space<vmem>>
        %dma_wait3A_43 = tpu.memref_squeeze %dma_wait3A_42 : memref<1x128xi32, #tpu.memory_space<vmem>> -> memref<128xi32, #tpu.memory_space<vmem>>
        %dma_wait3A_44 = arith.constant 0 : i32
        %dma_wait3A_45 = arith.constant 0 : i32
        %dma_wait3A_46 = tpu.memref_slice %arg12[%dma_wait3A_44, %dma_wait3A_45] : memref<10112x32xf32, #tpu.memory_space<vmem_shared>> -> memref<10112x32xf32, #tpu.memory_space<vmem_shared>>
        tpu.wait_indirect_dma semaphore(%run_scoped3A : memref<!tpu.dma_semaphore, #tpu.memory_space<semaphore_mem>>) src(%arg9 : memref<128x32xf32, #tpu.memory_space<vmem>>) dst(%dma_wait3A_46 : memref<10112x32xf32, #tpu.memory_space<vmem_shared>>)
        tpu.yield
      }) : () -> ()
    }
    %scan3A_11 = arith.constant 80 : i32
    %barrier3A_12 = arith.constant 0 : index
    tpu.barrier barrier_id(%barrier3A_12)
    %delay3A_13 = arith.constant 2048 : i32
    tpu.delay %delay3A_13
    %barrier3A_14 = arith.constant 0 : index
    tpu.barrier barrier_id(%barrier3A_14)
    %mul3A_15 = arith.constant 632 : i32
    %mul3A_16 = arith.muli %arg1, %mul3A_15 : i32
    "tpu.region"() ({
      %run_scoped3A = tpu.sem_alloc : memref<!tpu.dma_semaphore, #tpu.memory_space<semaphore_mem>>
      %dma_start3A = arith.constant 0 : i32
      %dma_start3A_24 = tpu.memref_slice %arg12[%mul3A_16, %dma_start3A] : memref<10112x32xf32, #tpu.memory_space<vmem_shared>> -> memref<632x32xf32, #tpu.memory_space<vmem_shared>>
      %dma_start3A_25 = arith.constant 0 : i32
      %dma_start3A_26 = tpu.memref_slice %arg12[%mul3A_16, %dma_start3A_25] : memref<10112x32xf32, #tpu.memory_space<vmem_shared>> -> memref<632x32xf32, #tpu.memory_space<vmem_shared>>
      tpu.enqueue_dma source(%dma_start3A_26 : memref<632x32xf32, #tpu.memory_space<vmem_shared>>) target(%arg11 : memref<632x32xf32, #tpu.memory_space<vmem>>) target_semaphore(%run_scoped3A : memref<!tpu.dma_semaphore, #tpu.memory_space<semaphore_mem>>)
      %dma_wait3A = arith.constant 0 : i32
      %dma_wait3A_27 = tpu.memref_slice %arg12[%mul3A_16, %dma_wait3A] : memref<10112x32xf32, #tpu.memory_space<vmem_shared>> -> memref<632x32xf32, #tpu.memory_space<vmem_shared>>
      %dma_wait3A_28 = arith.constant 0 : i32
      %dma_wait3A_29 = tpu.memref_slice %arg12[%mul3A_16, %dma_wait3A_28] : memref<10112x32xf32, #tpu.memory_space<vmem_shared>> -> memref<632x32xf32, #tpu.memory_space<vmem_shared>>
      tpu.wait_dma2 semaphore(%run_scoped3A : memref<!tpu.dma_semaphore, #tpu.memory_space<semaphore_mem>>) src(%dma_wait3A_29 : memref<632x32xf32, #tpu.memory_space<vmem_shared>>) dst(%arg11 : memref<632x32xf32, #tpu.memory_space<vmem>>)
      tpu.yield
    }) : () -> ()
    %mul3A_17 = arith.constant 632 : i32
    %mul3A_18 = arith.muli %arg1, %mul3A_17 : i32
    "tpu.region"() ({
      %run_scoped3A = tpu.sem_alloc : memref<!tpu.dma_semaphore, #tpu.memory_space<semaphore_mem>>
      %dma_start3A = arith.constant 0 : i32
      %dma_start3A_24 = arith.constant 0 : i32
      %dma_start3A_25 = tpu.memref_slice %arg6[%arg0, %dma_start3A, %dma_start3A_24] : memref<2x10112x32xf32, #tpu.memory_space<hbm>> -> memref<1x10112x32xf32, #tpu.memory_space<hbm>>
      %dma_start3A_26 = tpu.memref_squeeze %dma_start3A_25 : memref<1x10112x32xf32, #tpu.memory_space<hbm>> -> memref<10112x32xf32, #tpu.memory_space<hbm>>
      %dma_start3A_27 = arith.constant 0 : i32
      %dma_start3A_28 = tpu.memref_slice %dma_start3A_26[%mul3A_18, %dma_start3A_27] : memref<10112x32xf32, #tpu.memory_space<hbm>> -> memref<632x32xf32, #tpu.memory_space<hbm>>
      %dma_start3A_29 = arith.constant 0 : i32
      %dma_start3A_30 = arith.constant 0 : i32
      %dma_start3A_31 = tpu.memref_slice %arg6[%arg0, %dma_start3A_29, %dma_start3A_30] : memref<2x10112x32xf32, #tpu.memory_space<hbm>> -> memref<1x10112x32xf32, #tpu.memory_space<hbm>>
      %dma_start3A_32 = tpu.memref_squeeze %dma_start3A_31 : memref<1x10112x32xf32, #tpu.memory_space<hbm>> -> memref<10112x32xf32, #tpu.memory_space<hbm>>
      %dma_start3A_33 = arith.constant 0 : i32
      %dma_start3A_34 = tpu.memref_slice %dma_start3A_32[%mul3A_18, %dma_start3A_33] : memref<10112x32xf32, #tpu.memory_space<hbm>> -> memref<632x32xf32, #tpu.memory_space<hbm>>
      tpu.enqueue_dma source(%arg11 : memref<632x32xf32, #tpu.memory_space<vmem>>) target(%dma_start3A_34 : memref<632x32xf32, #tpu.memory_space<hbm>>) target_semaphore(%run_scoped3A : memref<!tpu.dma_semaphore, #tpu.memory_space<semaphore_mem>>)
      %dma_wait3A = arith.constant 0 : i32
      %dma_wait3A_35 = arith.constant 0 : i32
      %dma_wait3A_36 = tpu.memref_slice %arg6[%arg0, %dma_wait3A, %dma_wait3A_35] : memref<2x10112x32xf32, #tpu.memory_space<hbm>> -> memref<1x10112x32xf32, #tpu.memory_space<hbm>>
      %dma_wait3A_37 = tpu.memref_squeeze %dma_wait3A_36 : memref<1x10112x32xf32, #tpu.memory_space<hbm>> -> memref<10112x32xf32, #tpu.memory_space<hbm>>
      %dma_wait3A_38 = arith.constant 0 : i32
      %dma_wait3A_39 = tpu.memref_slice %dma_wait3A_37[%mul3A_18, %dma_wait3A_38] : memref<10112x32xf32, #tpu.memory_space<hbm>> -> memref<632x32xf32, #tpu.memory_space<hbm>>
      %dma_wait3A_40 = arith.constant 0 : i32
      %dma_wait3A_41 = arith.constant 0 : i32
      %dma_wait3A_42 = tpu.memref_slice %arg6[%arg0, %dma_wait3A_40, %dma_wait3A_41] : memref<2x10112x32xf32, #tpu.memory_space<hbm>> -> memref<1x10112x32xf32, #tpu.memory_space<hbm>>
      %dma_wait3A_43 = tpu.memref_squeeze %dma_wait3A_42 : memref<1x10112x32xf32, #tpu.memory_space<hbm>> -> memref<10112x32xf32, #tpu.memory_space<hbm>>
      %dma_wait3A_44 = arith.constant 0 : i32
      %dma_wait3A_45 = tpu.memref_slice %dma_wait3A_43[%mul3A_18, %dma_wait3A_44] : memref<10112x32xf32, #tpu.memory_space<hbm>> -> memref<632x32xf32, #tpu.memory_space<hbm>>
      tpu.wait_dma2 semaphore(%run_scoped3A : memref<!tpu.dma_semaphore, #tpu.memory_space<semaphore_mem>>) src(%arg11 : memref<632x32xf32, #tpu.memory_space<vmem>>) dst(%dma_wait3A_45 : memref<632x32xf32, #tpu.memory_space<hbm>>)
      tpu.yield
    }) : () -> ()
    %mul3A_19 = arith.constant 632 : i32
    %mul3A_20 = arith.muli %arg1, %mul3A_19 : i32
    "tpu.region"() ({
      %run_scoped3A = tpu.sem_alloc : memref<!tpu.dma_semaphore, #tpu.memory_space<semaphore_mem>>
      %dma_start3A = arith.constant 0 : i32
      %dma_start3A_24 = arith.constant 0 : i32
      %dma_start3A_25 = tpu.memref_slice %arg6[%arg0, %dma_start3A, %dma_start3A_24] : memref<2x10112x32xf32, #tpu.memory_space<hbm>> -> memref<1x10112x32xf32, #tpu.memory_space<hbm>>
      %dma_start3A_26 = tpu.memref_squeeze %dma_start3A_25 : memref<1x10112x32xf32, #tpu.memory_space<hbm>> -> memref<10112x32xf32, #tpu.memory_space<hbm>>
      %dma_start3A_27 = arith.constant 0 : i32
      %dma_start3A_28 = tpu.memref_slice %dma_start3A_26[%mul3A_20, %dma_start3A_27] : memref<10112x32xf32, #tpu.memory_space<hbm>> -> memref<632x32xf32, #tpu.memory_space<hbm>>
      %dma_start3A_29 = arith.constant 0 : i32
      %dma_start3A_30 = arith.constant 0 : i32
      %dma_start3A_31 = tpu.memref_slice %arg6[%arg0, %dma_start3A_29, %dma_start3A_30] : memref<2x10112x32xf32, #tpu.memory_space<hbm>> -> memref<1x10112x32xf32, #tpu.memory_space<hbm>>
      %dma_start3A_32 = tpu.memref_squeeze %dma_start3A_31 : memref<1x10112x32xf32, #tpu.memory_space<hbm>> -> memref<10112x32xf32, #tpu.memory_space<hbm>>
      %dma_start3A_33 = arith.constant 0 : i32
      %dma_start3A_34 = tpu.memref_slice %dma_start3A_32[%mul3A_20, %dma_start3A_33] : memref<10112x32xf32, #tpu.memory_space<hbm>> -> memref<632x32xf32, #tpu.memory_space<hbm>>
      tpu.enqueue_dma source(%dma_start3A_34 : memref<632x32xf32, #tpu.memory_space<hbm>>) target(%arg11 : memref<632x32xf32, #tpu.memory_space<vmem>>) target_semaphore(%run_scoped3A : memref<!tpu.dma_semaphore, #tpu.memory_space<semaphore_mem>>)
      %dma_wait3A = arith.constant 0 : i32
      %dma_wait3A_35 = arith.constant 0 : i32
      %dma_wait3A_36 = tpu.memref_slice %arg6[%arg0, %dma_wait3A, %dma_wait3A_35] : memref<2x10112x32xf32, #tpu.memory_space<hbm>> -> memref<1x10112x32xf32, #tpu.memory_space<hbm>>
      %dma_wait3A_37 = tpu.memref_squeeze %dma_wait3A_36 : memref<1x10112x32xf32, #tpu.memory_space<hbm>> -> memref<10112x32xf32, #tpu.memory_space<hbm>>
      %dma_wait3A_38 = arith.constant 0 : i32
      %dma_wait3A_39 = tpu.memref_slice %dma_wait3A_37[%mul3A_20, %dma_wait3A_38] : memref<10112x32xf32, #tpu.memory_space<hbm>> -> memref<632x32xf32, #tpu.memory_space<hbm>>
      %dma_wait3A_40 = arith.constant 0 : i32
      %dma_wait3A_41 = arith.constant 0 : i32
      %dma_wait3A_42 = tpu.memref_slice %arg6[%arg0, %dma_wait3A_40, %dma_wait3A_41] : memref<2x10112x32xf32, #tpu.memory_space<hbm>> -> memref<1x10112x32xf32, #tpu.memory_space<hbm>>
      %dma_wait3A_43 = tpu.memref_squeeze %dma_wait3A_42 : memref<1x10112x32xf32, #tpu.memory_space<hbm>> -> memref<10112x32xf32, #tpu.memory_space<hbm>>
      %dma_wait3A_44 = arith.constant 0 : i32
      %dma_wait3A_45 = tpu.memref_slice %dma_wait3A_43[%mul3A_20, %dma_wait3A_44] : memref<10112x32xf32, #tpu.memory_space<hbm>> -> memref<632x32xf32, #tpu.memory_space<hbm>>
      tpu.wait_dma2 semaphore(%run_scoped3A : memref<!tpu.dma_semaphore, #tpu.memory_space<semaphore_mem>>) src(%dma_wait3A_45 : memref<632x32xf32, #tpu.memory_space<hbm>>) dst(%arg11 : memref<632x32xf32, #tpu.memory_space<vmem>>)
      tpu.yield
    }) : () -> ()
    %barrier3A_21 = arith.constant 0 : index
    tpu.barrier barrier_id(%barrier3A_21)
    %delay3A_22 = arith.constant 16384 : i32
    tpu.delay %delay3A_22
    %barrier3A_23 = arith.constant 0 : index
    tpu.barrier barrier_id(%barrier3A_23)
    return
  }
}

#map = affine_map<(d0, d1) -> (0, 0)>
#map1 = affine_map<(d0, d1) -> (0, 0, 0)>
module attributes {stable_mosaic.version = 14 : i64} {
  func.func @_pool_gather_body(%arg0: i32, %arg1: i32, %arg2: memref<10112x104xf32, #tpu.memory_space<hbm>>, %arg3: memref<32x1x64xi32, #tpu.memory_space<hbm>>, %arg4: memref<2048x104xf32, #tpu.memory_space<hbm>>, %arg5: memref<1x64xi32, #tpu.memory_space<vmem>>, %arg6: memref<64x104xf32, #tpu.memory_space<vmem>>, %arg7: memref<!tpu.dma_semaphore, #tpu.memory_space<semaphore_mem>>) attributes {dimension_semantics = [#tpu.dimension_semantics<core_parallel>, #tpu.dimension_semantics<subcore_parallel>], iteration_bounds = array<i64: 2, 16>, scalar_prefetch = 0 : i64, scratch_operands = 3 : i64, tpu.core_type = #tpu.core_type<sc_vector_subcore>, window_params = [{transform_indices = #map}, {transform_indices = #map1}, {transform_indices = #map}]} {
    %mul3A = arith.constant 2 : i32
    %mul3A_0 = arith.muli %arg1, %mul3A : i32
    %add3A = arith.addi %mul3A_0, %arg0 : i32
    %barrier3A = arith.constant 0 : index
    tpu.barrier barrier_id(%barrier3A)
    %delay3A = arith.constant 8192 : i32
    tpu.delay %delay3A
    %barrier3A_1 = arith.constant 0 : index
    tpu.barrier barrier_id(%barrier3A_1)
    "tpu.region"() ({
      %run_scoped3A = tpu.sem_alloc : memref<!tpu.dma_semaphore, #tpu.memory_space<semaphore_mem>>
      %dma_start3A_21 = arith.constant 0 : i32
      %dma_start3A_22 = arith.constant 0 : i32
      %dma_start3A_23 = tpu.memref_slice %arg3[%add3A, %dma_start3A_21, %dma_start3A_22] : memref<32x1x64xi32, #tpu.memory_space<hbm>> -> memref<1x1x64xi32, #tpu.memory_space<hbm>>
      %dma_start3A_24 = tpu.memref_squeeze %dma_start3A_23 : memref<1x1x64xi32, #tpu.memory_space<hbm>> -> memref<1x64xi32, #tpu.memory_space<hbm>>
      %dma_start3A_25 = arith.constant 0 : i32
      %dma_start3A_26 = arith.constant 0 : i32
      %dma_start3A_27 = tpu.memref_slice %arg3[%add3A, %dma_start3A_25, %dma_start3A_26] : memref<32x1x64xi32, #tpu.memory_space<hbm>> -> memref<1x1x64xi32, #tpu.memory_space<hbm>>
      %dma_start3A_28 = tpu.memref_squeeze %dma_start3A_27 : memref<1x1x64xi32, #tpu.memory_space<hbm>> -> memref<1x64xi32, #tpu.memory_space<hbm>>
      tpu.enqueue_dma source(%dma_start3A_28 : memref<1x64xi32, #tpu.memory_space<hbm>>) target(%arg5 : memref<1x64xi32, #tpu.memory_space<vmem>>) target_semaphore(%run_scoped3A : memref<!tpu.dma_semaphore, #tpu.memory_space<semaphore_mem>>)
      %dma_wait3A_29 = arith.constant 0 : i32
      %dma_wait3A_30 = arith.constant 0 : i32
      %dma_wait3A_31 = tpu.memref_slice %arg3[%add3A, %dma_wait3A_29, %dma_wait3A_30] : memref<32x1x64xi32, #tpu.memory_space<hbm>> -> memref<1x1x64xi32, #tpu.memory_space<hbm>>
      %dma_wait3A_32 = tpu.memref_squeeze %dma_wait3A_31 : memref<1x1x64xi32, #tpu.memory_space<hbm>> -> memref<1x64xi32, #tpu.memory_space<hbm>>
      %dma_wait3A_33 = arith.constant 0 : i32
      %dma_wait3A_34 = arith.constant 0 : i32
      %dma_wait3A_35 = tpu.memref_slice %arg3[%add3A, %dma_wait3A_33, %dma_wait3A_34] : memref<32x1x64xi32, #tpu.memory_space<hbm>> -> memref<1x1x64xi32, #tpu.memory_space<hbm>>
      %dma_wait3A_36 = tpu.memref_squeeze %dma_wait3A_35 : memref<1x1x64xi32, #tpu.memory_space<hbm>> -> memref<1x64xi32, #tpu.memory_space<hbm>>
      tpu.wait_dma2 semaphore(%run_scoped3A : memref<!tpu.dma_semaphore, #tpu.memory_space<semaphore_mem>>) src(%dma_wait3A_36 : memref<1x64xi32, #tpu.memory_space<hbm>>) dst(%arg5 : memref<1x64xi32, #tpu.memory_space<vmem>>)
      tpu.yield
    }) : () -> ()
    %dma_start3A = arith.constant 0 : i32
    %dma_start3A_2 = arith.constant 0 : i32
    %dma_start3A_3 = tpu.memref_slice %arg5[%dma_start3A, %dma_start3A_2] : memref<1x64xi32, #tpu.memory_space<vmem>> -> memref<1x64xi32, #tpu.memory_space<vmem>>
    %dma_start3A_4 = tpu.memref_squeeze %dma_start3A_3 : memref<1x64xi32, #tpu.memory_space<vmem>> -> memref<64xi32, #tpu.memory_space<vmem>>
    %dma_start3A_5 = arith.constant 0 : i32
    %dma_start3A_6 = arith.constant 0 : i32
    %dma_start3A_7 = tpu.memref_slice %arg2[%dma_start3A_5, %dma_start3A_6] : memref<10112x104xf32, #tpu.memory_space<hbm>> -> memref<10112x104xf32, #tpu.memory_space<hbm>>
    tpu.enqueue_indirect_dma source(%dma_start3A_7 : memref<10112x104xf32, #tpu.memory_space<hbm>>) target(%arg6 : memref<64x104xf32, #tpu.memory_space<vmem>>) offsets(%dma_start3A_4 : memref<64xi32, #tpu.memory_space<vmem>>) semaphore(%arg7 : memref<!tpu.dma_semaphore, #tpu.memory_space<semaphore_mem>>)
    %dma_wait3A = arith.constant 0 : i32
    %dma_wait3A_8 = arith.constant 0 : i32
    %dma_wait3A_9 = tpu.memref_slice %arg5[%dma_wait3A, %dma_wait3A_8] : memref<1x64xi32, #tpu.memory_space<vmem>> -> memref<1x64xi32, #tpu.memory_space<vmem>>
    %dma_wait3A_10 = tpu.memref_squeeze %dma_wait3A_9 : memref<1x64xi32, #tpu.memory_space<vmem>> -> memref<64xi32, #tpu.memory_space<vmem>>
    %dma_wait3A_11 = arith.constant 0 : i32
    %dma_wait3A_12 = arith.constant 0 : i32
    %dma_wait3A_13 = tpu.memref_slice %arg2[%dma_wait3A_11, %dma_wait3A_12] : memref<10112x104xf32, #tpu.memory_space<hbm>> -> memref<10112x104xf32, #tpu.memory_space<hbm>>
    tpu.wait_indirect_dma semaphore(%arg7 : memref<!tpu.dma_semaphore, #tpu.memory_space<semaphore_mem>>) src(%dma_wait3A_13 : memref<10112x104xf32, #tpu.memory_space<hbm>>) dst(%arg6 : memref<64x104xf32, #tpu.memory_space<vmem>>)
    %mul3A_14 = arith.constant 64 : i32
    %mul3A_15 = arith.muli %add3A, %mul3A_14 : i32
    "tpu.region"() ({
      %run_scoped3A = tpu.sem_alloc : memref<!tpu.dma_semaphore, #tpu.memory_space<semaphore_mem>>
      %dma_start3A_21 = arith.constant 0 : i32
      %dma_start3A_22 = tpu.memref_slice %arg4[%mul3A_15, %dma_start3A_21] : memref<2048x104xf32, #tpu.memory_space<hbm>> -> memref<64x104xf32, #tpu.memory_space<hbm>>
      %dma_start3A_23 = arith.constant 0 : i32
      %dma_start3A_24 = tpu.memref_slice %arg4[%mul3A_15, %dma_start3A_23] : memref<2048x104xf32, #tpu.memory_space<hbm>> -> memref<64x104xf32, #tpu.memory_space<hbm>>
      tpu.enqueue_dma source(%arg6 : memref<64x104xf32, #tpu.memory_space<vmem>>) target(%dma_start3A_24 : memref<64x104xf32, #tpu.memory_space<hbm>>) target_semaphore(%run_scoped3A : memref<!tpu.dma_semaphore, #tpu.memory_space<semaphore_mem>>)
      %dma_wait3A_25 = arith.constant 0 : i32
      %dma_wait3A_26 = tpu.memref_slice %arg4[%mul3A_15, %dma_wait3A_25] : memref<2048x104xf32, #tpu.memory_space<hbm>> -> memref<64x104xf32, #tpu.memory_space<hbm>>
      %dma_wait3A_27 = arith.constant 0 : i32
      %dma_wait3A_28 = tpu.memref_slice %arg4[%mul3A_15, %dma_wait3A_27] : memref<2048x104xf32, #tpu.memory_space<hbm>> -> memref<64x104xf32, #tpu.memory_space<hbm>>
      tpu.wait_dma2 semaphore(%run_scoped3A : memref<!tpu.dma_semaphore, #tpu.memory_space<semaphore_mem>>) src(%arg6 : memref<64x104xf32, #tpu.memory_space<vmem>>) dst(%dma_wait3A_28 : memref<64x104xf32, #tpu.memory_space<hbm>>)
      tpu.yield
    }) : () -> ()
    %mul3A_16 = arith.constant 64 : i32
    %mul3A_17 = arith.muli %add3A, %mul3A_16 : i32
    "tpu.region"() ({
      %run_scoped3A = tpu.sem_alloc : memref<!tpu.dma_semaphore, #tpu.memory_space<semaphore_mem>>
      %dma_start3A_21 = arith.constant 0 : i32
      %dma_start3A_22 = tpu.memref_slice %arg4[%mul3A_17, %dma_start3A_21] : memref<2048x104xf32, #tpu.memory_space<hbm>> -> memref<64x104xf32, #tpu.memory_space<hbm>>
      %dma_start3A_23 = arith.constant 0 : i32
      %dma_start3A_24 = tpu.memref_slice %arg4[%mul3A_17, %dma_start3A_23] : memref<2048x104xf32, #tpu.memory_space<hbm>> -> memref<64x104xf32, #tpu.memory_space<hbm>>
      tpu.enqueue_dma source(%dma_start3A_24 : memref<64x104xf32, #tpu.memory_space<hbm>>) target(%arg6 : memref<64x104xf32, #tpu.memory_space<vmem>>) target_semaphore(%run_scoped3A : memref<!tpu.dma_semaphore, #tpu.memory_space<semaphore_mem>>)
      %dma_wait3A_25 = arith.constant 0 : i32
      %dma_wait3A_26 = tpu.memref_slice %arg4[%mul3A_17, %dma_wait3A_25] : memref<2048x104xf32, #tpu.memory_space<hbm>> -> memref<64x104xf32, #tpu.memory_space<hbm>>
      %dma_wait3A_27 = arith.constant 0 : i32
      %dma_wait3A_28 = tpu.memref_slice %arg4[%mul3A_17, %dma_wait3A_27] : memref<2048x104xf32, #tpu.memory_space<hbm>> -> memref<64x104xf32, #tpu.memory_space<hbm>>
      tpu.wait_dma2 semaphore(%run_scoped3A : memref<!tpu.dma_semaphore, #tpu.memory_space<semaphore_mem>>) src(%dma_wait3A_28 : memref<64x104xf32, #tpu.memory_space<hbm>>) dst(%arg6 : memref<64x104xf32, #tpu.memory_space<vmem>>)
      tpu.yield
    }) : () -> ()
    %barrier3A_18 = arith.constant 0 : index
    tpu.barrier barrier_id(%barrier3A_18)
    %delay3A_19 = arith.constant 16384 : i32
    tpu.delay %delay3A_19
    %barrier3A_20 = arith.constant 0 : index
    tpu.barrier barrier_id(%barrier3A_20)
    return
  }
}

module attributes {stable_mosaic.version = 14 : i64} {
  func.func @_deg_body(%arg0: memref<2x10112x8xf32, #tpu.memory_space<vmem>>, %arg1: memref<10112x1xf32, #tpu.memory_space<vmem>>) attributes {dimension_semantics = [], scalar_prefetch = 0 : i64, scratch_operands = 0 : i64, tpu.core_type = #tpu.core_type<tc>} {
    %get3A = arith.constant 0 : index
    %get3A_0 = arith.constant 0 : index
    %get3A_1 = arith.constant 0 : index
    %get3A_2 = vector.load %arg0[%get3A, %get3A_0, %get3A_1] : memref<2x10112x8xf32, #tpu.memory_space<vmem>>, vector<1x10112x8xf32>
    %get3A_3 = vector.shape_cast %get3A_2 : vector<1x10112x8xf32> to vector<10112x8xf32>
    %get3A_4 = arith.constant 1 : index
    %get3A_5 = arith.constant 0 : index
    %get3A_6 = arith.constant 0 : index
    %get3A_7 = vector.load %arg0[%get3A_4, %get3A_5, %get3A_6] : memref<2x10112x8xf32, #tpu.memory_space<vmem>>, vector<1x10112x8xf32>
    %get3A_8 = vector.shape_cast %get3A_7 : vector<1x10112x8xf32> to vector<10112x8xf32>
    %add3A = arith.addf %get3A_3, %get3A_8 : vector<10112x8xf32>
    %slice3A = vector.extract_strided_slice %add3A {offsets = [0, 0], sizes = [10112, 1], strides = [1, 1]} : vector<10112x8xf32> to vector<10112x1xf32>
    %add3A_9 = arith.constant 1.000000e+00 : f32
    %add3A_10 = vector.broadcast %add3A_9 : f32 to vector<10112x1xf32>
    %add3A_11 = arith.addf %slice3A, %add3A_10 : vector<10112x1xf32>
    %swap3A = arith.constant 0 : index
    %swap3A_12 = arith.constant 0 : index
    %swap3A_13 = vector.load %arg1[%swap3A, %swap3A_12] : memref<10112x1xf32, #tpu.memory_space<vmem>>, vector<10112x1xf32>
    tpu.vector_store %arg1[%swap3A, %swap3A_12], %add3A_11 {strides = array<i32>} : memref<10112x1xf32, #tpu.memory_space<vmem>>, vector<10112x1xf32>,
    return
  }
}

module attributes {stable_mosaic.version = 14 : i64} {
  func.func @_layer1_body(%arg0: memref<10112x128xf32, #tpu.memory_space<vmem>>, %arg1: memref<10112x128xf32, #tpu.memory_space<vmem>>, %arg2: memref<128x32xf32, #tpu.memory_space<vmem>>, %arg3: memref<10112x32xf32, #tpu.memory_space<vmem>>) attributes {dimension_semantics = [], scalar_prefetch = 0 : i64, scratch_operands = 0 : i64, tpu.core_type = #tpu.core_type<tc>} {
    %get3A = arith.constant 0 : index
    %get3A_0 = arith.constant 0 : index
    %get3A_1 = vector.load %arg0[%get3A, %get3A_0] : memref<10112x128xf32, #tpu.memory_space<vmem>>, vector<10112x128xf32>
    %get3A_2 = arith.constant 0 : index
    %get3A_3 = arith.constant 0 : index
    %get3A_4 = vector.load %arg1[%get3A_2, %get3A_3] : memref<10112x128xf32, #tpu.memory_space<vmem>>, vector<10112x128xf32>
    %add3A = arith.addf %get3A_1, %get3A_4 : vector<10112x128xf32>
    %get3A_5 = arith.constant 0 : index
    %get3A_6 = arith.constant 0 : index
    %get3A_7 = vector.load %arg2[%get3A_5, %get3A_6] : memref<128x32xf32, #tpu.memory_space<vmem>>, vector<128x32xf32>
    %dot_general3A = arith.constant dense<0.000000e+00> : vector<10112x32xf32>
    %dot_general3A_8 = tpu.matmul %add3A, %get3A_7, %dot_general3A {dimension_numbers = #tpu.dot_dimension_numbers<[1], [0], [0], [1], [0, 0, 1, 1], [], []>, transpose_lhs_hint = false} : vector<10112x128xf32>, vector<128x32xf32>, vector<10112x32xf32> -> vector<10112x32xf32>
    %swap3A = arith.constant 0 : index
    %swap3A_9 = arith.constant 0 : index
    %swap3A_10 = vector.load %arg3[%swap3A, %swap3A_9] : memref<10112x32xf32, #tpu.memory_space<vmem>>, vector<10112x32xf32>
    tpu.vector_store %arg3[%swap3A, %swap3A_9], %dot_general3A_8 {strides = array<i32>} : memref<10112x32xf32, #tpu.memory_space<vmem>>, vector<10112x32xf32>,
    return
  }
}

module attributes {stable_mosaic.version = 14 : i64} {
  func.func @_layer_body(%arg0: memref<2x10112x32xf32, #tpu.memory_space<vmem>>, %arg1: memref<10112x32xf32, #tpu.memory_space<vmem>>, %arg2: memref<32x32xf32, #tpu.memory_space<vmem>>, %arg3: memref<10112x32xf32, #tpu.memory_space<vmem>>) attributes {dimension_semantics = [], scalar_prefetch = 0 : i64, scratch_operands = 0 : i64, tpu.core_type = #tpu.core_type<tc>} {
    %get3A = arith.constant 0 : index
    %get3A_0 = arith.constant 0 : index
    %get3A_1 = arith.constant 0 : index
    %get3A_2 = vector.load %arg0[%get3A, %get3A_0, %get3A_1] : memref<2x10112x32xf32, #tpu.memory_space<vmem>>, vector<1x10112x32xf32>
    %get3A_3 = vector.shape_cast %get3A_2 : vector<1x10112x32xf32> to vector<10112x32xf32>
    %get3A_4 = arith.constant 1 : index
    %get3A_5 = arith.constant 0 : index
    %get3A_6 = arith.constant 0 : index
    %get3A_7 = vector.load %arg0[%get3A_4, %get3A_5, %get3A_6] : memref<2x10112x32xf32, #tpu.memory_space<vmem>>, vector<1x10112x32xf32>
    %get3A_8 = vector.shape_cast %get3A_7 : vector<1x10112x32xf32> to vector<10112x32xf32>
    %add3A = arith.addf %get3A_3, %get3A_8 : vector<10112x32xf32>
    %get3A_9 = arith.constant 0 : index
    %get3A_10 = arith.constant 0 : index
    %get3A_11 = vector.load %arg1[%get3A_9, %get3A_10] : memref<10112x32xf32, #tpu.memory_space<vmem>>, vector<10112x32xf32>
    %add3A_12 = arith.addf %add3A, %get3A_11 : vector<10112x32xf32>
    %get3A_13 = arith.constant 0 : index
    %get3A_14 = arith.constant 0 : index
    %get3A_15 = vector.load %arg2[%get3A_13, %get3A_14] : memref<32x32xf32, #tpu.memory_space<vmem>>, vector<32x32xf32>
    %dot_general3A = arith.constant dense<0.000000e+00> : vector<10112x32xf32>
    %dot_general3A_16 = tpu.matmul %add3A_12, %get3A_15, %dot_general3A {dimension_numbers = #tpu.dot_dimension_numbers<[1], [0], [0], [1], [0, 0, 1, 1], [], []>, transpose_lhs_hint = false} : vector<10112x32xf32>, vector<32x32xf32>, vector<10112x32xf32> -> vector<10112x32xf32>
    %swap3A = arith.constant 0 : index
    %swap3A_17 = arith.constant 0 : index
    %swap3A_18 = vector.load %arg3[%swap3A, %swap3A_17] : memref<10112x32xf32, #tpu.memory_space<vmem>>, vector<10112x32xf32>
    tpu.vector_store %arg3[%swap3A, %swap3A_17], %dot_general3A_16 {strides = array<i32>} : memref<10112x32xf32, #tpu.memory_space<vmem>>, vector<10112x32xf32>,
    return
  }
}

module attributes {stable_mosaic.version = 14 : i64} {
  func.func @_layer_body(%arg0: memref<2x10112x32xf32, #tpu.memory_space<vmem>>, %arg1: memref<10112x32xf32, #tpu.memory_space<vmem>>, %arg2: memref<32x1xf32, #tpu.memory_space<vmem>>, %arg3: memref<10112x1xf32, #tpu.memory_space<vmem>>) attributes {dimension_semantics = [], scalar_prefetch = 0 : i64, scratch_operands = 0 : i64, tpu.core_type = #tpu.core_type<tc>} {
    %get3A = arith.constant 0 : index
    %get3A_0 = arith.constant 0 : index
    %get3A_1 = arith.constant 0 : index
    %get3A_2 = vector.load %arg0[%get3A, %get3A_0, %get3A_1] : memref<2x10112x32xf32, #tpu.memory_space<vmem>>, vector<1x10112x32xf32>
    %get3A_3 = vector.shape_cast %get3A_2 : vector<1x10112x32xf32> to vector<10112x32xf32>
    %get3A_4 = arith.constant 1 : index
    %get3A_5 = arith.constant 0 : index
    %get3A_6 = arith.constant 0 : index
    %get3A_7 = vector.load %arg0[%get3A_4, %get3A_5, %get3A_6] : memref<2x10112x32xf32, #tpu.memory_space<vmem>>, vector<1x10112x32xf32>
    %get3A_8 = vector.shape_cast %get3A_7 : vector<1x10112x32xf32> to vector<10112x32xf32>
    %add3A = arith.addf %get3A_3, %get3A_8 : vector<10112x32xf32>
    %get3A_9 = arith.constant 0 : index
    %get3A_10 = arith.constant 0 : index
    %get3A_11 = vector.load %arg1[%get3A_9, %get3A_10] : memref<10112x32xf32, #tpu.memory_space<vmem>>, vector<10112x32xf32>
    %add3A_12 = arith.addf %add3A, %get3A_11 : vector<10112x32xf32>
    %get3A_13 = arith.constant 0 : index
    %get3A_14 = arith.constant 0 : index
    %get3A_15 = vector.load %arg2[%get3A_13, %get3A_14] : memref<32x1xf32, #tpu.memory_space<vmem>>, vector<32x1xf32>
    %dot_general3A = arith.constant dense<0.000000e+00> : vector<10112x1xf32>
    %dot_general3A_16 = tpu.matmul %add3A_12, %get3A_15, %dot_general3A {dimension_numbers = #tpu.dot_dimension_numbers<[1], [0], [0], [1], [0, 0, 1, 1], [], []>, transpose_lhs_hint = false} : vector<10112x32xf32>, vector<32x1xf32>, vector<10112x1xf32> -> vector<10112x1xf32>
    %swap3A = arith.constant 0 : index
    %swap3A_17 = arith.constant 0 : index
    %swap3A_18 = vector.load %arg3[%swap3A, %swap3A_17] : memref<10112x1xf32, #tpu.memory_space<vmem>>, vector<10112x1xf32>
    tpu.vector_store %arg3[%swap3A, %swap3A_17], %dot_general3A_16 {strides = array<i32>} : memref<10112x1xf32, #tpu.memory_space<vmem>>, vector<10112x1xf32>,
    return
  }
}

module attributes {stable_mosaic.version = 14 : i64} {
  func.func @_topk_body(%arg0: memref<1x10112xi32, #tpu.memory_space<vmem>>, %arg1: memref<1x10112xf32, #tpu.memory_space<vmem>>, %arg2: memref<64x30xi32, #tpu.memory_space<vmem>>) attributes {dimension_semantics = [], scalar_prefetch = 0 : i64, scratch_operands = 0 : i64, tpu.core_type = #tpu.core_type<tc>} {
    %get3A = arith.constant 0 : index
    %get3A_0 = arith.constant 0 : index
    %get3A_1 = vector.load %arg0[%get3A, %get3A_0] : memref<1x10112xi32, #tpu.memory_space<vmem>>, vector<1x10112xi32>
    %get3A_2 = arith.constant 0 : index
    %get3A_3 = arith.constant 0 : index
    %get3A_4 = vector.load %arg1[%get3A_2, %get3A_3] : memref<1x10112xf32, #tpu.memory_space<vmem>>, vector<1x10112xf32>
    %iota3A = tpu.iota {dimensions = array<i32: 0>} : vector<64x10112xi32>
    %eq3A = vector.broadcast %get3A_1 : vector<1x10112xi32> to vector<64x10112xi32>
    %eq3A_5 = arith.cmpi eq, %eq3A, %iota3A : vector<64x10112xi32>
    %jit3A = arith.constant 0xFF800000 : f32
    %broadcast_in_dim3A = vector.shape_cast %get3A_4 : vector<1x10112xf32> to vector<1x10112xf32>
    %broadcast_in_dim3A_6 = vector.broadcast %broadcast_in_dim3A : vector<1x10112xf32> to vector<64x10112xf32>
    %broadcast_in_dim3A_7 = vector.broadcast %jit3A : f32 to vector<64x10112xf32>
    %select_n3A = arith.select %eq3A_5, %broadcast_in_dim3A_6, %broadcast_in_dim3A_7 : vector<64x10112xi1>, vector<64x10112xf32>
    %iota3A_8 = tpu.iota {dimensions = array<i32: 1>} : vector<64x10112xi32>
    %reduce_max3A = arith.constant dense<0xFF800000> : vector<64xf32>
    %reduce_max3A_9 = vector.multi_reduction <maximumf>, %select_n3A, %reduce_max3A [1] : vector<64x10112xf32> to vector<64xf32>
    %broadcast_in_dim3A_10 = vector.shape_cast %reduce_max3A_9 : vector<64xf32> to vector<64x1xf32>
    %eq3A_11 = vector.broadcast %broadcast_in_dim3A_10 : vector<64x1xf32> to vector<64x10112xf32>
    %eq3A_12 = arith.cmpf oeq, %select_n3A, %eq3A_11 : vector<64x10112xf32>
    %jit3A_13 = arith.constant 10112 : i32
    %broadcast_in_dim3A_14 = vector.broadcast %jit3A_13 : i32 to vector<64x10112xi32>
    %select_n3A_15 = arith.select %eq3A_12, %iota3A_8, %broadcast_in_dim3A_14 : vector<64x10112xi1>, vector<64x10112xi32>
    %reduce_min3A = arith.constant dense<2147483647> : vector<64xi32>
    %reduce_min3A_16 = vector.multi_reduction <minsi>, %select_n3A_15, %reduce_min3A [1] : vector<64x10112xi32> to vector<64xi32>
    %broadcast_in_dim3A_17 = vector.shape_cast %reduce_min3A_16 : vector<64xi32> to vector<64x1xi32>
    %eq3A_18 = arith.constant 0xFF800000 : f32
    %eq3A_19 = vector.broadcast %eq3A_18 : f32 to vector<64x1xf32>
    %eq3A_20 = arith.cmpf oeq, %broadcast_in_dim3A_10, %eq3A_19 : vector<64x1xf32>
    %jit3A_21 = arith.constant 10000 : i32
    %broadcast_in_dim3A_22 = vector.broadcast %jit3A_21 : i32 to vector<64x1xi32>
    %select_n3A_23 = arith.select %eq3A_20, %broadcast_in_dim3A_22, %broadcast_in_dim3A_17 : vector<64x1xi1>, vector<64x1xi32>
    %eq3A_24 = vector.broadcast %broadcast_in_dim3A_17 : vector<64x1xi32> to vector<64x10112xi32>
    %eq3A_25 = arith.cmpi eq, %iota3A_8, %eq3A_24 : vector<64x10112xi32>
    %jit3A_26 = arith.constant 0xFF800000 : f32
    %broadcast_in_dim3A_27 = vector.broadcast %jit3A_26 : f32 to vector<64x10112xf32>
    %select_n3A_28 = arith.select %eq3A_25, %broadcast_in_dim3A_27, %select_n3A : vector<64x10112xi1>, vector<64x10112xf32>
    %reduce_max3A_29 = arith.constant dense<0xFF800000> : vector<64xf32>
    %reduce_max3A_30 = vector.multi_reduction <maximumf>, %select_n3A_28, %reduce_max3A_29 [1] : vector<64x10112xf32> to vector<64xf32>
    %broadcast_in_dim3A_31 = vector.shape_cast %reduce_max3A_30 : vector<64xf32> to vector<64x1xf32>
    %eq3A_32 = vector.broadcast %broadcast_in_dim3A_31 : vector<64x1xf32> to vector<64x10112xf32>
    %eq3A_33 = arith.cmpf oeq, %select_n3A_28, %eq3A_32 : vector<64x10112xf32>
    %jit3A_34 = arith.constant 10112 : i32
    %broadcast_in_dim3A_35 = vector.broadcast %jit3A_34 : i32 to vector<64x10112xi32>
    %select_n3A_36 = arith.select %eq3A_33, %iota3A_8, %broadcast_in_dim3A_35 : vector<64x10112xi1>, vector<64x10112xi32>
    %reduce_min3A_37 = arith.constant dense<2147483647> : vector<64xi32>
    %reduce_min3A_38 = vector.multi_reduction <minsi>, %select_n3A_36, %reduce_min3A_37 [1] : vector<64x10112xi32> to vector<64xi32>
    %broadcast_in_dim3A_39 = vector.shape_cast %reduce_min3A_38 : vector<64xi32> to vector<64x1xi32>
    %eq3A_40 = arith.constant 0xFF800000 : f32
    %eq3A_41 = vector.broadcast %eq3A_40 : f32 to vector<64x1xf32>
    %eq3A_42 = arith.cmpf oeq, %broadcast_in_dim3A_31, %eq3A_41 : vector<64x1xf32>
    %jit3A_43 = arith.constant 10000 : i32
    %broadcast_in_dim3A_44 = vector.broadcast %jit3A_43 : i32 to vector<64x1xi32>
    %select_n3A_45 = arith.select %eq3A_42, %broadcast_in_dim3A_44, %broadcast_in_dim3A_39 : vector<64x1xi1>, vector<64x1xi32>
    %eq3A_46 = vector.broadcast %broadcast_in_dim3A_39 : vector<64x1xi32> to vector<64x10112xi32>
    %eq3A_47 = arith.cmpi eq, %iota3A_8, %eq3A_46 : vector<64x10112xi32>
    %jit3A_48 = arith.constant 0xFF800000 : f32
    %broadcast_in_dim3A_49 = vector.broadcast %jit3A_48 : f32 to vector<64x10112xf32>
    %select_n3A_50 = arith.select %eq3A_47, %broadcast_in_dim3A_49, %select_n3A_28 : vector<64x10112xi1>, vector<64x10112xf32>
    %reduce_max3A_51 = arith.constant dense<0xFF800000> : vector<64xf32>
    %reduce_max3A_52 = vector.multi_reduction <maximumf>, %select_n3A_50, %reduce_max3A_51 [1] : vector<64x10112xf32> to vector<64xf32>
    %broadcast_in_dim3A_53 = vector.shape_cast %reduce_max3A_52 : vector<64xf32> to vector<64x1xf32>
    %eq3A_54 = vector.broadcast %broadcast_in_dim3A_53 : vector<64x1xf32> to vector<64x10112xf32>
    %eq3A_55 = arith.cmpf oeq, %select_n3A_50, %eq3A_54 : vector<64x10112xf32>
    %jit3A_56 = arith.constant 10112 : i32
    %broadcast_in_dim3A_57 = vector.broadcast %jit3A_56 : i32 to vector<64x10112xi32>
    %select_n3A_58 = arith.select %eq3A_55, %iota3A_8, %broadcast_in_dim3A_57 : vector<64x10112xi1>, vector<64x10112xi32>
    %reduce_min3A_59 = arith.constant dense<2147483647> : vector<64xi32>
    %reduce_min3A_60 = vector.multi_reduction <minsi>, %select_n3A_58, %reduce_min3A_59 [1] : vector<64x10112xi32> to vector<64xi32>
    %broadcast_in_dim3A_61 = vector.shape_cast %reduce_min3A_60 : vector<64xi32> to vector<64x1xi32>
    %eq3A_62 = arith.constant 0xFF800000 : f32
    %eq3A_63 = vector.broadcast %eq3A_62 : f32 to vector<64x1xf32>
    %eq3A_64 = arith.cmpf oeq, %broadcast_in_dim3A_53, %eq3A_63 : vector<64x1xf32>
    %jit3A_65 = arith.constant 10000 : i32
    %broadcast_in_dim3A_66 = vector.broadcast %jit3A_65 : i32 to vector<64x1xi32>
    %select_n3A_67 = arith.select %eq3A_64, %broadcast_in_dim3A_66, %broadcast_in_dim3A_61 : vector<64x1xi1>, vector<64x1xi32>
    %eq3A_68 = vector.broadcast %broadcast_in_dim3A_61 : vector<64x1xi32> to vector<64x10112xi32>
    %eq3A_69 = arith.cmpi eq, %iota3A_8, %eq3A_68 : vector<64x10112xi32>
    %jit3A_70 = arith.constant 0xFF800000 : f32
    %broadcast_in_dim3A_71 = vector.broadcast %jit3A_70 : f32 to vector<64x10112xf32>
    %select_n3A_72 = arith.select %eq3A_69, %broadcast_in_dim3A_71, %select_n3A_50 : vector<64x10112xi1>, vector<64x10112xf32>
    %reduce_max3A_73 = arith.constant dense<0xFF800000> : vector<64xf32>
    %reduce_max3A_74 = vector.multi_reduction <maximumf>, %select_n3A_72, %reduce_max3A_73 [1] : vector<64x10112xf32> to vector<64xf32>
    %broadcast_in_dim3A_75 = vector.shape_cast %reduce_max3A_74 : vector<64xf32> to vector<64x1xf32>
    %eq3A_76 = vector.broadcast %broadcast_in_dim3A_75 : vector<64x1xf32> to vector<64x10112xf32>
    %eq3A_77 = arith.cmpf oeq, %select_n3A_72, %eq3A_76 : vector<64x10112xf32>
    %jit3A_78 = arith.constant 10112 : i32
    %broadcast_in_dim3A_79 = vector.broadcast %jit3A_78 : i32 to vector<64x10112xi32>
    %select_n3A_80 = arith.select %eq3A_77, %iota3A_8, %broadcast_in_dim3A_79 : vector<64x10112xi1>, vector<64x10112xi32>
    %reduce_min3A_81 = arith.constant dense<2147483647> : vector<64xi32>
    %reduce_min3A_82 = vector.multi_reduction <minsi>, %select_n3A_80, %reduce_min3A_81 [1] : vector<64x10112xi32> to vector<64xi32>
    %broadcast_in_dim3A_83 = vector.shape_cast %reduce_min3A_82 : vector<64xi32> to vector<64x1xi32>
    %eq3A_84 = arith.constant 0xFF800000 : f32
    %eq3A_85 = vector.broadcast %eq3A_84 : f32 to vector<64x1xf32>
    %eq3A_86 = arith.cmpf oeq, %broadcast_in_dim3A_75, %eq3A_85 : vector<64x1xf32>
    %jit3A_87 = arith.constant 10000 : i32
    %broadcast_in_dim3A_88 = vector.broadcast %jit3A_87 : i32 to vector<64x1xi32>
    %select_n3A_89 = arith.select %eq3A_86, %broadcast_in_dim3A_88, %broadcast_in_dim3A_83 : vector<64x1xi1>, vector<64x1xi32>
    %eq3A_90 = vector.broadcast %broadcast_in_dim3A_83 : vector<64x1xi32> to vector<64x10112xi32>
    %eq3A_91 = arith.cmpi eq, %iota3A_8, %eq3A_90 : vector<64x10112xi32>
    %jit3A_92 = arith.constant 0xFF800000 : f32
    %broadcast_in_dim3A_93 = vector.broadcast %jit3A_92 : f32 to vector<64x10112xf32>
    %select_n3A_94 = arith.select %eq3A_91, %broadcast_in_dim3A_93, %select_n3A_72 : vector<64x10112xi1>, vector<64x10112xf32>
    %reduce_max3A_95 = arith.constant dense<0xFF800000> : vector<64xf32>
    %reduce_max3A_96 = vector.multi_reduction <maximumf>, %select_n3A_94, %reduce_max3A_95 [1] : vector<64x10112xf32> to vector<64xf32>
    %broadcast_in_dim3A_97 = vector.shape_cast %reduce_max3A_96 : vector<64xf32> to vector<64x1xf32>
    %eq3A_98 = vector.broadcast %broadcast_in_dim3A_97 : vector<64x1xf32> to vector<64x10112xf32>
    %eq3A_99 = arith.cmpf oeq, %select_n3A_94, %eq3A_98 : vector<64x10112xf32>
    %jit3A_100 = arith.constant 10112 : i32
    %broadcast_in_dim3A_101 = vector.broadcast %jit3A_100 : i32 to vector<64x10112xi32>
    %select_n3A_102 = arith.select %eq3A_99, %iota3A_8, %broadcast_in_dim3A_101 : vector<64x10112xi1>, vector<64x10112xi32>
    %reduce_min3A_103 = arith.constant dense<2147483647> : vector<64xi32>
    %reduce_min3A_104 = vector.multi_reduction <minsi>, %select_n3A_102, %reduce_min3A_103 [1] : vector<64x10112xi32> to vector<64xi32>
    %broadcast_in_dim3A_105 = vector.shape_cast %reduce_min3A_104 : vector<64xi32> to vector<64x1xi32>
    %eq3A_106 = arith.constant 0xFF800000 : f32
    %eq3A_107 = vector.broadcast %eq3A_106 : f32 to vector<64x1xf32>
    %eq3A_108 = arith.cmpf oeq, %broadcast_in_dim3A_97, %eq3A_107 : vector<64x1xf32>
    %jit3A_109 = arith.constant 10000 : i32
    %broadcast_in_dim3A_110 = vector.broadcast %jit3A_109 : i32 to vector<64x1xi32>
    %select_n3A_111 = arith.select %eq3A_108, %broadcast_in_dim3A_110, %broadcast_in_dim3A_105 : vector<64x1xi1>, vector<64x1xi32>
    %eq3A_112 = vector.broadcast %broadcast_in_dim3A_105 : vector<64x1xi32> to vector<64x10112xi32>
    %eq3A_113 = arith.cmpi eq, %iota3A_8, %eq3A_112 : vector<64x10112xi32>
    %jit3A_114 = arith.constant 0xFF800000 : f32
    %broadcast_in_dim3A_115 = vector.broadcast %jit3A_114 : f32 to vector<64x10112xf32>
    %select_n3A_116 = arith.select %eq3A_113, %broadcast_in_dim3A_115, %select_n3A_94 : vector<64x10112xi1>, vector<64x10112xf32>
    %reduce_max3A_117 = arith.constant dense<0xFF800000> : vector<64xf32>
    %reduce_max3A_118 = vector.multi_reduction <maximumf>, %select_n3A_116, %reduce_max3A_117 [1] : vector<64x10112xf32> to vector<64xf32>
    %broadcast_in_dim3A_119 = vector.shape_cast %reduce_max3A_118 : vector<64xf32> to vector<64x1xf32>
    %eq3A_120 = vector.broadcast %broadcast_in_dim3A_119 : vector<64x1xf32> to vector<64x10112xf32>
    %eq3A_121 = arith.cmpf oeq, %select_n3A_116, %eq3A_120 : vector<64x10112xf32>
    %jit3A_122 = arith.constant 10112 : i32
    %broadcast_in_dim3A_123 = vector.broadcast %jit3A_122 : i32 to vector<64x10112xi32>
    %select_n3A_124 = arith.select %eq3A_121, %iota3A_8, %broadcast_in_dim3A_123 : vector<64x10112xi1>, vector<64x10112xi32>
    %reduce_min3A_125 = arith.constant dense<2147483647> : vector<64xi32>
    %reduce_min3A_126 = vector.multi_reduction <minsi>, %select_n3A_124, %reduce_min3A_125 [1] : vector<64x10112xi32> to vector<64xi32>
    %broadcast_in_dim3A_127 = vector.shape_cast %reduce_min3A_126 : vector<64xi32> to vector<64x1xi32>
    %eq3A_128 = arith.constant 0xFF800000 : f32
    %eq3A_129 = vector.broadcast %eq3A_128 : f32 to vector<64x1xf32>
    %eq3A_130 = arith.cmpf oeq, %broadcast_in_dim3A_119, %eq3A_129 : vector<64x1xf32>
    %jit3A_131 = arith.constant 10000 : i32
    %broadcast_in_dim3A_132 = vector.broadcast %jit3A_131 : i32 to vector<64x1xi32>
    %select_n3A_133 = arith.select %eq3A_130, %broadcast_in_dim3A_132, %broadcast_in_dim3A_127 : vector<64x1xi1>, vector<64x1xi32>
    %eq3A_134 = vector.broadcast %broadcast_in_dim3A_127 : vector<64x1xi32> to vector<64x10112xi32>
    %eq3A_135 = arith.cmpi eq, %iota3A_8, %eq3A_134 : vector<64x10112xi32>
    %jit3A_136 = arith.constant 0xFF800000 : f32
    %broadcast_in_dim3A_137 = vector.broadcast %jit3A_136 : f32 to vector<64x10112xf32>
    %select_n3A_138 = arith.select %eq3A_135, %broadcast_in_dim3A_137, %select_n3A_116 : vector<64x10112xi1>, vector<64x10112xf32>
    %reduce_max3A_139 = arith.constant dense<0xFF800000> : vector<64xf32>
    %reduce_max3A_140 = vector.multi_reduction <maximumf>, %select_n3A_138, %reduce_max3A_139 [1] : vector<64x10112xf32> to vector<64xf32>
    %broadcast_in_dim3A_141 = vector.shape_cast %reduce_max3A_140 : vector<64xf32> to vector<64x1xf32>
    %eq3A_142 = vector.broadcast %broadcast_in_dim3A_141 : vector<64x1xf32> to vector<64x10112xf32>
    %eq3A_143 = arith.cmpf oeq, %select_n3A_138, %eq3A_142 : vector<64x10112xf32>
    %jit3A_144 = arith.constant 10112 : i32
    %broadcast_in_dim3A_145 = vector.broadcast %jit3A_144 : i32 to vector<64x10112xi32>
    %select_n3A_146 = arith.select %eq3A_143, %iota3A_8, %broadcast_in_dim3A_145 : vector<64x10112xi1>, vector<64x10112xi32>
    %reduce_min3A_147 = arith.constant dense<2147483647> : vector<64xi32>
    %reduce_min3A_148 = vector.multi_reduction <minsi>, %select_n3A_146, %reduce_min3A_147 [1] : vector<64x10112xi32> to vector<64xi32>
    %broadcast_in_dim3A_149 = vector.shape_cast %reduce_min3A_148 : vector<64xi32> to vector<64x1xi32>
    %eq3A_150 = arith.constant 0xFF800000 : f32
    %eq3A_151 = vector.broadcast %eq3A_150 : f32 to vector<64x1xf32>
    %eq3A_152 = arith.cmpf oeq, %broadcast_in_dim3A_141, %eq3A_151 : vector<64x1xf32>
    %jit3A_153 = arith.constant 10000 : i32
    %broadcast_in_dim3A_154 = vector.broadcast %jit3A_153 : i32 to vector<64x1xi32>
    %select_n3A_155 = arith.select %eq3A_152, %broadcast_in_dim3A_154, %broadcast_in_dim3A_149 : vector<64x1xi1>, vector<64x1xi32>
    %eq3A_156 = vector.broadcast %broadcast_in_dim3A_149 : vector<64x1xi32> to vector<64x10112xi32>
    %eq3A_157 = arith.cmpi eq, %iota3A_8, %eq3A_156 : vector<64x10112xi32>
    %jit3A_158 = arith.constant 0xFF800000 : f32
    %broadcast_in_dim3A_159 = vector.broadcast %jit3A_158 : f32 to vector<64x10112xf32>
    %select_n3A_160 = arith.select %eq3A_157, %broadcast_in_dim3A_159, %select_n3A_138 : vector<64x10112xi1>, vector<64x10112xf32>
    %reduce_max3A_161 = arith.constant dense<0xFF800000> : vector<64xf32>
    %reduce_max3A_162 = vector.multi_reduction <maximumf>, %select_n3A_160, %reduce_max3A_161 [1] : vector<64x10112xf32> to vector<64xf32>
    %broadcast_in_dim3A_163 = vector.shape_cast %reduce_max3A_162 : vector<64xf32> to vector<64x1xf32>
    %eq3A_164 = vector.broadcast %broadcast_in_dim3A_163 : vector<64x1xf32> to vector<64x10112xf32>
    %eq3A_165 = arith.cmpf oeq, %select_n3A_160, %eq3A_164 : vector<64x10112xf32>
    %jit3A_166 = arith.constant 10112 : i32
    %broadcast_in_dim3A_167 = vector.broadcast %jit3A_166 : i32 to vector<64x10112xi32>
    %select_n3A_168 = arith.select %eq3A_165, %iota3A_8, %broadcast_in_dim3A_167 : vector<64x10112xi1>, vector<64x10112xi32>
    %reduce_min3A_169 = arith.constant dense<2147483647> : vector<64xi32>
    %reduce_min3A_170 = vector.multi_reduction <minsi>, %select_n3A_168, %reduce_min3A_169 [1] : vector<64x10112xi32> to vector<64xi32>
    %broadcast_in_dim3A_171 = vector.shape_cast %reduce_min3A_170 : vector<64xi32> to vector<64x1xi32>
    %eq3A_172 = arith.constant 0xFF800000 : f32
    %eq3A_173 = vector.broadcast %eq3A_172 : f32 to vector<64x1xf32>
    %eq3A_174 = arith.cmpf oeq, %broadcast_in_dim3A_163, %eq3A_173 : vector<64x1xf32>
    %jit3A_175 = arith.constant 10000 : i32
    %broadcast_in_dim3A_176 = vector.broadcast %jit3A_175 : i32 to vector<64x1xi32>
    %select_n3A_177 = arith.select %eq3A_174, %broadcast_in_dim3A_176, %broadcast_in_dim3A_171 : vector<64x1xi1>, vector<64x1xi32>
    %eq3A_178 = vector.broadcast %broadcast_in_dim3A_171 : vector<64x1xi32> to vector<64x10112xi32>
    %eq3A_179 = arith.cmpi eq, %iota3A_8, %eq3A_178 : vector<64x10112xi32>
    %jit3A_180 = arith.constant 0xFF800000 : f32
    %broadcast_in_dim3A_181 = vector.broadcast %jit3A_180 : f32 to vector<64x10112xf32>
    %select_n3A_182 = arith.select %eq3A_179, %broadcast_in_dim3A_181, %select_n3A_160 : vector<64x10112xi1>, vector<64x10112xf32>
    %reduce_max3A_183 = arith.constant dense<0xFF800000> : vector<64xf32>
    %reduce_max3A_184 = vector.multi_reduction <maximumf>, %select_n3A_182, %reduce_max3A_183 [1] : vector<64x10112xf32> to vector<64xf32>
    %broadcast_in_dim3A_185 = vector.shape_cast %reduce_max3A_184 : vector<64xf32> to vector<64x1xf32>
    %eq3A_186 = vector.broadcast %broadcast_in_dim3A_185 : vector<64x1xf32> to vector<64x10112xf32>
    %eq3A_187 = arith.cmpf oeq, %select_n3A_182, %eq3A_186 : vector<64x10112xf32>
    %jit3A_188 = arith.constant 10112 : i32
    %broadcast_in_dim3A_189 = vector.broadcast %jit3A_188 : i32 to vector<64x10112xi32>
    %select_n3A_190 = arith.select %eq3A_187, %iota3A_8, %broadcast_in_dim3A_189 : vector<64x10112xi1>, vector<64x10112xi32>
    %reduce_min3A_191 = arith.constant dense<2147483647> : vector<64xi32>
    %reduce_min3A_192 = vector.multi_reduction <minsi>, %select_n3A_190, %reduce_min3A_191 [1] : vector<64x10112xi32> to vector<64xi32>
    %broadcast_in_dim3A_193 = vector.shape_cast %reduce_min3A_192 : vector<64xi32> to vector<64x1xi32>
    %eq3A_194 = arith.constant 0xFF800000 : f32
    %eq3A_195 = vector.broadcast %eq3A_194 : f32 to vector<64x1xf32>
    %eq3A_196 = arith.cmpf oeq, %broadcast_in_dim3A_185, %eq3A_195 : vector<64x1xf32>
    %jit3A_197 = arith.constant 10000 : i32
    %broadcast_in_dim3A_198 = vector.broadcast %jit3A_197 : i32 to vector<64x1xi32>
    %select_n3A_199 = arith.select %eq3A_196, %broadcast_in_dim3A_198, %broadcast_in_dim3A_193 : vector<64x1xi1>, vector<64x1xi32>
    %eq3A_200 = vector.broadcast %broadcast_in_dim3A_193 : vector<64x1xi32> to vector<64x10112xi32>
    %eq3A_201 = arith.cmpi eq, %iota3A_8, %eq3A_200 : vector<64x10112xi32>
    %jit3A_202 = arith.constant 0xFF800000 : f32
    %broadcast_in_dim3A_203 = vector.broadcast %jit3A_202 : f32 to vector<64x10112xf32>
    %select_n3A_204 = arith.select %eq3A_201, %broadcast_in_dim3A_203, %select_n3A_182 : vector<64x10112xi1>, vector<64x10112xf32>
    %reduce_max3A_205 = arith.constant dense<0xFF800000> : vector<64xf32>
    %reduce_max3A_206 = vector.multi_reduction <maximumf>, %select_n3A_204, %reduce_max3A_205 [1] : vector<64x10112xf32> to vector<64xf32>
    %broadcast_in_dim3A_207 = vector.shape_cast %reduce_max3A_206 : vector<64xf32> to vector<64x1xf32>
    %eq3A_208 = vector.broadcast %broadcast_in_dim3A_207 : vector<64x1xf32> to vector<64x10112xf32>
    %eq3A_209 = arith.cmpf oeq, %select_n3A_204, %eq3A_208 : vector<64x10112xf32>
    %jit3A_210 = arith.constant 10112 : i32
    %broadcast_in_dim3A_211 = vector.broadcast %jit3A_210 : i32 to vector<64x10112xi32>
    %select_n3A_212 = arith.select %eq3A_209, %iota3A_8, %broadcast_in_dim3A_211 : vector<64x10112xi1>, vector<64x10112xi32>
    %reduce_min3A_213 = arith.constant dense<2147483647> : vector<64xi32>
    %reduce_min3A_214 = vector.multi_reduction <minsi>, %select_n3A_212, %reduce_min3A_213 [1] : vector<64x10112xi32> to vector<64xi32>
    %broadcast_in_dim3A_215 = vector.shape_cast %reduce_min3A_214 : vector<64xi32> to vector<64x1xi32>
    %eq3A_216 = arith.constant 0xFF800000 : f32
    %eq3A_217 = vector.broadcast %eq3A_216 : f32 to vector<64x1xf32>
    %eq3A_218 = arith.cmpf oeq, %broadcast_in_dim3A_207, %eq3A_217 : vector<64x1xf32>
    %jit3A_219 = arith.constant 10000 : i32
    %broadcast_in_dim3A_220 = vector.broadcast %jit3A_219 : i32 to vector<64x1xi32>
    %select_n3A_221 = arith.select %eq3A_218, %broadcast_in_dim3A_220, %broadcast_in_dim3A_215 : vector<64x1xi1>, vector<64x1xi32>
    %eq3A_222 = vector.broadcast %broadcast_in_dim3A_215 : vector<64x1xi32> to vector<64x10112xi32>
    %eq3A_223 = arith.cmpi eq, %iota3A_8, %eq3A_222 : vector<64x10112xi32>
    %jit3A_224 = arith.constant 0xFF800000 : f32
    %broadcast_in_dim3A_225 = vector.broadcast %jit3A_224 : f32 to vector<64x10112xf32>
    %select_n3A_226 = arith.select %eq3A_223, %broadcast_in_dim3A_225, %select_n3A_204 : vector<64x10112xi1>, vector<64x10112xf32>
    %reduce_max3A_227 = arith.constant dense<0xFF800000> : vector<64xf32>
    %reduce_max3A_228 = vector.multi_reduction <maximumf>, %select_n3A_226, %reduce_max3A_227 [1] : vector<64x10112xf32> to vector<64xf32>
    %broadcast_in_dim3A_229 = vector.shape_cast %reduce_max3A_228 : vector<64xf32> to vector<64x1xf32>
    %eq3A_230 = vector.broadcast %broadcast_in_dim3A_229 : vector<64x1xf32> to vector<64x10112xf32>
    %eq3A_231 = arith.cmpf oeq, %select_n3A_226, %eq3A_230 : vector<64x10112xf32>
    %jit3A_232 = arith.constant 10112 : i32
    %broadcast_in_dim3A_233 = vector.broadcast %jit3A_232 : i32 to vector<64x10112xi32>
    %select_n3A_234 = arith.select %eq3A_231, %iota3A_8, %broadcast_in_dim3A_233 : vector<64x10112xi1>, vector<64x10112xi32>
    %reduce_min3A_235 = arith.constant dense<2147483647> : vector<64xi32>
    %reduce_min3A_236 = vector.multi_reduction <minsi>, %select_n3A_234, %reduce_min3A_235 [1] : vector<64x10112xi32> to vector<64xi32>
    %broadcast_in_dim3A_237 = vector.shape_cast %reduce_min3A_236 : vector<64xi32> to vector<64x1xi32>
    %eq3A_238 = arith.constant 0xFF800000 : f32
    %eq3A_239 = vector.broadcast %eq3A_238 : f32 to vector<64x1xf32>
    %eq3A_240 = arith.cmpf oeq, %broadcast_in_dim3A_229, %eq3A_239 : vector<64x1xf32>
    %jit3A_241 = arith.constant 10000 : i32
    %broadcast_in_dim3A_242 = vector.broadcast %jit3A_241 : i32 to vector<64x1xi32>
    %select_n3A_243 = arith.select %eq3A_240, %broadcast_in_dim3A_242, %broadcast_in_dim3A_237 : vector<64x1xi1>, vector<64x1xi32>
    %eq3A_244 = vector.broadcast %broadcast_in_dim3A_237 : vector<64x1xi32> to vector<64x10112xi32>
    %eq3A_245 = arith.cmpi eq, %iota3A_8, %eq3A_244 : vector<64x10112xi32>
    %jit3A_246 = arith.constant 0xFF800000 : f32
    %broadcast_in_dim3A_247 = vector.broadcast %jit3A_246 : f32 to vector<64x10112xf32>
    %select_n3A_248 = arith.select %eq3A_245, %broadcast_in_dim3A_247, %select_n3A_226 : vector<64x10112xi1>, vector<64x10112xf32>
    %reduce_max3A_249 = arith.constant dense<0xFF800000> : vector<64xf32>
    %reduce_max3A_250 = vector.multi_reduction <maximumf>, %select_n3A_248, %reduce_max3A_249 [1] : vector<64x10112xf32> to vector<64xf32>
    %broadcast_in_dim3A_251 = vector.shape_cast %reduce_max3A_250 : vector<64xf32> to vector<64x1xf32>
    %eq3A_252 = vector.broadcast %broadcast_in_dim3A_251 : vector<64x1xf32> to vector<64x10112xf32>
    %eq3A_253 = arith.cmpf oeq, %select_n3A_248, %eq3A_252 : vector<64x10112xf32>
    %jit3A_254 = arith.constant 10112 : i32
    %broadcast_in_dim3A_255 = vector.broadcast %jit3A_254 : i32 to vector<64x10112xi32>
    %select_n3A_256 = arith.select %eq3A_253, %iota3A_8, %broadcast_in_dim3A_255 : vector<64x10112xi1>, vector<64x10112xi32>
    %reduce_min3A_257 = arith.constant dense<2147483647> : vector<64xi32>
    %reduce_min3A_258 = vector.multi_reduction <minsi>, %select_n3A_256, %reduce_min3A_257 [1] : vector<64x10112xi32> to vector<64xi32>
    %broadcast_in_dim3A_259 = vector.shape_cast %reduce_min3A_258 : vector<64xi32> to vector<64x1xi32>
    %eq3A_260 = arith.constant 0xFF800000 : f32
    %eq3A_261 = vector.broadcast %eq3A_260 : f32 to vector<64x1xf32>
    %eq3A_262 = arith.cmpf oeq, %broadcast_in_dim3A_251, %eq3A_261 : vector<64x1xf32>
    %jit3A_263 = arith.constant 10000 : i32
    %broadcast_in_dim3A_264 = vector.broadcast %jit3A_263 : i32 to vector<64x1xi32>
    %select_n3A_265 = arith.select %eq3A_262, %broadcast_in_dim3A_264, %broadcast_in_dim3A_259 : vector<64x1xi1>, vector<64x1xi32>
    %eq3A_266 = vector.broadcast %broadcast_in_dim3A_259 : vector<64x1xi32> to vector<64x10112xi32>
    %eq3A_267 = arith.cmpi eq, %iota3A_8, %eq3A_266 : vector<64x10112xi32>
    %jit3A_268 = arith.constant 0xFF800000 : f32
    %broadcast_in_dim3A_269 = vector.broadcast %jit3A_268 : f32 to vector<64x10112xf32>
    %select_n3A_270 = arith.select %eq3A_267, %broadcast_in_dim3A_269, %select_n3A_248 : vector<64x10112xi1>, vector<64x10112xf32>
    %reduce_max3A_271 = arith.constant dense<0xFF800000> : vector<64xf32>
    %reduce_max3A_272 = vector.multi_reduction <maximumf>, %select_n3A_270, %reduce_max3A_271 [1] : vector<64x10112xf32> to vector<64xf32>
    %broadcast_in_dim3A_273 = vector.shape_cast %reduce_max3A_272 : vector<64xf32> to vector<64x1xf32>
    %eq3A_274 = vector.broadcast %broadcast_in_dim3A_273 : vector<64x1xf32> to vector<64x10112xf32>
    %eq3A_275 = arith.cmpf oeq, %select_n3A_270, %eq3A_274 : vector<64x10112xf32>
    %jit3A_276 = arith.constant 10112 : i32
    %broadcast_in_dim3A_277 = vector.broadcast %jit3A_276 : i32 to vector<64x10112xi32>
    %select_n3A_278 = arith.select %eq3A_275, %iota3A_8, %broadcast_in_dim3A_277 : vector<64x10112xi1>, vector<64x10112xi32>
    %reduce_min3A_279 = arith.constant dense<2147483647> : vector<64xi32>
    %reduce_min3A_280 = vector.multi_reduction <minsi>, %select_n3A_278, %reduce_min3A_279 [1] : vector<64x10112xi32> to vector<64xi32>
    %broadcast_in_dim3A_281 = vector.shape_cast %reduce_min3A_280 : vector<64xi32> to vector<64x1xi32>
    %eq3A_282 = arith.constant 0xFF800000 : f32
    %eq3A_283 = vector.broadcast %eq3A_282 : f32 to vector<64x1xf32>
    %eq3A_284 = arith.cmpf oeq, %broadcast_in_dim3A_273, %eq3A_283 : vector<64x1xf32>
    %jit3A_285 = arith.constant 10000 : i32
    %broadcast_in_dim3A_286 = vector.broadcast %jit3A_285 : i32 to vector<64x1xi32>
    %select_n3A_287 = arith.select %eq3A_284, %broadcast_in_dim3A_286, %broadcast_in_dim3A_281 : vector<64x1xi1>, vector<64x1xi32>
    %eq3A_288 = vector.broadcast %broadcast_in_dim3A_281 : vector<64x1xi32> to vector<64x10112xi32>
    %eq3A_289 = arith.cmpi eq, %iota3A_8, %eq3A_288 : vector<64x10112xi32>
    %jit3A_290 = arith.constant 0xFF800000 : f32
    %broadcast_in_dim3A_291 = vector.broadcast %jit3A_290 : f32 to vector<64x10112xf32>
    %select_n3A_292 = arith.select %eq3A_289, %broadcast_in_dim3A_291, %select_n3A_270 : vector<64x10112xi1>, vector<64x10112xf32>
    %reduce_max3A_293 = arith.constant dense<0xFF800000> : vector<64xf32>
    %reduce_max3A_294 = vector.multi_reduction <maximumf>, %select_n3A_292, %reduce_max3A_293 [1] : vector<64x10112xf32> to vector<64xf32>
    %broadcast_in_dim3A_295 = vector.shape_cast %reduce_max3A_294 : vector<64xf32> to vector<64x1xf32>
    %eq3A_296 = vector.broadcast %broadcast_in_dim3A_295 : vector<64x1xf32> to vector<64x10112xf32>
    %eq3A_297 = arith.cmpf oeq, %select_n3A_292, %eq3A_296 : vector<64x10112xf32>
    %jit3A_298 = arith.constant 10112 : i32
    %broadcast_in_dim3A_299 = vector.broadcast %jit3A_298 : i32 to vector<64x10112xi32>
    %select_n3A_300 = arith.select %eq3A_297, %iota3A_8, %broadcast_in_dim3A_299 : vector<64x10112xi1>, vector<64x10112xi32>
    %reduce_min3A_301 = arith.constant dense<2147483647> : vector<64xi32>
    %reduce_min3A_302 = vector.multi_reduction <minsi>, %select_n3A_300, %reduce_min3A_301 [1] : vector<64x10112xi32> to vector<64xi32>
    %broadcast_in_dim3A_303 = vector.shape_cast %reduce_min3A_302 : vector<64xi32> to vector<64x1xi32>
    %eq3A_304 = arith.constant 0xFF800000 : f32
    %eq3A_305 = vector.broadcast %eq3A_304 : f32 to vector<64x1xf32>
    %eq3A_306 = arith.cmpf oeq, %broadcast_in_dim3A_295, %eq3A_305 : vector<64x1xf32>
    %jit3A_307 = arith.constant 10000 : i32
    %broadcast_in_dim3A_308 = vector.broadcast %jit3A_307 : i32 to vector<64x1xi32>
    %select_n3A_309 = arith.select %eq3A_306, %broadcast_in_dim3A_308, %broadcast_in_dim3A_303 : vector<64x1xi1>, vector<64x1xi32>
    %eq3A_310 = vector.broadcast %broadcast_in_dim3A_303 : vector<64x1xi32> to vector<64x10112xi32>
    %eq3A_311 = arith.cmpi eq, %iota3A_8, %eq3A_310 : vector<64x10112xi32>
    %jit3A_312 = arith.constant 0xFF800000 : f32
    %broadcast_in_dim3A_313 = vector.broadcast %jit3A_312 : f32 to vector<64x10112xf32>
    %select_n3A_314 = arith.select %eq3A_311, %broadcast_in_dim3A_313, %select_n3A_292 : vector<64x10112xi1>, vector<64x10112xf32>
    %reduce_max3A_315 = arith.constant dense<0xFF800000> : vector<64xf32>
    %reduce_max3A_316 = vector.multi_reduction <maximumf>, %select_n3A_314, %reduce_max3A_315 [1] : vector<64x10112xf32> to vector<64xf32>
    %broadcast_in_dim3A_317 = vector.shape_cast %reduce_max3A_316 : vector<64xf32> to vector<64x1xf32>
    %eq3A_318 = vector.broadcast %broadcast_in_dim3A_317 : vector<64x1xf32> to vector<64x10112xf32>
    %eq3A_319 = arith.cmpf oeq, %select_n3A_314, %eq3A_318 : vector<64x10112xf32>
    %jit3A_320 = arith.constant 10112 : i32
    %broadcast_in_dim3A_321 = vector.broadcast %jit3A_320 : i32 to vector<64x10112xi32>
    %select_n3A_322 = arith.select %eq3A_319, %iota3A_8, %broadcast_in_dim3A_321 : vector<64x10112xi1>, vector<64x10112xi32>
    %reduce_min3A_323 = arith.constant dense<2147483647> : vector<64xi32>
    %reduce_min3A_324 = vector.multi_reduction <minsi>, %select_n3A_322, %reduce_min3A_323 [1] : vector<64x10112xi32> to vector<64xi32>
    %broadcast_in_dim3A_325 = vector.shape_cast %reduce_min3A_324 : vector<64xi32> to vector<64x1xi32>
    %eq3A_326 = arith.constant 0xFF800000 : f32
    %eq3A_327 = vector.broadcast %eq3A_326 : f32 to vector<64x1xf32>
    %eq3A_328 = arith.cmpf oeq, %broadcast_in_dim3A_317, %eq3A_327 : vector<64x1xf32>
    %jit3A_329 = arith.constant 10000 : i32
    %broadcast_in_dim3A_330 = vector.broadcast %jit3A_329 : i32 to vector<64x1xi32>
    %select_n3A_331 = arith.select %eq3A_328, %broadcast_in_dim3A_330, %broadcast_in_dim3A_325 : vector<64x1xi1>, vector<64x1xi32>
    %eq3A_332 = vector.broadcast %broadcast_in_dim3A_325 : vector<64x1xi32> to vector<64x10112xi32>
    %eq3A_333 = arith.cmpi eq, %iota3A_8, %eq3A_332 : vector<64x10112xi32>
    %jit3A_334 = arith.constant 0xFF800000 : f32
    %broadcast_in_dim3A_335 = vector.broadcast %jit3A_334 : f32 to vector<64x10112xf32>
    %select_n3A_336 = arith.select %eq3A_333, %broadcast_in_dim3A_335, %select_n3A_314 : vector<64x10112xi1>, vector<64x10112xf32>
    %reduce_max3A_337 = arith.constant dense<0xFF800000> : vector<64xf32>
    %reduce_max3A_338 = vector.multi_reduction <maximumf>, %select_n3A_336, %reduce_max3A_337 [1] : vector<64x10112xf32> to vector<64xf32>
    %broadcast_in_dim3A_339 = vector.shape_cast %reduce_max3A_338 : vector<64xf32> to vector<64x1xf32>
    %eq3A_340 = vector.broadcast %broadcast_in_dim3A_339 : vector<64x1xf32> to vector<64x10112xf32>
    %eq3A_341 = arith.cmpf oeq, %select_n3A_336, %eq3A_340 : vector<64x10112xf32>
    %jit3A_342 = arith.constant 10112 : i32
    %broadcast_in_dim3A_343 = vector.broadcast %jit3A_342 : i32 to vector<64x10112xi32>
    %select_n3A_344 = arith.select %eq3A_341, %iota3A_8, %broadcast_in_dim3A_343 : vector<64x10112xi1>, vector<64x10112xi32>
    %reduce_min3A_345 = arith.constant dense<2147483647> : vector<64xi32>
    %reduce_min3A_346 = vector.multi_reduction <minsi>, %select_n3A_344, %reduce_min3A_345 [1] : vector<64x10112xi32> to vector<64xi32>
    %broadcast_in_dim3A_347 = vector.shape_cast %reduce_min3A_346 : vector<64xi32> to vector<64x1xi32>
    %eq3A_348 = arith.constant 0xFF800000 : f32
    %eq3A_349 = vector.broadcast %eq3A_348 : f32 to vector<64x1xf32>
    %eq3A_350 = arith.cmpf oeq, %broadcast_in_dim3A_339, %eq3A_349 : vector<64x1xf32>
    %jit3A_351 = arith.constant 10000 : i32
    %broadcast_in_dim3A_352 = vector.broadcast %jit3A_351 : i32 to vector<64x1xi32>
    %select_n3A_353 = arith.select %eq3A_350, %broadcast_in_dim3A_352, %broadcast_in_dim3A_347 : vector<64x1xi1>, vector<64x1xi32>
    %eq3A_354 = vector.broadcast %broadcast_in_dim3A_347 : vector<64x1xi32> to vector<64x10112xi32>
    %eq3A_355 = arith.cmpi eq, %iota3A_8, %eq3A_354 : vector<64x10112xi32>
    %jit3A_356 = arith.constant 0xFF800000 : f32
    %broadcast_in_dim3A_357 = vector.broadcast %jit3A_356 : f32 to vector<64x10112xf32>
    %select_n3A_358 = arith.select %eq3A_355, %broadcast_in_dim3A_357, %select_n3A_336 : vector<64x10112xi1>, vector<64x10112xf32>
    %reduce_max3A_359 = arith.constant dense<0xFF800000> : vector<64xf32>
    %reduce_max3A_360 = vector.multi_reduction <maximumf>, %select_n3A_358, %reduce_max3A_359 [1] : vector<64x10112xf32> to vector<64xf32>
    %broadcast_in_dim3A_361 = vector.shape_cast %reduce_max3A_360 : vector<64xf32> to vector<64x1xf32>
    %eq3A_362 = vector.broadcast %broadcast_in_dim3A_361 : vector<64x1xf32> to vector<64x10112xf32>
    %eq3A_363 = arith.cmpf oeq, %select_n3A_358, %eq3A_362 : vector<64x10112xf32>
    %jit3A_364 = arith.constant 10112 : i32
    %broadcast_in_dim3A_365 = vector.broadcast %jit3A_364 : i32 to vector<64x10112xi32>
    %select_n3A_366 = arith.select %eq3A_363, %iota3A_8, %broadcast_in_dim3A_365 : vector<64x10112xi1>, vector<64x10112xi32>
    %reduce_min3A_367 = arith.constant dense<2147483647> : vector<64xi32>
    %reduce_min3A_368 = vector.multi_reduction <minsi>, %select_n3A_366, %reduce_min3A_367 [1] : vector<64x10112xi32> to vector<64xi32>
    %broadcast_in_dim3A_369 = vector.shape_cast %reduce_min3A_368 : vector<64xi32> to vector<64x1xi32>
    %eq3A_370 = arith.constant 0xFF800000 : f32
    %eq3A_371 = vector.broadcast %eq3A_370 : f32 to vector<64x1xf32>
    %eq3A_372 = arith.cmpf oeq, %broadcast_in_dim3A_361, %eq3A_371 : vector<64x1xf32>
    %jit3A_373 = arith.constant 10000 : i32
    %broadcast_in_dim3A_374 = vector.broadcast %jit3A_373 : i32 to vector<64x1xi32>
    %select_n3A_375 = arith.select %eq3A_372, %broadcast_in_dim3A_374, %broadcast_in_dim3A_369 : vector<64x1xi1>, vector<64x1xi32>
    %eq3A_376 = vector.broadcast %broadcast_in_dim3A_369 : vector<64x1xi32> to vector<64x10112xi32>
    %eq3A_377 = arith.cmpi eq, %iota3A_8, %eq3A_376 : vector<64x10112xi32>
    %jit3A_378 = arith.constant 0xFF800000 : f32
    %broadcast_in_dim3A_379 = vector.broadcast %jit3A_378 : f32 to vector<64x10112xf32>
    %select_n3A_380 = arith.select %eq3A_377, %broadcast_in_dim3A_379, %select_n3A_358 : vector<64x10112xi1>, vector<64x10112xf32>
    %reduce_max3A_381 = arith.constant dense<0xFF800000> : vector<64xf32>
    %reduce_max3A_382 = vector.multi_reduction <maximumf>, %select_n3A_380, %reduce_max3A_381 [1] : vector<64x10112xf32> to vector<64xf32>
    %broadcast_in_dim3A_383 = vector.shape_cast %reduce_max3A_382 : vector<64xf32> to vector<64x1xf32>
    %eq3A_384 = vector.broadcast %broadcast_in_dim3A_383 : vector<64x1xf32> to vector<64x10112xf32>
    %eq3A_385 = arith.cmpf oeq, %select_n3A_380, %eq3A_384 : vector<64x10112xf32>
    %jit3A_386 = arith.constant 10112 : i32
    %broadcast_in_dim3A_387 = vector.broadcast %jit3A_386 : i32 to vector<64x10112xi32>
    %select_n3A_388 = arith.select %eq3A_385, %iota3A_8, %broadcast_in_dim3A_387 : vector<64x10112xi1>, vector<64x10112xi32>
    %reduce_min3A_389 = arith.constant dense<2147483647> : vector<64xi32>
    %reduce_min3A_390 = vector.multi_reduction <minsi>, %select_n3A_388, %reduce_min3A_389 [1] : vector<64x10112xi32> to vector<64xi32>
    %broadcast_in_dim3A_391 = vector.shape_cast %reduce_min3A_390 : vector<64xi32> to vector<64x1xi32>
    %eq3A_392 = arith.constant 0xFF800000 : f32
    %eq3A_393 = vector.broadcast %eq3A_392 : f32 to vector<64x1xf32>
    %eq3A_394 = arith.cmpf oeq, %broadcast_in_dim3A_383, %eq3A_393 : vector<64x1xf32>
    %jit3A_395 = arith.constant 10000 : i32
    %broadcast_in_dim3A_396 = vector.broadcast %jit3A_395 : i32 to vector<64x1xi32>
    %select_n3A_397 = arith.select %eq3A_394, %broadcast_in_dim3A_396, %broadcast_in_dim3A_391 : vector<64x1xi1>, vector<64x1xi32>
    %eq3A_398 = vector.broadcast %broadcast_in_dim3A_391 : vector<64x1xi32> to vector<64x10112xi32>
    %eq3A_399 = arith.cmpi eq, %iota3A_8, %eq3A_398 : vector<64x10112xi32>
    %jit3A_400 = arith.constant 0xFF800000 : f32
    %broadcast_in_dim3A_401 = vector.broadcast %jit3A_400 : f32 to vector<64x10112xf32>
    %select_n3A_402 = arith.select %eq3A_399, %broadcast_in_dim3A_401, %select_n3A_380 : vector<64x10112xi1>, vector<64x10112xf32>
    %reduce_max3A_403 = arith.constant dense<0xFF800000> : vector<64xf32>
    %reduce_max3A_404 = vector.multi_reduction <maximumf>, %select_n3A_402, %reduce_max3A_403 [1] : vector<64x10112xf32> to vector<64xf32>
    %broadcast_in_dim3A_405 = vector.shape_cast %reduce_max3A_404 : vector<64xf32> to vector<64x1xf32>
    %eq3A_406 = vector.broadcast %broadcast_in_dim3A_405 : vector<64x1xf32> to vector<64x10112xf32>
    %eq3A_407 = arith.cmpf oeq, %select_n3A_402, %eq3A_406 : vector<64x10112xf32>
    %jit3A_408 = arith.constant 10112 : i32
    %broadcast_in_dim3A_409 = vector.broadcast %jit3A_408 : i32 to vector<64x10112xi32>
    %select_n3A_410 = arith.select %eq3A_407, %iota3A_8, %broadcast_in_dim3A_409 : vector<64x10112xi1>, vector<64x10112xi32>
    %reduce_min3A_411 = arith.constant dense<2147483647> : vector<64xi32>
    %reduce_min3A_412 = vector.multi_reduction <minsi>, %select_n3A_410, %reduce_min3A_411 [1] : vector<64x10112xi32> to vector<64xi32>
    %broadcast_in_dim3A_413 = vector.shape_cast %reduce_min3A_412 : vector<64xi32> to vector<64x1xi32>
    %eq3A_414 = arith.constant 0xFF800000 : f32
    %eq3A_415 = vector.broadcast %eq3A_414 : f32 to vector<64x1xf32>
    %eq3A_416 = arith.cmpf oeq, %broadcast_in_dim3A_405, %eq3A_415 : vector<64x1xf32>
    %jit3A_417 = arith.constant 10000 : i32
    %broadcast_in_dim3A_418 = vector.broadcast %jit3A_417 : i32 to vector<64x1xi32>
    %select_n3A_419 = arith.select %eq3A_416, %broadcast_in_dim3A_418, %broadcast_in_dim3A_413 : vector<64x1xi1>, vector<64x1xi32>
    %eq3A_420 = vector.broadcast %broadcast_in_dim3A_413 : vector<64x1xi32> to vector<64x10112xi32>
    %eq3A_421 = arith.cmpi eq, %iota3A_8, %eq3A_420 : vector<64x10112xi32>
    %jit3A_422 = arith.constant 0xFF800000 : f32
    %broadcast_in_dim3A_423 = vector.broadcast %jit3A_422 : f32 to vector<64x10112xf32>
    %select_n3A_424 = arith.select %eq3A_421, %broadcast_in_dim3A_423, %select_n3A_402 : vector<64x10112xi1>, vector<64x10112xf32>
    %reduce_max3A_425 = arith.constant dense<0xFF800000> : vector<64xf32>
    %reduce_max3A_426 = vector.multi_reduction <maximumf>, %select_n3A_424, %reduce_max3A_425 [1] : vector<64x10112xf32> to vector<64xf32>
    %broadcast_in_dim3A_427 = vector.shape_cast %reduce_max3A_426 : vector<64xf32> to vector<64x1xf32>
    %eq3A_428 = vector.broadcast %broadcast_in_dim3A_427 : vector<64x1xf32> to vector<64x10112xf32>
    %eq3A_429 = arith.cmpf oeq, %select_n3A_424, %eq3A_428 : vector<64x10112xf32>
    %jit3A_430 = arith.constant 10112 : i32
    %broadcast_in_dim3A_431 = vector.broadcast %jit3A_430 : i32 to vector<64x10112xi32>
    %select_n3A_432 = arith.select %eq3A_429, %iota3A_8, %broadcast_in_dim3A_431 : vector<64x10112xi1>, vector<64x10112xi32>
    %reduce_min3A_433 = arith.constant dense<2147483647> : vector<64xi32>
    %reduce_min3A_434 = vector.multi_reduction <minsi>, %select_n3A_432, %reduce_min3A_433 [1] : vector<64x10112xi32> to vector<64xi32>
    %broadcast_in_dim3A_435 = vector.shape_cast %reduce_min3A_434 : vector<64xi32> to vector<64x1xi32>
    %eq3A_436 = arith.constant 0xFF800000 : f32
    %eq3A_437 = vector.broadcast %eq3A_436 : f32 to vector<64x1xf32>
    %eq3A_438 = arith.cmpf oeq, %broadcast_in_dim3A_427, %eq3A_437 : vector<64x1xf32>
    %jit3A_439 = arith.constant 10000 : i32
    %broadcast_in_dim3A_440 = vector.broadcast %jit3A_439 : i32 to vector<64x1xi32>
    %select_n3A_441 = arith.select %eq3A_438, %broadcast_in_dim3A_440, %broadcast_in_dim3A_435 : vector<64x1xi1>, vector<64x1xi32>
    %eq3A_442 = vector.broadcast %broadcast_in_dim3A_435 : vector<64x1xi32> to vector<64x10112xi32>
    %eq3A_443 = arith.cmpi eq, %iota3A_8, %eq3A_442 : vector<64x10112xi32>
    %jit3A_444 = arith.constant 0xFF800000 : f32
    %broadcast_in_dim3A_445 = vector.broadcast %jit3A_444 : f32 to vector<64x10112xf32>
    %select_n3A_446 = arith.select %eq3A_443, %broadcast_in_dim3A_445, %select_n3A_424 : vector<64x10112xi1>, vector<64x10112xf32>
    %reduce_max3A_447 = arith.constant dense<0xFF800000> : vector<64xf32>
    %reduce_max3A_448 = vector.multi_reduction <maximumf>, %select_n3A_446, %reduce_max3A_447 [1] : vector<64x10112xf32> to vector<64xf32>
    %broadcast_in_dim3A_449 = vector.shape_cast %reduce_max3A_448 : vector<64xf32> to vector<64x1xf32>
    %eq3A_450 = vector.broadcast %broadcast_in_dim3A_449 : vector<64x1xf32> to vector<64x10112xf32>
    %eq3A_451 = arith.cmpf oeq, %select_n3A_446, %eq3A_450 : vector<64x10112xf32>
    %jit3A_452 = arith.constant 10112 : i32
    %broadcast_in_dim3A_453 = vector.broadcast %jit3A_452 : i32 to vector<64x10112xi32>
    %select_n3A_454 = arith.select %eq3A_451, %iota3A_8, %broadcast_in_dim3A_453 : vector<64x10112xi1>, vector<64x10112xi32>
    %reduce_min3A_455 = arith.constant dense<2147483647> : vector<64xi32>
    %reduce_min3A_456 = vector.multi_reduction <minsi>, %select_n3A_454, %reduce_min3A_455 [1] : vector<64x10112xi32> to vector<64xi32>
    %broadcast_in_dim3A_457 = vector.shape_cast %reduce_min3A_456 : vector<64xi32> to vector<64x1xi32>
    %eq3A_458 = arith.constant 0xFF800000 : f32
    %eq3A_459 = vector.broadcast %eq3A_458 : f32 to vector<64x1xf32>
    %eq3A_460 = arith.cmpf oeq, %broadcast_in_dim3A_449, %eq3A_459 : vector<64x1xf32>
    %jit3A_461 = arith.constant 10000 : i32
    %broadcast_in_dim3A_462 = vector.broadcast %jit3A_461 : i32 to vector<64x1xi32>
    %select_n3A_463 = arith.select %eq3A_460, %broadcast_in_dim3A_462, %broadcast_in_dim3A_457 : vector<64x1xi1>, vector<64x1xi32>
    %eq3A_464 = vector.broadcast %broadcast_in_dim3A_457 : vector<64x1xi32> to vector<64x10112xi32>
    %eq3A_465 = arith.cmpi eq, %iota3A_8, %eq3A_464 : vector<64x10112xi32>
    %jit3A_466 = arith.constant 0xFF800000 : f32
    %broadcast_in_dim3A_467 = vector.broadcast %jit3A_466 : f32 to vector<64x10112xf32>
    %select_n3A_468 = arith.select %eq3A_465, %broadcast_in_dim3A_467, %select_n3A_446 : vector<64x10112xi1>, vector<64x10112xf32>
    %reduce_max3A_469 = arith.constant dense<0xFF800000> : vector<64xf32>
    %reduce_max3A_470 = vector.multi_reduction <maximumf>, %select_n3A_468, %reduce_max3A_469 [1] : vector<64x10112xf32> to vector<64xf32>
    %broadcast_in_dim3A_471 = vector.shape_cast %reduce_max3A_470 : vector<64xf32> to vector<64x1xf32>
    %eq3A_472 = vector.broadcast %broadcast_in_dim3A_471 : vector<64x1xf32> to vector<64x10112xf32>
    %eq3A_473 = arith.cmpf oeq, %select_n3A_468, %eq3A_472 : vector<64x10112xf32>
    %jit3A_474 = arith.constant 10112 : i32
    %broadcast_in_dim3A_475 = vector.broadcast %jit3A_474 : i32 to vector<64x10112xi32>
    %select_n3A_476 = arith.select %eq3A_473, %iota3A_8, %broadcast_in_dim3A_475 : vector<64x10112xi1>, vector<64x10112xi32>
    %reduce_min3A_477 = arith.constant dense<2147483647> : vector<64xi32>
    %reduce_min3A_478 = vector.multi_reduction <minsi>, %select_n3A_476, %reduce_min3A_477 [1] : vector<64x10112xi32> to vector<64xi32>
    %broadcast_in_dim3A_479 = vector.shape_cast %reduce_min3A_478 : vector<64xi32> to vector<64x1xi32>
    %eq3A_480 = arith.constant 0xFF800000 : f32
    %eq3A_481 = vector.broadcast %eq3A_480 : f32 to vector<64x1xf32>
    %eq3A_482 = arith.cmpf oeq, %broadcast_in_dim3A_471, %eq3A_481 : vector<64x1xf32>
    %jit3A_483 = arith.constant 10000 : i32
    %broadcast_in_dim3A_484 = vector.broadcast %jit3A_483 : i32 to vector<64x1xi32>
    %select_n3A_485 = arith.select %eq3A_482, %broadcast_in_dim3A_484, %broadcast_in_dim3A_479 : vector<64x1xi1>, vector<64x1xi32>
    %eq3A_486 = vector.broadcast %broadcast_in_dim3A_479 : vector<64x1xi32> to vector<64x10112xi32>
    %eq3A_487 = arith.cmpi eq, %iota3A_8, %eq3A_486 : vector<64x10112xi32>
    %jit3A_488 = arith.constant 0xFF800000 : f32
    %broadcast_in_dim3A_489 = vector.broadcast %jit3A_488 : f32 to vector<64x10112xf32>
    %select_n3A_490 = arith.select %eq3A_487, %broadcast_in_dim3A_489, %select_n3A_468 : vector<64x10112xi1>, vector<64x10112xf32>
    %reduce_max3A_491 = arith.constant dense<0xFF800000> : vector<64xf32>
    %reduce_max3A_492 = vector.multi_reduction <maximumf>, %select_n3A_490, %reduce_max3A_491 [1] : vector<64x10112xf32> to vector<64xf32>
    %broadcast_in_dim3A_493 = vector.shape_cast %reduce_max3A_492 : vector<64xf32> to vector<64x1xf32>
    %eq3A_494 = vector.broadcast %broadcast_in_dim3A_493 : vector<64x1xf32> to vector<64x10112xf32>
    %eq3A_495 = arith.cmpf oeq, %select_n3A_490, %eq3A_494 : vector<64x10112xf32>
    %jit3A_496 = arith.constant 10112 : i32
    %broadcast_in_dim3A_497 = vector.broadcast %jit3A_496 : i32 to vector<64x10112xi32>
    %select_n3A_498 = arith.select %eq3A_495, %iota3A_8, %broadcast_in_dim3A_497 : vector<64x10112xi1>, vector<64x10112xi32>
    %reduce_min3A_499 = arith.constant dense<2147483647> : vector<64xi32>
    %reduce_min3A_500 = vector.multi_reduction <minsi>, %select_n3A_498, %reduce_min3A_499 [1] : vector<64x10112xi32> to vector<64xi32>
    %broadcast_in_dim3A_501 = vector.shape_cast %reduce_min3A_500 : vector<64xi32> to vector<64x1xi32>
    %eq3A_502 = arith.constant 0xFF800000 : f32
    %eq3A_503 = vector.broadcast %eq3A_502 : f32 to vector<64x1xf32>
    %eq3A_504 = arith.cmpf oeq, %broadcast_in_dim3A_493, %eq3A_503 : vector<64x1xf32>
    %jit3A_505 = arith.constant 10000 : i32
    %broadcast_in_dim3A_506 = vector.broadcast %jit3A_505 : i32 to vector<64x1xi32>
    %select_n3A_507 = arith.select %eq3A_504, %broadcast_in_dim3A_506, %broadcast_in_dim3A_501 : vector<64x1xi1>, vector<64x1xi32>
    %eq3A_508 = vector.broadcast %broadcast_in_dim3A_501 : vector<64x1xi32> to vector<64x10112xi32>
    %eq3A_509 = arith.cmpi eq, %iota3A_8, %eq3A_508 : vector<64x10112xi32>
    %jit3A_510 = arith.constant 0xFF800000 : f32
    %broadcast_in_dim3A_511 = vector.broadcast %jit3A_510 : f32 to vector<64x10112xf32>
    %select_n3A_512 = arith.select %eq3A_509, %broadcast_in_dim3A_511, %select_n3A_490 : vector<64x10112xi1>, vector<64x10112xf32>
    %reduce_max3A_513 = arith.constant dense<0xFF800000> : vector<64xf32>
    %reduce_max3A_514 = vector.multi_reduction <maximumf>, %select_n3A_512, %reduce_max3A_513 [1] : vector<64x10112xf32> to vector<64xf32>
    %broadcast_in_dim3A_515 = vector.shape_cast %reduce_max3A_514 : vector<64xf32> to vector<64x1xf32>
    %eq3A_516 = vector.broadcast %broadcast_in_dim3A_515 : vector<64x1xf32> to vector<64x10112xf32>
    %eq3A_517 = arith.cmpf oeq, %select_n3A_512, %eq3A_516 : vector<64x10112xf32>
    %jit3A_518 = arith.constant 10112 : i32
    %broadcast_in_dim3A_519 = vector.broadcast %jit3A_518 : i32 to vector<64x10112xi32>
    %select_n3A_520 = arith.select %eq3A_517, %iota3A_8, %broadcast_in_dim3A_519 : vector<64x10112xi1>, vector<64x10112xi32>
    %reduce_min3A_521 = arith.constant dense<2147483647> : vector<64xi32>
    %reduce_min3A_522 = vector.multi_reduction <minsi>, %select_n3A_520, %reduce_min3A_521 [1] : vector<64x10112xi32> to vector<64xi32>
    %broadcast_in_dim3A_523 = vector.shape_cast %reduce_min3A_522 : vector<64xi32> to vector<64x1xi32>
    %eq3A_524 = arith.constant 0xFF800000 : f32
    %eq3A_525 = vector.broadcast %eq3A_524 : f32 to vector<64x1xf32>
    %eq3A_526 = arith.cmpf oeq, %broadcast_in_dim3A_515, %eq3A_525 : vector<64x1xf32>
    %jit3A_527 = arith.constant 10000 : i32
    %broadcast_in_dim3A_528 = vector.broadcast %jit3A_527 : i32 to vector<64x1xi32>
    %select_n3A_529 = arith.select %eq3A_526, %broadcast_in_dim3A_528, %broadcast_in_dim3A_523 : vector<64x1xi1>, vector<64x1xi32>
    %eq3A_530 = vector.broadcast %broadcast_in_dim3A_523 : vector<64x1xi32> to vector<64x10112xi32>
    %eq3A_531 = arith.cmpi eq, %iota3A_8, %eq3A_530 : vector<64x10112xi32>
    %jit3A_532 = arith.constant 0xFF800000 : f32
    %broadcast_in_dim3A_533 = vector.broadcast %jit3A_532 : f32 to vector<64x10112xf32>
    %select_n3A_534 = arith.select %eq3A_531, %broadcast_in_dim3A_533, %select_n3A_512 : vector<64x10112xi1>, vector<64x10112xf32>
    %reduce_max3A_535 = arith.constant dense<0xFF800000> : vector<64xf32>
    %reduce_max3A_536 = vector.multi_reduction <maximumf>, %select_n3A_534, %reduce_max3A_535 [1] : vector<64x10112xf32> to vector<64xf32>
    %broadcast_in_dim3A_537 = vector.shape_cast %reduce_max3A_536 : vector<64xf32> to vector<64x1xf32>
    %eq3A_538 = vector.broadcast %broadcast_in_dim3A_537 : vector<64x1xf32> to vector<64x10112xf32>
    %eq3A_539 = arith.cmpf oeq, %select_n3A_534, %eq3A_538 : vector<64x10112xf32>
    %jit3A_540 = arith.constant 10112 : i32
    %broadcast_in_dim3A_541 = vector.broadcast %jit3A_540 : i32 to vector<64x10112xi32>
    %select_n3A_542 = arith.select %eq3A_539, %iota3A_8, %broadcast_in_dim3A_541 : vector<64x10112xi1>, vector<64x10112xi32>
    %reduce_min3A_543 = arith.constant dense<2147483647> : vector<64xi32>
    %reduce_min3A_544 = vector.multi_reduction <minsi>, %select_n3A_542, %reduce_min3A_543 [1] : vector<64x10112xi32> to vector<64xi32>
    %broadcast_in_dim3A_545 = vector.shape_cast %reduce_min3A_544 : vector<64xi32> to vector<64x1xi32>
    %eq3A_546 = arith.constant 0xFF800000 : f32
    %eq3A_547 = vector.broadcast %eq3A_546 : f32 to vector<64x1xf32>
    %eq3A_548 = arith.cmpf oeq, %broadcast_in_dim3A_537, %eq3A_547 : vector<64x1xf32>
    %jit3A_549 = arith.constant 10000 : i32
    %broadcast_in_dim3A_550 = vector.broadcast %jit3A_549 : i32 to vector<64x1xi32>
    %select_n3A_551 = arith.select %eq3A_548, %broadcast_in_dim3A_550, %broadcast_in_dim3A_545 : vector<64x1xi1>, vector<64x1xi32>
    %eq3A_552 = vector.broadcast %broadcast_in_dim3A_545 : vector<64x1xi32> to vector<64x10112xi32>
    %eq3A_553 = arith.cmpi eq, %iota3A_8, %eq3A_552 : vector<64x10112xi32>
    %jit3A_554 = arith.constant 0xFF800000 : f32
    %broadcast_in_dim3A_555 = vector.broadcast %jit3A_554 : f32 to vector<64x10112xf32>
    %select_n3A_556 = arith.select %eq3A_553, %broadcast_in_dim3A_555, %select_n3A_534 : vector<64x10112xi1>, vector<64x10112xf32>
    %reduce_max3A_557 = arith.constant dense<0xFF800000> : vector<64xf32>
    %reduce_max3A_558 = vector.multi_reduction <maximumf>, %select_n3A_556, %reduce_max3A_557 [1] : vector<64x10112xf32> to vector<64xf32>
    %broadcast_in_dim3A_559 = vector.shape_cast %reduce_max3A_558 : vector<64xf32> to vector<64x1xf32>
    %eq3A_560 = vector.broadcast %broadcast_in_dim3A_559 : vector<64x1xf32> to vector<64x10112xf32>
    %eq3A_561 = arith.cmpf oeq, %select_n3A_556, %eq3A_560 : vector<64x10112xf32>
    %jit3A_562 = arith.constant 10112 : i32
    %broadcast_in_dim3A_563 = vector.broadcast %jit3A_562 : i32 to vector<64x10112xi32>
    %select_n3A_564 = arith.select %eq3A_561, %iota3A_8, %broadcast_in_dim3A_563 : vector<64x10112xi1>, vector<64x10112xi32>
    %reduce_min3A_565 = arith.constant dense<2147483647> : vector<64xi32>
    %reduce_min3A_566 = vector.multi_reduction <minsi>, %select_n3A_564, %reduce_min3A_565 [1] : vector<64x10112xi32> to vector<64xi32>
    %broadcast_in_dim3A_567 = vector.shape_cast %reduce_min3A_566 : vector<64xi32> to vector<64x1xi32>
    %eq3A_568 = arith.constant 0xFF800000 : f32
    %eq3A_569 = vector.broadcast %eq3A_568 : f32 to vector<64x1xf32>
    %eq3A_570 = arith.cmpf oeq, %broadcast_in_dim3A_559, %eq3A_569 : vector<64x1xf32>
    %jit3A_571 = arith.constant 10000 : i32
    %broadcast_in_dim3A_572 = vector.broadcast %jit3A_571 : i32 to vector<64x1xi32>
    %select_n3A_573 = arith.select %eq3A_570, %broadcast_in_dim3A_572, %broadcast_in_dim3A_567 : vector<64x1xi1>, vector<64x1xi32>
    %eq3A_574 = vector.broadcast %broadcast_in_dim3A_567 : vector<64x1xi32> to vector<64x10112xi32>
    %eq3A_575 = arith.cmpi eq, %iota3A_8, %eq3A_574 : vector<64x10112xi32>
    %jit3A_576 = arith.constant 0xFF800000 : f32
    %broadcast_in_dim3A_577 = vector.broadcast %jit3A_576 : f32 to vector<64x10112xf32>
    %select_n3A_578 = arith.select %eq3A_575, %broadcast_in_dim3A_577, %select_n3A_556 : vector<64x10112xi1>, vector<64x10112xf32>
    %reduce_max3A_579 = arith.constant dense<0xFF800000> : vector<64xf32>
    %reduce_max3A_580 = vector.multi_reduction <maximumf>, %select_n3A_578, %reduce_max3A_579 [1] : vector<64x10112xf32> to vector<64xf32>
    %broadcast_in_dim3A_581 = vector.shape_cast %reduce_max3A_580 : vector<64xf32> to vector<64x1xf32>
    %eq3A_582 = vector.broadcast %broadcast_in_dim3A_581 : vector<64x1xf32> to vector<64x10112xf32>
    %eq3A_583 = arith.cmpf oeq, %select_n3A_578, %eq3A_582 : vector<64x10112xf32>
    %jit3A_584 = arith.constant 10112 : i32
    %broadcast_in_dim3A_585 = vector.broadcast %jit3A_584 : i32 to vector<64x10112xi32>
    %select_n3A_586 = arith.select %eq3A_583, %iota3A_8, %broadcast_in_dim3A_585 : vector<64x10112xi1>, vector<64x10112xi32>
    %reduce_min3A_587 = arith.constant dense<2147483647> : vector<64xi32>
    %reduce_min3A_588 = vector.multi_reduction <minsi>, %select_n3A_586, %reduce_min3A_587 [1] : vector<64x10112xi32> to vector<64xi32>
    %broadcast_in_dim3A_589 = vector.shape_cast %reduce_min3A_588 : vector<64xi32> to vector<64x1xi32>
    %eq3A_590 = arith.constant 0xFF800000 : f32
    %eq3A_591 = vector.broadcast %eq3A_590 : f32 to vector<64x1xf32>
    %eq3A_592 = arith.cmpf oeq, %broadcast_in_dim3A_581, %eq3A_591 : vector<64x1xf32>
    %jit3A_593 = arith.constant 10000 : i32
    %broadcast_in_dim3A_594 = vector.broadcast %jit3A_593 : i32 to vector<64x1xi32>
    %select_n3A_595 = arith.select %eq3A_592, %broadcast_in_dim3A_594, %broadcast_in_dim3A_589 : vector<64x1xi1>, vector<64x1xi32>
    %eq3A_596 = vector.broadcast %broadcast_in_dim3A_589 : vector<64x1xi32> to vector<64x10112xi32>
    %eq3A_597 = arith.cmpi eq, %iota3A_8, %eq3A_596 : vector<64x10112xi32>
    %jit3A_598 = arith.constant 0xFF800000 : f32
    %broadcast_in_dim3A_599 = vector.broadcast %jit3A_598 : f32 to vector<64x10112xf32>
    %select_n3A_600 = arith.select %eq3A_597, %broadcast_in_dim3A_599, %select_n3A_578 : vector<64x10112xi1>, vector<64x10112xf32>
    %reduce_max3A_601 = arith.constant dense<0xFF800000> : vector<64xf32>
    %reduce_max3A_602 = vector.multi_reduction <maximumf>, %select_n3A_600, %reduce_max3A_601 [1] : vector<64x10112xf32> to vector<64xf32>
    %broadcast_in_dim3A_603 = vector.shape_cast %reduce_max3A_602 : vector<64xf32> to vector<64x1xf32>
    %eq3A_604 = vector.broadcast %broadcast_in_dim3A_603 : vector<64x1xf32> to vector<64x10112xf32>
    %eq3A_605 = arith.cmpf oeq, %select_n3A_600, %eq3A_604 : vector<64x10112xf32>
    %jit3A_606 = arith.constant 10112 : i32
    %broadcast_in_dim3A_607 = vector.broadcast %jit3A_606 : i32 to vector<64x10112xi32>
    %select_n3A_608 = arith.select %eq3A_605, %iota3A_8, %broadcast_in_dim3A_607 : vector<64x10112xi1>, vector<64x10112xi32>
    %reduce_min3A_609 = arith.constant dense<2147483647> : vector<64xi32>
    %reduce_min3A_610 = vector.multi_reduction <minsi>, %select_n3A_608, %reduce_min3A_609 [1] : vector<64x10112xi32> to vector<64xi32>
    %broadcast_in_dim3A_611 = vector.shape_cast %reduce_min3A_610 : vector<64xi32> to vector<64x1xi32>
    %eq3A_612 = arith.constant 0xFF800000 : f32
    %eq3A_613 = vector.broadcast %eq3A_612 : f32 to vector<64x1xf32>
    %eq3A_614 = arith.cmpf oeq, %broadcast_in_dim3A_603, %eq3A_613 : vector<64x1xf32>
    %jit3A_615 = arith.constant 10000 : i32
    %broadcast_in_dim3A_616 = vector.broadcast %jit3A_615 : i32 to vector<64x1xi32>
    %select_n3A_617 = arith.select %eq3A_614, %broadcast_in_dim3A_616, %broadcast_in_dim3A_611 : vector<64x1xi1>, vector<64x1xi32>
    %eq3A_618 = vector.broadcast %broadcast_in_dim3A_611 : vector<64x1xi32> to vector<64x10112xi32>
    %eq3A_619 = arith.cmpi eq, %iota3A_8, %eq3A_618 : vector<64x10112xi32>
    %jit3A_620 = arith.constant 0xFF800000 : f32
    %broadcast_in_dim3A_621 = vector.broadcast %jit3A_620 : f32 to vector<64x10112xf32>
    %select_n3A_622 = arith.select %eq3A_619, %broadcast_in_dim3A_621, %select_n3A_600 : vector<64x10112xi1>, vector<64x10112xf32>
    %reduce_max3A_623 = arith.constant dense<0xFF800000> : vector<64xf32>
    %reduce_max3A_624 = vector.multi_reduction <maximumf>, %select_n3A_622, %reduce_max3A_623 [1] : vector<64x10112xf32> to vector<64xf32>
    %broadcast_in_dim3A_625 = vector.shape_cast %reduce_max3A_624 : vector<64xf32> to vector<64x1xf32>
    %eq3A_626 = vector.broadcast %broadcast_in_dim3A_625 : vector<64x1xf32> to vector<64x10112xf32>
    %eq3A_627 = arith.cmpf oeq, %select_n3A_622, %eq3A_626 : vector<64x10112xf32>
    %jit3A_628 = arith.constant 10112 : i32
    %broadcast_in_dim3A_629 = vector.broadcast %jit3A_628 : i32 to vector<64x10112xi32>
    %select_n3A_630 = arith.select %eq3A_627, %iota3A_8, %broadcast_in_dim3A_629 : vector<64x10112xi1>, vector<64x10112xi32>
    %reduce_min3A_631 = arith.constant dense<2147483647> : vector<64xi32>
    %reduce_min3A_632 = vector.multi_reduction <minsi>, %select_n3A_630, %reduce_min3A_631 [1] : vector<64x10112xi32> to vector<64xi32>
    %broadcast_in_dim3A_633 = vector.shape_cast %reduce_min3A_632 : vector<64xi32> to vector<64x1xi32>
    %eq3A_634 = arith.constant 0xFF800000 : f32
    %eq3A_635 = vector.broadcast %eq3A_634 : f32 to vector<64x1xf32>
    %eq3A_636 = arith.cmpf oeq, %broadcast_in_dim3A_625, %eq3A_635 : vector<64x1xf32>
    %jit3A_637 = arith.constant 10000 : i32
    %broadcast_in_dim3A_638 = vector.broadcast %jit3A_637 : i32 to vector<64x1xi32>
    %select_n3A_639 = arith.select %eq3A_636, %broadcast_in_dim3A_638, %broadcast_in_dim3A_633 : vector<64x1xi1>, vector<64x1xi32>
    %eq3A_640 = vector.broadcast %broadcast_in_dim3A_633 : vector<64x1xi32> to vector<64x10112xi32>
    %eq3A_641 = arith.cmpi eq, %iota3A_8, %eq3A_640 : vector<64x10112xi32>
    %jit3A_642 = arith.constant 0xFF800000 : f32
    %broadcast_in_dim3A_643 = vector.broadcast %jit3A_642 : f32 to vector<64x10112xf32>
    %select_n3A_644 = arith.select %eq3A_641, %broadcast_in_dim3A_643, %select_n3A_622 : vector<64x10112xi1>, vector<64x10112xf32>
    %reduce_max3A_645 = arith.constant dense<0xFF800000> : vector<64xf32>
    %reduce_max3A_646 = vector.multi_reduction <maximumf>, %select_n3A_644, %reduce_max3A_645 [1] : vector<64x10112xf32> to vector<64xf32>
    %broadcast_in_dim3A_647 = vector.shape_cast %reduce_max3A_646 : vector<64xf32> to vector<64x1xf32>
    %eq3A_648 = vector.broadcast %broadcast_in_dim3A_647 : vector<64x1xf32> to vector<64x10112xf32>
    %eq3A_649 = arith.cmpf oeq, %select_n3A_644, %eq3A_648 : vector<64x10112xf32>
    %jit3A_650 = arith.constant 10112 : i32
    %broadcast_in_dim3A_651 = vector.broadcast %jit3A_650 : i32 to vector<64x10112xi32>
    %select_n3A_652 = arith.select %eq3A_649, %iota3A_8, %broadcast_in_dim3A_651 : vector<64x10112xi1>, vector<64x10112xi32>
    %reduce_min3A_653 = arith.constant dense<2147483647> : vector<64xi32>
    %reduce_min3A_654 = vector.multi_reduction <minsi>, %select_n3A_652, %reduce_min3A_653 [1] : vector<64x10112xi32> to vector<64xi32>
    %broadcast_in_dim3A_655 = vector.shape_cast %reduce_min3A_654 : vector<64xi32> to vector<64x1xi32>
    %eq3A_656 = arith.constant 0xFF800000 : f32
    %eq3A_657 = vector.broadcast %eq3A_656 : f32 to vector<64x1xf32>
    %eq3A_658 = arith.cmpf oeq, %broadcast_in_dim3A_647, %eq3A_657 : vector<64x1xf32>
    %jit3A_659 = arith.constant 10000 : i32
    %broadcast_in_dim3A_660 = vector.broadcast %jit3A_659 : i32 to vector<64x1xi32>
    %select_n3A_661 = arith.select %eq3A_658, %broadcast_in_dim3A_660, %broadcast_in_dim3A_655 : vector<64x1xi1>, vector<64x1xi32>
    %concatenate3A = tpu.concatenate %select_n3A_23, %select_n3A_45, %select_n3A_67, %select_n3A_89, %select_n3A_111, %select_n3A_133, %select_n3A_155, %select_n3A_177, %select_n3A_199, %select_n3A_221, %select_n3A_243, %select_n3A_265, %select_n3A_287, %select_n3A_309, %select_n3A_331, %select_n3A_353, %select_n3A_375, %select_n3A_397, %select_n3A_419, %select_n3A_441, %select_n3A_463, %select_n3A_485, %select_n3A_507, %select_n3A_529, %select_n3A_551, %select_n3A_573, %select_n3A_595, %select_n3A_617, %select_n3A_639, %select_n3A_661 in 1 : vector<64x1xi32>, vector<64x1xi32>, vector<64x1xi32>, vector<64x1xi32>, vector<64x1xi32>, vector<64x1xi32>, vector<64x1xi32>, vector<64x1xi32>, vector<64x1xi32>, vector<64x1xi32>, vector<64x1xi32>, vector<64x1xi32>, vector<64x1xi32>, vector<64x1xi32>, vector<64x1xi32>, vector<64x1xi32>, vector<64x1xi32>, vector<64x1xi32>, vector<64x1xi32>, vector<64x1xi32>, vector<64x1xi32>, vector<64x1xi32>, vector<64x1xi32>, vector<64x1xi32>, vector<64x1xi32>, vector<64x1xi32>, vector<64x1xi32>, vector<64x1xi32>, vector<64x1xi32>, vector<64x1xi32> -> vector<64x30xi32>
    %swap3A = arith.constant 0 : index
    %swap3A_662 = arith.constant 0 : index
    %swap3A_663 = vector.load %arg2[%swap3A, %swap3A_662] : memref<64x30xi32, #tpu.memory_space<vmem>>, vector<64x30xi32>
    tpu.vector_store %arg2[%swap3A, %swap3A_662], %concatenate3A {strides = array<i32>} : memref<64x30xi32, #tpu.memory_space<vmem>>, vector<64x30xi32>,
    return
  }
}

module attributes {stable_mosaic.version = 14 : i64} {
  func.func @_head_body(%arg0: memref<2048x104xf32, #tpu.memory_space<vmem>>, %arg1: memref<16x1x97xf32, #tpu.memory_space<vmem>>, %arg2: memref<16xf32, #tpu.memory_space<vmem>>, %arg3: memref<32x16x5xf32, #tpu.memory_space<vmem>>, %arg4: memref<32xf32, #tpu.memory_space<vmem>>, %arg5: memref<11x32x128xf32, #tpu.memory_space<vmem>>, %arg6: memref<128xf32, #tpu.memory_space<vmem>>, %arg7: memref<128x2xf32, #tpu.memory_space<vmem>>, %arg8: memref<2xf32, #tpu.memory_space<vmem>>, %arg9: memref<64x2xf32, #tpu.memory_space<vmem>>, %arg10: memref<64x2xf32, #tpu.memory_space<vmem>>, %arg11: memref<1x1xf32, #tpu.memory_space<vmem>>) attributes {dimension_semantics = [], scalar_prefetch = 0 : i64, scratch_operands = 0 : i64, tpu.core_type = #tpu.core_type<tc>} {
    %get3A = arith.constant 0 : index
    %get3A_0 = arith.constant 0 : index
    %get3A_1 = vector.load %arg0[%get3A, %get3A_0] : memref<2048x104xf32, #tpu.memory_space<vmem>>, vector<2048x104xf32>
    %slice3A = vector.extract_strided_slice %get3A_1 {offsets = [0, 0], sizes = [1920, 97], strides = [1, 1]} : vector<2048x104xf32> to vector<1920x97xf32>
    %get3A_2 = arith.constant 0 : index
    %get3A_3 = arith.constant 0 : index
    %get3A_4 = arith.constant 0 : index
    %get3A_5 = vector.load %arg1[%get3A_2, %get3A_3, %get3A_4] : memref<16x1x97xf32, #tpu.memory_space<vmem>>, vector<16x1x97xf32>
    %squeeze3A = vector.shape_cast %get3A_5 : vector<16x1x97xf32> to vector<16x97xf32>
    %transpose3A = tpu.transpose %squeeze3A, [1, 0] : vector<16x97xf32> -> vector<97x16xf32>
    %dot_general3A = arith.constant dense<0.000000e+00> : vector<1920x16xf32>
    %dot_general3A_6 = tpu.matmul %slice3A, %transpose3A, %dot_general3A {dimension_numbers = #tpu.dot_dimension_numbers<[1], [0], [0], [1], [0, 0, 1, 1], [], []>, transpose_lhs_hint = false} : vector<1920x97xf32>, vector<97x16xf32>, vector<1920x16xf32> -> vector<1920x16xf32>
    %get3A_7 = arith.constant 0 : index
    %get3A_8 = vector.load %arg2[%get3A_7] : memref<16xf32, #tpu.memory_space<vmem>>, vector<16xf32>
    %broadcast_in_dim3A = vector.shape_cast %get3A_8 : vector<16xf32> to vector<1x16xf32>
    %add3A = vector.broadcast %broadcast_in_dim3A : vector<1x16xf32> to vector<1920x16xf32>
    %add3A_9 = arith.addf %dot_general3A_6, %add3A : vector<1920x16xf32>
    %max3A = arith.constant 0.000000e+00 : f32
    %max3A_10 = vector.broadcast %max3A : f32 to vector<1920x16xf32>
    %max3A_11 = arith.maximumf %add3A_9, %max3A_10 : vector<1920x16xf32>
    %reshape3A = vector.shape_cast %max3A_11 : vector<1920x16xf32> to vector<64x15x2x16xf32>
    %reduce_max3A = arith.constant dense<0xFF800000> : vector<64x15x16xf32>
    %reduce_max3A_12 = vector.multi_reduction <maximumf>, %reshape3A, %reduce_max3A [2] : vector<64x15x2x16xf32> to vector<64x15x16xf32>
    %broadcast_in_dim3A_13 = arith.constant 0.000000e+00 : f32
    %broadcast_in_dim3A_14 = vector.broadcast %broadcast_in_dim3A_13 : f32 to vector<704x32xf32>
    %get3A_15 = arith.constant 0 : index
    %get3A_16 = arith.constant 0 : index
    %get3A_17 = arith.constant 0 : index
    %get3A_18 = vector.load %arg3[%get3A_15, %get3A_16, %get3A_17] : memref<32x16x5xf32, #tpu.memory_space<vmem>>, vector<32x16x5xf32>
    %slice3A_19 = vector.extract_strided_slice %reduce_max3A_12 {offsets = [0, 0, 0], sizes = [64, 11, 16], strides = [1, 1, 1]} : vector<64x15x16xf32> to vector<64x11x16xf32>
    %reshape3A_20 = vector.shape_cast %slice3A_19 : vector<64x11x16xf32> to vector<704x16xf32>
    %slice3A_21 = vector.extract_strided_slice %get3A_18 {offsets = [0, 0, 0], sizes = [32, 16, 1], strides = [1, 1, 1]} : vector<32x16x5xf32> to vector<32x16x1xf32>
    %squeeze3A_22 = vector.shape_cast %slice3A_21 : vector<32x16x1xf32> to vector<32x16xf32>
    %transpose3A_23 = tpu.transpose %squeeze3A_22, [1, 0] : vector<32x16xf32> -> vector<16x32xf32>
    %dot_general3A_24 = arith.constant dense<0.000000e+00> : vector<704x32xf32>
    %dot_general3A_25 = tpu.matmul %reshape3A_20, %transpose3A_23, %dot_general3A_24 {dimension_numbers = #tpu.dot_dimension_numbers<[1], [0], [0], [1], [0, 0, 1, 1], [], []>, transpose_lhs_hint = false} : vector<704x16xf32>, vector<16x32xf32>, vector<704x32xf32> -> vector<704x32xf32>
    %add3A_26 = arith.addf %broadcast_in_dim3A_14, %dot_general3A_25 : vector<704x32xf32>
    %slice3A_27 = vector.extract_strided_slice %reduce_max3A_12 {offsets = [0, 1, 0], sizes = [64, 11, 16], strides = [1, 1, 1]} : vector<64x15x16xf32> to vector<64x11x16xf32>
    %reshape3A_28 = vector.shape_cast %slice3A_27 : vector<64x11x16xf32> to vector<704x16xf32>
    %slice3A_29 = vector.extract_strided_slice %get3A_18 {offsets = [0, 0, 1], sizes = [32, 16, 1], strides = [1, 1, 1]} : vector<32x16x5xf32> to vector<32x16x1xf32>
    %squeeze3A_30 = vector.shape_cast %slice3A_29 : vector<32x16x1xf32> to vector<32x16xf32>
    %transpose3A_31 = tpu.transpose %squeeze3A_30, [1, 0] : vector<32x16xf32> -> vector<16x32xf32>
    %dot_general3A_32 = arith.constant dense<0.000000e+00> : vector<704x32xf32>
    %dot_general3A_33 = tpu.matmul %reshape3A_28, %transpose3A_31, %dot_general3A_32 {dimension_numbers = #tpu.dot_dimension_numbers<[1], [0], [0], [1], [0, 0, 1, 1], [], []>, transpose_lhs_hint = false} : vector<704x16xf32>, vector<16x32xf32>, vector<704x32xf32> -> vector<704x32xf32>
    %add3A_34 = arith.addf %add3A_26, %dot_general3A_33 : vector<704x32xf32>
    %slice3A_35 = vector.extract_strided_slice %reduce_max3A_12 {offsets = [0, 2, 0], sizes = [64, 11, 16], strides = [1, 1, 1]} : vector<64x15x16xf32> to vector<64x11x16xf32>
    %reshape3A_36 = vector.shape_cast %slice3A_35 : vector<64x11x16xf32> to vector<704x16xf32>
    %slice3A_37 = vector.extract_strided_slice %get3A_18 {offsets = [0, 0, 2], sizes = [32, 16, 1], strides = [1, 1, 1]} : vector<32x16x5xf32> to vector<32x16x1xf32>
    %squeeze3A_38 = vector.shape_cast %slice3A_37 : vector<32x16x1xf32> to vector<32x16xf32>
    %transpose3A_39 = tpu.transpose %squeeze3A_38, [1, 0] : vector<32x16xf32> -> vector<16x32xf32>
    %dot_general3A_40 = arith.constant dense<0.000000e+00> : vector<704x32xf32>
    %dot_general3A_41 = tpu.matmul %reshape3A_36, %transpose3A_39, %dot_general3A_40 {dimension_numbers = #tpu.dot_dimension_numbers<[1], [0], [0], [1], [0, 0, 1, 1], [], []>, transpose_lhs_hint = false} : vector<704x16xf32>, vector<16x32xf32>, vector<704x32xf32> -> vector<704x32xf32>
    %add3A_42 = arith.addf %add3A_34, %dot_general3A_41 : vector<704x32xf32>
    %slice3A_43 = vector.extract_strided_slice %reduce_max3A_12 {offsets = [0, 3, 0], sizes = [64, 11, 16], strides = [1, 1, 1]} : vector<64x15x16xf32> to vector<64x11x16xf32>
    %reshape3A_44 = vector.shape_cast %slice3A_43 : vector<64x11x16xf32> to vector<704x16xf32>
    %slice3A_45 = vector.extract_strided_slice %get3A_18 {offsets = [0, 0, 3], sizes = [32, 16, 1], strides = [1, 1, 1]} : vector<32x16x5xf32> to vector<32x16x1xf32>
    %squeeze3A_46 = vector.shape_cast %slice3A_45 : vector<32x16x1xf32> to vector<32x16xf32>
    %transpose3A_47 = tpu.transpose %squeeze3A_46, [1, 0] : vector<32x16xf32> -> vector<16x32xf32>
    %dot_general3A_48 = arith.constant dense<0.000000e+00> : vector<704x32xf32>
    %dot_general3A_49 = tpu.matmul %reshape3A_44, %transpose3A_47, %dot_general3A_48 {dimension_numbers = #tpu.dot_dimension_numbers<[1], [0], [0], [1], [0, 0, 1, 1], [], []>, transpose_lhs_hint = false} : vector<704x16xf32>, vector<16x32xf32>, vector<704x32xf32> -> vector<704x32xf32>
    %add3A_50 = arith.addf %add3A_42, %dot_general3A_49 : vector<704x32xf32>
    %slice3A_51 = vector.extract_strided_slice %reduce_max3A_12 {offsets = [0, 4, 0], sizes = [64, 11, 16], strides = [1, 1, 1]} : vector<64x15x16xf32> to vector<64x11x16xf32>
    %reshape3A_52 = vector.shape_cast %slice3A_51 : vector<64x11x16xf32> to vector<704x16xf32>
    %slice3A_53 = vector.extract_strided_slice %get3A_18 {offsets = [0, 0, 4], sizes = [32, 16, 1], strides = [1, 1, 1]} : vector<32x16x5xf32> to vector<32x16x1xf32>
    %squeeze3A_54 = vector.shape_cast %slice3A_53 : vector<32x16x1xf32> to vector<32x16xf32>
    %transpose3A_55 = tpu.transpose %squeeze3A_54, [1, 0] : vector<32x16xf32> -> vector<16x32xf32>
    %dot_general3A_56 = arith.constant dense<0.000000e+00> : vector<704x32xf32>
    %dot_general3A_57 = tpu.matmul %reshape3A_52, %transpose3A_55, %dot_general3A_56 {dimension_numbers = #tpu.dot_dimension_numbers<[1], [0], [0], [1], [0, 0, 1, 1], [], []>, transpose_lhs_hint = false} : vector<704x16xf32>, vector<16x32xf32>, vector<704x32xf32> -> vector<704x32xf32>
    %add3A_58 = arith.addf %add3A_50, %dot_general3A_57 : vector<704x32xf32>
    %get3A_59 = arith.constant 0 : index
    %get3A_60 = vector.load %arg4[%get3A_59] : memref<32xf32, #tpu.memory_space<vmem>>, vector<32xf32>
    %broadcast_in_dim3A_61 = vector.shape_cast %get3A_60 : vector<32xf32> to vector<1x32xf32>
    %add3A_62 = vector.broadcast %broadcast_in_dim3A_61 : vector<1x32xf32> to vector<704x32xf32>
    %add3A_63 = arith.addf %add3A_58, %add3A_62 : vector<704x32xf32>
    %max3A_64 = arith.constant 0.000000e+00 : f32
    %max3A_65 = vector.broadcast %max3A_64 : f32 to vector<704x32xf32>
    %max3A_66 = arith.maximumf %add3A_63, %max3A_65 : vector<704x32xf32>
    %reshape3A_67 = vector.shape_cast %max3A_66 : vector<704x32xf32> to vector<64x11x32xf32>
    %broadcast_in_dim3A_68 = arith.constant 0.000000e+00 : f32
    %broadcast_in_dim3A_69 = vector.broadcast %broadcast_in_dim3A_68 : f32 to vector<64x128xf32>
    %get3A_70 = arith.constant 0 : index
    %get3A_71 = vector.load %arg6[%get3A_70] : memref<128xf32, #tpu.memory_space<vmem>>, vector<128xf32>
    %broadcast_in_dim3A_72 = vector.shape_cast %get3A_71 : vector<128xf32> to vector<1x128xf32>
    %add3A_73 = vector.broadcast %broadcast_in_dim3A_72 : vector<1x128xf32> to vector<64x128xf32>
    %add3A_74 = arith.addf %broadcast_in_dim3A_69, %add3A_73 : vector<64x128xf32>
    %slice3A_75 = vector.extract_strided_slice %reshape3A_67 {offsets = [0, 0, 0], sizes = [64, 1, 32], strides = [1, 1, 1]} : vector<64x11x32xf32> to vector<64x1x32xf32>
    %squeeze3A_76 = vector.shape_cast %slice3A_75 : vector<64x1x32xf32> to vector<64x32xf32>
    %get3A_77 = arith.constant 0 : index
    %get3A_78 = arith.constant 0 : index
    %get3A_79 = arith.constant 0 : index
    %get3A_80 = vector.load %arg5[%get3A_77, %get3A_78, %get3A_79] : memref<11x32x128xf32, #tpu.memory_space<vmem>>, vector<1x32x128xf32>
    %get3A_81 = vector.shape_cast %get3A_80 : vector<1x32x128xf32> to vector<32x128xf32>
    %dot_general3A_82 = arith.constant dense<0.000000e+00> : vector<64x128xf32>
    %dot_general3A_83 = tpu.matmul %squeeze3A_76, %get3A_81, %dot_general3A_82 {dimension_numbers = #tpu.dot_dimension_numbers<[1], [0], [0], [1], [0, 0, 1, 1], [], []>, transpose_lhs_hint = false} : vector<64x32xf32>, vector<32x128xf32>, vector<64x128xf32> -> vector<64x128xf32>
    %add3A_84 = arith.addf %add3A_74, %dot_general3A_83 : vector<64x128xf32>
    %slice3A_85 = vector.extract_strided_slice %reshape3A_67 {offsets = [0, 1, 0], sizes = [64, 1, 32], strides = [1, 1, 1]} : vector<64x11x32xf32> to vector<64x1x32xf32>
    %squeeze3A_86 = vector.shape_cast %slice3A_85 : vector<64x1x32xf32> to vector<64x32xf32>
    %get3A_87 = arith.constant 1 : index
    %get3A_88 = arith.constant 0 : index
    %get3A_89 = arith.constant 0 : index
    %get3A_90 = vector.load %arg5[%get3A_87, %get3A_88, %get3A_89] : memref<11x32x128xf32, #tpu.memory_space<vmem>>, vector<1x32x128xf32>
    %get3A_91 = vector.shape_cast %get3A_90 : vector<1x32x128xf32> to vector<32x128xf32>
    %dot_general3A_92 = arith.constant dense<0.000000e+00> : vector<64x128xf32>
    %dot_general3A_93 = tpu.matmul %squeeze3A_86, %get3A_91, %dot_general3A_92 {dimension_numbers = #tpu.dot_dimension_numbers<[1], [0], [0], [1], [0, 0, 1, 1], [], []>, transpose_lhs_hint = false} : vector<64x32xf32>, vector<32x128xf32>, vector<64x128xf32> -> vector<64x128xf32>
    %add3A_94 = arith.addf %add3A_84, %dot_general3A_93 : vector<64x128xf32>
    %slice3A_95 = vector.extract_strided_slice %reshape3A_67 {offsets = [0, 2, 0], sizes = [64, 1, 32], strides = [1, 1, 1]} : vector<64x11x32xf32> to vector<64x1x32xf32>
    %squeeze3A_96 = vector.shape_cast %slice3A_95 : vector<64x1x32xf32> to vector<64x32xf32>
    %get3A_97 = arith.constant 2 : index
    %get3A_98 = arith.constant 0 : index
    %get3A_99 = arith.constant 0 : index
    %get3A_100 = vector.load %arg5[%get3A_97, %get3A_98, %get3A_99] : memref<11x32x128xf32, #tpu.memory_space<vmem>>, vector<1x32x128xf32>
    %get3A_101 = vector.shape_cast %get3A_100 : vector<1x32x128xf32> to vector<32x128xf32>
    %dot_general3A_102 = arith.constant dense<0.000000e+00> : vector<64x128xf32>
    %dot_general3A_103 = tpu.matmul %squeeze3A_96, %get3A_101, %dot_general3A_102 {dimension_numbers = #tpu.dot_dimension_numbers<[1], [0], [0], [1], [0, 0, 1, 1], [], []>, transpose_lhs_hint = false} : vector<64x32xf32>, vector<32x128xf32>, vector<64x128xf32> -> vector<64x128xf32>
    %add3A_104 = arith.addf %add3A_94, %dot_general3A_103 : vector<64x128xf32>
    %slice3A_105 = vector.extract_strided_slice %reshape3A_67 {offsets = [0, 3, 0], sizes = [64, 1, 32], strides = [1, 1, 1]} : vector<64x11x32xf32> to vector<64x1x32xf32>
    %squeeze3A_106 = vector.shape_cast %slice3A_105 : vector<64x1x32xf32> to vector<64x32xf32>
    %get3A_107 = arith.constant 3 : index
    %get3A_108 = arith.constant 0 : index
    %get3A_109 = arith.constant 0 : index
    %get3A_110 = vector.load %arg5[%get3A_107, %get3A_108, %get3A_109] : memref<11x32x128xf32, #tpu.memory_space<vmem>>, vector<1x32x128xf32>
    %get3A_111 = vector.shape_cast %get3A_110 : vector<1x32x128xf32> to vector<32x128xf32>
    %dot_general3A_112 = arith.constant dense<0.000000e+00> : vector<64x128xf32>
    %dot_general3A_113 = tpu.matmul %squeeze3A_106, %get3A_111, %dot_general3A_112 {dimension_numbers = #tpu.dot_dimension_numbers<[1], [0], [0], [1], [0, 0, 1, 1], [], []>, transpose_lhs_hint = false} : vector<64x32xf32>, vector<32x128xf32>, vector<64x128xf32> -> vector<64x128xf32>
    %add3A_114 = arith.addf %add3A_104, %dot_general3A_113 : vector<64x128xf32>
    %slice3A_115 = vector.extract_strided_slice %reshape3A_67 {offsets = [0, 4, 0], sizes = [64, 1, 32], strides = [1, 1, 1]} : vector<64x11x32xf32> to vector<64x1x32xf32>
    %squeeze3A_116 = vector.shape_cast %slice3A_115 : vector<64x1x32xf32> to vector<64x32xf32>
    %get3A_117 = arith.constant 4 : index
    %get3A_118 = arith.constant 0 : index
    %get3A_119 = arith.constant 0 : index
    %get3A_120 = vector.load %arg5[%get3A_117, %get3A_118, %get3A_119] : memref<11x32x128xf32, #tpu.memory_space<vmem>>, vector<1x32x128xf32>
    %get3A_121 = vector.shape_cast %get3A_120 : vector<1x32x128xf32> to vector<32x128xf32>
    %dot_general3A_122 = arith.constant dense<0.000000e+00> : vector<64x128xf32>
    %dot_general3A_123 = tpu.matmul %squeeze3A_116, %get3A_121, %dot_general3A_122 {dimension_numbers = #tpu.dot_dimension_numbers<[1], [0], [0], [1], [0, 0, 1, 1], [], []>, transpose_lhs_hint = false} : vector<64x32xf32>, vector<32x128xf32>, vector<64x128xf32> -> vector<64x128xf32>
    %add3A_124 = arith.addf %add3A_114, %dot_general3A_123 : vector<64x128xf32>
    %slice3A_125 = vector.extract_strided_slice %reshape3A_67 {offsets = [0, 5, 0], sizes = [64, 1, 32], strides = [1, 1, 1]} : vector<64x11x32xf32> to vector<64x1x32xf32>
    %squeeze3A_126 = vector.shape_cast %slice3A_125 : vector<64x1x32xf32> to vector<64x32xf32>
    %get3A_127 = arith.constant 5 : index
    %get3A_128 = arith.constant 0 : index
    %get3A_129 = arith.constant 0 : index
    %get3A_130 = vector.load %arg5[%get3A_127, %get3A_128, %get3A_129] : memref<11x32x128xf32, #tpu.memory_space<vmem>>, vector<1x32x128xf32>
    %get3A_131 = vector.shape_cast %get3A_130 : vector<1x32x128xf32> to vector<32x128xf32>
    %dot_general3A_132 = arith.constant dense<0.000000e+00> : vector<64x128xf32>
    %dot_general3A_133 = tpu.matmul %squeeze3A_126, %get3A_131, %dot_general3A_132 {dimension_numbers = #tpu.dot_dimension_numbers<[1], [0], [0], [1], [0, 0, 1, 1], [], []>, transpose_lhs_hint = false} : vector<64x32xf32>, vector<32x128xf32>, vector<64x128xf32> -> vector<64x128xf32>
    %add3A_134 = arith.addf %add3A_124, %dot_general3A_133 : vector<64x128xf32>
    %slice3A_135 = vector.extract_strided_slice %reshape3A_67 {offsets = [0, 6, 0], sizes = [64, 1, 32], strides = [1, 1, 1]} : vector<64x11x32xf32> to vector<64x1x32xf32>
    %squeeze3A_136 = vector.shape_cast %slice3A_135 : vector<64x1x32xf32> to vector<64x32xf32>
    %get3A_137 = arith.constant 6 : index
    %get3A_138 = arith.constant 0 : index
    %get3A_139 = arith.constant 0 : index
    %get3A_140 = vector.load %arg5[%get3A_137, %get3A_138, %get3A_139] : memref<11x32x128xf32, #tpu.memory_space<vmem>>, vector<1x32x128xf32>
    %get3A_141 = vector.shape_cast %get3A_140 : vector<1x32x128xf32> to vector<32x128xf32>
    %dot_general3A_142 = arith.constant dense<0.000000e+00> : vector<64x128xf32>
    %dot_general3A_143 = tpu.matmul %squeeze3A_136, %get3A_141, %dot_general3A_142 {dimension_numbers = #tpu.dot_dimension_numbers<[1], [0], [0], [1], [0, 0, 1, 1], [], []>, transpose_lhs_hint = false} : vector<64x32xf32>, vector<32x128xf32>, vector<64x128xf32> -> vector<64x128xf32>
    %add3A_144 = arith.addf %add3A_134, %dot_general3A_143 : vector<64x128xf32>
    %slice3A_145 = vector.extract_strided_slice %reshape3A_67 {offsets = [0, 7, 0], sizes = [64, 1, 32], strides = [1, 1, 1]} : vector<64x11x32xf32> to vector<64x1x32xf32>
    %squeeze3A_146 = vector.shape_cast %slice3A_145 : vector<64x1x32xf32> to vector<64x32xf32>
    %get3A_147 = arith.constant 7 : index
    %get3A_148 = arith.constant 0 : index
    %get3A_149 = arith.constant 0 : index
    %get3A_150 = vector.load %arg5[%get3A_147, %get3A_148, %get3A_149] : memref<11x32x128xf32, #tpu.memory_space<vmem>>, vector<1x32x128xf32>
    %get3A_151 = vector.shape_cast %get3A_150 : vector<1x32x128xf32> to vector<32x128xf32>
    %dot_general3A_152 = arith.constant dense<0.000000e+00> : vector<64x128xf32>
    %dot_general3A_153 = tpu.matmul %squeeze3A_146, %get3A_151, %dot_general3A_152 {dimension_numbers = #tpu.dot_dimension_numbers<[1], [0], [0], [1], [0, 0, 1, 1], [], []>, transpose_lhs_hint = false} : vector<64x32xf32>, vector<32x128xf32>, vector<64x128xf32> -> vector<64x128xf32>
    %add3A_154 = arith.addf %add3A_144, %dot_general3A_153 : vector<64x128xf32>
    %slice3A_155 = vector.extract_strided_slice %reshape3A_67 {offsets = [0, 8, 0], sizes = [64, 1, 32], strides = [1, 1, 1]} : vector<64x11x32xf32> to vector<64x1x32xf32>
    %squeeze3A_156 = vector.shape_cast %slice3A_155 : vector<64x1x32xf32> to vector<64x32xf32>
    %get3A_157 = arith.constant 8 : index
    %get3A_158 = arith.constant 0 : index
    %get3A_159 = arith.constant 0 : index
    %get3A_160 = vector.load %arg5[%get3A_157, %get3A_158, %get3A_159] : memref<11x32x128xf32, #tpu.memory_space<vmem>>, vector<1x32x128xf32>
    %get3A_161 = vector.shape_cast %get3A_160 : vector<1x32x128xf32> to vector<32x128xf32>
    %dot_general3A_162 = arith.constant dense<0.000000e+00> : vector<64x128xf32>
    %dot_general3A_163 = tpu.matmul %squeeze3A_156, %get3A_161, %dot_general3A_162 {dimension_numbers = #tpu.dot_dimension_numbers<[1], [0], [0], [1], [0, 0, 1, 1], [], []>, transpose_lhs_hint = false} : vector<64x32xf32>, vector<32x128xf32>, vector<64x128xf32> -> vector<64x128xf32>
    %add3A_164 = arith.addf %add3A_154, %dot_general3A_163 : vector<64x128xf32>
    %slice3A_165 = vector.extract_strided_slice %reshape3A_67 {offsets = [0, 9, 0], sizes = [64, 1, 32], strides = [1, 1, 1]} : vector<64x11x32xf32> to vector<64x1x32xf32>
    %squeeze3A_166 = vector.shape_cast %slice3A_165 : vector<64x1x32xf32> to vector<64x32xf32>
    %get3A_167 = arith.constant 9 : index
    %get3A_168 = arith.constant 0 : index
    %get3A_169 = arith.constant 0 : index
    %get3A_170 = vector.load %arg5[%get3A_167, %get3A_168, %get3A_169] : memref<11x32x128xf32, #tpu.memory_space<vmem>>, vector<1x32x128xf32>
    %get3A_171 = vector.shape_cast %get3A_170 : vector<1x32x128xf32> to vector<32x128xf32>
    %dot_general3A_172 = arith.constant dense<0.000000e+00> : vector<64x128xf32>
    %dot_general3A_173 = tpu.matmul %squeeze3A_166, %get3A_171, %dot_general3A_172 {dimension_numbers = #tpu.dot_dimension_numbers<[1], [0], [0], [1], [0, 0, 1, 1], [], []>, transpose_lhs_hint = false} : vector<64x32xf32>, vector<32x128xf32>, vector<64x128xf32> -> vector<64x128xf32>
    %add3A_174 = arith.addf %add3A_164, %dot_general3A_173 : vector<64x128xf32>
    %slice3A_175 = vector.extract_strided_slice %reshape3A_67 {offsets = [0, 10, 0], sizes = [64, 1, 32], strides = [1, 1, 1]} : vector<64x11x32xf32> to vector<64x1x32xf32>
    %squeeze3A_176 = vector.shape_cast %slice3A_175 : vector<64x1x32xf32> to vector<64x32xf32>
    %get3A_177 = arith.constant 10 : index
    %get3A_178 = arith.constant 0 : index
    %get3A_179 = arith.constant 0 : index
    %get3A_180 = vector.load %arg5[%get3A_177, %get3A_178, %get3A_179] : memref<11x32x128xf32, #tpu.memory_space<vmem>>, vector<1x32x128xf32>
    %get3A_181 = vector.shape_cast %get3A_180 : vector<1x32x128xf32> to vector<32x128xf32>
    %dot_general3A_182 = arith.constant dense<0.000000e+00> : vector<64x128xf32>
    %dot_general3A_183 = tpu.matmul %squeeze3A_176, %get3A_181, %dot_general3A_182 {dimension_numbers = #tpu.dot_dimension_numbers<[1], [0], [0], [1], [0, 0, 1, 1], [], []>, transpose_lhs_hint = false} : vector<64x32xf32>, vector<32x128xf32>, vector<64x128xf32> -> vector<64x128xf32>
    %add3A_184 = arith.addf %add3A_174, %dot_general3A_183 : vector<64x128xf32>
    %max3A_185 = arith.constant 0.000000e+00 : f32
    %max3A_186 = vector.broadcast %max3A_185 : f32 to vector<64x128xf32>
    %max3A_187 = arith.maximumf %add3A_184, %max3A_186 : vector<64x128xf32>
    %get3A_188 = arith.constant 0 : index
    %get3A_189 = arith.constant 0 : index
    %get3A_190 = vector.load %arg7[%get3A_188, %get3A_189] : memref<128x2xf32, #tpu.memory_space<vmem>>, vector<128x2xf32>
    %dot_general3A_191 = arith.constant dense<0.000000e+00> : vector<64x2xf32>
    %dot_general3A_192 = tpu.matmul %max3A_187, %get3A_190, %dot_general3A_191 {dimension_numbers = #tpu.dot_dimension_numbers<[1], [0], [0], [1], [0, 0, 1, 1], [], []>, transpose_lhs_hint = false} : vector<64x128xf32>, vector<128x2xf32>, vector<64x2xf32> -> vector<64x2xf32>
    %get3A_193 = arith.constant 0 : index
    %get3A_194 = vector.load %arg8[%get3A_193] : memref<2xf32, #tpu.memory_space<vmem>>, vector<2xf32>
    %broadcast_in_dim3A_195 = vector.shape_cast %get3A_194 : vector<2xf32> to vector<1x2xf32>
    %add3A_196 = vector.broadcast %broadcast_in_dim3A_195 : vector<1x2xf32> to vector<64x2xf32>
    %add3A_197 = arith.addf %dot_general3A_192, %add3A_196 : vector<64x2xf32>
    %reduce_max3A_198 = arith.constant dense<0xFF800000> : vector<64xf32>
    %reduce_max3A_199 = vector.multi_reduction <maximumf>, %add3A_197, %reduce_max3A_198 [1] : vector<64x2xf32> to vector<64xf32>
    %broadcast_in_dim3A_200 = vector.shape_cast %reduce_max3A_199 : vector<64xf32> to vector<64x1xf32>
    %sub3A = vector.broadcast %broadcast_in_dim3A_200 : vector<64x1xf32> to vector<64x2xf32>
    %sub3A_201 = arith.subf %add3A_197, %sub3A : vector<64x2xf32>
    %exp3A = math.exp %sub3A_201 : vector<64x2xf32>
    %reduce_sum3A = arith.constant dense<0.000000e+00> : vector<64xf32>
    %reduce_sum3A_202 = vector.multi_reduction <add>, %exp3A, %reduce_sum3A [1] : vector<64x2xf32> to vector<64xf32>
    %broadcast_in_dim3A_203 = vector.shape_cast %reduce_sum3A_202 : vector<64xf32> to vector<64x1xf32>
    %log3A = math.log %broadcast_in_dim3A_203 : vector<64x1xf32>
    %add3A_204 = arith.addf %broadcast_in_dim3A_200, %log3A : vector<64x1xf32>
    %sub3A_205 = vector.broadcast %add3A_204 : vector<64x1xf32> to vector<64x2xf32>
    %sub3A_206 = arith.subf %add3A_197, %sub3A_205 : vector<64x2xf32>
    %swap3A = arith.constant 0 : index
    %swap3A_207 = arith.constant 0 : index
    %swap3A_208 = vector.load %arg10[%swap3A, %swap3A_207] : memref<64x2xf32, #tpu.memory_space<vmem>>, vector<64x2xf32>
    tpu.vector_store %arg10[%swap3A, %swap3A_207], %add3A_197 {strides = array<i32>} : memref<64x2xf32, #tpu.memory_space<vmem>>, vector<64x2xf32>,
    %get3A_209 = arith.constant 0 : index
    %get3A_210 = arith.constant 0 : index
    %get3A_211 = vector.load %arg9[%get3A_209, %get3A_210] : memref<64x2xf32, #tpu.memory_space<vmem>>, vector<64x2xf32>
    %mul3A = arith.mulf %sub3A_206, %get3A_211 : vector<64x2xf32>
    %reduce_sum3A_212 = vector.shape_cast %mul3A : vector<64x2xf32> to vector<1x64x2xf32>
    %reduce_sum3A_213 = arith.constant dense<0.000000e+00> : vector<1xf32>
    %reduce_sum3A_214 = vector.multi_reduction <add>, %reduce_sum3A_212, %reduce_sum3A_213 [1, 2] : vector<1x64x2xf32> to vector<1xf32>
    %reduce_sum3A_215 = vector.shape_cast %reduce_sum3A_214 : vector<1xf32> to vector<1x1x1xf32>
    %reduce_sum3A_216 = vector.extract %reduce_sum3A_215[0, 0, 0] : f32 from vector<1x1x1xf32>
    %neg3A = arith.constant 0.000000e+00 : f32
    %neg3A_217 = arith.subf %neg3A, %reduce_sum3A_216 : f32
    %div3A = arith.constant 6.400000e+01 : f32
    %div3A_218 = arith.divf %neg3A_217, %div3A : f32
    %reshape3A_219 = vector.broadcast %div3A_218 : f32 to vector<1x1xf32>
    %swap3A_220 = arith.constant 0 : index
    %swap3A_221 = arith.constant 0 : index
    %swap3A_222 = vector.load %arg11[%swap3A_220, %swap3A_221] : memref<1x1xf32, #tpu.memory_space<vmem>>, vector<1x1xf32>
    tpu.vector_store %arg11[%swap3A_220, %swap3A_221], %reshape3A_219 {strides = array<i32>} : memref<1x1xf32, #tpu.memory_space<vmem>>, vector<1x1xf32>,
    return
  }
}

</mosaic_0001>

<sc_bundles>
// kernel: gather_offload_async_start.1
scs
__scs_entry_jumppad:
0x0: {  	(pc) =	sbr.rel $0x88, $3  }
0x1: {  	(tag) =	ssettag $0x0;
	lr =	simm.s32 $0x1  }
0x2: {  	[smem:$0x3F91] =	sst lr;
	_ =	strace $0xD0000000  }
0x3: {  	_ = 	snop  }
0x4: {  	_ = 	snop  }
0x5: {  	_ = 	snop  }
0x6: {  	_ = 	snop  }
0x7: {  	_ = 	snop  }
__scs_overlays_trampoline_lowered:
0x8: {  	[smem:$0x3FA0] =	sst s0  }
0x9: {  	[smem:$0x3FA1] =	sst s1  }
0xa: {  	[smem:$0x3FA2] =	sst s2  }
0xb: {  	[smem:$0x3FA3] =	sst s3  }
0xc: {  	[smem:$0x3FA4] =	sst s4  }
0xd: {  	[smem:$0x3FA5] =	sst s5  }
0xe: {  	[smem:$0x3FA6] =	sst s6  }
0xf: {  	[smem:$0x3FA7] =	sst s7  }
0x10: {  	[smem:$0x3FA8] =	sst s8  }
0x11: {  	[smem:$0x3FA9] =	sst s9;
	s0 =	simm.s32 @!p0 $0x0  }
0x12: {  	s1 =	sld [smem:$0x3F8F];
	s0 =	simm.s32 @p0 $0x1  }
0x13: {  	[smem:$0x3FAA] =	sst s0;
	s0 =	simm.s32 @!p1 $0x0  }
0x14: {  	s2 =	sld [smem:$0x3F8E];
	s0 =	simm.s32 @p1 $0x1  }
0x15: {  	[smem:$0x3FAB] =	sst s0;
	s0 =	simm.s32 @!p2 $0x0  }
0x16: {  	s3 =	sld [smem:$0x3FDB];
	s0 =	simm.s32 @p2 $0x1  }
0x17: {  	s4 =	simm.s32 $0x1BF5;
	[smem:$0x3FAD] =	sst s0  }
0x18: {  	s0 =	sld [smem:$0x3F90];
	_ =	swait.ge [sflag:s4], $0x0  }
0x19: {  	s7 =	sld [smem:$0x3F91]  }
0x1a: {  	s8 =	sadd.s32 $0xFFFFE003, lr  }
0x1b: {  	s9 =	sadd.s32 $0xFFFFFEF7, lr;
	s5 =	simm.s32 $0xFFFFFFFF;
	p2 =	slt.u32 s8, $0xFFFFF086  }
0x1c: {  	p1 =	slt.u32 s9, $0xF7A;
	s5 =	simm.s32 @!p2 $0x0  }
0x1d: {  	s5 =	simm.s32 @p1 $0x1;
	p0 =	seq.s32 s7, s2  }
0x1e: {  	s7 =	smul.u32 @!p0 $0xF7A, s2;
	p2 =	seq.s32 @!p0 s5, $0x0  }
0x1f: {  	s9 =	smul.u32 $0xF7A, s1;
	s8 =	simm.s32 @!p0 $0x1BF5;
	p2 =	por !p2, p0  }
0x20: {  	[sflag:s8] =	ssyncset.s32 @!p0 $0xFFFFF086;
	s6 =	sadd.s32 @!p0 s3, s7;
	s7 =	simm.s32 @!p0 $0x108  }
0x21: {  	s3 =	sadd.s32 s3, s9;
	s6 =	sadd.s32 @!p0 $0x88, s6;
	s7 =	simm.s32 @p2 $0x1082  }
0x22: {  	[simem:s7], [sflag:s8] =	dma.local @!p0 [hbm:s6], $0xF7A  }
0x23: {  	s9 =	sor.u32 $0xD0000000, s2;
	s6 =	simm.s32 $0x108;
	_ =	swait.ge @!p0 [sflag:s8], $0x0  }
0x24: {  	s3 =	sadd.s32 $0x88, s3;
	s6 =	simm.s32 @!p1 $0x1082;
	[sflag:s4] =	ssyncset.s32 $0xFFFFF086  }
0x25: {  	[simem:s6], [sflag:s4] =	dma.local [hbm:s3], $0xF7A  }
0x26: {  	[smem:$0x3F91] =	sst s1;
	(tag) =	ssettag s2;
	_ =	strace s9  }
0x27: {  	s1 =	sld [smem:$0x3FA1]  }
0x28: {  	s2 =	sld [smem:$0x3FA2]  }
0x29: {  	s4 =	sld [smem:$0x3FA4]  }
0x2a: {  	p0 =	seq.s32 s5, $0x0;
	s5 =	sld [smem:$0x3FA5]  }
0x2b: {  	s6 =	sld [smem:$0x3FA6]  }
0x2c: {  	s7 =	sld [smem:$0x3FA7]  }
0x2d: {  	s3 =	simm.s32 $0x108;
	s8 =	sld [smem:$0x3FA8]  }
0x2e: {  	s3 =	simm.s32 @!p0 $0x1082;
	s9 =	sld [smem:$0x3FA9]  }
0x2f: {  	lr =	sadd.s32 s0, s3;
	s0 =	sld [smem:$0x3FA0]  }
0x30: {  	s3 =	sld [smem:$0x3FA3]  }
0x31: {  	[smem:$0x3FAC] =	sst s10  }
0x32: {  	s10 =	sld [smem:$0x3FAA];
	_ =	sdelay $0x3  }
0x33: {  	p0 =	seq.s32 s10, $0x1;
	s10 =	sld [smem:$0x3FAC];
	_ =	sdelay $0x3  }
0x34: {  	[smem:$0x3FAC] =	sst s10  }
0x35: {  	s10 =	sld [smem:$0x3FAB];
	_ =	sdelay $0x3  }
0x36: {  	p1 =	seq.s32 s10, $0x1;
	s10 =	sld [smem:$0x3FAC];
	_ =	sdelay $0x3  }
0x37: {  	[smem:$0x3FAC] =	sst s10  }
0x38: {  	s10 =	sld [smem:$0x3FAD]  }
0x39: {  	_ = 	snop;
	(pc) =	sbr.ind lr, $3  }
0x3a: {  	_ = 	snop  }
0x3b: {  	_ = 	snop  }
0x3c: {  	p2 =	seq.s32 s10, $0x1;
	s10 =	sld [smem:$0x3FAC]  }
0x3d: {  	_ =	shalt  }
0x3e: {  	_ =	shalt  }
0x3f: {  	_ =	shalt  }
0x40: {  	_ =	shalt  }
0x41: {  	_ =	shalt  }
0x42: {  	_ =	shalt  }
0x43: {  	_ =	shalt  }
0x44: {  	_ =	shalt  }
0x45: {  	_ =	shalt  }
0x46: {  	_ =	shalt  }
0x47: {  	_ =	shalt  }
0x48: {  	_ =	shalt  }
0x49: {  	_ =	shalt  }
0x4a: {  	_ =	shalt  }
0x4b: {  	_ =	shalt  }
0x4c: {  	_ =	shalt  }
0x4d: {  	_ =	shalt  }
0x4e: {  	_ =	shalt  }
0x4f: {  	_ =	shalt  }
0x50: {  	_ =	shalt  }
0x51: {  	_ =	shalt  }
0x52: {  	_ =	shalt  }
0x53: {  	_ =	shalt  }
0x54: {  	_ =	shalt  }
0x55: {  	_ =	shalt  }
0x56: {  	_ =	shalt  }
0x57: {  	_ =	shalt  }
0x58: {  	_ =	shalt  }
0x59: {  	_ =	shalt  }
0x5a: {  	_ =	shalt  }
0x5b: {  	_ =	shalt  }
0x5c: {  	_ =	shalt  }
0x5d: {  	_ =	shalt  }
0x5e: {  	_ =	shalt  }
0x5f: {  	_ =	shalt  }
0x60: {  	_ =	shalt  }
0x61: {  	_ =	shalt  }
0x62: {  	_ =	shalt  }
0x63: {  	_ =	shalt  }
0x64: {  	_ =	shalt  }
0x65: {  	_ =	shalt  }
0x66: {  	_ =	shalt  }
0x67: {  	_ =	shalt  }
0x68: {  	_ =	shalt  }
0x69: {  	_ =	shalt  }
0x6a: {  	_ =	shalt  }
0x6b: {  	_ =	shalt  }
0x6c: {  	_ =	shalt  }
0x6d: {  	_ =	shalt  }
0x6e: {  	_ =	shalt  }
0x6f: {  	_ =	shalt  }
0x70: {  	_ =	shalt  }
0x71: {  	_ =	shalt  }
0x72: {  	_ =	shalt  }
0x73: {  	_ =	shalt  }
0x74: {  	_ =	shalt  }
0x75: {  	_ =	shalt  }
0x76: {  	_ =	shalt  }
0x77: {  	_ =	shalt  }
0x78: {  	_ =	shalt  }
0x79: {  	_ =	shalt  }
0x7a: {  	_ =	shalt  }
0x7b: {  	_ =	shalt  }
0x7c: {  	_ =	shalt  }
0x7d: {  	_ =	shalt  }
0x7e: {  	_ =	shalt  }
0x7f: {  	_ =	shalt  }
0x80: {  	_ =	shalt  }
0x81: {  	_ =	shalt  }
0x82: {  	_ =	shalt  }
0x83: {  	_ =	shalt  }
0x84: {  	_ =	shalt  }
0x85: {  	_ =	shalt  }
0x86: {  	_ =	shalt  }
0x87: {  	_ =	shalt  }
.Lfunc_end0:
.L_simem_size_0:
called_computation.1_lowered:
.L_overlay_start_0:
0x88: {  	s2 =	sld [smem:$0x3FD9]  }
0x89: {  	s3 =	sld [smem:$0x3FFE];
	_ =	sdelay $0x1  }
0x8a: {  	s1 =	srdreg.scid  }
0x8b: {  	s0 =	sand.u32 $0x1, s1  }
0x8c: {  	s16 =	sshll.u32 s0, $0xA;
	s2 =	sadd.s32 s3, s2  }
0x8d: {  	s2 =	sadd.s32 s2, s16  }
0x8e: {  	[smem:$0x3FB8] =	sst s2  }
0x8f: {  	_ = 	snop  }
0x90: {  	(tm) =	ssettm $0x1  }
0x91: {  	s17 =	sld [smem:$0x3FFB];
	_ =	sdelay $0x3  }
0x92: {  	_ =	strace s17  }
0x93: {  	s2 =	sld [smem:$0x3FFC];
	_ =	sdelay $0x3  }
0x94: {  	_ =	strace s2  }
0x95: {  	s2 =	sld [smem:$0x3FFD];
	_ =	sdelay $0x3  }
0x96: {  	_ =	strace s2  }
0x97: {  	_ =	strace $0x8FFFFFFF  }
0x98: {  	s18 =	sld [smem:$0x3FDB];
	_ =	sdelay $0x1  }
0x99: {  	s19 =	simm.s32 $_scs_section_size  }
0x9a: {  	s4 =	simm.s32 $_size__tile_overlayer_lowered;
	s5 =	simm.s32 $_tile_overlayer_lowered  }
0x9b: {  	s22 =	simm.s32 $0x1BFF;
	s21 =	sshll.u32 s5, $0x1;
	s2 =	sadd.s32 s19, s18  }
0x9c: {  	s6 =	simm.s32 $0x0;
	s20 =	sshll.u32 s4, $0x1;
	s4 =	sadd.s32 s21, s2  }
0x9d: {  	[timem:s6], [sflag:s22] =	dma.local [hbm:s4], s20  }
0x9e: {  	_ =	swait.ge [sflag:s22], s20  }
0x9f: {  	s3 =	ssub.s32 $0x0, s20;
	[sflag:s22] =	ssyncset.done $0x0  }
0xa0: {  	[sflag:s22] =	ssyncadd.s32 s3;
	_ =	sdelay $0x1  }
0xa1: {  	s23 =	simm.s32 $0x1B8B  }
0xa2: {  	_ =	swait.ge [sflag:s23], $0x1  }
0xa3: {  	[sflag:s23] =	ssyncset.done $0x0  }
0xa4: {  	s25 =	simm.s32 $0x1B8E;
	s24 =	sld [smem:$0x3FFE];
	[sflag:s23] =	ssyncadd.s32 $0xFFFFFFFF  }
0xa5: {  	s26 =	simm.s32 $execute0_lowered;
	[smem:$0x3FD2] =	sst s25  }
0xa6: {  	s4 =	sshll.u32 s26, $0x1;
	_ =	strace $0x80000046;
	[dreg:$0x1] =	wrdreg $0xFFFFFFFF  }
0xa7: {  	s28 =	simm.s32 $_size_execute0_lowered;
	s2 =	sadd.s32 s2, s4;
	[dreg:$0x0] =	wrdreg $0x0  }
0xa8: {  	s4 =	sshll.u32 s28, $0x1;
	[dreg:$0x2] =	wrdreg s2  }
0xa9: {  	[dreg:$0x3] =	wrdreg s4  }
0xaa: {  	[dreg:$0x4] =	wrdreg $0xC0  }
0xab: {  	_ =	task [dreg:s6], $0x5FFFF  }
0xac: {  	[dreg:$0x1] =	wrdreg $0xFFFFFFFF  }
0xad: {  	[dreg:$0x0] =	wrdreg $0x60  }
0xae: {  	[dreg:$0x2] =	wrdreg s24  }
0xaf: {  	[dreg:$0x3] =	wrdreg $0xA  }
0xb0: {  	_ =	task.clear_ibuf [dreg:s6], $0x4FFFF;
	_ =	strace $0x90000046  }
0xb1: {  	s29 =	simm.s32 $0xA;
	_ =	strace $0x80000048  }
0xb2: {  	_ =	swait.ge [sflag:s29], $0x1  }
0xb3: {  	[sflag:s29] =	ssyncadd.s32 $0xFFFFFFFF  }
0xb4: {  	_ =	strace $0x90000048  }
0xb5: {  	_ =	sfence  }
0xb6: {  	s30 =	sld [smem:$0x0];
	_ =	sdelay $0x2  }
0xb7: {  	s31 =	sshll.u32 s1, $0xD;
	s1 =	sshrl.u32 s1, $0x2  }
0xb8: {  	s3 =	sand.u32 $0x4000, s31;
	s1 =	sadd.s32 s1, s30  }
0xb9: {  	s0 =	sor.u32 s3, s0;
	s1 =	sshll.u32 s1, $0x11  }
0xba: {  	s0 =	sor.u32 s1, s0  }
0xbb: {  	s0 =	sadd.s32 $0x8F2B, s0  }
0xbc: {  	[sflag:s0] =	ssyncadd.remote.s32 $0x1  }
0xbd: {  	_ =	sfence.sel $0xFFFF  }
0xbe: {  	[dreg:$0x0] =	wrdreg $0xFFFFFFFF;
	(pc) =	sbr.abs _section_cstart, $3  }
0xbf: {  	[dreg:$0x1] =	wrdreg $0xFFFFFFFF  }
0xc0: {  	_ =	task.clear_ibuf [dreg:s6], $0x2FFFF;
	_ =	strace $0x9FFFFFFF  }
0xc1: {  	(tm) =	ssettm $0x7FFFFFFF  }
tec
execute0_lowered:
.L_overlay_start_1:
0x0: {  	(tag) =	ssettag $0x1  }
0x1: {  	s8 =	rddreg [dreg:$0x0]  }
0x2: {  	s0 =	rddreg [dreg:$0x1];
	_ =	strace $0x80000047;
	s1 =	stileid.u32  }
0x3: {  	s3 =	srdreg.scid;
	s4 =	simm.s32 $0x1;
	s7 =	simm.s32 $0x1  }
0x4: {  	s9 =	simm.s32 $0x1;
	s10 =	simm.s32 $0x3;
	s13 =	simm.s32 $0x0  }
0x5: {  	s12 =	simm.s32 $0x0;
	s5 =	sand.u32 $0x1, s3;
	s6 =	sshll.u32 s1, $0x1  }
0x6: {  	s2 =	sadd.s32 $0x10A00, s8;
	s3 =	sadd.s32 $0x1A800, s8;
	s5 =	sor.u32 s6, s5  }
.Ltmp0:
0x7: {  	[sflag:s4] =	ssyncpa.u1 $0x0;
	p0 =	slt.u32 s5, $0x9;
	(pc) =	sbr.rel .LBB2_1-.Ltmp0, $4  }
0x8: {  	s6 =	simm.s32 $0x2;
	s7 =	simm.s32 @!p0 $0x0;
	p0 =	sne.s32 s5, $0x8  }
0x9: {  	[sflag:s6] =	ssyncpa.u1 $0x0;
	s5 =	smul.u32 $0x1F40, s5;
	s9 =	simm.s32 @!p0 $0x0  }
0xa: {  	s8 =	sadd.s32 $0xA4C00, s8;
	[sflag:s10] =	ssyncpa.u1 $0x0;
	s7 =	sadd.s32 s9, s7  }
0xb: {  	vm0 =	vmmov $0xffff;
	s10 =	simm.s32 $0x0;
	s11 =	smov.u32 s5;
	s9 =	sadd.s32 $0x1, s7  }
.LBB2_4:
0xc: {  	v2 =	vnsel vm1, $0x0, v2  }
0xd: {  	vm1 =	vgt.s32 v0, $0x0;
	v2 =	vmin.u32 v2, $0x4E1FF  }
0xe: {  	v0 =	vnsel vm1, $0x0, v0  }
0xf: {  	v0 =	vmin.u32 v0, $0x4E1FF  }
0x10: {  	[tilespmem:s18], [sflag:$0x1] =	stream.indirect_vreg.gather [hbm4b:s2+s10], $0x1, v1, vm0, $0x4038;
	[tilespmem:$0x7D00] =	vst v63  }
0x11: {  	(ifvalue) =	ssetifvalue $0x7FFFFFFF  }
0x12: {  	[tilespmem:s15], [sflag:$0x1] =	stream.indirect_vreg.gather [hbm4b:s2+s10], $0x1, v2, vm0, $0x4038;
	[tilespmem:$0x7D00] =	vst v63  }
0x13: {  	s29 =	sadd.s32 $0x10, s15;
	(ifvalue) =	ssetifvalue $0x7FFFFFFF  }
0x14: {  	[tilespmem:s29], [sflag:$0x1] =	stream.indirect_vreg.gather [hbm4b:s2+s10], $0x1, v0, vm0, $0x4038;
	[tilespmem:$0x7D00] =	vst v63  }
0x15: {  	_ =	swait.ge [sflag:s4], $0x1F40  }
0x16: {  	s30 =	sshrl.u32 s13, $0x3;
	[sflag:s4] =	ssyncset.done $0x0  }
0x17: {  	s31 =	sand.u32 $0x7, s13;
	s15 =	sadd.s32 s8, s30;
	[sflag:s4] =	ssyncadd.s32 $0xFFFFE0C0  }
0x18: {  	[hbm4b:s15+s31] =	stream.linear.scatter [tilespmem:s14], [sflag:$0x3], $0x1F40, $0x38;
	[tilespmem:$0x7D00] =	vst v63  }
.LBB2_5:
0x19: {  	s15 =	sadd.s32 $0x3E800, s11  }
0x1a: {  	p1 =	sgt.s32 s15, $0x4E1FF  }
0x1b: {  	s15 =	smov.u32 @p1 s5;
	p1 =	sne.s32 s12, s9  }
.Ltmp1:
0x1c: {  	p0 =	slt.u32 s12, $0x2;
	(pc) =	sbr.rel @!p1 .LBB2_6-.Ltmp1, $4  }
0x1d: {  	s14 =	simm.s32 @!p0 $0x3  }
0x1e: {  	_ =	swait.ge @!p0 [sflag:s14], $0x1F40  }
0x1f: {  	s16 =	sadd.s32 $0x1, s12;
	s13 =	smov.u32 s11;
	[sflag:s14] =	ssyncset.done @!p0 $0x0  }
0x20: {  	s12 =	smov.u32 s16;
	s11 =	smov.u32 s15;
	[sflag:s14] =	ssyncadd.s32 @!p0 $0xFFFFE0C0  }
.LBB2_1:
0x21: {  	p0 =	sge.u32 s12, s7  }
0x22: {  	s14 =	sxor.u32 @!p0 $0x1, s12  }
0x23: {  	s14 =	smul.u32 @!p0 $0x7D00, s14  }
0x24: {  	s31 =	sadd.s32 $0xFFFFFFFF, s12;
	s15 =	sshrl.u32 @!p0 s11, $0x3  }
0x25: {  	s16 =	sand.u32 @!p0 $0x7, s11;
	s15 =	sadd.s32 @!p0 s3, s15;
	s14 =	sshra.s32 @!p0 s14, $0x2  }
0x26: {  	[tilespmem:s14], [sflag:$0x2] =	stream.linear.gather @!p0 [hbm4b:s15+s16], $0x1F40, $0x38;
	[tilespmem:$0x7D00] =	vst v63  }
0x27: {  	p0 =	sge.u32 s31, s7  }
.Ltmp2:
0x28: {  	_ = 	snop;
	(pc) =	sbr.rel @p0 .LBB2_5-.Ltmp2, $1  }
0x29: {  	_ =	sdelay $0x3  }
0x2a: {  	s14 =	sand.u32 $0x1, s12  }
0x2b: {  	_ =	swait.ge [sflag:s6], $0x1F40;
	p0 =	seq.s32 s14, $0x1;
	s14 =	simm.s32 $0x1F40  }
0x2c: {  	[sflag:s6] =	ssyncset.done $0x0;
	s14 =	simm.s32 @!p0 $0x0  }
0x2d: {  	[sflag:s6] =	ssyncadd.s32 $0xFFFFE0C0;
	(ifvalue) =	ssetifvalue $0x7FFFFFFF;
	v0 =	vld.msk [tilespmem:s14+$0x0 ss:$0x1], $0xffff;
	_ =	sdelay $0x4  }
0x2e: {  	s15 =	sadd.s32 $0x10, s14;
	vm1 =	vgt.s32 v0, $0x0  }
0x2f: {  	v2 =	vld.msk [tilespmem:s15+$0x0 ss:$0x1], $0xffff;
	v1 =	vnsel vm1, $0x0, v0  }
0x30: {  	v1 =	vmin.u32 v1, $0x4E1FF;
	_ =	sdelay $0x2  }
0x31: {  	s17 =	simm.s32 $0x20;
	s14 =	sadd.s32 $0x3E80, s14;
	s16 =	sadd.s32 $0x10, s15  }
0x32: {  	s15 =	sadd.s32 $0x10, s14;
	s18 =	smov.u32 s14;
	v0 =	vld.msk [tilespmem:s16+$0x0 ss:$0x1], $0xffff;
	vm1 =	vgt.s32 v2, $0x0;
	(ifvalue) =	ssetifvalue $0x7FFFFFFF  }
.LBB2_3:
0x33: {  	[tilespmem:s18], [sflag:$0x1] =	stream.indirect_vreg.gather [hbm4b:s2+s10], $0x1, v1, vm0, $0x4038;
	[tilespmem:$0x7D00] =	vst v63  }
0x34: {  	s17 =	sadd.s32 $0x10, s17  }
0x35: {  	v2 =	vnsel vm1, $0x0, v2;
	p0 =	slt.u32 s17, $0x1F30  }
.Ltmp3:
0x36: {  	s18 =	smov.u32 s15;
	v1 =	vmin.u32 v2, $0x4E1FF;
	(pc) =	sbr.rel @p0 .LBB2_3-.Ltmp3, $3  }
0x37: {  	_ =	sdelay $0x1  }
0x38: {  	s16 =	sadd.s32 $0x10, s16  }
0x39: {  	vm1 =	vgt.s32 v0, $0x0;
	s15 =	sadd.s32 $0x10, s15;
	v2 =	vmov v0;
	(ifvalue) =	ssetifvalue $0x7FFFFFFF;
	v0 =	vld.msk [tilespmem:s16+$0x0 ss:$0x1], $0xffff  }
.Ltmp4:
0x3a: {  	_ = 	snop;
	(pc) =	sbr.rel .LBB2_4-.Ltmp4, $1  }
0x3b: {  	_ =	sdelay $0x3  }
.LBB2_6:
0x3c: {  	_ =	sfence.sel $0x180000  }
0x3d: {  	s2 =	simm.s32 $0x2;
	[bflag:$0x0] =	sbarrier.arrive $0xFFFF  }
0x3e: {  	s30 =	simm.s32 $0x3;
	[sflag:s2] =	ssyncpa.u1 $0x1  }
0x3f: {  	s31 =	simm.s32 $0x1;
	[sflag:s30] =	ssyncpa.u1 $0x1  }
0x40: {  	[sflag:s31] =	ssyncpa.u1 $0x1  }
0x41: {  	p0 =	sne.s32 s1, $0x0;
	_ =	strace $0x90000047  }
0x42: {  	s0 =	sadd.s32 @!p0 $0x100000, s0;
	[bflag:$0x2] =	sbarrier.arrive $0xFFFF  }
0x43: {  	[sflag:s0] =	ssyncadd.tile.s32 @!p0 $0x1;
	_ =	shalt  }
.Lfunc_end2:
_tile_overlayer_lowered:
.L_overlay_start_2:
0x44: {  	(tag) =	ssettag $0x2  }
0x45: {  	s0 =	rddreg [dreg:$0x0];
	s2 =	stileid.u32  }
0x46: {  	s1 =	rddreg [dreg:$0x1];
	p0 =	sne.s32 s2, $0x0  }
0x47: {  	s3 =	rddreg [dreg:$0x2];
	[bflag:$0x3] =	sbarrier.arrive $0xFFFF;
	s2 =	simm.s32 @!p0 $0x1C01  }
0x48: {  	[timem:s3], [sflag:s2] =	dma.local @!p0 [hbm:s0], s1  }
0x49: {  	s0 =	simm.s32 @!p0 $0x1  }
0x4a: {  	_ =	swait.ge @!p0 [sflag:s0], s1  }
0x4b: {  	s1 =	ssub.s32 @!p0 $0x0, s1;
	[sflag:s0] =	ssyncset.done @!p0 $0x0  }
0x4c: {  	[sflag:s0] =	ssyncadd.s32 @!p0 s1  }
0x4d: {  	[bflag:$0x3] =	sbarrier.arrive $0xFFFF  }
0x4e: {  	_ =	shalt  }

// kernel: gather_offload_async_start
scs
__scs_entry_jumppad:
0x0: {  	(pc) =	sbr.rel $0x88, $3  }
0x1: {  	(tag) =	ssettag $0x0;
	lr =	simm.s32 $0x1  }
0x2: {  	[smem:$0x3F91] =	sst lr;
	_ =	strace $0xD0000000  }
0x3: {  	_ = 	snop  }
0x4: {  	_ = 	snop  }
0x5: {  	_ = 	snop  }
0x6: {  	_ = 	snop  }
0x7: {  	_ = 	snop  }
__scs_overlays_trampoline_lowered:
0x8: {  	[smem:$0x3FA0] =	sst s0  }
0x9: {  	[smem:$0x3FA1] =	sst s1  }
0xa: {  	[smem:$0x3FA2] =	sst s2  }
0xb: {  	[smem:$0x3FA3] =	sst s3  }
0xc: {  	[smem:$0x3FA4] =	sst s4  }
0xd: {  	[smem:$0x3FA5] =	sst s5  }
0xe: {  	[smem:$0x3FA6] =	sst s6  }
0xf: {  	[smem:$0x3FA7] =	sst s7  }
0x10: {  	[smem:$0x3FA8] =	sst s8  }
0x11: {  	[smem:$0x3FA9] =	sst s9;
	s0 =	simm.s32 @!p0 $0x0  }
0x12: {  	s1 =	sld [smem:$0x3F8F];
	s0 =	simm.s32 @p0 $0x1  }
0x13: {  	[smem:$0x3FAA] =	sst s0;
	s0 =	simm.s32 @!p1 $0x0  }
0x14: {  	s2 =	sld [smem:$0x3F8E];
	s0 =	simm.s32 @p1 $0x1  }
0x15: {  	[smem:$0x3FAB] =	sst s0;
	s0 =	simm.s32 @!p2 $0x0  }
0x16: {  	s3 =	sld [smem:$0x3FDB];
	s0 =	simm.s32 @p2 $0x1  }
0x17: {  	s4 =	simm.s32 $0x1BF5;
	[smem:$0x3FAD] =	sst s0  }
0x18: {  	s0 =	sld [smem:$0x3F90];
	_ =	swait.ge [sflag:s4], $0x0  }
0x19: {  	s7 =	sld [smem:$0x3F91]  }
0x1a: {  	s8 =	sadd.s32 $0xFFFFE003, lr  }
0x1b: {  	s9 =	sadd.s32 $0xFFFFFEF7, lr;
	s5 =	simm.s32 $0xFFFFFFFF;
	p2 =	slt.u32 s8, $0xFFFFF086  }
0x1c: {  	p1 =	slt.u32 s9, $0xF7A;
	s5 =	simm.s32 @!p2 $0x0  }
0x1d: {  	s5 =	simm.s32 @p1 $0x1;
	p0 =	seq.s32 s7, s2  }
0x1e: {  	s7 =	smul.u32 @!p0 $0xF7A, s2;
	p2 =	seq.s32 @!p0 s5, $0x0  }
0x1f: {  	s9 =	smul.u32 $0xF7A, s1;
	s8 =	simm.s32 @!p0 $0x1BF5;
	p2 =	por !p2, p0  }
0x20: {  	[sflag:s8] =	ssyncset.s32 @!p0 $0xFFFFF086;
	s6 =	sadd.s32 @!p0 s3, s7;
	s7 =	simm.s32 @!p0 $0x108  }
0x21: {  	s3 =	sadd.s32 s3, s9;
	s6 =	sadd.s32 @!p0 $0x88, s6;
	s7 =	simm.s32 @p2 $0x1082  }
0x22: {  	[simem:s7], [sflag:s8] =	dma.local @!p0 [hbm:s6], $0xF7A  }
0x23: {  	s9 =	sor.u32 $0xD0000000, s2;
	s6 =	simm.s32 $0x108;
	_ =	swait.ge @!p0 [sflag:s8], $0x0  }
0x24: {  	s3 =	sadd.s32 $0x88, s3;
	s6 =	simm.s32 @!p1 $0x1082;
	[sflag:s4] =	ssyncset.s32 $0xFFFFF086  }
0x25: {  	[simem:s6], [sflag:s4] =	dma.local [hbm:s3], $0xF7A  }
0x26: {  	[smem:$0x3F91] =	sst s1;
	(tag) =	ssettag s2;
	_ =	strace s9  }
0x27: {  	s1 =	sld [smem:$0x3FA1]  }
0x28: {  	s2 =	sld [smem:$0x3FA2]  }
0x29: {  	s4 =	sld [smem:$0x3FA4]  }
0x2a: {  	p0 =	seq.s32 s5, $0x0;
	s5 =	sld [smem:$0x3FA5]  }
0x2b: {  	s6 =	sld [smem:$0x3FA6]  }
0x2c: {  	s7 =	sld [smem:$0x3FA7]  }
0x2d: {  	s3 =	simm.s32 $0x108;
	s8 =	sld [smem:$0x3FA8]  }
0x2e: {  	s3 =	simm.s32 @!p0 $0x1082;
	s9 =	sld [smem:$0x3FA9]  }
0x2f: {  	lr =	sadd.s32 s0, s3;
	s0 =	sld [smem:$0x3FA0]  }
0x30: {  	s3 =	sld [smem:$0x3FA3]  }
0x31: {  	[smem:$0x3FAC] =	sst s10  }
0x32: {  	s10 =	sld [smem:$0x3FAA];
	_ =	sdelay $0x3  }
0x33: {  	p0 =	seq.s32 s10, $0x1;
	s10 =	sld [smem:$0x3FAC];
	_ =	sdelay $0x3  }
0x34: {  	[smem:$0x3FAC] =	sst s10  }
0x35: {  	s10 =	sld [smem:$0x3FAB];
	_ =	sdelay $0x3  }
0x36: {  	p1 =	seq.s32 s10, $0x1;
	s10 =	sld [smem:$0x3FAC];
	_ =	sdelay $0x3  }
0x37: {  	[smem:$0x3FAC] =	sst s10  }
0x38: {  	s10 =	sld [smem:$0x3FAD]  }
0x39: {  	_ = 	snop;
	(pc) =	sbr.ind lr, $3  }
0x3a: {  	_ = 	snop  }
0x3b: {  	_ = 	snop  }
0x3c: {  	p2 =	seq.s32 s10, $0x1;
	s10 =	sld [smem:$0x3FAC]  }
0x3d: {  	_ =	shalt  }
0x3e: {  	_ =	shalt  }
0x3f: {  	_ =	shalt  }
0x40: {  	_ =	shalt  }
0x41: {  	_ =	shalt  }
0x42: {  	_ =	shalt  }
0x43: {  	_ =	shalt  }
0x44: {  	_ =	shalt  }
0x45: {  	_ =	shalt  }
0x46: {  	_ =	shalt  }
0x47: {  	_ =	shalt  }
0x48: {  	_ =	shalt  }
0x49: {  	_ =	shalt  }
0x4a: {  	_ =	shalt  }
0x4b: {  	_ =	shalt  }
0x4c: {  	_ =	shalt  }
0x4d: {  	_ =	shalt  }
0x4e: {  	_ =	shalt  }
0x4f: {  	_ =	shalt  }
0x50: {  	_ =	shalt  }
0x51: {  	_ =	shalt  }
0x52: {  	_ =	shalt  }
0x53: {  	_ =	shalt  }
0x54: {  	_ =	shalt  }
0x55: {  	_ =	shalt  }
0x56: {  	_ =	shalt  }
0x57: {  	_ =	shalt  }
0x58: {  	_ =	shalt  }
0x59: {  	_ =	shalt  }
0x5a: {  	_ =	shalt  }
0x5b: {  	_ =	shalt  }
0x5c: {  	_ =	shalt  }
0x5d: {  	_ =	shalt  }
0x5e: {  	_ =	shalt  }
0x5f: {  	_ =	shalt  }
0x60: {  	_ =	shalt  }
0x61: {  	_ =	shalt  }
0x62: {  	_ =	shalt  }
0x63: {  	_ =	shalt  }
0x64: {  	_ =	shalt  }
0x65: {  	_ =	shalt  }
0x66: {  	_ =	shalt  }
0x67: {  	_ =	shalt  }
0x68: {  	_ =	shalt  }
0x69: {  	_ =	shalt  }
0x6a: {  	_ =	shalt  }
0x6b: {  	_ =	shalt  }
0x6c: {  	_ =	shalt  }
0x6d: {  	_ =	shalt  }
0x6e: {  	_ =	shalt  }
0x6f: {  	_ =	shalt  }
0x70: {  	_ =	shalt  }
0x71: {  	_ =	shalt  }
0x72: {  	_ =	shalt  }
0x73: {  	_ =	shalt  }
0x74: {  	_ =	shalt  }
0x75: {  	_ =	shalt  }
0x76: {  	_ =	shalt  }
0x77: {  	_ =	shalt  }
0x78: {  	_ =	shalt  }
0x79: {  	_ =	shalt  }
0x7a: {  	_ =	shalt  }
0x7b: {  	_ =	shalt  }
0x7c: {  	_ =	shalt  }
0x7d: {  	_ =	shalt  }
0x7e: {  	_ =	shalt  }
0x7f: {  	_ =	shalt  }
0x80: {  	_ =	shalt  }
0x81: {  	_ =	shalt  }
0x82: {  	_ =	shalt  }
0x83: {  	_ =	shalt  }
0x84: {  	_ =	shalt  }
0x85: {  	_ =	shalt  }
0x86: {  	_ =	shalt  }
0x87: {  	_ =	shalt  }
.Lfunc_end0:
.L_simem_size_0:
called_computation_lowered:
.L_overlay_start_0:
0x88: {  	s2 =	sld [smem:$0x3FD9]  }
0x89: {  	s3 =	sld [smem:$0x3FFE];
	_ =	sdelay $0x1  }
0x8a: {  	s1 =	srdreg.scid  }
0x8b: {  	s0 =	sand.u32 $0x1, s1  }
0x8c: {  	s17 =	sshll.u32 s0, $0xA;
	s2 =	sadd.s32 s3, s2  }
0x8d: {  	s2 =	sadd.s32 s2, s17  }
0x8e: {  	[smem:$0x3FB8] =	sst s2  }
0x8f: {  	_ = 	snop  }
0x90: {  	(tm) =	ssettm $0x1  }
0x91: {  	s18 =	sld [smem:$0x3FFB];
	_ =	sdelay $0x3  }
0x92: {  	_ =	strace s18  }
0x93: {  	s2 =	sld [smem:$0x3FFC];
	_ =	sdelay $0x3  }
0x94: {  	_ =	strace s2  }
0x95: {  	s2 =	sld [smem:$0x3FFD];
	_ =	sdelay $0x3  }
0x96: {  	_ =	strace s2  }
0x97: {  	_ =	strace $0x8FFFFFFF  }
0x98: {  	s19 =	sld [smem:$0x3FDB];
	_ =	sdelay $0x1  }
0x99: {  	s20 =	simm.s32 $_scs_section_size  }
0x9a: {  	s4 =	simm.s32 $_size__tile_overlayer_lowered;
	s5 =	simm.s32 $_tile_overlayer_lowered  }
0x9b: {  	s6 =	simm.s32 $0x1BFF;
	s21 =	sshll.u32 s5, $0x1;
	s3 =	sadd.s32 s20, s19  }
0x9c: {  	s22 =	simm.s32 $0x0;
	s4 =	sshll.u32 s4, $0x1;
	s5 =	sadd.s32 s21, s3  }
0x9d: {  	[timem:s22], [sflag:s6] =	dma.local [hbm:s5], s4  }
0x9e: {  	_ =	swait.ge [sflag:s6], s4  }
0x9f: {  	s4 =	ssub.s32 $0x0, s4;
	[sflag:s6] =	ssyncset.done $0x0  }
0xa0: {  	[sflag:s6] =	ssyncadd.s32 s4;
	_ =	sdelay $0x1  }
0xa1: {  	s23 =	simm.s32 $0x1B8B  }
0xa2: {  	_ =	swait.ge [sflag:s23], $0x1  }
0xa3: {  	[sflag:s23] =	ssyncset.done $0x0  }
0xa4: {  	[sflag:s23] =	ssyncadd.s32 $0xFFFFFFFF  }
0xa5: {  	s4 =	sld [smem:$0x0]  }
0xa6: {  	s5 =	sand.u32 $0xFFFFFFFE, s1  }
0xa7: {  	p0 =	sne.s32 s1, s5  }
0xa8: {  	s5 =	sshll.u32 @p0 s5, $0xE  }
0xa9: {  	s5 =	sadd.s32 @p0 $0x11B8D, s5;
	s6 =	sshll.u32 @p0 s4, $0x11  }
0xaa: {  	s5 =	sor.u32 @p0 s6, s5  }
0xab: {  	[sflag:s5] =	ssyncadd.remote.s32 @p0 $0x1;
	_ =	sdelay $0x1  }
0xac: {  	s5 =	simm.s32 @p0 $0x1B8D  }
0xad: {  	_ =	swait.eq @p0 [sflag:s5], $0x1  }
0xae: {  	[sflag:s5] =	ssyncadd.s32 @p0 $0xFFFFFFFF  }
0xaf: {  	s6 =	sshll.u32 @!p0 s1, $0xE  }
0xb0: {  	s6 =	sor.u32 @!p0 $0x4000, s6;
	s5 =	simm.s32 @!p0 $0x1B8D  }
0xb1: {  	s4 =	sshll.u32 @!p0 s4, $0x11;
	s6 =	sadd.s32 @!p0 $0x11B8D, s6;
	_ =	swait.eq @!p0 [sflag:s5], $0x1  }
0xb2: {  	s4 =	sor.u32 @!p0 s4, s6;
	[sflag:s5] =	ssyncadd.s32 @!p0 $0xFFFFFFFF  }
0xb3: {  	s25 =	simm.s32 $0x1B8E;
	s24 =	sld [smem:$0x3FFE];
	[sflag:s4] =	ssyncadd.remote.s32 @!p0 $0x1  }
0xb4: {  	s26 =	simm.s32 $execute0_lowered;
	[smem:$0x3FD2] =	sst s25  }
0xb5: {  	s5 =	sshll.u32 s26, $0x1;
	_ =	strace $0x80000049;
	[dreg:$0x1] =	wrdreg $0xFFFFFFFF  }
0xb6: {  	s28 =	simm.s32 $_size_execute0_lowered;
	s3 =	sadd.s32 s3, s5;
	[dreg:$0x0] =	wrdreg $0x0  }
0xb7: {  	s5 =	sshll.u32 s28, $0x1;
	[dreg:$0x2] =	wrdreg s3  }
0xb8: {  	[dreg:$0x3] =	wrdreg s5  }
0xb9: {  	[dreg:$0x4] =	wrdreg $0xC0  }
0xba: {  	_ =	task [dreg:s22], $0x5FFFF  }
0xbb: {  	[dreg:$0x1] =	wrdreg $0xFFFFFFFF  }
0xbc: {  	[dreg:$0x0] =	wrdreg $0x60  }
0xbd: {  	[dreg:$0x2] =	wrdreg s24  }
0xbe: {  	[dreg:$0x3] =	wrdreg $0x9  }
0xbf: {  	_ =	task.clear_ibuf [dreg:s22], $0x4FFFF;
	_ =	strace $0x90000049  }
0xc0: {  	s29 =	simm.s32 $0x9;
	_ =	strace $0x8000004B  }
0xc1: {  	_ =	swait.ge [sflag:s29], $0x1  }
0xc2: {  	[sflag:s29] =	ssyncadd.s32 $0xFFFFFFFF  }
0xc3: {  	_ =	strace $0x9000004B  }
0xc4: {  	_ =	sfence  }
0xc5: {  	s30 =	sld [smem:$0x0];
	_ =	sdelay $0x2  }
0xc6: {  	s31 =	sshll.u32 s1, $0xD;
	s1 =	sshrl.u32 s1, $0x2  }
0xc7: {  	s4 =	sand.u32 $0x4000, s31;
	s1 =	sadd.s32 s1, s30  }
0xc8: {  	s0 =	sor.u32 s4, s0;
	s1 =	sshll.u32 s1, $0x11  }
0xc9: {  	s0 =	sor.u32 s1, s0  }
0xca: {  	s0 =	sadd.s32 $0x8F2B, s0  }
0xcb: {  	[sflag:s0] =	ssyncadd.remote.s32 $0x1  }
0xcc: {  	_ =	sfence.sel $0xFFFF  }
0xcd: {  	[dreg:$0x0] =	wrdreg $0xFFFFFFFF;
	(pc) =	sbr.abs _section_cstart, $3  }
0xce: {  	[dreg:$0x1] =	wrdreg $0xFFFFFFFF  }
0xcf: {  	_ =	task.clear_ibuf [dreg:s22], $0x2FFFF;
	_ =	strace $0x9FFFFFFF  }
0xd0: {  	(tm) =	ssettm $0x7FFFFFFF  }
0xd1: {  	_ =	shalt  }
tec
execute0_lowered:
.L_overlay_start_1:
0x0: {  	(tag) =	ssettag $0x1  }
0x1: {  	s8 =	rddreg [dreg:$0x0]  }
0x2: {  	s0 =	rddreg [dreg:$0x1];
	_ =	strace $0x8000004A;
	s1 =	stileid.u32  }
0x3: {  	s3 =	srdreg.scid;
	s4 =	simm.s32 $0x1;
	s7 =	simm.s32 $0x1  }
0x4: {  	s9 =	simm.s32 $0x1;
	s10 =	simm.s32 $0x3;
	s13 =	simm.s32 $0x0  }
0x5: {  	s12 =	simm.s32 $0x0;
	s5 =	sand.u32 $0x1, s3;
	s6 =	sshll.u32 s1, $0x1  }
0x6: {  	s2 =	sadd.s32 $0x6C00, s8;
	s3 =	sadd.s32 $0x1A800, s8;
	s5 =	sor.u32 s6, s5  }
.Ltmp0:
0x7: {  	[sflag:s4] =	ssyncpa.u1 $0x0;
	p0 =	slt.u32 s5, $0x9;
	(pc) =	sbr.rel .LBB2_1-.Ltmp0, $4  }
0x8: {  	s6 =	simm.s32 $0x2;
	s7 =	simm.s32 @!p0 $0x0;
	p0 =	sne.s32 s5, $0x8  }
0x9: {  	[sflag:s6] =	ssyncpa.u1 $0x0;
	s5 =	smul.u32 $0x1F40, s5;
	s9 =	simm.s32 @!p0 $0x0  }
0xa: {  	s8 =	sadd.s32 $0xAEA00, s8;
	[sflag:s10] =	ssyncpa.u1 $0x0;
	s7 =	sadd.s32 s9, s7  }
0xb: {  	vm0 =	vmmov $0xffff;
	s10 =	simm.s32 $0x0;
	s11 =	smov.u32 s5;
	s9 =	sadd.s32 $0x1, s7  }
.LBB2_4:
0xc: {  	v2 =	vnsel vm1, $0x0, v2  }
0xd: {  	vm1 =	vgt.s32 v0, $0x0;
	v2 =	vmin.u32 v2, $0x4E1FF  }
0xe: {  	v0 =	vnsel vm1, $0x0, v0  }
0xf: {  	v0 =	vmin.u32 v0, $0x4E1FF  }
0x10: {  	[tilespmem:s18], [sflag:$0x1] =	stream.indirect_vreg.gather [hbm4b:s2+s10], $0x1, v1, vm0, $0x4038;
	[tilespmem:$0x7D00] =	vst v63  }
0x11: {  	(ifvalue) =	ssetifvalue $0x7FFFFFFF  }
0x12: {  	[tilespmem:s15], [sflag:$0x1] =	stream.indirect_vreg.gather [hbm4b:s2+s10], $0x1, v2, vm0, $0x4038;
	[tilespmem:$0x7D00] =	vst v63  }
0x13: {  	s29 =	sadd.s32 $0x10, s15;
	(ifvalue) =	ssetifvalue $0x7FFFFFFF  }
0x14: {  	[tilespmem:s29], [sflag:$0x1] =	stream.indirect_vreg.gather [hbm4b:s2+s10], $0x1, v0, vm0, $0x4038;
	[tilespmem:$0x7D00] =	vst v63  }
0x15: {  	_ =	swait.ge [sflag:s4], $0x1F40  }
0x16: {  	s30 =	sshrl.u32 s13, $0x3;
	[sflag:s4] =	ssyncset.done $0x0  }
0x17: {  	s31 =	sand.u32 $0x7, s13;
	s15 =	sadd.s32 s8, s30;
	[sflag:s4] =	ssyncadd.s32 $0xFFFFE0C0  }
0x18: {  	[hbm4b:s15+s31] =	stream.linear.scatter [tilespmem:s14], [sflag:$0x3], $0x1F40, $0x38;
	[tilespmem:$0x7D00] =	vst v63  }
.LBB2_5:
0x19: {  	s15 =	sadd.s32 $0x3E800, s11  }
0x1a: {  	p1 =	sgt.s32 s15, $0x4E1FF  }
0x1b: {  	s15 =	smov.u32 @p1 s5;
	p1 =	sne.s32 s12, s9  }
.Ltmp1:
0x1c: {  	p0 =	slt.u32 s12, $0x2;
	(pc) =	sbr.rel @!p1 .LBB2_6-.Ltmp1, $4  }
0x1d: {  	s14 =	simm.s32 @!p0 $0x3  }
0x1e: {  	_ =	swait.ge @!p0 [sflag:s14], $0x1F40  }
0x1f: {  	s16 =	sadd.s32 $0x1, s12;
	s13 =	smov.u32 s11;
	[sflag:s14] =	ssyncset.done @!p0 $0x0  }
0x20: {  	s12 =	smov.u32 s16;
	s11 =	smov.u32 s15;
	[sflag:s14] =	ssyncadd.s32 @!p0 $0xFFFFE0C0  }
.LBB2_1:
0x21: {  	p0 =	sge.u32 s12, s7  }
0x22: {  	s14 =	sxor.u32 @!p0 $0x1, s12  }
0x23: {  	s14 =	smul.u32 @!p0 $0x7D00, s14  }
0x24: {  	s31 =	sadd.s32 $0xFFFFFFFF, s12;
	s15 =	sshrl.u32 @!p0 s11, $0x3  }
0x25: {  	s16 =	sand.u32 @!p0 $0x7, s11;
	s15 =	sadd.s32 @!p0 s3, s15;
	s14 =	sshra.s32 @!p0 s14, $0x2  }
0x26: {  	[tilespmem:s14], [sflag:$0x2] =	stream.linear.gather @!p0 [hbm4b:s15+s16], $0x1F40, $0x38;
	[tilespmem:$0x7D00] =	vst v63  }
0x27: {  	p0 =	sge.u32 s31, s7  }
.Ltmp2:
0x28: {  	_ = 	snop;
	(pc) =	sbr.rel @p0 .LBB2_5-.Ltmp2, $1  }
0x29: {  	_ =	sdelay $0x3  }
0x2a: {  	s14 =	sand.u32 $0x1, s12  }
0x2b: {  	_ =	swait.ge [sflag:s6], $0x1F40;
	p0 =	seq.s32 s14, $0x1;
	s14 =	simm.s32 $0x1F40  }
0x2c: {  	[sflag:s6] =	ssyncset.done $0x0;
	s14 =	simm.s32 @!p0 $0x0  }
0x2d: {  	[sflag:s6] =	ssyncadd.s32 $0xFFFFE0C0;
	(ifvalue) =	ssetifvalue $0x7FFFFFFF;
	v0 =	vld.msk [tilespmem:s14+$0x0 ss:$0x1], $0xffff;
	_ =	sdelay $0x4  }
0x2e: {  	s15 =	sadd.s32 $0x10, s14;
	vm1 =	vgt.s32 v0, $0x0  }
0x2f: {  	v2 =	vld.msk [tilespmem:s15+$0x0 ss:$0x1], $0xffff;
	v1 =	vnsel vm1, $0x0, v0  }
0x30: {  	v1 =	vmin.u32 v1, $0x4E1FF;
	_ =	sdelay $0x2  }
0x31: {  	s17 =	simm.s32 $0x20;
	s14 =	sadd.s32 $0x3E80, s14;
	s16 =	sadd.s32 $0x10, s15  }
0x32: {  	s15 =	sadd.s32 $0x10, s14;
	s18 =	smov.u32 s14;
	v0 =	vld.msk [tilespmem:s16+$0x0 ss:$0x1], $0xffff;
	vm1 =	vgt.s32 v2, $0x0;
	(ifvalue) =	ssetifvalue $0x7FFFFFFF  }
.LBB2_3:
0x33: {  	[tilespmem:s18], [sflag:$0x1] =	stream.indirect_vreg.gather [hbm4b:s2+s10], $0x1, v1, vm0, $0x4038;
	[tilespmem:$0x7D00] =	vst v63  }
0x34: {  	s17 =	sadd.s32 $0x10, s17  }
0x35: {  	v2 =	vnsel vm1, $0x0, v2;
	p0 =	slt.u32 s17, $0x1F30  }
.Ltmp3:
0x36: {  	s18 =	smov.u32 s15;
	v1 =	vmin.u32 v2, $0x4E1FF;
	(pc) =	sbr.rel @p0 .LBB2_3-.Ltmp3, $3  }
0x37: {  	_ =	sdelay $0x1  }
0x38: {  	s16 =	sadd.s32 $0x10, s16  }
0x39: {  	vm1 =	vgt.s32 v0, $0x0;
	s15 =	sadd.s32 $0x10, s15;
	v2 =	vmov v0;
	(ifvalue) =	ssetifvalue $0x7FFFFFFF;
	v0 =	vld.msk [tilespmem:s16+$0x0 ss:$0x1], $0xffff  }
.Ltmp4:
0x3a: {  	_ = 	snop;
	(pc) =	sbr.rel .LBB2_4-.Ltmp4, $1  }
0x3b: {  	_ =	sdelay $0x3  }
.LBB2_6:
0x3c: {  	_ =	sfence.sel $0x180000  }
0x3d: {  	s2 =	simm.s32 $0x2;
	[bflag:$0x0] =	sbarrier.arrive $0xFFFF  }
0x3e: {  	s30 =	simm.s32 $0x3;
	[sflag:s2] =	ssyncpa.u1 $0x1  }
0x3f: {  	s31 =	simm.s32 $0x1;
	[sflag:s30] =	ssyncpa.u1 $0x1  }
0x40: {  	[sflag:s31] =	ssyncpa.u1 $0x1  }
0x41: {  	p0 =	sne.s32 s1, $0x0;
	_ =	strace $0x9000004A  }
0x42: {  	s0 =	sadd.s32 @!p0 $0x100000, s0;
	[bflag:$0x2] =	sbarrier.arrive $0xFFFF  }
0x43: {  	[sflag:s0] =	ssyncadd.tile.s32 @!p0 $0x1;
	_ =	shalt  }
.Lfunc_end2:
_tile_overlayer_lowered:
.L_overlay_start_2:
0x44: {  	(tag) =	ssettag $0x2  }
0x45: {  	s0 =	rddreg [dreg:$0x0];
	s2 =	stileid.u32  }
0x46: {  	s1 =	rddreg [dreg:$0x1];
	p0 =	sne.s32 s2, $0x0  }
0x47: {  	s3 =	rddreg [dreg:$0x2];
	[bflag:$0x3] =	sbarrier.arrive $0xFFFF;
	s2 =	simm.s32 @!p0 $0x1C01  }
0x48: {  	[timem:s3], [sflag:s2] =	dma.local @!p0 [hbm:s0], s1  }
0x49: {  	s0 =	simm.s32 @!p0 $0x1  }
0x4a: {  	_ =	swait.ge @!p0 [sflag:s0], s1  }
0x4b: {  	s1 =	ssub.s32 @!p0 $0x0, s1;
	[sflag:s0] =	ssyncset.done @!p0 $0x0  }
0x4c: {  	[sflag:s0] =	ssyncadd.s32 @!p0 s1  }
0x4d: {  	[bflag:$0x3] =	sbarrier.arrive $0xFFFF  }
0x4e: {  	_ =	shalt  }

// kernel: kernel.18.cloned.1.call-start
scs
__scs_entry_jumppad:
0x0: {  	(pc) =	sbr.rel $0x88, $3  }
0x1: {  	(tag) =	ssettag $0x0;
	lr =	simm.s32 $0x1  }
0x2: {  	[smem:$0x3F91] =	sst lr;
	_ =	strace $0xD0000000  }
0x3: {  	_ = 	snop  }
0x4: {  	_ = 	snop  }
0x5: {  	_ = 	snop  }
0x6: {  	_ = 	snop  }
0x7: {  	_ = 	snop  }
__scs_overlays_trampoline_lowered:
0x8: {  	[smem:$0x3FA0] =	sst s0  }
0x9: {  	[smem:$0x3FA1] =	sst s1  }
0xa: {  	[smem:$0x3FA2] =	sst s2  }
0xb: {  	[smem:$0x3FA3] =	sst s3  }
0xc: {  	[smem:$0x3FA4] =	sst s4  }
0xd: {  	[smem:$0x3FA5] =	sst s5  }
0xe: {  	[smem:$0x3FA6] =	sst s6  }
0xf: {  	[smem:$0x3FA7] =	sst s7  }
0x10: {  	[smem:$0x3FA8] =	sst s8  }
0x11: {  	[smem:$0x3FA9] =	sst s9;
	s0 =	simm.s32 @!p0 $0x0  }
0x12: {  	s1 =	sld [smem:$0x3F8F];
	s0 =	simm.s32 @p0 $0x1  }
0x13: {  	[smem:$0x3FAA] =	sst s0;
	s0 =	simm.s32 @!p1 $0x0  }
0x14: {  	s2 =	sld [smem:$0x3F8E];
	s0 =	simm.s32 @p1 $0x1  }
0x15: {  	[smem:$0x3FAB] =	sst s0;
	s0 =	simm.s32 @!p2 $0x0  }
0x16: {  	s3 =	sld [smem:$0x3FDB];
	s0 =	simm.s32 @p2 $0x1  }
0x17: {  	s4 =	simm.s32 $0x1BF5;
	[smem:$0x3FAD] =	sst s0  }
0x18: {  	s0 =	sld [smem:$0x3F90];
	_ =	swait.ge [sflag:s4], $0x0  }
0x19: {  	s7 =	sld [smem:$0x3F91]  }
0x1a: {  	s8 =	sadd.s32 $0xFFFFE003, lr  }
0x1b: {  	s9 =	sadd.s32 $0xFFFFFEF7, lr;
	s5 =	simm.s32 $0xFFFFFFFF;
	p2 =	slt.u32 s8, $0xFFFFF086  }
0x1c: {  	p1 =	slt.u32 s9, $0xF7A;
	s5 =	simm.s32 @!p2 $0x0  }
0x1d: {  	s5 =	simm.s32 @p1 $0x1;
	p0 =	seq.s32 s7, s2  }
0x1e: {  	s7 =	smul.u32 @!p0 $0xF7A, s2;
	p2 =	seq.s32 @!p0 s5, $0x0  }
0x1f: {  	s9 =	smul.u32 $0xF7A, s1;
	s8 =	simm.s32 @!p0 $0x1BF5;
	p2 =	por !p2, p0  }
0x20: {  	[sflag:s8] =	ssyncset.s32 @!p0 $0xFFFFF086;
	s6 =	sadd.s32 @!p0 s3, s7;
	s7 =	simm.s32 @!p0 $0x108  }
0x21: {  	s3 =	sadd.s32 s3, s9;
	s6 =	sadd.s32 @!p0 $0x88, s6;
	s7 =	simm.s32 @p2 $0x1082  }
0x22: {  	[simem:s7], [sflag:s8] =	dma.local @!p0 [hbm:s6], $0xF7A  }
0x23: {  	s9 =	sor.u32 $0xD0000000, s2;
	s6 =	simm.s32 $0x108;
	_ =	swait.ge @!p0 [sflag:s8], $0x0  }
0x24: {  	s3 =	sadd.s32 $0x88, s3;
	s6 =	simm.s32 @!p1 $0x1082;
	[sflag:s4] =	ssyncset.s32 $0xFFFFF086  }
0x25: {  	[simem:s6], [sflag:s4] =	dma.local [hbm:s3], $0xF7A  }
0x26: {  	[smem:$0x3F91] =	sst s1;
	(tag) =	ssettag s2;
	_ =	strace s9  }
0x27: {  	s1 =	sld [smem:$0x3FA1]  }
0x28: {  	s2 =	sld [smem:$0x3FA2]  }
0x29: {  	s4 =	sld [smem:$0x3FA4]  }
0x2a: {  	p0 =	seq.s32 s5, $0x0;
	s5 =	sld [smem:$0x3FA5]  }
0x2b: {  	s6 =	sld [smem:$0x3FA6]  }
0x2c: {  	s7 =	sld [smem:$0x3FA7]  }
0x2d: {  	s3 =	simm.s32 $0x108;
	s8 =	sld [smem:$0x3FA8]  }
0x2e: {  	s3 =	simm.s32 @!p0 $0x1082;
	s9 =	sld [smem:$0x3FA9]  }
0x2f: {  	lr =	sadd.s32 s0, s3;
	s0 =	sld [smem:$0x3FA0]  }
0x30: {  	s3 =	sld [smem:$0x3FA3]  }
0x31: {  	[smem:$0x3FAC] =	sst s10  }
0x32: {  	s10 =	sld [smem:$0x3FAA];
	_ =	sdelay $0x3  }
0x33: {  	p0 =	seq.s32 s10, $0x1;
	s10 =	sld [smem:$0x3FAC];
	_ =	sdelay $0x3  }
0x34: {  	[smem:$0x3FAC] =	sst s10  }
0x35: {  	s10 =	sld [smem:$0x3FAB];
	_ =	sdelay $0x3  }
0x36: {  	p1 =	seq.s32 s10, $0x1;
	s10 =	sld [smem:$0x3FAC];
	_ =	sdelay $0x3  }
0x37: {  	[smem:$0x3FAC] =	sst s10  }
0x38: {  	s10 =	sld [smem:$0x3FAD]  }
0x39: {  	_ = 	snop;
	(pc) =	sbr.ind lr, $3  }
0x3a: {  	_ = 	snop  }
0x3b: {  	_ = 	snop  }
0x3c: {  	p2 =	seq.s32 s10, $0x1;
	s10 =	sld [smem:$0x3FAC]  }
0x3d: {  	_ =	shalt  }
0x3e: {  	_ =	shalt  }
0x3f: {  	_ =	shalt  }
0x40: {  	_ =	shalt  }
0x41: {  	_ =	shalt  }
0x42: {  	_ =	shalt  }
0x43: {  	_ =	shalt  }
0x44: {  	_ =	shalt  }
0x45: {  	_ =	shalt  }
0x46: {  	_ =	shalt  }
0x47: {  	_ =	shalt  }
0x48: {  	_ =	shalt  }
0x49: {  	_ =	shalt  }
0x4a: {  	_ =	shalt  }
0x4b: {  	_ =	shalt  }
0x4c: {  	_ =	shalt  }
0x4d: {  	_ =	shalt  }
0x4e: {  	_ =	shalt  }
0x4f: {  	_ =	shalt  }
0x50: {  	_ =	shalt  }
0x51: {  	_ =	shalt  }
0x52: {  	_ =	shalt  }
0x53: {  	_ =	shalt  }
0x54: {  	_ =	shalt  }
0x55: {  	_ =	shalt  }
0x56: {  	_ =	shalt  }
0x57: {  	_ =	shalt  }
0x58: {  	_ =	shalt  }
0x59: {  	_ =	shalt  }
0x5a: {  	_ =	shalt  }
0x5b: {  	_ =	shalt  }
0x5c: {  	_ =	shalt  }
0x5d: {  	_ =	shalt  }
0x5e: {  	_ =	shalt  }
0x5f: {  	_ =	shalt  }
0x60: {  	_ =	shalt  }
0x61: {  	_ =	shalt  }
0x62: {  	_ =	shalt  }
0x63: {  	_ =	shalt  }
0x64: {  	_ =	shalt  }
0x65: {  	_ =	shalt  }
0x66: {  	_ =	shalt  }
0x67: {  	_ =	shalt  }
0x68: {  	_ =	shalt  }
0x69: {  	_ =	shalt  }
0x6a: {  	_ =	shalt  }
0x6b: {  	_ =	shalt  }
0x6c: {  	_ =	shalt  }
0x6d: {  	_ =	shalt  }
0x6e: {  	_ =	shalt  }
0x6f: {  	_ =	shalt  }
0x70: {  	_ =	shalt  }
0x71: {  	_ =	shalt  }
0x72: {  	_ =	shalt  }
0x73: {  	_ =	shalt  }
0x74: {  	_ =	shalt  }
0x75: {  	_ =	shalt  }
0x76: {  	_ =	shalt  }
0x77: {  	_ =	shalt  }
0x78: {  	_ =	shalt  }
0x79: {  	_ =	shalt  }
0x7a: {  	_ =	shalt  }
0x7b: {  	_ =	shalt  }
0x7c: {  	_ =	shalt  }
0x7d: {  	_ =	shalt  }
0x7e: {  	_ =	shalt  }
0x7f: {  	_ =	shalt  }
0x80: {  	_ =	shalt  }
0x81: {  	_ =	shalt  }
0x82: {  	_ =	shalt  }
0x83: {  	_ =	shalt  }
0x84: {  	_ =	shalt  }
0x85: {  	_ =	shalt  }
0x86: {  	_ =	shalt  }
0x87: {  	_ =	shalt  }
.Lfunc_end0:
.L_simem_size_0:
called_computation.2_lowered:
.L_overlay_start_0:
0x88: {  	s2 =	sld [smem:$0x3FD9]  }
0x89: {  	s3 =	sld [smem:$0x3FFE];
	_ =	sdelay $0x1  }
0x8a: {  	s1 =	srdreg.scid  }
0x8b: {  	s0 =	sand.u32 $0x1, s1  }
0x8c: {  	s17 =	sshll.u32 s0, $0xA;
	s2 =	sadd.s32 s3, s2  }
0x8d: {  	s2 =	sadd.s32 s2, s17  }
0x8e: {  	[smem:$0x3FB8] =	sst s2  }
0x8f: {  	_ = 	snop  }
0x90: {  	(tm) =	ssettm $0x1  }
0x91: {  	s18 =	sld [smem:$0x3FFB];
	_ =	sdelay $0x3  }
0x92: {  	_ =	strace s18  }
0x93: {  	s2 =	sld [smem:$0x3FFC];
	_ =	sdelay $0x3  }
0x94: {  	_ =	strace s2  }
0x95: {  	s2 =	sld [smem:$0x3FFD];
	_ =	sdelay $0x3  }
0x96: {  	_ =	strace s2  }
0x97: {  	_ =	strace $0x8FFFFFFF  }
0x98: {  	s19 =	sld [smem:$0x3FDB];
	_ =	sdelay $0x1  }
0x99: {  	s20 =	simm.s32 $_scs_section_size  }
0x9a: {  	s4 =	simm.s32 $_size__tile_overlayer_lowered;
	s5 =	simm.s32 $_tile_overlayer_lowered  }
0x9b: {  	s6 =	simm.s32 $0x1BFF;
	s21 =	sshll.u32 s5, $0x1;
	s3 =	sadd.s32 s20, s19  }
0x9c: {  	s22 =	simm.s32 $0x0;
	s4 =	sshll.u32 s4, $0x1;
	s5 =	sadd.s32 s21, s3  }
0x9d: {  	[timem:s22], [sflag:s6] =	dma.local [hbm:s5], s4  }
0x9e: {  	_ =	swait.ge [sflag:s6], s4  }
0x9f: {  	s4 =	ssub.s32 $0x0, s4;
	[sflag:s6] =	ssyncset.done $0x0  }
0xa0: {  	[sflag:s6] =	ssyncadd.s32 s4;
	_ =	sdelay $0x1  }
0xa1: {  	s23 =	simm.s32 $0x1B8B  }
0xa2: {  	_ =	swait.ge [sflag:s23], $0x1  }
0xa3: {  	[sflag:s23] =	ssyncset.done $0x0  }
0xa4: {  	[sflag:s23] =	ssyncadd.s32 $0xFFFFFFFF  }
0xa5: {  	s4 =	sld [smem:$0x0]  }
0xa6: {  	s5 =	sand.u32 $0xFFFFFFFE, s1  }
0xa7: {  	p0 =	sne.s32 s1, s5  }
0xa8: {  	s5 =	sshll.u32 @p0 s5, $0xE  }
0xa9: {  	s5 =	sadd.s32 @p0 $0x11B8D, s5;
	s6 =	sshll.u32 @p0 s4, $0x11  }
0xaa: {  	s5 =	sor.u32 @p0 s6, s5  }
0xab: {  	[sflag:s5] =	ssyncadd.remote.s32 @p0 $0x1;
	_ =	sdelay $0x1  }
0xac: {  	s5 =	simm.s32 @p0 $0x1B8D  }
0xad: {  	_ =	swait.eq @p0 [sflag:s5], $0x1  }
0xae: {  	[sflag:s5] =	ssyncadd.s32 @p0 $0xFFFFFFFF  }
0xaf: {  	s6 =	sshll.u32 @!p0 s1, $0xE  }
0xb0: {  	s6 =	sor.u32 @!p0 $0x4000, s6;
	s5 =	simm.s32 @!p0 $0x1B8D  }
0xb1: {  	s4 =	sshll.u32 @!p0 s4, $0x11;
	s6 =	sadd.s32 @!p0 $0x11B8D, s6;
	_ =	swait.eq @!p0 [sflag:s5], $0x1  }
0xb2: {  	s4 =	sor.u32 @!p0 s4, s6;
	[sflag:s5] =	ssyncadd.s32 @!p0 $0xFFFFFFFF  }
0xb3: {  	s25 =	simm.s32 $0x1B8E;
	s24 =	sld [smem:$0x3FFE];
	[sflag:s4] =	ssyncadd.remote.s32 @!p0 $0x1  }
0xb4: {  	s26 =	simm.s32 $execute0_lowered;
	[smem:$0x3FD2] =	sst s25  }
0xb5: {  	s5 =	sshll.u32 s26, $0x1;
	_ =	strace $0x80000058;
	[dreg:$0x1] =	wrdreg $0xFFFFFFFF  }
0xb6: {  	s28 =	simm.s32 $_size_execute0_lowered;
	s3 =	sadd.s32 s3, s5;
	[dreg:$0x0] =	wrdreg $0x0  }
0xb7: {  	s5 =	sshll.u32 s28, $0x1;
	[dreg:$0x2] =	wrdreg s3  }
0xb8: {  	[dreg:$0x3] =	wrdreg s5  }
0xb9: {  	[dreg:$0x4] =	wrdreg $0xC0  }
0xba: {  	_ =	task [dreg:s22], $0x5FFFF  }
0xbb: {  	[dreg:$0x1] =	wrdreg $0xFFFFFFFF  }
0xbc: {  	[dreg:$0x0] =	wrdreg $0x60  }
0xbd: {  	[dreg:$0x2] =	wrdreg s24  }
0xbe: {  	[dreg:$0x3] =	wrdreg $0x67C00  }
0xbf: {  	[dreg:$0x4] =	wrdreg $0x9  }
0xc0: {  	_ =	task.clear_ibuf [dreg:s22], $0x5FFFF;
	_ =	strace $0x90000058  }
0xc1: {  	s29 =	simm.s32 $0x9;
	_ =	strace $0x8000005A  }
0xc2: {  	_ =	swait.ge [sflag:s29], $0x1  }
0xc3: {  	[sflag:s29] =	ssyncadd.s32 $0xFFFFFFFF  }
0xc4: {  	_ =	strace $0x9000005A  }
0xc5: {  	_ =	sfence  }
0xc6: {  	s30 =	sld [smem:$0x0];
	_ =	sdelay $0x2  }
0xc7: {  	s31 =	sshll.u32 s1, $0xD;
	s1 =	sshrl.u32 s1, $0x2  }
0xc8: {  	s4 =	sand.u32 $0x4000, s31;
	s1 =	sadd.s32 s1, s30  }
0xc9: {  	s0 =	sor.u32 s4, s0;
	s1 =	sshll.u32 s1, $0x11  }
0xca: {  	s0 =	sor.u32 s1, s0  }
0xcb: {  	s0 =	sadd.s32 $0x8F2B, s0  }
0xcc: {  	[sflag:s0] =	ssyncadd.remote.s32 $0x1  }
0xcd: {  	_ =	sfence.sel $0xFFFF  }
0xce: {  	[dreg:$0x0] =	wrdreg $0xFFFFFFFF;
	(pc) =	sbr.abs _section_cstart, $3  }
0xcf: {  	[dreg:$0x1] =	wrdreg $0xFFFFFFFF  }
0xd0: {  	_ =	task.clear_ibuf [dreg:s22], $0x2FFFF;
	_ =	strace $0x9FFFFFFF  }
0xd1: {  	(tm) =	ssettm $0x7FFFFFFF  }
tec
execute0_lowered:
.L_overlay_start_1:
0x0: {  	(tag) =	ssettag $0x1  }
0x1: {  	s6 =	rddreg [dreg:$0x0];
	s1 =	srdreg.scid  }
0x2: {  	s0 =	stileid.u32;
	s2 =	rddreg [dreg:$0x1];
	s3 =	simm.s32 $0x0  }
0x3: {  	s13 =	simm.s32 $0x2800;
	s14 =	simm.s32 $0x80;
	s15 =	simm.s32 $0x5000  }
0x4: {  	s16 =	simm.s32 $0x1;
	s5 =	sand.u32 $0x1, s1;
	s1 =	rddreg [dreg:$0x2]  }
0x5: {  	s17 =	simm.s32 $0x5400;
	s4 =	sshll.u32 s0, $0x1;
	[smem:$0x7FF] =	sst s3  }
0x6: {  	s10 =	smul.u32 $0x13C0, s0;
	s31 =	sshll.u32 s0, $0x6;
	s4 =	sor.u32 s5, s4  }
0x7: {  	_ =	strace $0x80000059;
	s8 =	smul.u32 $0x2780, s5;
	s29 =	ssub.s32 $0x2, s5  }
0x8: {  	s5 =	sadd.s32 $0xB1200, s6;
	s7 =	smul.u32 $0x500, s4;
	s4 =	sadd.s32 $0xAEA00, s6  }
0x9: {  	s30 =	sshrl.u32 s29, $0x1;
	s19 =	sshrl.u32 s10, $0x3;
	s11 =	sadd.s32 s8, s6  }
0xa: {  	s12 =	ssub.s32 s29, s30;
	s9 =	sadd.s32 s7, s6;
	s6 =	sadd.s32 s10, s2  }
0xb: {  	s18 =	sadd.s32 $0xB1600, s11;
	s10 =	sor.u32 $0x1C02, s31;
	s7 =	sadd.s32 $0x6C00, s9  }
0xc: {  	s8 =	sadd.s32 $0xB8800, s9;
	s9 =	smax.u32 s12, $0x1;
	s11 =	sshrl.u32 s6, $0x3  }
0xd: {  	s12 =	simm.s32 $0x2;
	s18 =	sadd.s32 s19, s18;
	s19 =	simm.s32 $0x0  }
.LBB2_1:
0xe: {  	[bflag:$0x0] =	sbarrier.arrive $0xFFFF  }
0xf: {  	_ =	sdelay $0x7ff  }
0x10: {  	_ =	sdelay $0x7ff  }
0x11: {  	_ =	sdelay $0x7ff  }
0x12: {  	_ =	sdelay $0x7ff  }
0x13: {  	_ =	sdelay $0x7ff  }
0x14: {  	_ =	sdelay $0x7ff  }
0x15: {  	_ =	sdelay $0x7ff  }
0x16: {  	_ =	sdelay $0x7ff  }
0x17: {  	_ =	sdelay $0x7ff  }
0x18: {  	_ =	sdelay $0x7ff  }
0x19: {  	_ =	sdelay $0x7ff  }
0x1a: {  	_ =	sdelay $0x7ff  }
0x1b: {  	_ =	sdelay $0x7ff  }
0x1c: {  	_ =	sdelay $0x7ff  }
0x1d: {  	_ =	sdelay $0x7ff  }
0x1e: {  	_ =	sdelay $0xe  }
0x1f: {  	[bflag:$0x0] =	sbarrier.arrive $0xFFFF  }
0x20: {  	[spmem:s11], [sflag:s10] =	dma.local [hbm:s5], $0x278  }
0x21: {  	_ =	swait.ge [sflag:s12], $0x278  }
0x22: {  	[sflag:s12] =	ssyncset.done $0x0  }
0x23: {  	[sflag:s12] =	ssyncadd.s32 $0xFFFFFD88  }
0x24: {  	[tilespmem:s3], [sflag:$0x2] =	stream.linear.gather [hbm4b:s7+s3], $0x2800, $0x38;
	[tilespmem:$0x7B80] =	vst v63  }
0x25: {  	_ =	swait.ge [sflag:s12], $0x2800  }
0x26: {  	[sflag:s12] =	ssyncset.done $0x0  }
0x27: {  	[sflag:s12] =	ssyncadd.s32 $0xFFFFD800  }
0x28: {  	[tilespmem:s13], [sflag:$0x2] =	stream.linear.gather [hbm4b:s8+s3], $0x2800, $0x38;
	[tilespmem:$0x7B80] =	vst v63  }
0x29: {  	_ =	swait.ge [sflag:s12], $0x2800  }
0x2a: {  	[sflag:s12] =	ssyncset.done $0x0  }
0x2b: {  	[sflag:s12] =	ssyncadd.s32 $0xFFFFD800  }
0x2c: {  	[bflag:$0x0] =	sbarrier.arrive $0xFFFF  }
0x2d: {  	_ =	sdelay $0x7ff  }
0x2e: {  	_ =	sdelay $0x7ff  }
0x2f: {  	_ =	sdelay $0x601  }
0x30: {  	s20 =	simm.s32 $0x0;
	[bflag:$0x0] =	sbarrier.arrive $0xFFFF  }
0x31: {  	[tilespmem:s15], [sflag:$0x1] =	stream.indirect.gather [hbm4b:s4+s14], $0x8, s20, s14, $0xb8;
	[tilespmem:$0x7B80] =	vst v63  }
0x32: {  	_ =	swait.ge [sflag:s16], $0x400  }
0x33: {  	[sflag:s16] =	ssyncset.done $0x0  }
0x34: {  	s31 =	simm.s32 $0x2800;
	[sflag:s16] =	ssyncadd.s32 $0xFFFFFC00  }
0x35: {  	[spmem:s2] =	stream.indirect.scatter.add.f32 [tilespmem:s15], [sflag:$0x2], $0x8, s31, s14, $0xb8;
	[tilespmem:$0x7B80] =	vst v63  }
0x36: {  	_ =	swait.ge [sflag:s12], $0x400  }
0x37: {  	s21 =	simm.s32 $0x400;
	s20 =	simm.s32 $0x200;
	[sflag:s12] =	ssyncset.done $0x0  }
.LBB2_2:
0x38: {  	s22 =	sshra.s32 s20, $0x2  }
0x39: {  	[sflag:s12] =	ssyncadd.s32 $0xFFFFFC00;
	s20 =	smov.u32 s21;
	s23 =	sadd.s32 $0x200, s21  }
0x3a: {  	[tilespmem:s15], [sflag:$0x1] =	stream.indirect.gather [hbm4b:s4+s14], $0x8, s22, s14, $0xb8;
	[tilespmem:$0x7B80] =	vst v63  }
0x3b: {  	p0 =	sne.s32 s21, $0x9E00;
	_ =	swait.ge [sflag:s16], $0x400  }
.Ltmp0:
0x3c: {  	[sflag:s16] =	ssyncset.done $0x0;
	(pc) =	sbr.rel @p0 .LBB2_2-.Ltmp0, $4  }
0x3d: {  	s21 =	sadd.s32 $0x2800, s22;
	[sflag:s16] =	ssyncadd.s32 $0xFFFFFC00  }
0x3e: {  	[spmem:s2] =	stream.indirect.scatter.add.f32 [tilespmem:s15], [sflag:$0x2], $0x8, s21, s14, $0xb8;
	[tilespmem:$0x7B80] =	vst v63  }
0x3f: {  	_ =	swait.ge [sflag:s12], $0x400  }
0x40: {  	s21 =	smov.u32 s23;
	[sflag:s12] =	ssyncset.done $0x0  }
0x41: {  	s20 =	sshra.s32 s20, $0x2;
	[sflag:s12] =	ssyncadd.s32 $0xFFFFFC00  }
0x42: {  	[tilespmem:s15], [sflag:$0x1] =	stream.indirect.gather [hbm4b:s4+s14], $0x8, s20, s14, $0xb8;
	[tilespmem:$0x7B80] =	vst v63  }
0x43: {  	_ =	swait.ge [sflag:s16], $0x400  }
0x44: {  	[sflag:s16] =	ssyncset.done $0x0  }
0x45: {  	s20 =	sadd.s32 $0x2800, s20;
	[sflag:s16] =	ssyncadd.s32 $0xFFFFFC00  }
0x46: {  	[spmem:s2] =	stream.indirect.scatter.add.f32 [tilespmem:s15], [sflag:$0x2], $0x8, s20, s14, $0xb8;
	[tilespmem:$0x7B80] =	vst v63  }
0x47: {  	_ =	swait.ge [sflag:s12], $0x400  }
0x48: {  	[sflag:s12] =	ssyncset.done $0x0  }
0x49: {  	[sflag:s12] =	ssyncadd.s32 $0xFFFFFC00  }
0x4a: {  	[bflag:$0x0] =	sbarrier.arrive $0xFFFF  }
0x4b: {  	_ =	sdelay $0x7ff  }
0x4c: {  	_ =	sdelay $0x7ff  }
0x4d: {  	_ =	sdelay $0x601  }
0x4e: {  	[bflag:$0x0] =	sbarrier.arrive $0xFFFF  }
0x4f: {  	[tilespmem:s17], [sflag:$0x2] =	stream.linear.gather [spmem:s6], $0x13C0, $0x38;
	[tilespmem:$0x7B80] =	vst v63  }
0x50: {  	_ =	swait.ge [sflag:s12], $0x13C0  }
0x51: {  	[sflag:s12] =	ssyncset.done $0x0  }
0x52: {  	[sflag:s12] =	ssyncadd.s32 $0xFFFFEC40  }
0x53: {  	[hbm4b:s18+s3] =	stream.linear.scatter [tilespmem:s17], [sflag:$0x2], $0x13C0, $0x38;
	[tilespmem:$0x7B80] =	vst v63  }
0x54: {  	_ =	swait.ge [sflag:s12], $0x13C0  }
0x55: {  	[sflag:s12] =	ssyncset.done $0x0  }
0x56: {  	[sflag:s12] =	ssyncadd.s32 $0xFFFFEC40  }
0x57: {  	[tilespmem:s17], [sflag:$0x2] =	stream.linear.gather [hbm4b:s18+s3], $0x13C0, $0x38;
	[tilespmem:$0x7B80] =	vst v63  }
0x58: {  	_ =	swait.ge [sflag:s12], $0x13C0  }
0x59: {  	[sflag:s12] =	ssyncset.done $0x0  }
0x5a: {  	[sflag:s12] =	ssyncadd.s32 $0xFFFFEC40  }
0x5b: {  	[bflag:$0x0] =	sbarrier.arrive $0xFFFF  }
0x5c: {  	_ =	sdelay $0x7ff  }
0x5d: {  	_ =	sdelay $0x7ff  }
0x5e: {  	_ =	sdelay $0x7ff  }
0x5f: {  	_ =	sdelay $0x7ff  }
0x60: {  	_ =	sdelay $0x7ff  }
0x61: {  	_ =	sdelay $0x7ff  }
0x62: {  	_ =	sdelay $0x7ff  }
0x63: {  	_ =	sdelay $0x7ff  }
0x64: {  	_ =	sdelay $0x7ff  }
0x65: {  	_ =	sdelay $0x7ff  }
0x66: {  	_ =	sdelay $0x7ff  }
0x67: {  	s19 =	sadd.s32 $0x1, s19;
	_ =	sdelay $0x7ff  }
0x68: {  	p0 =	sne.s32 s19, s9;
	_ =	sdelay $0x7ff  }
.Ltmp1:
0x69: {  	_ =	sdelay $0x7ff;
	(pc) =	sbr.rel @p0 .LBB2_1-.Ltmp1, $3  }
0x6a: {  	_ =	sdelay $0x7ff  }
0x6b: {  	_ =	sdelay $0xe  }
0x6c: {  	[bflag:$0x0] =	sbarrier.arrive $0xFFFF;
	_ =	sdelay $0x1  }
0x6d: {  	_ =	sfence.sel $0x180000  }
0x6e: {  	[bflag:$0x0] =	sbarrier.arrive $0xFFFF  }
0x6f: {  	p0 =	sne.s32 s0, $0x0;
	_ =	strace $0x90000059  }
0x70: {  	s0 =	sadd.s32 @!p0 $0x100000, s1;
	[bflag:$0x2] =	sbarrier.arrive $0xFFFF  }
0x71: {  	[sflag:s0] =	ssyncadd.tile.s32 @!p0 $0x1;
	_ =	shalt  }
.Lfunc_end2:
_tile_overlayer_lowered:
.L_overlay_start_2:
0x72: {  	(tag) =	ssettag $0x2  }
0x73: {  	s0 =	rddreg [dreg:$0x0];
	s2 =	stileid.u32  }
0x74: {  	s1 =	rddreg [dreg:$0x1];
	p0 =	sne.s32 s2, $0x0  }
0x75: {  	s3 =	rddreg [dreg:$0x2];
	[bflag:$0x3] =	sbarrier.arrive $0xFFFF;
	s2 =	simm.s32 @!p0 $0x1C02  }
0x76: {  	[timem:s3], [sflag:s2] =	dma.local @!p0 [hbm:s0], s1  }
0x77: {  	s0 =	simm.s32 @!p0 $0x2  }
0x78: {  	_ =	swait.ge @!p0 [sflag:s0], s1  }
0x79: {  	s1 =	ssub.s32 @!p0 $0x0, s1;
	[sflag:s0] =	ssyncset.done @!p0 $0x0  }
0x7a: {  	[sflag:s0] =	ssyncadd.s32 @!p0 s1  }
0x7b: {  	[bflag:$0x3] =	sbarrier.arrive $0xFFFF  }
0x7c: {  	_ =	shalt  }

// kernel: kernel.21.cloned.1.call-start
scs
__scs_entry_jumppad:
0x0: {  	(pc) =	sbr.rel $0x88, $3  }
0x1: {  	(tag) =	ssettag $0x0;
	lr =	simm.s32 $0x1  }
0x2: {  	[smem:$0x3F91] =	sst lr;
	_ =	strace $0xD0000000  }
0x3: {  	_ = 	snop  }
0x4: {  	_ = 	snop  }
0x5: {  	_ = 	snop  }
0x6: {  	_ = 	snop  }
0x7: {  	_ = 	snop  }
__scs_overlays_trampoline_lowered:
0x8: {  	[smem:$0x3FA0] =	sst s0  }
0x9: {  	[smem:$0x3FA1] =	sst s1  }
0xa: {  	[smem:$0x3FA2] =	sst s2  }
0xb: {  	[smem:$0x3FA3] =	sst s3  }
0xc: {  	[smem:$0x3FA4] =	sst s4  }
0xd: {  	[smem:$0x3FA5] =	sst s5  }
0xe: {  	[smem:$0x3FA6] =	sst s6  }
0xf: {  	[smem:$0x3FA7] =	sst s7  }
0x10: {  	[smem:$0x3FA8] =	sst s8  }
0x11: {  	[smem:$0x3FA9] =	sst s9;
	s0 =	simm.s32 @!p0 $0x0  }
0x12: {  	s1 =	sld [smem:$0x3F8F];
	s0 =	simm.s32 @p0 $0x1  }
0x13: {  	[smem:$0x3FAA] =	sst s0;
	s0 =	simm.s32 @!p1 $0x0  }
0x14: {  	s2 =	sld [smem:$0x3F8E];
	s0 =	simm.s32 @p1 $0x1  }
0x15: {  	[smem:$0x3FAB] =	sst s0;
	s0 =	simm.s32 @!p2 $0x0  }
0x16: {  	s3 =	sld [smem:$0x3FDB];
	s0 =	simm.s32 @p2 $0x1  }
0x17: {  	s4 =	simm.s32 $0x1BF5;
	[smem:$0x3FAD] =	sst s0  }
0x18: {  	s0 =	sld [smem:$0x3F90];
	_ =	swait.ge [sflag:s4], $0x0  }
0x19: {  	s7 =	sld [smem:$0x3F91]  }
0x1a: {  	s8 =	sadd.s32 $0xFFFFE003, lr  }
0x1b: {  	s9 =	sadd.s32 $0xFFFFFEF7, lr;
	s5 =	simm.s32 $0xFFFFFFFF;
	p2 =	slt.u32 s8, $0xFFFFF086  }
0x1c: {  	p1 =	slt.u32 s9, $0xF7A;
	s5 =	simm.s32 @!p2 $0x0  }
0x1d: {  	s5 =	simm.s32 @p1 $0x1;
	p0 =	seq.s32 s7, s2  }
0x1e: {  	s7 =	smul.u32 @!p0 $0xF7A, s2;
	p2 =	seq.s32 @!p0 s5, $0x0  }
0x1f: {  	s9 =	smul.u32 $0xF7A, s1;
	s8 =	simm.s32 @!p0 $0x1BF5;
	p2 =	por !p2, p0  }
0x20: {  	[sflag:s8] =	ssyncset.s32 @!p0 $0xFFFFF086;
	s6 =	sadd.s32 @!p0 s3, s7;
	s7 =	simm.s32 @!p0 $0x108  }
0x21: {  	s3 =	sadd.s32 s3, s9;
	s6 =	sadd.s32 @!p0 $0x88, s6;
	s7 =	simm.s32 @p2 $0x1082  }
0x22: {  	[simem:s7], [sflag:s8] =	dma.local @!p0 [hbm:s6], $0xF7A  }
0x23: {  	s9 =	sor.u32 $0xD0000000, s2;
	s6 =	simm.s32 $0x108;
	_ =	swait.ge @!p0 [sflag:s8], $0x0  }
0x24: {  	s3 =	sadd.s32 $0x88, s3;
	s6 =	simm.s32 @!p1 $0x1082;
	[sflag:s4] =	ssyncset.s32 $0xFFFFF086  }
0x25: {  	[simem:s6], [sflag:s4] =	dma.local [hbm:s3], $0xF7A  }
0x26: {  	[smem:$0x3F91] =	sst s1;
	(tag) =	ssettag s2;
	_ =	strace s9  }
0x27: {  	s1 =	sld [smem:$0x3FA1]  }
0x28: {  	s2 =	sld [smem:$0x3FA2]  }
0x29: {  	s4 =	sld [smem:$0x3FA4]  }
0x2a: {  	p0 =	seq.s32 s5, $0x0;
	s5 =	sld [smem:$0x3FA5]  }
0x2b: {  	s6 =	sld [smem:$0x3FA6]  }
0x2c: {  	s7 =	sld [smem:$0x3FA7]  }
0x2d: {  	s3 =	simm.s32 $0x108;
	s8 =	sld [smem:$0x3FA8]  }
0x2e: {  	s3 =	simm.s32 @!p0 $0x1082;
	s9 =	sld [smem:$0x3FA9]  }
0x2f: {  	lr =	sadd.s32 s0, s3;
	s0 =	sld [smem:$0x3FA0]  }
0x30: {  	s3 =	sld [smem:$0x3FA3]  }
0x31: {  	[smem:$0x3FAC] =	sst s10  }
0x32: {  	s10 =	sld [smem:$0x3FAA];
	_ =	sdelay $0x3  }
0x33: {  	p0 =	seq.s32 s10, $0x1;
	s10 =	sld [smem:$0x3FAC];
	_ =	sdelay $0x3  }
0x34: {  	[smem:$0x3FAC] =	sst s10  }
0x35: {  	s10 =	sld [smem:$0x3FAB];
	_ =	sdelay $0x3  }
0x36: {  	p1 =	seq.s32 s10, $0x1;
	s10 =	sld [smem:$0x3FAC];
	_ =	sdelay $0x3  }
0x37: {  	[smem:$0x3FAC] =	sst s10  }
0x38: {  	s10 =	sld [smem:$0x3FAD]  }
0x39: {  	_ = 	snop;
	(pc) =	sbr.ind lr, $3  }
0x3a: {  	_ = 	snop  }
0x3b: {  	_ = 	snop  }
0x3c: {  	p2 =	seq.s32 s10, $0x1;
	s10 =	sld [smem:$0x3FAC]  }
0x3d: {  	_ =	shalt  }
0x3e: {  	_ =	shalt  }
0x3f: {  	_ =	shalt  }
0x40: {  	_ =	shalt  }
0x41: {  	_ =	shalt  }
0x42: {  	_ =	shalt  }
0x43: {  	_ =	shalt  }
0x44: {  	_ =	shalt  }
0x45: {  	_ =	shalt  }
0x46: {  	_ =	shalt  }
0x47: {  	_ =	shalt  }
0x48: {  	_ =	shalt  }
0x49: {  	_ =	shalt  }
0x4a: {  	_ =	shalt  }
0x4b: {  	_ =	shalt  }
0x4c: {  	_ =	shalt  }
0x4d: {  	_ =	shalt  }
0x4e: {  	_ =	shalt  }
0x4f: {  	_ =	shalt  }
0x50: {  	_ =	shalt  }
0x51: {  	_ =	shalt  }
0x52: {  	_ =	shalt  }
0x53: {  	_ =	shalt  }
0x54: {  	_ =	shalt  }
0x55: {  	_ =	shalt  }
0x56: {  	_ =	shalt  }
0x57: {  	_ =	shalt  }
0x58: {  	_ =	shalt  }
0x59: {  	_ =	shalt  }
0x5a: {  	_ =	shalt  }
0x5b: {  	_ =	shalt  }
0x5c: {  	_ =	shalt  }
0x5d: {  	_ =	shalt  }
0x5e: {  	_ =	shalt  }
0x5f: {  	_ =	shalt  }
0x60: {  	_ =	shalt  }
0x61: {  	_ =	shalt  }
0x62: {  	_ =	shalt  }
0x63: {  	_ =	shalt  }
0x64: {  	_ =	shalt  }
0x65: {  	_ =	shalt  }
0x66: {  	_ =	shalt  }
0x67: {  	_ =	shalt  }
0x68: {  	_ =	shalt  }
0x69: {  	_ =	shalt  }
0x6a: {  	_ =	shalt  }
0x6b: {  	_ =	shalt  }
0x6c: {  	_ =	shalt  }
0x6d: {  	_ =	shalt  }
0x6e: {  	_ =	shalt  }
0x6f: {  	_ =	shalt  }
0x70: {  	_ =	shalt  }
0x71: {  	_ =	shalt  }
0x72: {  	_ =	shalt  }
0x73: {  	_ =	shalt  }
0x74: {  	_ =	shalt  }
0x75: {  	_ =	shalt  }
0x76: {  	_ =	shalt  }
0x77: {  	_ =	shalt  }
0x78: {  	_ =	shalt  }
0x79: {  	_ =	shalt  }
0x7a: {  	_ =	shalt  }
0x7b: {  	_ =	shalt  }
0x7c: {  	_ =	shalt  }
0x7d: {  	_ =	shalt  }
0x7e: {  	_ =	shalt  }
0x7f: {  	_ =	shalt  }
0x80: {  	_ =	shalt  }
0x81: {  	_ =	shalt  }
0x82: {  	_ =	shalt  }
0x83: {  	_ =	shalt  }
0x84: {  	_ =	shalt  }
0x85: {  	_ =	shalt  }
0x86: {  	_ =	shalt  }
0x87: {  	_ =	shalt  }
.Lfunc_end0:
.L_simem_size_0:
called_computation.3_lowered:
.L_overlay_start_0:
0x88: {  	s2 =	sld [smem:$0x3FD9]  }
0x89: {  	s3 =	sld [smem:$0x3FFE];
	_ =	sdelay $0x1  }
0x8a: {  	s1 =	srdreg.scid  }
0x8b: {  	s0 =	sand.u32 $0x1, s1  }
0x8c: {  	s17 =	sshll.u32 s0, $0xA;
	s2 =	sadd.s32 s3, s2  }
0x8d: {  	s2 =	sadd.s32 s2, s17  }
0x8e: {  	[smem:$0x3FB8] =	sst s2  }
0x8f: {  	_ = 	snop  }
0x90: {  	(tm) =	ssettm $0x1  }
0x91: {  	s18 =	sld [smem:$0x3FFB];
	_ =	sdelay $0x3  }
0x92: {  	_ =	strace s18  }
0x93: {  	s2 =	sld [smem:$0x3FFC];
	_ =	sdelay $0x3  }
0x94: {  	_ =	strace s2  }
0x95: {  	s2 =	sld [smem:$0x3FFD];
	_ =	sdelay $0x3  }
0x96: {  	_ =	strace s2  }
0x97: {  	_ =	strace $0x8FFFFFFF  }
0x98: {  	s19 =	sld [smem:$0x3FDB];
	_ =	sdelay $0x1  }
0x99: {  	s20 =	simm.s32 $_scs_section_size  }
0x9a: {  	s4 =	simm.s32 $_size__tile_overlayer_lowered;
	s5 =	simm.s32 $_tile_overlayer_lowered  }
0x9b: {  	s6 =	simm.s32 $0x1BFF;
	s21 =	sshll.u32 s5, $0x1;
	s3 =	sadd.s32 s20, s19  }
0x9c: {  	s22 =	simm.s32 $0x0;
	s4 =	sshll.u32 s4, $0x1;
	s5 =	sadd.s32 s21, s3  }
0x9d: {  	[timem:s22], [sflag:s6] =	dma.local [hbm:s5], s4  }
0x9e: {  	_ =	swait.ge [sflag:s6], s4  }
0x9f: {  	s4 =	ssub.s32 $0x0, s4;
	[sflag:s6] =	ssyncset.done $0x0  }
0xa0: {  	[sflag:s6] =	ssyncadd.s32 s4;
	_ =	sdelay $0x1  }
0xa1: {  	s23 =	simm.s32 $0x1B8B  }
0xa2: {  	_ =	swait.ge [sflag:s23], $0x1  }
0xa3: {  	[sflag:s23] =	ssyncset.done $0x0  }
0xa4: {  	[sflag:s23] =	ssyncadd.s32 $0xFFFFFFFF  }
0xa5: {  	s4 =	sld [smem:$0x0]  }
0xa6: {  	s5 =	sand.u32 $0xFFFFFFFE, s1  }
0xa7: {  	p0 =	sne.s32 s1, s5  }
0xa8: {  	s5 =	sshll.u32 @p0 s5, $0xE  }
0xa9: {  	s5 =	sadd.s32 @p0 $0x11B8D, s5;
	s6 =	sshll.u32 @p0 s4, $0x11  }
0xaa: {  	s5 =	sor.u32 @p0 s6, s5  }
0xab: {  	[sflag:s5] =	ssyncadd.remote.s32 @p0 $0x1;
	_ =	sdelay $0x1  }
0xac: {  	s5 =	simm.s32 @p0 $0x1B8D  }
0xad: {  	_ =	swait.eq @p0 [sflag:s5], $0x1  }
0xae: {  	[sflag:s5] =	ssyncadd.s32 @p0 $0xFFFFFFFF  }
0xaf: {  	s6 =	sshll.u32 @!p0 s1, $0xE  }
0xb0: {  	s6 =	sor.u32 @!p0 $0x4000, s6;
	s5 =	simm.s32 @!p0 $0x1B8D  }
0xb1: {  	s4 =	sshll.u32 @!p0 s4, $0x11;
	s6 =	sadd.s32 @!p0 $0x11B8D, s6;
	_ =	swait.eq @!p0 [sflag:s5], $0x1  }
0xb2: {  	s4 =	sor.u32 @!p0 s4, s6;
	[sflag:s5] =	ssyncadd.s32 @!p0 $0xFFFFFFFF  }
0xb3: {  	s25 =	simm.s32 $0x1B8E;
	s24 =	sld [smem:$0x3FFE];
	[sflag:s4] =	ssyncadd.remote.s32 @!p0 $0x1  }
0xb4: {  	s26 =	simm.s32 $execute0_lowered;
	[smem:$0x3FD2] =	sst s25  }
0xb5: {  	s5 =	sshll.u32 s26, $0x1;
	_ =	strace $0x8000004F;
	[dreg:$0x1] =	wrdreg $0xFFFFFFFF  }
0xb6: {  	s28 =	simm.s32 $_size_execute0_lowered;
	s3 =	sadd.s32 s3, s5;
	[dreg:$0x0] =	wrdreg $0x0  }
0xb7: {  	s5 =	sshll.u32 s28, $0x1;
	[dreg:$0x2] =	wrdreg s3  }
0xb8: {  	[dreg:$0x3] =	wrdreg s5  }
0xb9: {  	[dreg:$0x4] =	wrdreg $0xC0  }
0xba: {  	_ =	task [dreg:s22], $0x5FFFF  }
0xbb: {  	[dreg:$0x1] =	wrdreg $0xFFFFFFFF  }
0xbc: {  	[dreg:$0x0] =	wrdreg $0x60  }
0xbd: {  	[dreg:$0x2] =	wrdreg s24  }
0xbe: {  	[dreg:$0x3] =	wrdreg $0xAF000  }
0xbf: {  	[dreg:$0x4] =	wrdreg $0xA  }
0xc0: {  	_ =	task.clear_ibuf [dreg:s22], $0x5FFFF;
	_ =	strace $0x9000004F  }
0xc1: {  	s29 =	simm.s32 $0xA;
	_ =	strace $0x80000051  }
0xc2: {  	_ =	swait.ge [sflag:s29], $0x1  }
0xc3: {  	[sflag:s29] =	ssyncadd.s32 $0xFFFFFFFF  }
0xc4: {  	_ =	strace $0x90000051  }
0xc5: {  	_ =	sfence  }
0xc6: {  	s30 =	sld [smem:$0x0];
	_ =	sdelay $0x2  }
0xc7: {  	s31 =	sshll.u32 s1, $0xD;
	s1 =	sshrl.u32 s1, $0x2  }
0xc8: {  	s4 =	sand.u32 $0x4000, s31;
	s1 =	sadd.s32 s1, s30  }
0xc9: {  	s0 =	sor.u32 s4, s0;
	s1 =	sshll.u32 s1, $0x11  }
0xca: {  	s0 =	sor.u32 s1, s0  }
0xcb: {  	s0 =	sadd.s32 $0x8F2B, s0  }
0xcc: {  	[sflag:s0] =	ssyncadd.remote.s32 $0x1  }
0xcd: {  	_ =	sfence.sel $0xFFFF  }
0xce: {  	[dreg:$0x0] =	wrdreg $0xFFFFFFFF;
	(pc) =	sbr.abs _section_cstart, $3  }
0xcf: {  	[dreg:$0x1] =	wrdreg $0xFFFFFFFF  }
0xd0: {  	_ =	task.clear_ibuf [dreg:s22], $0x2FFFF;
	_ =	strace $0x9FFFFFFF  }
0xd1: {  	(tm) =	ssettm $0x7FFFFFFF  }
tec
execute0_lowered:
.L_overlay_start_1:
0x0: {  	(tag) =	ssettag $0x1  }
0x1: {  	s6 =	rddreg [dreg:$0x0];
	s1 =	srdreg.scid  }
0x2: {  	s0 =	stileid.u32;
	s2 =	rddreg [dreg:$0x1];
	s3 =	simm.s32 $0x0  }
0x3: {  	s13 =	simm.s32 $0x2800;
	s14 =	simm.s32 $0x80;
	s15 =	simm.s32 $0x5000  }
0x4: {  	s16 =	simm.s32 $0x1;
	s5 =	sand.u32 $0x1, s1;
	s1 =	rddreg [dreg:$0x2]  }
0x5: {  	s17 =	simm.s32 $0x6000;
	s4 =	sshll.u32 s0, $0x1;
	[smem:$0x7FF] =	sst s3  }
0x6: {  	s10 =	smul.u32 $0x4F00, s0;
	s31 =	sshll.u32 s0, $0x6;
	s4 =	sor.u32 s5, s4  }
0x7: {  	_ =	strace $0x80000050;
	s8 =	smul.u32 $0x9E00, s5;
	s29 =	ssub.s32 $0x2, s5  }
0x8: {  	s5 =	sadd.s32 $0x10C00, s6;
	s7 =	smul.u32 $0x500, s4;
	s4 =	sadd.s32 $0xA4C00, s6  }
0x9: {  	s30 =	sshrl.u32 s29, $0x1;
	s19 =	sshrl.u32 s10, $0x3;
	s11 =	sadd.s32 s8, s6  }
0xa: {  	s12 =	ssub.s32 s29, s30;
	s9 =	sadd.s32 s7, s6;
	s6 =	sadd.s32 s10, s2  }
0xb: {  	s18 =	sadd.s32 $0x11600, s11;
	s10 =	sor.u32 $0x1C02, s31;
	s7 =	sadd.s32 $0x6C00, s9  }
0xc: {  	s8 =	sadd.s32 $0xB8800, s9;
	s9 =	smax.u32 s12, $0x1;
	s11 =	sshrl.u32 s6, $0x3  }
0xd: {  	s12 =	simm.s32 $0x2;
	s18 =	sadd.s32 s19, s18;
	s19 =	simm.s32 $0x0  }
.LBB2_1:
0xe: {  	[bflag:$0x0] =	sbarrier.arrive $0xFFFF  }
0xf: {  	_ =	sdelay $0x7ff  }
0x10: {  	_ =	sdelay $0x7ff  }
0x11: {  	_ =	sdelay $0x7ff  }
0x12: {  	_ =	sdelay $0x7ff  }
0x13: {  	_ =	sdelay $0x7ff  }
0x14: {  	_ =	sdelay $0x7ff  }
0x15: {  	_ =	sdelay $0x7ff  }
0x16: {  	_ =	sdelay $0x7ff  }
0x17: {  	_ =	sdelay $0x7ff  }
0x18: {  	_ =	sdelay $0x7ff  }
0x19: {  	_ =	sdelay $0x7ff  }
0x1a: {  	_ =	sdelay $0x7ff  }
0x1b: {  	_ =	sdelay $0x7ff  }
0x1c: {  	_ =	sdelay $0x7ff  }
0x1d: {  	_ =	sdelay $0x7ff  }
0x1e: {  	_ =	sdelay $0xe  }
0x1f: {  	[bflag:$0x0] =	sbarrier.arrive $0xFFFF  }
0x20: {  	[spmem:s11], [sflag:s10] =	dma.local [hbm:s5], $0x9E0  }
0x21: {  	_ =	swait.ge [sflag:s12], $0x9E0  }
0x22: {  	[sflag:s12] =	ssyncset.done $0x0  }
0x23: {  	[sflag:s12] =	ssyncadd.s32 $0xFFFFF620  }
0x24: {  	[tilespmem:s3], [sflag:$0x2] =	stream.linear.gather [hbm4b:s7+s3], $0x2800, $0x38;
	[tilespmem:$0xFE00] =	vst v63  }
0x25: {  	_ =	swait.ge [sflag:s12], $0x2800  }
0x26: {  	[sflag:s12] =	ssyncset.done $0x0  }
0x27: {  	[sflag:s12] =	ssyncadd.s32 $0xFFFFD800  }
0x28: {  	[tilespmem:s13], [sflag:$0x2] =	stream.linear.gather [hbm4b:s8+s3], $0x2800, $0x38;
	[tilespmem:$0xFE00] =	vst v63  }
0x29: {  	_ =	swait.ge [sflag:s12], $0x2800  }
0x2a: {  	[sflag:s12] =	ssyncset.done $0x0  }
0x2b: {  	[sflag:s12] =	ssyncadd.s32 $0xFFFFD800  }
0x2c: {  	[bflag:$0x0] =	sbarrier.arrive $0xFFFF  }
0x2d: {  	_ =	sdelay $0x7ff  }
0x2e: {  	_ =	sdelay $0x7ff  }
0x2f: {  	_ =	sdelay $0x601  }
0x30: {  	s20 =	simm.s32 $0x0;
	[bflag:$0x0] =	sbarrier.arrive $0xFFFF  }
0x31: {  	[tilespmem:s15], [sflag:$0x1] =	stream.indirect.gather [hbm4b:s4+s14], $0x20, s20, s14, $0xb8;
	[tilespmem:$0xFE00] =	vst v63  }
0x32: {  	_ =	swait.ge [sflag:s16], $0x1000  }
0x33: {  	[sflag:s16] =	ssyncset.done $0x0  }
0x34: {  	s31 =	simm.s32 $0x2800;
	[sflag:s16] =	ssyncadd.s32 $0xFFFFF000  }
0x35: {  	[spmem:s2] =	stream.indirect.scatter.add.f32 [tilespmem:s15], [sflag:$0x2], $0x20, s31, s14, $0xb8;
	[tilespmem:$0xFE00] =	vst v63  }
0x36: {  	_ =	swait.ge [sflag:s12], $0x1000  }
0x37: {  	s21 =	simm.s32 $0x400;
	s20 =	simm.s32 $0x200;
	[sflag:s12] =	ssyncset.done $0x0  }
.LBB2_2:
0x38: {  	s22 =	sshra.s32 s20, $0x2  }
0x39: {  	[sflag:s12] =	ssyncadd.s32 $0xFFFFF000;
	s20 =	smov.u32 s21;
	s23 =	sadd.s32 $0x200, s21  }
0x3a: {  	[tilespmem:s15], [sflag:$0x1] =	stream.indirect.gather [hbm4b:s4+s14], $0x20, s22, s14, $0xb8;
	[tilespmem:$0xFE00] =	vst v63  }
0x3b: {  	p0 =	sne.s32 s21, $0x9E00;
	_ =	swait.ge [sflag:s16], $0x1000  }
.Ltmp0:
0x3c: {  	[sflag:s16] =	ssyncset.done $0x0;
	(pc) =	sbr.rel @p0 .LBB2_2-.Ltmp0, $4  }
0x3d: {  	s21 =	sadd.s32 $0x2800, s22;
	[sflag:s16] =	ssyncadd.s32 $0xFFFFF000  }
0x3e: {  	[spmem:s2] =	stream.indirect.scatter.add.f32 [tilespmem:s15], [sflag:$0x2], $0x20, s21, s14, $0xb8;
	[tilespmem:$0xFE00] =	vst v63  }
0x3f: {  	_ =	swait.ge [sflag:s12], $0x1000  }
0x40: {  	s21 =	smov.u32 s23;
	[sflag:s12] =	ssyncset.done $0x0  }
0x41: {  	s20 =	sshra.s32 s20, $0x2;
	[sflag:s12] =	ssyncadd.s32 $0xFFFFF000  }
0x42: {  	[tilespmem:s15], [sflag:$0x1] =	stream.indirect.gather [hbm4b:s4+s14], $0x20, s20, s14, $0xb8;
	[tilespmem:$0xFE00] =	vst v63  }
0x43: {  	_ =	swait.ge [sflag:s16], $0x1000  }
0x44: {  	[sflag:s16] =	ssyncset.done $0x0  }
0x45: {  	s20 =	sadd.s32 $0x2800, s20;
	[sflag:s16] =	ssyncadd.s32 $0xFFFFF000  }
0x46: {  	[spmem:s2] =	stream.indirect.scatter.add.f32 [tilespmem:s15], [sflag:$0x2], $0x20, s20, s14, $0xb8;
	[tilespmem:$0xFE00] =	vst v63  }
0x47: {  	_ =	swait.ge [sflag:s12], $0x1000  }
0x48: {  	[sflag:s12] =	ssyncset.done $0x0  }
0x49: {  	[sflag:s12] =	ssyncadd.s32 $0xFFFFF000  }
0x4a: {  	[bflag:$0x0] =	sbarrier.arrive $0xFFFF  }
0x4b: {  	_ =	sdelay $0x7ff  }
0x4c: {  	_ =	sdelay $0x7ff  }
0x4d: {  	_ =	sdelay $0x601  }
0x4e: {  	[bflag:$0x0] =	sbarrier.arrive $0xFFFF  }
0x4f: {  	[tilespmem:s17], [sflag:$0x2] =	stream.linear.gather [spmem:s6], $0x4F00, $0x38;
	[tilespmem:$0xFE00] =	vst v63  }
0x50: {  	_ =	swait.ge [sflag:s12], $0x4F00  }
0x51: {  	[sflag:s12] =	ssyncset.done $0x0  }
0x52: {  	[sflag:s12] =	ssyncadd.s32 $0xFFFFB100  }
0x53: {  	[hbm4b:s18+s3] =	stream.linear.scatter [tilespmem:s17], [sflag:$0x2], $0x4F00, $0x38;
	[tilespmem:$0xFE00] =	vst v63  }
0x54: {  	_ =	swait.ge [sflag:s12], $0x4F00  }
0x55: {  	[sflag:s12] =	ssyncset.done $0x0  }
0x56: {  	[sflag:s12] =	ssyncadd.s32 $0xFFFFB100  }
0x57: {  	[tilespmem:s17], [sflag:$0x2] =	stream.linear.gather [hbm4b:s18+s3], $0x4F00, $0x38;
	[tilespmem:$0xFE00] =	vst v63  }
0x58: {  	_ =	swait.ge [sflag:s12], $0x4F00  }
0x59: {  	[sflag:s12] =	ssyncset.done $0x0  }
0x5a: {  	[sflag:s12] =	ssyncadd.s32 $0xFFFFB100  }
0x5b: {  	[bflag:$0x0] =	sbarrier.arrive $0xFFFF  }
0x5c: {  	_ =	sdelay $0x7ff  }
0x5d: {  	_ =	sdelay $0x7ff  }
0x5e: {  	_ =	sdelay $0x7ff  }
0x5f: {  	_ =	sdelay $0x7ff  }
0x60: {  	_ =	sdelay $0x7ff  }
0x61: {  	_ =	sdelay $0x7ff  }
0x62: {  	_ =	sdelay $0x7ff  }
0x63: {  	_ =	sdelay $0x7ff  }
0x64: {  	_ =	sdelay $0x7ff  }
0x65: {  	_ =	sdelay $0x7ff  }
0x66: {  	_ =	sdelay $0x7ff  }
0x67: {  	s19 =	sadd.s32 $0x1, s19;
	_ =	sdelay $0x7ff  }
0x68: {  	p0 =	sne.s32 s19, s9;
	_ =	sdelay $0x7ff  }
.Ltmp1:
0x69: {  	_ =	sdelay $0x7ff;
	(pc) =	sbr.rel @p0 .LBB2_1-.Ltmp1, $3  }
0x6a: {  	_ =	sdelay $0x7ff  }
0x6b: {  	_ =	sdelay $0xe  }
0x6c: {  	[bflag:$0x0] =	sbarrier.arrive $0xFFFF;
	_ =	sdelay $0x1  }
0x6d: {  	_ =	sfence.sel $0x180000  }
0x6e: {  	[bflag:$0x0] =	sbarrier.arrive $0xFFFF  }
0x6f: {  	p0 =	sne.s32 s0, $0x0;
	_ =	strace $0x90000050  }
0x70: {  	s0 =	sadd.s32 @!p0 $0x100000, s1;
	[bflag:$0x2] =	sbarrier.arrive $0xFFFF  }
0x71: {  	[sflag:s0] =	ssyncadd.tile.s32 @!p0 $0x1;
	_ =	shalt  }
.Lfunc_end2:
_tile_overlayer_lowered:
.L_overlay_start_2:
0x72: {  	(tag) =	ssettag $0x2  }
0x73: {  	s0 =	rddreg [dreg:$0x0];
	s2 =	stileid.u32  }
0x74: {  	s1 =	rddreg [dreg:$0x1];
	p0 =	sne.s32 s2, $0x0  }
0x75: {  	s3 =	rddreg [dreg:$0x2];
	[bflag:$0x3] =	sbarrier.arrive $0xFFFF;
	s2 =	simm.s32 @!p0 $0x1C02  }
0x76: {  	[timem:s3], [sflag:s2] =	dma.local @!p0 [hbm:s0], s1  }
0x77: {  	s0 =	simm.s32 @!p0 $0x2  }
0x78: {  	_ =	swait.ge @!p0 [sflag:s0], s1  }
0x79: {  	s1 =	ssub.s32 @!p0 $0x0, s1;
	[sflag:s0] =	ssyncset.done @!p0 $0x0  }
0x7a: {  	[sflag:s0] =	ssyncadd.s32 @!p0 s1  }
0x7b: {  	[bflag:$0x3] =	sbarrier.arrive $0xFFFF  }
0x7c: {  	_ =	shalt  }

// kernel: kernel.24.cloned.1.call-start
scs
__scs_entry_jumppad:
0x0: {  	(pc) =	sbr.rel $0x88, $3  }
0x1: {  	(tag) =	ssettag $0x0;
	lr =	simm.s32 $0x1  }
0x2: {  	[smem:$0x3F91] =	sst lr;
	_ =	strace $0xD0000000  }
0x3: {  	_ = 	snop  }
0x4: {  	_ = 	snop  }
0x5: {  	_ = 	snop  }
0x6: {  	_ = 	snop  }
0x7: {  	_ = 	snop  }
__scs_overlays_trampoline_lowered:
0x8: {  	[smem:$0x3FA0] =	sst s0  }
0x9: {  	[smem:$0x3FA1] =	sst s1  }
0xa: {  	[smem:$0x3FA2] =	sst s2  }
0xb: {  	[smem:$0x3FA3] =	sst s3  }
0xc: {  	[smem:$0x3FA4] =	sst s4  }
0xd: {  	[smem:$0x3FA5] =	sst s5  }
0xe: {  	[smem:$0x3FA6] =	sst s6  }
0xf: {  	[smem:$0x3FA7] =	sst s7  }
0x10: {  	[smem:$0x3FA8] =	sst s8  }
0x11: {  	[smem:$0x3FA9] =	sst s9;
	s0 =	simm.s32 @!p0 $0x0  }
0x12: {  	s1 =	sld [smem:$0x3F8F];
	s0 =	simm.s32 @p0 $0x1  }
0x13: {  	[smem:$0x3FAA] =	sst s0;
	s0 =	simm.s32 @!p1 $0x0  }
0x14: {  	s2 =	sld [smem:$0x3F8E];
	s0 =	simm.s32 @p1 $0x1  }
0x15: {  	[smem:$0x3FAB] =	sst s0;
	s0 =	simm.s32 @!p2 $0x0  }
0x16: {  	s3 =	sld [smem:$0x3FDB];
	s0 =	simm.s32 @p2 $0x1  }
0x17: {  	s4 =	simm.s32 $0x1BF5;
	[smem:$0x3FAD] =	sst s0  }
0x18: {  	s0 =	sld [smem:$0x3F90];
	_ =	swait.ge [sflag:s4], $0x0  }
0x19: {  	s7 =	sld [smem:$0x3F91]  }
0x1a: {  	s8 =	sadd.s32 $0xFFFFE003, lr  }
0x1b: {  	s9 =	sadd.s32 $0xFFFFFEF7, lr;
	s5 =	simm.s32 $0xFFFFFFFF;
	p2 =	slt.u32 s8, $0xFFFFF086  }
0x1c: {  	p1 =	slt.u32 s9, $0xF7A;
	s5 =	simm.s32 @!p2 $0x0  }
0x1d: {  	s5 =	simm.s32 @p1 $0x1;
	p0 =	seq.s32 s7, s2  }
0x1e: {  	s7 =	smul.u32 @!p0 $0xF7A, s2;
	p2 =	seq.s32 @!p0 s5, $0x0  }
0x1f: {  	s9 =	smul.u32 $0xF7A, s1;
	s8 =	simm.s32 @!p0 $0x1BF5;
	p2 =	por !p2, p0  }
0x20: {  	[sflag:s8] =	ssyncset.s32 @!p0 $0xFFFFF086;
	s6 =	sadd.s32 @!p0 s3, s7;
	s7 =	simm.s32 @!p0 $0x108  }
0x21: {  	s3 =	sadd.s32 s3, s9;
	s6 =	sadd.s32 @!p0 $0x88, s6;
	s7 =	simm.s32 @p2 $0x1082  }
0x22: {  	[simem:s7], [sflag:s8] =	dma.local @!p0 [hbm:s6], $0xF7A  }
0x23: {  	s9 =	sor.u32 $0xD0000000, s2;
	s6 =	simm.s32 $0x108;
	_ =	swait.ge @!p0 [sflag:s8], $0x0  }
0x24: {  	s3 =	sadd.s32 $0x88, s3;
	s6 =	simm.s32 @!p1 $0x1082;
	[sflag:s4] =	ssyncset.s32 $0xFFFFF086  }
0x25: {  	[simem:s6], [sflag:s4] =	dma.local [hbm:s3], $0xF7A  }
0x26: {  	[smem:$0x3F91] =	sst s1;
	(tag) =	ssettag s2;
	_ =	strace s9  }
0x27: {  	s1 =	sld [smem:$0x3FA1]  }
0x28: {  	s2 =	sld [smem:$0x3FA2]  }
0x29: {  	s4 =	sld [smem:$0x3FA4]  }
0x2a: {  	p0 =	seq.s32 s5, $0x0;
	s5 =	sld [smem:$0x3FA5]  }
0x2b: {  	s6 =	sld [smem:$0x3FA6]  }
0x2c: {  	s7 =	sld [smem:$0x3FA7]  }
0x2d: {  	s3 =	simm.s32 $0x108;
	s8 =	sld [smem:$0x3FA8]  }
0x2e: {  	s3 =	simm.s32 @!p0 $0x1082;
	s9 =	sld [smem:$0x3FA9]  }
0x2f: {  	lr =	sadd.s32 s0, s3;
	s0 =	sld [smem:$0x3FA0]  }
0x30: {  	s3 =	sld [smem:$0x3FA3]  }
0x31: {  	[smem:$0x3FAC] =	sst s10  }
0x32: {  	s10 =	sld [smem:$0x3FAA];
	_ =	sdelay $0x3  }
0x33: {  	p0 =	seq.s32 s10, $0x1;
	s10 =	sld [smem:$0x3FAC];
	_ =	sdelay $0x3  }
0x34: {  	[smem:$0x3FAC] =	sst s10  }
0x35: {  	s10 =	sld [smem:$0x3FAB];
	_ =	sdelay $0x3  }
0x36: {  	p1 =	seq.s32 s10, $0x1;
	s10 =	sld [smem:$0x3FAC];
	_ =	sdelay $0x3  }
0x37: {  	[smem:$0x3FAC] =	sst s10  }
0x38: {  	s10 =	sld [smem:$0x3FAD]  }
0x39: {  	_ = 	snop;
	(pc) =	sbr.ind lr, $3  }
0x3a: {  	_ = 	snop  }
0x3b: {  	_ = 	snop  }
0x3c: {  	p2 =	seq.s32 s10, $0x1;
	s10 =	sld [smem:$0x3FAC]  }
0x3d: {  	_ =	shalt  }
0x3e: {  	_ =	shalt  }
0x3f: {  	_ =	shalt  }
0x40: {  	_ =	shalt  }
0x41: {  	_ =	shalt  }
0x42: {  	_ =	shalt  }
0x43: {  	_ =	shalt  }
0x44: {  	_ =	shalt  }
0x45: {  	_ =	shalt  }
0x46: {  	_ =	shalt  }
0x47: {  	_ =	shalt  }
0x48: {  	_ =	shalt  }
0x49: {  	_ =	shalt  }
0x4a: {  	_ =	shalt  }
0x4b: {  	_ =	shalt  }
0x4c: {  	_ =	shalt  }
0x4d: {  	_ =	shalt  }
0x4e: {  	_ =	shalt  }
0x4f: {  	_ =	shalt  }
0x50: {  	_ =	shalt  }
0x51: {  	_ =	shalt  }
0x52: {  	_ =	shalt  }
0x53: {  	_ =	shalt  }
0x54: {  	_ =	shalt  }
0x55: {  	_ =	shalt  }
0x56: {  	_ =	shalt  }
0x57: {  	_ =	shalt  }
0x58: {  	_ =	shalt  }
0x59: {  	_ =	shalt  }
0x5a: {  	_ =	shalt  }
0x5b: {  	_ =	shalt  }
0x5c: {  	_ =	shalt  }
0x5d: {  	_ =	shalt  }
0x5e: {  	_ =	shalt  }
0x5f: {  	_ =	shalt  }
0x60: {  	_ =	shalt  }
0x61: {  	_ =	shalt  }
0x62: {  	_ =	shalt  }
0x63: {  	_ =	shalt  }
0x64: {  	_ =	shalt  }
0x65: {  	_ =	shalt  }
0x66: {  	_ =	shalt  }
0x67: {  	_ =	shalt  }
0x68: {  	_ =	shalt  }
0x69: {  	_ =	shalt  }
0x6a: {  	_ =	shalt  }
0x6b: {  	_ =	shalt  }
0x6c: {  	_ =	shalt  }
0x6d: {  	_ =	shalt  }
0x6e: {  	_ =	shalt  }
0x6f: {  	_ =	shalt  }
0x70: {  	_ =	shalt  }
0x71: {  	_ =	shalt  }
0x72: {  	_ =	shalt  }
0x73: {  	_ =	shalt  }
0x74: {  	_ =	shalt  }
0x75: {  	_ =	shalt  }
0x76: {  	_ =	shalt  }
0x77: {  	_ =	shalt  }
0x78: {  	_ =	shalt  }
0x79: {  	_ =	shalt  }
0x7a: {  	_ =	shalt  }
0x7b: {  	_ =	shalt  }
0x7c: {  	_ =	shalt  }
0x7d: {  	_ =	shalt  }
0x7e: {  	_ =	shalt  }
0x7f: {  	_ =	shalt  }
0x80: {  	_ =	shalt  }
0x81: {  	_ =	shalt  }
0x82: {  	_ =	shalt  }
0x83: {  	_ =	shalt  }
0x84: {  	_ =	shalt  }
0x85: {  	_ =	shalt  }
0x86: {  	_ =	shalt  }
0x87: {  	_ =	shalt  }
.Lfunc_end0:
.L_simem_size_0:
called_computation.4_lowered:
.L_overlay_start_0:
0x88: {  	s2 =	sld [smem:$0x3FD9]  }
0x89: {  	s3 =	sld [smem:$0x3FFE];
	_ =	sdelay $0x1  }
0x8a: {  	s1 =	srdreg.scid  }
0x8b: {  	s0 =	sand.u32 $0x1, s1  }
0x8c: {  	s16 =	sshll.u32 s0, $0xA;
	s2 =	sadd.s32 s3, s2  }
0x8d: {  	s2 =	sadd.s32 s2, s16  }
0x8e: {  	[smem:$0x3FB8] =	sst s2  }
0x8f: {  	_ = 	snop  }
0x90: {  	(tm) =	ssettm $0x1  }
0x91: {  	s17 =	sld [smem:$0x3FFB];
	_ =	sdelay $0x3  }
0x92: {  	_ =	strace s17  }
0x93: {  	s2 =	sld [smem:$0x3FFC];
	_ =	sdelay $0x3  }
0x94: {  	_ =	strace s2  }
0x95: {  	s2 =	sld [smem:$0x3FFD];
	_ =	sdelay $0x3  }
0x96: {  	_ =	strace s2  }
0x97: {  	_ =	strace $0x8FFFFFFF  }
0x98: {  	s18 =	sld [smem:$0x3FDB];
	_ =	sdelay $0x1  }
0x99: {  	s19 =	simm.s32 $_scs_section_size  }
0x9a: {  	s4 =	simm.s32 $_size__tile_overlayer_lowered;
	s5 =	simm.s32 $_tile_overlayer_lowered  }
0x9b: {  	s22 =	simm.s32 $0x1BFF;
	s21 =	sshll.u32 s5, $0x1;
	s2 =	sadd.s32 s19, s18  }
0x9c: {  	s6 =	simm.s32 $0x0;
	s20 =	sshll.u32 s4, $0x1;
	s4 =	sadd.s32 s21, s2  }
0x9d: {  	[timem:s6], [sflag:s22] =	dma.local [hbm:s4], s20  }
0x9e: {  	_ =	swait.ge [sflag:s22], s20  }
0x9f: {  	s3 =	ssub.s32 $0x0, s20;
	[sflag:s22] =	ssyncset.done $0x0  }
0xa0: {  	[sflag:s22] =	ssyncadd.s32 s3;
	_ =	sdelay $0x1  }
0xa1: {  	s23 =	simm.s32 $0x1B8B  }
0xa2: {  	_ =	swait.ge [sflag:s23], $0x1  }
0xa3: {  	[sflag:s23] =	ssyncset.done $0x0  }
0xa4: {  	s25 =	simm.s32 $0x1B8E;
	s24 =	sld [smem:$0x3FFE];
	[sflag:s23] =	ssyncadd.s32 $0xFFFFFFFF  }
0xa5: {  	s26 =	simm.s32 $execute0_lowered;
	[smem:$0x3FD2] =	sst s25  }
0xa6: {  	s4 =	sshll.u32 s26, $0x1;
	_ =	strace $0x8000004C;
	[dreg:$0x1] =	wrdreg $0xFFFFFFFF  }
0xa7: {  	s28 =	simm.s32 $_size_execute0_lowered;
	s2 =	sadd.s32 s2, s4;
	[dreg:$0x0] =	wrdreg $0x0  }
0xa8: {  	s4 =	sshll.u32 s28, $0x1;
	[dreg:$0x2] =	wrdreg s2  }
0xa9: {  	[dreg:$0x3] =	wrdreg s4  }
0xaa: {  	[dreg:$0x4] =	wrdreg $0xC0  }
0xab: {  	_ =	task [dreg:s6], $0x5FFFF  }
0xac: {  	[dreg:$0x1] =	wrdreg $0xFFFFFFFF  }
0xad: {  	[dreg:$0x0] =	wrdreg $0x60  }
0xae: {  	[dreg:$0x2] =	wrdreg s24  }
0xaf: {  	[dreg:$0x3] =	wrdreg $0xAF000  }
0xb0: {  	[dreg:$0x4] =	wrdreg $0xB  }
0xb1: {  	_ =	task.clear_ibuf [dreg:s6], $0x5FFFF;
	_ =	strace $0x9000004C  }
0xb2: {  	s29 =	simm.s32 $0xB;
	_ =	strace $0x8000004E  }
0xb3: {  	_ =	swait.ge [sflag:s29], $0x1  }
0xb4: {  	[sflag:s29] =	ssyncadd.s32 $0xFFFFFFFF  }
0xb5: {  	_ =	strace $0x9000004E  }
0xb6: {  	_ =	sfence  }
0xb7: {  	s30 =	sld [smem:$0x0];
	_ =	sdelay $0x2  }
0xb8: {  	s31 =	sshll.u32 s1, $0xD;
	s1 =	sshrl.u32 s1, $0x2  }
0xb9: {  	s3 =	sand.u32 $0x4000, s31;
	s1 =	sadd.s32 s1, s30  }
0xba: {  	s0 =	sor.u32 s3, s0;
	s1 =	sshll.u32 s1, $0x11  }
0xbb: {  	s0 =	sor.u32 s1, s0  }
0xbc: {  	s0 =	sadd.s32 $0x8F2B, s0  }
0xbd: {  	[sflag:s0] =	ssyncadd.remote.s32 $0x1  }
0xbe: {  	_ =	sfence.sel $0xFFFF  }
0xbf: {  	[dreg:$0x0] =	wrdreg $0xFFFFFFFF;
	(pc) =	sbr.abs _section_cstart, $3  }
0xc0: {  	[dreg:$0x1] =	wrdreg $0xFFFFFFFF  }
0xc1: {  	_ =	task.clear_ibuf [dreg:s6], $0x2FFFF;
	_ =	strace $0x9FFFFFFF  }
0xc2: {  	(tm) =	ssettm $0x7FFFFFFF  }
0xc3: {  	_ =	shalt  }
tec
execute0_lowered:
.L_overlay_start_1:
0x0: {  	(tag) =	ssettag $0x1  }
0x1: {  	s6 =	rddreg [dreg:$0x0];
	s1 =	srdreg.scid  }
0x2: {  	s0 =	stileid.u32;
	s2 =	rddreg [dreg:$0x1];
	s3 =	simm.s32 $0x0  }
0x3: {  	s13 =	simm.s32 $0x2800;
	s14 =	simm.s32 $0x80;
	s15 =	simm.s32 $0x5000  }
0x4: {  	s16 =	simm.s32 $0x1;
	s5 =	sand.u32 $0x1, s1;
	s1 =	rddreg [dreg:$0x2]  }
0x5: {  	s17 =	simm.s32 $0x6000;
	s4 =	sshll.u32 s0, $0x1;
	[smem:$0x7FF] =	sst s3  }
0x6: {  	s10 =	smul.u32 $0x4F00, s0;
	s31 =	sshll.u32 s0, $0x6;
	s4 =	sor.u32 s5, s4  }
0x7: {  	_ =	strace $0x8000004D;
	s8 =	smul.u32 $0x9E00, s5;
	s29 =	ssub.s32 $0x2, s5  }
0x8: {  	s5 =	sadd.s32 $0x10C00, s6;
	s7 =	smul.u32 $0x500, s4;
	s4 =	sadd.s32 $0x9AE00, s6  }
0x9: {  	s30 =	sshrl.u32 s29, $0x1;
	s19 =	sshrl.u32 s10, $0x3;
	s11 =	sadd.s32 s8, s6  }
0xa: {  	s12 =	ssub.s32 s29, s30;
	s9 =	sadd.s32 s7, s6;
	s6 =	sadd.s32 s10, s2  }
0xb: {  	s18 =	sadd.s32 $0xC2800, s11;
	s10 =	sor.u32 $0x1C02, s31;
	s7 =	sadd.s32 $0x6C00, s9  }
0xc: {  	s8 =	sadd.s32 $0xB8800, s9;
	s9 =	smax.u32 s12, $0x1;
	s11 =	sshrl.u32 s6, $0x3  }
0xd: {  	s12 =	simm.s32 $0x2;
	s18 =	sadd.s32 s19, s18;
	s19 =	simm.s32 $0x0  }
.LBB2_1:
0xe: {  	[bflag:$0x0] =	sbarrier.arrive $0xFFFF  }
0xf: {  	_ =	sdelay $0x7ff  }
0x10: {  	_ =	sdelay $0x7ff  }
0x11: {  	_ =	sdelay $0x7ff  }
0x12: {  	_ =	sdelay $0x7ff  }
0x13: {  	_ =	sdelay $0x7ff  }
0x14: {  	_ =	sdelay $0x7ff  }
0x15: {  	_ =	sdelay $0x7ff  }
0x16: {  	_ =	sdelay $0x7ff  }
0x17: {  	_ =	sdelay $0x7ff  }
0x18: {  	_ =	sdelay $0x7ff  }
0x19: {  	_ =	sdelay $0x7ff  }
0x1a: {  	_ =	sdelay $0x7ff  }
0x1b: {  	_ =	sdelay $0x7ff  }
0x1c: {  	_ =	sdelay $0x7ff  }
0x1d: {  	_ =	sdelay $0x7ff  }
0x1e: {  	_ =	sdelay $0xe  }
0x1f: {  	[bflag:$0x0] =	sbarrier.arrive $0xFFFF  }
0x20: {  	[spmem:s11], [sflag:s10] =	dma.local [hbm:s5], $0x9E0  }
0x21: {  	_ =	swait.ge [sflag:s12], $0x9E0  }
0x22: {  	[sflag:s12] =	ssyncset.done $0x0  }
0x23: {  	[sflag:s12] =	ssyncadd.s32 $0xFFFFF620  }
0x24: {  	[tilespmem:s3], [sflag:$0x2] =	stream.linear.gather [hbm4b:s7+s3], $0x2800, $0x38;
	[tilespmem:$0xFE00] =	vst v63  }
0x25: {  	_ =	swait.ge [sflag:s12], $0x2800  }
0x26: {  	[sflag:s12] =	ssyncset.done $0x0  }
0x27: {  	[sflag:s12] =	ssyncadd.s32 $0xFFFFD800  }
0x28: {  	[tilespmem:s13], [sflag:$0x2] =	stream.linear.gather [hbm4b:s8+s3], $0x2800, $0x38;
	[tilespmem:$0xFE00] =	vst v63  }
0x29: {  	_ =	swait.ge [sflag:s12], $0x2800  }
0x2a: {  	[sflag:s12] =	ssyncset.done $0x0  }
0x2b: {  	[sflag:s12] =	ssyncadd.s32 $0xFFFFD800  }
0x2c: {  	[bflag:$0x0] =	sbarrier.arrive $0xFFFF  }
0x2d: {  	_ =	sdelay $0x7ff  }
0x2e: {  	_ =	sdelay $0x7ff  }
0x2f: {  	_ =	sdelay $0x601  }
0x30: {  	s20 =	simm.s32 $0x0;
	[bflag:$0x0] =	sbarrier.arrive $0xFFFF  }
0x31: {  	[tilespmem:s15], [sflag:$0x1] =	stream.indirect.gather [hbm4b:s4+s14], $0x20, s20, s14, $0xb8;
	[tilespmem:$0xFE00] =	vst v63  }
0x32: {  	_ =	swait.ge [sflag:s16], $0x1000  }
0x33: {  	[sflag:s16] =	ssyncset.done $0x0  }
0x34: {  	s31 =	simm.s32 $0x2800;
	[sflag:s16] =	ssyncadd.s32 $0xFFFFF000  }
0x35: {  	[spmem:s2] =	stream.indirect.scatter.add.f32 [tilespmem:s15], [sflag:$0x2], $0x20, s31, s14, $0xb8;
	[tilespmem:$0xFE00] =	vst v63  }
0x36: {  	_ =	swait.ge [sflag:s12], $0x1000  }
0x37: {  	s21 =	simm.s32 $0x400;
	s20 =	simm.s32 $0x200;
	[sflag:s12] =	ssyncset.done $0x0  }
.LBB2_2:
0x38: {  	s22 =	sshra.s32 s20, $0x2  }
0x39: {  	[sflag:s12] =	ssyncadd.s32 $0xFFFFF000;
	s20 =	smov.u32 s21;
	s23 =	sadd.s32 $0x200, s21  }
0x3a: {  	[tilespmem:s15], [sflag:$0x1] =	stream.indirect.gather [hbm4b:s4+s14], $0x20, s22, s14, $0xb8;
	[tilespmem:$0xFE00] =	vst v63  }
0x3b: {  	p0 =	sne.s32 s21, $0x9E00;
	_ =	swait.ge [sflag:s16], $0x1000  }
.Ltmp0:
0x3c: {  	[sflag:s16] =	ssyncset.done $0x0;
	(pc) =	sbr.rel @p0 .LBB2_2-.Ltmp0, $4  }
0x3d: {  	s21 =	sadd.s32 $0x2800, s22;
	[sflag:s16] =	ssyncadd.s32 $0xFFFFF000  }
0x3e: {  	[spmem:s2] =	stream.indirect.scatter.add.f32 [tilespmem:s15], [sflag:$0x2], $0x20, s21, s14, $0xb8;
	[tilespmem:$0xFE00] =	vst v63  }
0x3f: {  	_ =	swait.ge [sflag:s12], $0x1000  }
0x40: {  	s21 =	smov.u32 s23;
	[sflag:s12] =	ssyncset.done $0x0  }
0x41: {  	s20 =	sshra.s32 s20, $0x2;
	[sflag:s12] =	ssyncadd.s32 $0xFFFFF000  }
0x42: {  	[tilespmem:s15], [sflag:$0x1] =	stream.indirect.gather [hbm4b:s4+s14], $0x20, s20, s14, $0xb8;
	[tilespmem:$0xFE00] =	vst v63  }
0x43: {  	_ =	swait.ge [sflag:s16], $0x1000  }
0x44: {  	[sflag:s16] =	ssyncset.done $0x0  }
0x45: {  	s20 =	sadd.s32 $0x2800, s20;
	[sflag:s16] =	ssyncadd.s32 $0xFFFFF000  }
0x46: {  	[spmem:s2] =	stream.indirect.scatter.add.f32 [tilespmem:s15], [sflag:$0x2], $0x20, s20, s14, $0xb8;
	[tilespmem:$0xFE00] =	vst v63  }
0x47: {  	_ =	swait.ge [sflag:s12], $0x1000  }
0x48: {  	[sflag:s12] =	ssyncset.done $0x0  }
0x49: {  	[sflag:s12] =	ssyncadd.s32 $0xFFFFF000  }
0x4a: {  	[bflag:$0x0] =	sbarrier.arrive $0xFFFF  }
0x4b: {  	_ =	sdelay $0x7ff  }
0x4c: {  	_ =	sdelay $0x7ff  }
0x4d: {  	_ =	sdelay $0x601  }
0x4e: {  	[bflag:$0x0] =	sbarrier.arrive $0xFFFF  }
0x4f: {  	[tilespmem:s17], [sflag:$0x2] =	stream.linear.gather [spmem:s6], $0x4F00, $0x38;
	[tilespmem:$0xFE00] =	vst v63  }
0x50: {  	_ =	swait.ge [sflag:s12], $0x4F00  }
0x51: {  	[sflag:s12] =	ssyncset.done $0x0  }
0x52: {  	[sflag:s12] =	ssyncadd.s32 $0xFFFFB100  }
0x53: {  	[hbm4b:s18+s3] =	stream.linear.scatter [tilespmem:s17], [sflag:$0x2], $0x4F00, $0x38;
	[tilespmem:$0xFE00] =	vst v63  }
0x54: {  	_ =	swait.ge [sflag:s12], $0x4F00  }
0x55: {  	[sflag:s12] =	ssyncset.done $0x0  }
0x56: {  	[sflag:s12] =	ssyncadd.s32 $0xFFFFB100  }
0x57: {  	[tilespmem:s17], [sflag:$0x2] =	stream.linear.gather [hbm4b:s18+s3], $0x4F00, $0x38;
	[tilespmem:$0xFE00] =	vst v63  }
0x58: {  	_ =	swait.ge [sflag:s12], $0x4F00  }
0x59: {  	[sflag:s12] =	ssyncset.done $0x0  }
0x5a: {  	[sflag:s12] =	ssyncadd.s32 $0xFFFFB100  }
0x5b: {  	[bflag:$0x0] =	sbarrier.arrive $0xFFFF  }
0x5c: {  	_ =	sdelay $0x7ff  }
0x5d: {  	_ =	sdelay $0x7ff  }
0x5e: {  	_ =	sdelay $0x7ff  }
0x5f: {  	_ =	sdelay $0x7ff  }
0x60: {  	_ =	sdelay $0x7ff  }
0x61: {  	_ =	sdelay $0x7ff  }
0x62: {  	_ =	sdelay $0x7ff  }
0x63: {  	_ =	sdelay $0x7ff  }
0x64: {  	_ =	sdelay $0x7ff  }
0x65: {  	_ =	sdelay $0x7ff  }
0x66: {  	_ =	sdelay $0x7ff  }
0x67: {  	s19 =	sadd.s32 $0x1, s19;
	_ =	sdelay $0x7ff  }
0x68: {  	p0 =	sne.s32 s19, s9;
	_ =	sdelay $0x7ff  }
.Ltmp1:
0x69: {  	_ =	sdelay $0x7ff;
	(pc) =	sbr.rel @p0 .LBB2_1-.Ltmp1, $3  }
0x6a: {  	_ =	sdelay $0x7ff  }
0x6b: {  	_ =	sdelay $0xe  }
0x6c: {  	[bflag:$0x0] =	sbarrier.arrive $0xFFFF;
	_ =	sdelay $0x1  }
0x6d: {  	_ =	sfence.sel $0x180000  }
0x6e: {  	[bflag:$0x0] =	sbarrier.arrive $0xFFFF  }
0x6f: {  	p0 =	sne.s32 s0, $0x0;
	_ =	strace $0x9000004D  }
0x70: {  	s0 =	sadd.s32 @!p0 $0x100000, s1;
	[bflag:$0x2] =	sbarrier.arrive $0xFFFF  }
0x71: {  	[sflag:s0] =	ssyncadd.tile.s32 @!p0 $0x1;
	_ =	shalt  }
.Lfunc_end2:
_tile_overlayer_lowered:
.L_overlay_start_2:
0x72: {  	(tag) =	ssettag $0x2  }
0x73: {  	s0 =	rddreg [dreg:$0x0];
	s2 =	stileid.u32  }
0x74: {  	s1 =	rddreg [dreg:$0x1];
	p0 =	sne.s32 s2, $0x0  }
0x75: {  	s3 =	rddreg [dreg:$0x2];
	[bflag:$0x3] =	sbarrier.arrive $0xFFFF;
	s2 =	simm.s32 @!p0 $0x1C02  }
0x76: {  	[timem:s3], [sflag:s2] =	dma.local @!p0 [hbm:s0], s1  }
0x77: {  	s0 =	simm.s32 @!p0 $0x2  }
0x78: {  	_ =	swait.ge @!p0 [sflag:s0], s1  }
0x79: {  	s1 =	ssub.s32 @!p0 $0x0, s1;
	[sflag:s0] =	ssyncset.done @!p0 $0x0  }
0x7a: {  	[sflag:s0] =	ssyncadd.s32 @!p0 s1  }
0x7b: {  	[bflag:$0x3] =	sbarrier.arrive $0xFFFF  }
0x7c: {  	_ =	shalt  }

// kernel: kernel.27.cloned.1.call-start
scs
__scs_entry_jumppad:
0x0: {  	(pc) =	sbr.rel $0x88, $3  }
0x1: {  	(tag) =	ssettag $0x0;
	lr =	simm.s32 $0x1  }
0x2: {  	[smem:$0x3F91] =	sst lr;
	_ =	strace $0xD0000000  }
0x3: {  	_ = 	snop  }
0x4: {  	_ = 	snop  }
0x5: {  	_ = 	snop  }
0x6: {  	_ = 	snop  }
0x7: {  	_ = 	snop  }
__scs_overlays_trampoline_lowered:
0x8: {  	[smem:$0x3FA0] =	sst s0  }
0x9: {  	[smem:$0x3FA1] =	sst s1  }
0xa: {  	[smem:$0x3FA2] =	sst s2  }
0xb: {  	[smem:$0x3FA3] =	sst s3  }
0xc: {  	[smem:$0x3FA4] =	sst s4  }
0xd: {  	[smem:$0x3FA5] =	sst s5  }
0xe: {  	[smem:$0x3FA6] =	sst s6  }
0xf: {  	[smem:$0x3FA7] =	sst s7  }
0x10: {  	[smem:$0x3FA8] =	sst s8  }
0x11: {  	[smem:$0x3FA9] =	sst s9;
	s0 =	simm.s32 @!p0 $0x0  }
0x12: {  	s1 =	sld [smem:$0x3F8F];
	s0 =	simm.s32 @p0 $0x1  }
0x13: {  	[smem:$0x3FAA] =	sst s0;
	s0 =	simm.s32 @!p1 $0x0  }
0x14: {  	s2 =	sld [smem:$0x3F8E];
	s0 =	simm.s32 @p1 $0x1  }
0x15: {  	[smem:$0x3FAB] =	sst s0;
	s0 =	simm.s32 @!p2 $0x0  }
0x16: {  	s3 =	sld [smem:$0x3FDB];
	s0 =	simm.s32 @p2 $0x1  }
0x17: {  	s4 =	simm.s32 $0x1BF5;
	[smem:$0x3FAD] =	sst s0  }
0x18: {  	s0 =	sld [smem:$0x3F90];
	_ =	swait.ge [sflag:s4], $0x0  }
0x19: {  	s7 =	sld [smem:$0x3F91]  }
0x1a: {  	s8 =	sadd.s32 $0xFFFFE003, lr  }
0x1b: {  	s9 =	sadd.s32 $0xFFFFFEF7, lr;
	s5 =	simm.s32 $0xFFFFFFFF;
	p2 =	slt.u32 s8, $0xFFFFF086  }
0x1c: {  	p1 =	slt.u32 s9, $0xF7A;
	s5 =	simm.s32 @!p2 $0x0  }
0x1d: {  	s5 =	simm.s32 @p1 $0x1;
	p0 =	seq.s32 s7, s2  }
0x1e: {  	s7 =	smul.u32 @!p0 $0xF7A, s2;
	p2 =	seq.s32 @!p0 s5, $0x0  }
0x1f: {  	s9 =	smul.u32 $0xF7A, s1;
	s8 =	simm.s32 @!p0 $0x1BF5;
	p2 =	por !p2, p0  }
0x20: {  	[sflag:s8] =	ssyncset.s32 @!p0 $0xFFFFF086;
	s6 =	sadd.s32 @!p0 s3, s7;
	s7 =	simm.s32 @!p0 $0x108  }
0x21: {  	s3 =	sadd.s32 s3, s9;
	s6 =	sadd.s32 @!p0 $0x88, s6;
	s7 =	simm.s32 @p2 $0x1082  }
0x22: {  	[simem:s7], [sflag:s8] =	dma.local @!p0 [hbm:s6], $0xF7A  }
0x23: {  	s9 =	sor.u32 $0xD0000000, s2;
	s6 =	simm.s32 $0x108;
	_ =	swait.ge @!p0 [sflag:s8], $0x0  }
0x24: {  	s3 =	sadd.s32 $0x88, s3;
	s6 =	simm.s32 @!p1 $0x1082;
	[sflag:s4] =	ssyncset.s32 $0xFFFFF086  }
0x25: {  	[simem:s6], [sflag:s4] =	dma.local [hbm:s3], $0xF7A  }
0x26: {  	[smem:$0x3F91] =	sst s1;
	(tag) =	ssettag s2;
	_ =	strace s9  }
0x27: {  	s1 =	sld [smem:$0x3FA1]  }
0x28: {  	s2 =	sld [smem:$0x3FA2]  }
0x29: {  	s4 =	sld [smem:$0x3FA4]  }
0x2a: {  	p0 =	seq.s32 s5, $0x0;
	s5 =	sld [smem:$0x3FA5]  }
0x2b: {  	s6 =	sld [smem:$0x3FA6]  }
0x2c: {  	s7 =	sld [smem:$0x3FA7]  }
0x2d: {  	s3 =	simm.s32 $0x108;
	s8 =	sld [smem:$0x3FA8]  }
0x2e: {  	s3 =	simm.s32 @!p0 $0x1082;
	s9 =	sld [smem:$0x3FA9]  }
0x2f: {  	lr =	sadd.s32 s0, s3;
	s0 =	sld [smem:$0x3FA0]  }
0x30: {  	s3 =	sld [smem:$0x3FA3]  }
0x31: {  	[smem:$0x3FAC] =	sst s10  }
0x32: {  	s10 =	sld [smem:$0x3FAA];
	_ =	sdelay $0x3  }
0x33: {  	p0 =	seq.s32 s10, $0x1;
	s10 =	sld [smem:$0x3FAC];
	_ =	sdelay $0x3  }
0x34: {  	[smem:$0x3FAC] =	sst s10  }
0x35: {  	s10 =	sld [smem:$0x3FAB];
	_ =	sdelay $0x3  }
0x36: {  	p1 =	seq.s32 s10, $0x1;
	s10 =	sld [smem:$0x3FAC];
	_ =	sdelay $0x3  }
0x37: {  	[smem:$0x3FAC] =	sst s10  }
0x38: {  	s10 =	sld [smem:$0x3FAD]  }
0x39: {  	_ = 	snop;
	(pc) =	sbr.ind lr, $3  }
0x3a: {  	_ = 	snop  }
0x3b: {  	_ = 	snop  }
0x3c: {  	p2 =	seq.s32 s10, $0x1;
	s10 =	sld [smem:$0x3FAC]  }
0x3d: {  	_ =	shalt  }
0x3e: {  	_ =	shalt  }
0x3f: {  	_ =	shalt  }
0x40: {  	_ =	shalt  }
0x41: {  	_ =	shalt  }
0x42: {  	_ =	shalt  }
0x43: {  	_ =	shalt  }
0x44: {  	_ =	shalt  }
0x45: {  	_ =	shalt  }
0x46: {  	_ =	shalt  }
0x47: {  	_ =	shalt  }
0x48: {  	_ =	shalt  }
0x49: {  	_ =	shalt  }
0x4a: {  	_ =	shalt  }
0x4b: {  	_ =	shalt  }
0x4c: {  	_ =	shalt  }
0x4d: {  	_ =	shalt  }
0x4e: {  	_ =	shalt  }
0x4f: {  	_ =	shalt  }
0x50: {  	_ =	shalt  }
0x51: {  	_ =	shalt  }
0x52: {  	_ =	shalt  }
0x53: {  	_ =	shalt  }
0x54: {  	_ =	shalt  }
0x55: {  	_ =	shalt  }
0x56: {  	_ =	shalt  }
0x57: {  	_ =	shalt  }
0x58: {  	_ =	shalt  }
0x59: {  	_ =	shalt  }
0x5a: {  	_ =	shalt  }
0x5b: {  	_ =	shalt  }
0x5c: {  	_ =	shalt  }
0x5d: {  	_ =	shalt  }
0x5e: {  	_ =	shalt  }
0x5f: {  	_ =	shalt  }
0x60: {  	_ =	shalt  }
0x61: {  	_ =	shalt  }
0x62: {  	_ =	shalt  }
0x63: {  	_ =	shalt  }
0x64: {  	_ =	shalt  }
0x65: {  	_ =	shalt  }
0x66: {  	_ =	shalt  }
0x67: {  	_ =	shalt  }
0x68: {  	_ =	shalt  }
0x69: {  	_ =	shalt  }
0x6a: {  	_ =	shalt  }
0x6b: {  	_ =	shalt  }
0x6c: {  	_ =	shalt  }
0x6d: {  	_ =	shalt  }
0x6e: {  	_ =	shalt  }
0x6f: {  	_ =	shalt  }
0x70: {  	_ =	shalt  }
0x71: {  	_ =	shalt  }
0x72: {  	_ =	shalt  }
0x73: {  	_ =	shalt  }
0x74: {  	_ =	shalt  }
0x75: {  	_ =	shalt  }
0x76: {  	_ =	shalt  }
0x77: {  	_ =	shalt  }
0x78: {  	_ =	shalt  }
0x79: {  	_ =	shalt  }
0x7a: {  	_ =	shalt  }
0x7b: {  	_ =	shalt  }
0x7c: {  	_ =	shalt  }
0x7d: {  	_ =	shalt  }
0x7e: {  	_ =	shalt  }
0x7f: {  	_ =	shalt  }
0x80: {  	_ =	shalt  }
0x81: {  	_ =	shalt  }
0x82: {  	_ =	shalt  }
0x83: {  	_ =	shalt  }
0x84: {  	_ =	shalt  }
0x85: {  	_ =	shalt  }
0x86: {  	_ =	shalt  }
0x87: {  	_ =	shalt  }
.Lfunc_end0:
.L_simem_size_0:
called_computation.5_lowered:
.L_overlay_start_0:
0x88: {  	s2 =	sld [smem:$0x3FD9]  }
0x89: {  	s3 =	sld [smem:$0x3FFE];
	_ =	sdelay $0x1  }
0x8a: {  	s1 =	srdreg.scid  }
0x8b: {  	s0 =	sand.u32 $0x1, s1  }
0x8c: {  	s17 =	sshll.u32 s0, $0xA;
	s2 =	sadd.s32 s3, s2  }
0x8d: {  	s2 =	sadd.s32 s2, s17  }
0x8e: {  	[smem:$0x3FB8] =	sst s2  }
0x8f: {  	_ = 	snop  }
0x90: {  	(tm) =	ssettm $0x1  }
0x91: {  	s18 =	sld [smem:$0x3FFB];
	_ =	sdelay $0x3  }
0x92: {  	_ =	strace s18  }
0x93: {  	s2 =	sld [smem:$0x3FFC];
	_ =	sdelay $0x3  }
0x94: {  	_ =	strace s2  }
0x95: {  	s2 =	sld [smem:$0x3FFD];
	_ =	sdelay $0x3  }
0x96: {  	_ =	strace s2  }
0x97: {  	_ =	strace $0x8FFFFFFF  }
0x98: {  	s19 =	sld [smem:$0x3FDB];
	_ =	sdelay $0x1  }
0x99: {  	s20 =	simm.s32 $_scs_section_size  }
0x9a: {  	s4 =	simm.s32 $_size__tile_overlayer_lowered;
	s5 =	simm.s32 $_tile_overlayer_lowered  }
0x9b: {  	s6 =	simm.s32 $0x1BFF;
	s21 =	sshll.u32 s5, $0x1;
	s3 =	sadd.s32 s20, s19  }
0x9c: {  	s22 =	simm.s32 $0x0;
	s4 =	sshll.u32 s4, $0x1;
	s5 =	sadd.s32 s21, s3  }
0x9d: {  	[timem:s22], [sflag:s6] =	dma.local [hbm:s5], s4  }
0x9e: {  	_ =	swait.ge [sflag:s6], s4  }
0x9f: {  	s4 =	ssub.s32 $0x0, s4;
	[sflag:s6] =	ssyncset.done $0x0  }
0xa0: {  	[sflag:s6] =	ssyncadd.s32 s4;
	_ =	sdelay $0x1  }
0xa1: {  	s23 =	simm.s32 $0x1B8B  }
0xa2: {  	_ =	swait.ge [sflag:s23], $0x1  }
0xa3: {  	[sflag:s23] =	ssyncset.done $0x0  }
0xa4: {  	[sflag:s23] =	ssyncadd.s32 $0xFFFFFFFF  }
0xa5: {  	s4 =	sld [smem:$0x0]  }
0xa6: {  	s5 =	sand.u32 $0xFFFFFFFE, s1  }
0xa7: {  	p0 =	sne.s32 s1, s5  }
0xa8: {  	s5 =	sshll.u32 @p0 s5, $0xE  }
0xa9: {  	s5 =	sadd.s32 @p0 $0x11B8D, s5;
	s6 =	sshll.u32 @p0 s4, $0x11  }
0xaa: {  	s5 =	sor.u32 @p0 s6, s5  }
0xab: {  	[sflag:s5] =	ssyncadd.remote.s32 @p0 $0x1;
	_ =	sdelay $0x1  }
0xac: {  	s5 =	simm.s32 @p0 $0x1B8D  }
0xad: {  	_ =	swait.eq @p0 [sflag:s5], $0x1  }
0xae: {  	[sflag:s5] =	ssyncadd.s32 @p0 $0xFFFFFFFF  }
0xaf: {  	s6 =	sshll.u32 @!p0 s1, $0xE  }
0xb0: {  	s6 =	sor.u32 @!p0 $0x4000, s6;
	s5 =	simm.s32 @!p0 $0x1B8D  }
0xb1: {  	s4 =	sshll.u32 @!p0 s4, $0x11;
	s6 =	sadd.s32 @!p0 $0x11B8D, s6;
	_ =	swait.eq @!p0 [sflag:s5], $0x1  }
0xb2: {  	s4 =	sor.u32 @!p0 s4, s6;
	[sflag:s5] =	ssyncadd.s32 @!p0 $0xFFFFFFFF  }
0xb3: {  	s25 =	simm.s32 $0x1B8E;
	s24 =	sld [smem:$0x3FFE];
	[sflag:s4] =	ssyncadd.remote.s32 @!p0 $0x1  }
0xb4: {  	s26 =	simm.s32 $execute0_lowered;
	[smem:$0x3FD2] =	sst s25  }
0xb5: {  	s5 =	sshll.u32 s26, $0x1;
	_ =	strace $0x80000052;
	[dreg:$0x1] =	wrdreg $0xFFFFFFFF  }
0xb6: {  	s28 =	simm.s32 $_size_execute0_lowered;
	s3 =	sadd.s32 s3, s5;
	[dreg:$0x0] =	wrdreg $0x0  }
0xb7: {  	s5 =	sshll.u32 s28, $0x1;
	[dreg:$0x2] =	wrdreg s3  }
0xb8: {  	[dreg:$0x3] =	wrdreg s5  }
0xb9: {  	[dreg:$0x4] =	wrdreg $0xC0  }
0xba: {  	_ =	task [dreg:s22], $0x5FFFF  }
0xbb: {  	[dreg:$0x1] =	wrdreg $0xFFFFFFFF  }
0xbc: {  	[dreg:$0x0] =	wrdreg $0x60  }
0xbd: {  	[dreg:$0x2] =	wrdreg s24  }
0xbe: {  	[dreg:$0x3] =	wrdreg $0xAF000  }
0xbf: {  	[dreg:$0x4] =	wrdreg $0xC  }
0xc0: {  	_ =	task.clear_ibuf [dreg:s22], $0x5FFFF;
	_ =	strace $0x90000052  }
0xc1: {  	s29 =	simm.s32 $0xC;
	_ =	strace $0x80000054  }
0xc2: {  	_ =	swait.ge [sflag:s29], $0x1  }
0xc3: {  	[sflag:s29] =	ssyncadd.s32 $0xFFFFFFFF  }
0xc4: {  	_ =	strace $0x90000054  }
0xc5: {  	_ =	sfence  }
0xc6: {  	s30 =	sld [smem:$0x0];
	_ =	sdelay $0x2  }
0xc7: {  	s31 =	sshll.u32 s1, $0xD;
	s1 =	sshrl.u32 s1, $0x2  }
0xc8: {  	s4 =	sand.u32 $0x4000, s31;
	s1 =	sadd.s32 s1, s30  }
0xc9: {  	s0 =	sor.u32 s4, s0;
	s1 =	sshll.u32 s1, $0x11  }
0xca: {  	s0 =	sor.u32 s1, s0  }
0xcb: {  	s0 =	sadd.s32 $0x8F2B, s0  }
0xcc: {  	[sflag:s0] =	ssyncadd.remote.s32 $0x1  }
0xcd: {  	_ =	sfence.sel $0xFFFF  }
0xce: {  	[dreg:$0x0] =	wrdreg $0xFFFFFFFF;
	(pc) =	sbr.abs _section_cstart, $3  }
0xcf: {  	[dreg:$0x1] =	wrdreg $0xFFFFFFFF  }
0xd0: {  	_ =	task.clear_ibuf [dreg:s22], $0x2FFFF;
	_ =	strace $0x9FFFFFFF  }
0xd1: {  	(tm) =	ssettm $0x7FFFFFFF  }
tec
execute0_lowered:
.L_overlay_start_1:
0x0: {  	(tag) =	ssettag $0x1  }
0x1: {  	s6 =	rddreg [dreg:$0x0];
	s1 =	srdreg.scid  }
0x2: {  	s0 =	stileid.u32;
	s2 =	rddreg [dreg:$0x1];
	s3 =	simm.s32 $0x0  }
0x3: {  	s13 =	simm.s32 $0x2800;
	s14 =	simm.s32 $0x80;
	s15 =	simm.s32 $0x5000  }
0x4: {  	s16 =	simm.s32 $0x1;
	s5 =	sand.u32 $0x1, s1;
	s1 =	rddreg [dreg:$0x2]  }
0x5: {  	s17 =	simm.s32 $0x6000;
	s4 =	sshll.u32 s0, $0x1;
	[smem:$0x7FF] =	sst s3  }
0x6: {  	s10 =	smul.u32 $0x4F00, s0;
	s31 =	sshll.u32 s0, $0x6;
	s4 =	sor.u32 s5, s4  }
0x7: {  	_ =	strace $0x80000053;
	s8 =	smul.u32 $0x9E00, s5;
	s29 =	ssub.s32 $0x2, s5  }
0x8: {  	s5 =	sadd.s32 $0x10C00, s6;
	s7 =	smul.u32 $0x500, s4;
	s4 =	sadd.s32 $0x25200, s6  }
0x9: {  	s30 =	sshrl.u32 s29, $0x1;
	s19 =	sshrl.u32 s10, $0x3;
	s11 =	sadd.s32 s8, s6  }
0xa: {  	s12 =	ssub.s32 s29, s30;
	s9 =	sadd.s32 s7, s6;
	s6 =	sadd.s32 s10, s2  }
0xb: {  	s18 =	sadd.s32 $0x2F000, s11;
	s10 =	sor.u32 $0x1C02, s31;
	s7 =	sadd.s32 $0x6C00, s9  }
0xc: {  	s8 =	sadd.s32 $0xB8800, s9;
	s9 =	smax.u32 s12, $0x1;
	s11 =	sshrl.u32 s6, $0x3  }
0xd: {  	s12 =	simm.s32 $0x2;
	s18 =	sadd.s32 s19, s18;
	s19 =	simm.s32 $0x0  }
.LBB2_1:
0xe: {  	[bflag:$0x0] =	sbarrier.arrive $0xFFFF  }
0xf: {  	_ =	sdelay $0x7ff  }
0x10: {  	_ =	sdelay $0x7ff  }
0x11: {  	_ =	sdelay $0x7ff  }
0x12: {  	_ =	sdelay $0x7ff  }
0x13: {  	_ =	sdelay $0x7ff  }
0x14: {  	_ =	sdelay $0x7ff  }
0x15: {  	_ =	sdelay $0x7ff  }
0x16: {  	_ =	sdelay $0x7ff  }
0x17: {  	_ =	sdelay $0x7ff  }
0x18: {  	_ =	sdelay $0x7ff  }
0x19: {  	_ =	sdelay $0x7ff  }
0x1a: {  	_ =	sdelay $0x7ff  }
0x1b: {  	_ =	sdelay $0x7ff  }
0x1c: {  	_ =	sdelay $0x7ff  }
0x1d: {  	_ =	sdelay $0x7ff  }
0x1e: {  	_ =	sdelay $0xe  }
0x1f: {  	[bflag:$0x0] =	sbarrier.arrive $0xFFFF  }
0x20: {  	[spmem:s11], [sflag:s10] =	dma.local [hbm:s5], $0x9E0  }
0x21: {  	_ =	swait.ge [sflag:s12], $0x9E0  }
0x22: {  	[sflag:s12] =	ssyncset.done $0x0  }
0x23: {  	[sflag:s12] =	ssyncadd.s32 $0xFFFFF620  }
0x24: {  	[tilespmem:s3], [sflag:$0x2] =	stream.linear.gather [hbm4b:s7+s3], $0x2800, $0x38;
	[tilespmem:$0xFE00] =	vst v63  }
0x25: {  	_ =	swait.ge [sflag:s12], $0x2800  }
0x26: {  	[sflag:s12] =	ssyncset.done $0x0  }
0x27: {  	[sflag:s12] =	ssyncadd.s32 $0xFFFFD800  }
0x28: {  	[tilespmem:s13], [sflag:$0x2] =	stream.linear.gather [hbm4b:s8+s3], $0x2800, $0x38;
	[tilespmem:$0xFE00] =	vst v63  }
0x29: {  	_ =	swait.ge [sflag:s12], $0x2800  }
0x2a: {  	[sflag:s12] =	ssyncset.done $0x0  }
0x2b: {  	[sflag:s12] =	ssyncadd.s32 $0xFFFFD800  }
0x2c: {  	[bflag:$0x0] =	sbarrier.arrive $0xFFFF  }
0x2d: {  	_ =	sdelay $0x7ff  }
0x2e: {  	_ =	sdelay $0x7ff  }
0x2f: {  	_ =	sdelay $0x601  }
0x30: {  	s20 =	simm.s32 $0x0;
	[bflag:$0x0] =	sbarrier.arrive $0xFFFF  }
0x31: {  	[tilespmem:s15], [sflag:$0x1] =	stream.indirect.gather [hbm4b:s4+s14], $0x20, s20, s14, $0xb8;
	[tilespmem:$0xFE00] =	vst v63  }
0x32: {  	_ =	swait.ge [sflag:s16], $0x1000  }
0x33: {  	[sflag:s16] =	ssyncset.done $0x0  }
0x34: {  	s31 =	simm.s32 $0x2800;
	[sflag:s16] =	ssyncadd.s32 $0xFFFFF000  }
0x35: {  	[spmem:s2] =	stream.indirect.scatter.add.f32 [tilespmem:s15], [sflag:$0x2], $0x20, s31, s14, $0xb8;
	[tilespmem:$0xFE00] =	vst v63  }
0x36: {  	_ =	swait.ge [sflag:s12], $0x1000  }
0x37: {  	s21 =	simm.s32 $0x400;
	s20 =	simm.s32 $0x200;
	[sflag:s12] =	ssyncset.done $0x0  }
.LBB2_2:
0x38: {  	s22 =	sshra.s32 s20, $0x2  }
0x39: {  	[sflag:s12] =	ssyncadd.s32 $0xFFFFF000;
	s20 =	smov.u32 s21;
	s23 =	sadd.s32 $0x200, s21  }
0x3a: {  	[tilespmem:s15], [sflag:$0x1] =	stream.indirect.gather [hbm4b:s4+s14], $0x20, s22, s14, $0xb8;
	[tilespmem:$0xFE00] =	vst v63  }
0x3b: {  	p0 =	sne.s32 s21, $0x9E00;
	_ =	swait.ge [sflag:s16], $0x1000  }
.Ltmp0:
0x3c: {  	[sflag:s16] =	ssyncset.done $0x0;
	(pc) =	sbr.rel @p0 .LBB2_2-.Ltmp0, $4  }
0x3d: {  	s21 =	sadd.s32 $0x2800, s22;
	[sflag:s16] =	ssyncadd.s32 $0xFFFFF000  }
0x3e: {  	[spmem:s2] =	stream.indirect.scatter.add.f32 [tilespmem:s15], [sflag:$0x2], $0x20, s21, s14, $0xb8;
	[tilespmem:$0xFE00] =	vst v63  }
0x3f: {  	_ =	swait.ge [sflag:s12], $0x1000  }
0x40: {  	s21 =	smov.u32 s23;
	[sflag:s12] =	ssyncset.done $0x0  }
0x41: {  	s20 =	sshra.s32 s20, $0x2;
	[sflag:s12] =	ssyncadd.s32 $0xFFFFF000  }
0x42: {  	[tilespmem:s15], [sflag:$0x1] =	stream.indirect.gather [hbm4b:s4+s14], $0x20, s20, s14, $0xb8;
	[tilespmem:$0xFE00] =	vst v63  }
0x43: {  	_ =	swait.ge [sflag:s16], $0x1000  }
0x44: {  	[sflag:s16] =	ssyncset.done $0x0  }
0x45: {  	s20 =	sadd.s32 $0x2800, s20;
	[sflag:s16] =	ssyncadd.s32 $0xFFFFF000  }
0x46: {  	[spmem:s2] =	stream.indirect.scatter.add.f32 [tilespmem:s15], [sflag:$0x2], $0x20, s20, s14, $0xb8;
	[tilespmem:$0xFE00] =	vst v63  }
0x47: {  	_ =	swait.ge [sflag:s12], $0x1000  }
0x48: {  	[sflag:s12] =	ssyncset.done $0x0  }
0x49: {  	[sflag:s12] =	ssyncadd.s32 $0xFFFFF000  }
0x4a: {  	[bflag:$0x0] =	sbarrier.arrive $0xFFFF  }
0x4b: {  	_ =	sdelay $0x7ff  }
0x4c: {  	_ =	sdelay $0x7ff  }
0x4d: {  	_ =	sdelay $0x601  }
0x4e: {  	[bflag:$0x0] =	sbarrier.arrive $0xFFFF  }
0x4f: {  	[tilespmem:s17], [sflag:$0x2] =	stream.linear.gather [spmem:s6], $0x4F00, $0x38;
	[tilespmem:$0xFE00] =	vst v63  }
0x50: {  	_ =	swait.ge [sflag:s12], $0x4F00  }
0x51: {  	[sflag:s12] =	ssyncset.done $0x0  }
0x52: {  	[sflag:s12] =	ssyncadd.s32 $0xFFFFB100  }
0x53: {  	[hbm4b:s18+s3] =	stream.linear.scatter [tilespmem:s17], [sflag:$0x2], $0x4F00, $0x38;
	[tilespmem:$0xFE00] =	vst v63  }
0x54: {  	_ =	swait.ge [sflag:s12], $0x4F00  }
0x55: {  	[sflag:s12] =	ssyncset.done $0x0  }
0x56: {  	[sflag:s12] =	ssyncadd.s32 $0xFFFFB100  }
0x57: {  	[tilespmem:s17], [sflag:$0x2] =	stream.linear.gather [hbm4b:s18+s3], $0x4F00, $0x38;
	[tilespmem:$0xFE00] =	vst v63  }
0x58: {  	_ =	swait.ge [sflag:s12], $0x4F00  }
0x59: {  	[sflag:s12] =	ssyncset.done $0x0  }
0x5a: {  	[sflag:s12] =	ssyncadd.s32 $0xFFFFB100  }
0x5b: {  	[bflag:$0x0] =	sbarrier.arrive $0xFFFF  }
0x5c: {  	_ =	sdelay $0x7ff  }
0x5d: {  	_ =	sdelay $0x7ff  }
0x5e: {  	_ =	sdelay $0x7ff  }
0x5f: {  	_ =	sdelay $0x7ff  }
0x60: {  	_ =	sdelay $0x7ff  }
0x61: {  	_ =	sdelay $0x7ff  }
0x62: {  	_ =	sdelay $0x7ff  }
0x63: {  	_ =	sdelay $0x7ff  }
0x64: {  	_ =	sdelay $0x7ff  }
0x65: {  	_ =	sdelay $0x7ff  }
0x66: {  	_ =	sdelay $0x7ff  }
0x67: {  	s19 =	sadd.s32 $0x1, s19;
	_ =	sdelay $0x7ff  }
0x68: {  	p0 =	sne.s32 s19, s9;
	_ =	sdelay $0x7ff  }
.Ltmp1:
0x69: {  	_ =	sdelay $0x7ff;
	(pc) =	sbr.rel @p0 .LBB2_1-.Ltmp1, $3  }
0x6a: {  	_ =	sdelay $0x7ff  }
0x6b: {  	_ =	sdelay $0xe  }
0x6c: {  	[bflag:$0x0] =	sbarrier.arrive $0xFFFF;
	_ =	sdelay $0x1  }
0x6d: {  	_ =	sfence.sel $0x180000  }
0x6e: {  	[bflag:$0x0] =	sbarrier.arrive $0xFFFF  }
0x6f: {  	p0 =	sne.s32 s0, $0x0;
	_ =	strace $0x90000053  }
0x70: {  	s0 =	sadd.s32 @!p0 $0x100000, s1;
	[bflag:$0x2] =	sbarrier.arrive $0xFFFF  }
0x71: {  	[sflag:s0] =	ssyncadd.tile.s32 @!p0 $0x1;
	_ =	shalt  }
.Lfunc_end2:
_tile_overlayer_lowered:
.L_overlay_start_2:
0x72: {  	(tag) =	ssettag $0x2  }
0x73: {  	s0 =	rddreg [dreg:$0x0];
	s2 =	stileid.u32  }
0x74: {  	s1 =	rddreg [dreg:$0x1];
	p0 =	sne.s32 s2, $0x0  }
0x75: {  	s3 =	rddreg [dreg:$0x2];
	[bflag:$0x3] =	sbarrier.arrive $0xFFFF;
	s2 =	simm.s32 @!p0 $0x1C02  }
0x76: {  	[timem:s3], [sflag:s2] =	dma.local @!p0 [hbm:s0], s1  }
0x77: {  	s0 =	simm.s32 @!p0 $0x2  }
0x78: {  	_ =	swait.ge @!p0 [sflag:s0], s1  }
0x79: {  	s1 =	ssub.s32 @!p0 $0x0, s1;
	[sflag:s0] =	ssyncset.done @!p0 $0x0  }
0x7a: {  	[sflag:s0] =	ssyncadd.s32 @!p0 s1  }
0x7b: {  	[bflag:$0x3] =	sbarrier.arrive $0xFFFF  }
0x7c: {  	_ =	shalt  }

// kernel: kernel.30.cloned.1.call-start
scs
__scs_entry_jumppad:
0x0: {  	(pc) =	sbr.rel $0x88, $3  }
0x1: {  	(tag) =	ssettag $0x0;
	lr =	simm.s32 $0x1  }
0x2: {  	[smem:$0x3F91] =	sst lr;
	_ =	strace $0xD0000000  }
0x3: {  	_ = 	snop  }
0x4: {  	_ = 	snop  }
0x5: {  	_ = 	snop  }
0x6: {  	_ = 	snop  }
0x7: {  	_ = 	snop  }
__scs_overlays_trampoline_lowered:
0x8: {  	[smem:$0x3FA0] =	sst s0  }
0x9: {  	[smem:$0x3FA1] =	sst s1  }
0xa: {  	[smem:$0x3FA2] =	sst s2  }
0xb: {  	[smem:$0x3FA3] =	sst s3  }
0xc: {  	[smem:$0x3FA4] =	sst s4  }
0xd: {  	[smem:$0x3FA5] =	sst s5  }
0xe: {  	[smem:$0x3FA6] =	sst s6  }
0xf: {  	[smem:$0x3FA7] =	sst s7  }
0x10: {  	[smem:$0x3FA8] =	sst s8  }
0x11: {  	[smem:$0x3FA9] =	sst s9;
	s0 =	simm.s32 @!p0 $0x0  }
0x12: {  	s1 =	sld [smem:$0x3F8F];
	s0 =	simm.s32 @p0 $0x1  }
0x13: {  	[smem:$0x3FAA] =	sst s0;
	s0 =	simm.s32 @!p1 $0x0  }
0x14: {  	s2 =	sld [smem:$0x3F8E];
	s0 =	simm.s32 @p1 $0x1  }
0x15: {  	[smem:$0x3FAB] =	sst s0;
	s0 =	simm.s32 @!p2 $0x0  }
0x16: {  	s3 =	sld [smem:$0x3FDB];
	s0 =	simm.s32 @p2 $0x1  }
0x17: {  	s4 =	simm.s32 $0x1BF5;
	[smem:$0x3FAD] =	sst s0  }
0x18: {  	s0 =	sld [smem:$0x3F90];
	_ =	swait.ge [sflag:s4], $0x0  }
0x19: {  	s7 =	sld [smem:$0x3F91]  }
0x1a: {  	s8 =	sadd.s32 $0xFFFFE003, lr  }
0x1b: {  	s9 =	sadd.s32 $0xFFFFFEF7, lr;
	s5 =	simm.s32 $0xFFFFFFFF;
	p2 =	slt.u32 s8, $0xFFFFF086  }
0x1c: {  	p1 =	slt.u32 s9, $0xF7A;
	s5 =	simm.s32 @!p2 $0x0  }
0x1d: {  	s5 =	simm.s32 @p1 $0x1;
	p0 =	seq.s32 s7, s2  }
0x1e: {  	s7 =	smul.u32 @!p0 $0xF7A, s2;
	p2 =	seq.s32 @!p0 s5, $0x0  }
0x1f: {  	s9 =	smul.u32 $0xF7A, s1;
	s8 =	simm.s32 @!p0 $0x1BF5;
	p2 =	por !p2, p0  }
0x20: {  	[sflag:s8] =	ssyncset.s32 @!p0 $0xFFFFF086;
	s6 =	sadd.s32 @!p0 s3, s7;
	s7 =	simm.s32 @!p0 $0x108  }
0x21: {  	s3 =	sadd.s32 s3, s9;
	s6 =	sadd.s32 @!p0 $0x88, s6;
	s7 =	simm.s32 @p2 $0x1082  }
0x22: {  	[simem:s7], [sflag:s8] =	dma.local @!p0 [hbm:s6], $0xF7A  }
0x23: {  	s9 =	sor.u32 $0xD0000000, s2;
	s6 =	simm.s32 $0x108;
	_ =	swait.ge @!p0 [sflag:s8], $0x0  }
0x24: {  	s3 =	sadd.s32 $0x88, s3;
	s6 =	simm.s32 @!p1 $0x1082;
	[sflag:s4] =	ssyncset.s32 $0xFFFFF086  }
0x25: {  	[simem:s6], [sflag:s4] =	dma.local [hbm:s3], $0xF7A  }
0x26: {  	[smem:$0x3F91] =	sst s1;
	(tag) =	ssettag s2;
	_ =	strace s9  }
0x27: {  	s1 =	sld [smem:$0x3FA1]  }
0x28: {  	s2 =	sld [smem:$0x3FA2]  }
0x29: {  	s4 =	sld [smem:$0x3FA4]  }
0x2a: {  	p0 =	seq.s32 s5, $0x0;
	s5 =	sld [smem:$0x3FA5]  }
0x2b: {  	s6 =	sld [smem:$0x3FA6]  }
0x2c: {  	s7 =	sld [smem:$0x3FA7]  }
0x2d: {  	s3 =	simm.s32 $0x108;
	s8 =	sld [smem:$0x3FA8]  }
0x2e: {  	s3 =	simm.s32 @!p0 $0x1082;
	s9 =	sld [smem:$0x3FA9]  }
0x2f: {  	lr =	sadd.s32 s0, s3;
	s0 =	sld [smem:$0x3FA0]  }
0x30: {  	s3 =	sld [smem:$0x3FA3]  }
0x31: {  	[smem:$0x3FAC] =	sst s10  }
0x32: {  	s10 =	sld [smem:$0x3FAA];
	_ =	sdelay $0x3  }
0x33: {  	p0 =	seq.s32 s10, $0x1;
	s10 =	sld [smem:$0x3FAC];
	_ =	sdelay $0x3  }
0x34: {  	[smem:$0x3FAC] =	sst s10  }
0x35: {  	s10 =	sld [smem:$0x3FAB];
	_ =	sdelay $0x3  }
0x36: {  	p1 =	seq.s32 s10, $0x1;
	s10 =	sld [smem:$0x3FAC];
	_ =	sdelay $0x3  }
0x37: {  	[smem:$0x3FAC] =	sst s10  }
0x38: {  	s10 =	sld [smem:$0x3FAD]  }
0x39: {  	_ = 	snop;
	(pc) =	sbr.ind lr, $3  }
0x3a: {  	_ = 	snop  }
0x3b: {  	_ = 	snop  }
0x3c: {  	p2 =	seq.s32 s10, $0x1;
	s10 =	sld [smem:$0x3FAC]  }
0x3d: {  	_ =	shalt  }
0x3e: {  	_ =	shalt  }
0x3f: {  	_ =	shalt  }
0x40: {  	_ =	shalt  }
0x41: {  	_ =	shalt  }
0x42: {  	_ =	shalt  }
0x43: {  	_ =	shalt  }
0x44: {  	_ =	shalt  }
0x45: {  	_ =	shalt  }
0x46: {  	_ =	shalt  }
0x47: {  	_ =	shalt  }
0x48: {  	_ =	shalt  }
0x49: {  	_ =	shalt  }
0x4a: {  	_ =	shalt  }
0x4b: {  	_ =	shalt  }
0x4c: {  	_ =	shalt  }
0x4d: {  	_ =	shalt  }
0x4e: {  	_ =	shalt  }
0x4f: {  	_ =	shalt  }
0x50: {  	_ =	shalt  }
0x51: {  	_ =	shalt  }
0x52: {  	_ =	shalt  }
0x53: {  	_ =	shalt  }
0x54: {  	_ =	shalt  }
0x55: {  	_ =	shalt  }
0x56: {  	_ =	shalt  }
0x57: {  	_ =	shalt  }
0x58: {  	_ =	shalt  }
0x59: {  	_ =	shalt  }
0x5a: {  	_ =	shalt  }
0x5b: {  	_ =	shalt  }
0x5c: {  	_ =	shalt  }
0x5d: {  	_ =	shalt  }
0x5e: {  	_ =	shalt  }
0x5f: {  	_ =	shalt  }
0x60: {  	_ =	shalt  }
0x61: {  	_ =	shalt  }
0x62: {  	_ =	shalt  }
0x63: {  	_ =	shalt  }
0x64: {  	_ =	shalt  }
0x65: {  	_ =	shalt  }
0x66: {  	_ =	shalt  }
0x67: {  	_ =	shalt  }
0x68: {  	_ =	shalt  }
0x69: {  	_ =	shalt  }
0x6a: {  	_ =	shalt  }
0x6b: {  	_ =	shalt  }
0x6c: {  	_ =	shalt  }
0x6d: {  	_ =	shalt  }
0x6e: {  	_ =	shalt  }
0x6f: {  	_ =	shalt  }
0x70: {  	_ =	shalt  }
0x71: {  	_ =	shalt  }
0x72: {  	_ =	shalt  }
0x73: {  	_ =	shalt  }
0x74: {  	_ =	shalt  }
0x75: {  	_ =	shalt  }
0x76: {  	_ =	shalt  }
0x77: {  	_ =	shalt  }
0x78: {  	_ =	shalt  }
0x79: {  	_ =	shalt  }
0x7a: {  	_ =	shalt  }
0x7b: {  	_ =	shalt  }
0x7c: {  	_ =	shalt  }
0x7d: {  	_ =	shalt  }
0x7e: {  	_ =	shalt  }
0x7f: {  	_ =	shalt  }
0x80: {  	_ =	shalt  }
0x81: {  	_ =	shalt  }
0x82: {  	_ =	shalt  }
0x83: {  	_ =	shalt  }
0x84: {  	_ =	shalt  }
0x85: {  	_ =	shalt  }
0x86: {  	_ =	shalt  }
0x87: {  	_ =	shalt  }
.Lfunc_end0:
.L_simem_size_0:
called_computation.6_lowered:
.L_overlay_start_0:
0x88: {  	s2 =	sld [smem:$0x3FD9]  }
0x89: {  	s3 =	sld [smem:$0x3FFE];
	_ =	sdelay $0x1  }
0x8a: {  	s1 =	srdreg.scid  }
0x8b: {  	s0 =	sand.u32 $0x1, s1  }
0x8c: {  	s17 =	sshll.u32 s0, $0xA;
	s2 =	sadd.s32 s3, s2  }
0x8d: {  	s2 =	sadd.s32 s2, s17  }
0x8e: {  	[smem:$0x3FB8] =	sst s2  }
0x8f: {  	_ = 	snop  }
0x90: {  	(tm) =	ssettm $0x1  }
0x91: {  	s18 =	sld [smem:$0x3FFB];
	_ =	sdelay $0x3  }
0x92: {  	_ =	strace s18  }
0x93: {  	s2 =	sld [smem:$0x3FFC];
	_ =	sdelay $0x3  }
0x94: {  	_ =	strace s2  }
0x95: {  	s2 =	sld [smem:$0x3FFD];
	_ =	sdelay $0x3  }
0x96: {  	_ =	strace s2  }
0x97: {  	_ =	strace $0x8FFFFFFF  }
0x98: {  	s19 =	sld [smem:$0x3FDB];
	_ =	sdelay $0x1  }
0x99: {  	s20 =	simm.s32 $_scs_section_size  }
0x9a: {  	s4 =	simm.s32 $_size__tile_overlayer_lowered;
	s5 =	simm.s32 $_tile_overlayer_lowered  }
0x9b: {  	s6 =	simm.s32 $0x1BFF;
	s21 =	sshll.u32 s5, $0x1;
	s3 =	sadd.s32 s20, s19  }
0x9c: {  	s22 =	simm.s32 $0x0;
	s4 =	sshll.u32 s4, $0x1;
	s5 =	sadd.s32 s21, s3  }
0x9d: {  	[timem:s22], [sflag:s6] =	dma.local [hbm:s5], s4  }
0x9e: {  	_ =	swait.ge [sflag:s6], s4  }
0x9f: {  	s4 =	ssub.s32 $0x0, s4;
	[sflag:s6] =	ssyncset.done $0x0  }
0xa0: {  	[sflag:s6] =	ssyncadd.s32 s4;
	_ =	sdelay $0x1  }
0xa1: {  	s23 =	simm.s32 $0x1B8B  }
0xa2: {  	_ =	swait.ge [sflag:s23], $0x1  }
0xa3: {  	[sflag:s23] =	ssyncset.done $0x0  }
0xa4: {  	[sflag:s23] =	ssyncadd.s32 $0xFFFFFFFF  }
0xa5: {  	s4 =	sld [smem:$0x0]  }
0xa6: {  	s5 =	sand.u32 $0xFFFFFFFE, s1  }
0xa7: {  	p0 =	sne.s32 s1, s5  }
0xa8: {  	s5 =	sshll.u32 @p0 s5, $0xE  }
0xa9: {  	s5 =	sadd.s32 @p0 $0x11B8D, s5;
	s6 =	sshll.u32 @p0 s4, $0x11  }
0xaa: {  	s5 =	sor.u32 @p0 s6, s5  }
0xab: {  	[sflag:s5] =	ssyncadd.remote.s32 @p0 $0x1;
	_ =	sdelay $0x1  }
0xac: {  	s5 =	simm.s32 @p0 $0x1B8D  }
0xad: {  	_ =	swait.eq @p0 [sflag:s5], $0x1  }
0xae: {  	[sflag:s5] =	ssyncadd.s32 @p0 $0xFFFFFFFF  }
0xaf: {  	s6 =	sshll.u32 @!p0 s1, $0xE  }
0xb0: {  	s6 =	sor.u32 @!p0 $0x4000, s6;
	s5 =	simm.s32 @!p0 $0x1B8D  }
0xb1: {  	s4 =	sshll.u32 @!p0 s4, $0x11;
	s6 =	sadd.s32 @!p0 $0x11B8D, s6;
	_ =	swait.eq @!p0 [sflag:s5], $0x1  }
0xb2: {  	s4 =	sor.u32 @!p0 s4, s6;
	[sflag:s5] =	ssyncadd.s32 @!p0 $0xFFFFFFFF  }
0xb3: {  	s25 =	simm.s32 $0x1B8E;
	s24 =	sld [smem:$0x3FFE];
	[sflag:s4] =	ssyncadd.remote.s32 @!p0 $0x1  }
0xb4: {  	s26 =	simm.s32 $execute0_lowered;
	[smem:$0x3FD2] =	sst s25  }
0xb5: {  	s5 =	sshll.u32 s26, $0x1;
	_ =	strace $0x80000055;
	[dreg:$0x1] =	wrdreg $0xFFFFFFFF  }
0xb6: {  	s28 =	simm.s32 $_size_execute0_lowered;
	s3 =	sadd.s32 s3, s5;
	[dreg:$0x0] =	wrdreg $0x0  }
0xb7: {  	s5 =	sshll.u32 s28, $0x1;
	[dreg:$0x2] =	wrdreg s3  }
0xb8: {  	[dreg:$0x3] =	wrdreg s5  }
0xb9: {  	[dreg:$0x4] =	wrdreg $0xC0  }
0xba: {  	_ =	task [dreg:s22], $0x5FFFF  }
0xbb: {  	[dreg:$0x1] =	wrdreg $0xFFFFFFFF  }
0xbc: {  	[dreg:$0x0] =	wrdreg $0x60  }
0xbd: {  	[dreg:$0x2] =	wrdreg s24  }
0xbe: {  	[dreg:$0x3] =	wrdreg $0xAF000  }
0xbf: {  	[dreg:$0x4] =	wrdreg $0xD  }
0xc0: {  	_ =	task.clear_ibuf [dreg:s22], $0x5FFFF;
	_ =	strace $0x90000055  }
0xc1: {  	s29 =	simm.s32 $0xD;
	_ =	strace $0x80000057  }
0xc2: {  	_ =	swait.ge [sflag:s29], $0x1  }
0xc3: {  	[sflag:s29] =	ssyncadd.s32 $0xFFFFFFFF  }
0xc4: {  	_ =	strace $0x90000057  }
0xc5: {  	_ =	sfence  }
0xc6: {  	s30 =	sld [smem:$0x0];
	_ =	sdelay $0x2  }
0xc7: {  	s31 =	sshll.u32 s1, $0xD;
	s1 =	sshrl.u32 s1, $0x2  }
0xc8: {  	s4 =	sand.u32 $0x4000, s31;
	s1 =	sadd.s32 s1, s30  }
0xc9: {  	s0 =	sor.u32 s4, s0;
	s1 =	sshll.u32 s1, $0x11  }
0xca: {  	s0 =	sor.u32 s1, s0  }
0xcb: {  	s0 =	sadd.s32 $0x8F2B, s0  }
0xcc: {  	[sflag:s0] =	ssyncadd.remote.s32 $0x1  }
0xcd: {  	_ =	sfence.sel $0xFFFF  }
0xce: {  	[dreg:$0x0] =	wrdreg $0xFFFFFFFF;
	(pc) =	sbr.abs _section_cstart, $3  }
0xcf: {  	[dreg:$0x1] =	wrdreg $0xFFFFFFFF  }
0xd0: {  	_ =	task.clear_ibuf [dreg:s22], $0x2FFFF;
	_ =	strace $0x9FFFFFFF  }
0xd1: {  	(tm) =	ssettm $0x7FFFFFFF  }
tec
execute0_lowered:
.L_overlay_start_1:
0x0: {  	(tag) =	ssettag $0x1  }
0x1: {  	s6 =	rddreg [dreg:$0x0];
	s1 =	srdreg.scid  }
0x2: {  	s0 =	stileid.u32;
	s2 =	rddreg [dreg:$0x1];
	s3 =	simm.s32 $0x0  }
0x3: {  	s13 =	simm.s32 $0x2800;
	s14 =	simm.s32 $0x80;
	s15 =	simm.s32 $0x5000  }
0x4: {  	s16 =	simm.s32 $0x1;
	s5 =	sand.u32 $0x1, s1;
	s1 =	rddreg [dreg:$0x2]  }
0x5: {  	s17 =	simm.s32 $0x6000;
	s4 =	sshll.u32 s0, $0x1;
	[smem:$0x7FF] =	sst s3  }
0x6: {  	s10 =	smul.u32 $0x4F00, s0;
	s31 =	sshll.u32 s0, $0x6;
	s4 =	sor.u32 s5, s4  }
0x7: {  	_ =	strace $0x80000056;
	s8 =	smul.u32 $0x9E00, s5;
	s29 =	ssub.s32 $0x2, s5  }
0x8: {  	s5 =	sadd.s32 $0x10C00, s6;
	s7 =	smul.u32 $0x500, s4;
	s4 =	sadd.s32 $0x42C00, s6  }
0x9: {  	s30 =	sshrl.u32 s29, $0x1;
	s19 =	sshrl.u32 s10, $0x3;
	s11 =	sadd.s32 s8, s6  }
0xa: {  	s12 =	ssub.s32 s29, s30;
	s9 =	sadd.s32 s7, s6;
	s6 =	sadd.s32 s10, s2  }
0xb: {  	s18 =	sadd.s32 $0x4CA00, s11;
	s10 =	sor.u32 $0x1C02, s31;
	s7 =	sadd.s32 $0x6C00, s9  }
0xc: {  	s8 =	sadd.s32 $0xB8800, s9;
	s9 =	smax.u32 s12, $0x1;
	s11 =	sshrl.u32 s6, $0x3  }
0xd: {  	s12 =	simm.s32 $0x2;
	s18 =	sadd.s32 s19, s18;
	s19 =	simm.s32 $0x0  }
.LBB2_1:
0xe: {  	[bflag:$0x0] =	sbarrier.arrive $0xFFFF  }
0xf: {  	_ =	sdelay $0x7ff  }
0x10: {  	_ =	sdelay $0x7ff  }
0x11: {  	_ =	sdelay $0x7ff  }
0x12: {  	_ =	sdelay $0x7ff  }
0x13: {  	_ =	sdelay $0x7ff  }
0x14: {  	_ =	sdelay $0x7ff  }
0x15: {  	_ =	sdelay $0x7ff  }
0x16: {  	_ =	sdelay $0x7ff  }
0x17: {  	_ =	sdelay $0x7ff  }
0x18: {  	_ =	sdelay $0x7ff  }
0x19: {  	_ =	sdelay $0x7ff  }
0x1a: {  	_ =	sdelay $0x7ff  }
0x1b: {  	_ =	sdelay $0x7ff  }
0x1c: {  	_ =	sdelay $0x7ff  }
0x1d: {  	_ =	sdelay $0x7ff  }
0x1e: {  	_ =	sdelay $0xe  }
0x1f: {  	[bflag:$0x0] =	sbarrier.arrive $0xFFFF  }
0x20: {  	[spmem:s11], [sflag:s10] =	dma.local [hbm:s5], $0x9E0  }
0x21: {  	_ =	swait.ge [sflag:s12], $0x9E0  }
0x22: {  	[sflag:s12] =	ssyncset.done $0x0  }
0x23: {  	[sflag:s12] =	ssyncadd.s32 $0xFFFFF620  }
0x24: {  	[tilespmem:s3], [sflag:$0x2] =	stream.linear.gather [hbm4b:s7+s3], $0x2800, $0x38;
	[tilespmem:$0xFE00] =	vst v63  }
0x25: {  	_ =	swait.ge [sflag:s12], $0x2800  }
0x26: {  	[sflag:s12] =	ssyncset.done $0x0  }
0x27: {  	[sflag:s12] =	ssyncadd.s32 $0xFFFFD800  }
0x28: {  	[tilespmem:s13], [sflag:$0x2] =	stream.linear.gather [hbm4b:s8+s3], $0x2800, $0x38;
	[tilespmem:$0xFE00] =	vst v63  }
0x29: {  	_ =	swait.ge [sflag:s12], $0x2800  }
0x2a: {  	[sflag:s12] =	ssyncset.done $0x0  }
0x2b: {  	[sflag:s12] =	ssyncadd.s32 $0xFFFFD800  }
0x2c: {  	[bflag:$0x0] =	sbarrier.arrive $0xFFFF  }
0x2d: {  	_ =	sdelay $0x7ff  }
0x2e: {  	_ =	sdelay $0x7ff  }
0x2f: {  	_ =	sdelay $0x601  }
0x30: {  	s20 =	simm.s32 $0x0;
	[bflag:$0x0] =	sbarrier.arrive $0xFFFF  }
0x31: {  	[tilespmem:s15], [sflag:$0x1] =	stream.indirect.gather [hbm4b:s4+s14], $0x20, s20, s14, $0xb8;
	[tilespmem:$0xFE00] =	vst v63  }
0x32: {  	_ =	swait.ge [sflag:s16], $0x1000  }
0x33: {  	[sflag:s16] =	ssyncset.done $0x0  }
0x34: {  	s31 =	simm.s32 $0x2800;
	[sflag:s16] =	ssyncadd.s32 $0xFFFFF000  }
0x35: {  	[spmem:s2] =	stream.indirect.scatter.add.f32 [tilespmem:s15], [sflag:$0x2], $0x20, s31, s14, $0xb8;
	[tilespmem:$0xFE00] =	vst v63  }
0x36: {  	_ =	swait.ge [sflag:s12], $0x1000  }
0x37: {  	s21 =	simm.s32 $0x400;
	s20 =	simm.s32 $0x200;
	[sflag:s12] =	ssyncset.done $0x0  }
.LBB2_2:
0x38: {  	s22 =	sshra.s32 s20, $0x2  }
0x39: {  	[sflag:s12] =	ssyncadd.s32 $0xFFFFF000;
	s20 =	smov.u32 s21;
	s23 =	sadd.s32 $0x200, s21  }
0x3a: {  	[tilespmem:s15], [sflag:$0x1] =	stream.indirect.gather [hbm4b:s4+s14], $0x20, s22, s14, $0xb8;
	[tilespmem:$0xFE00] =	vst v63  }
0x3b: {  	p0 =	sne.s32 s21, $0x9E00;
	_ =	swait.ge [sflag:s16], $0x1000  }
.Ltmp0:
0x3c: {  	[sflag:s16] =	ssyncset.done $0x0;
	(pc) =	sbr.rel @p0 .LBB2_2-.Ltmp0, $4  }
0x3d: {  	s21 =	sadd.s32 $0x2800, s22;
	[sflag:s16] =	ssyncadd.s32 $0xFFFFF000  }
0x3e: {  	[spmem:s2] =	stream.indirect.scatter.add.f32 [tilespmem:s15], [sflag:$0x2], $0x20, s21, s14, $0xb8;
	[tilespmem:$0xFE00] =	vst v63  }
0x3f: {  	_ =	swait.ge [sflag:s12], $0x1000  }
0x40: {  	s21 =	smov.u32 s23;
	[sflag:s12] =	ssyncset.done $0x0  }
0x41: {  	s20 =	sshra.s32 s20, $0x2;
	[sflag:s12] =	ssyncadd.s32 $0xFFFFF000  }
0x42: {  	[tilespmem:s15], [sflag:$0x1] =	stream.indirect.gather [hbm4b:s4+s14], $0x20, s20, s14, $0xb8;
	[tilespmem:$0xFE00] =	vst v63  }
0x43: {  	_ =	swait.ge [sflag:s16], $0x1000  }
0x44: {  	[sflag:s16] =	ssyncset.done $0x0  }
0x45: {  	s20 =	sadd.s32 $0x2800, s20;
	[sflag:s16] =	ssyncadd.s32 $0xFFFFF000  }
0x46: {  	[spmem:s2] =	stream.indirect.scatter.add.f32 [tilespmem:s15], [sflag:$0x2], $0x20, s20, s14, $0xb8;
	[tilespmem:$0xFE00] =	vst v63  }
0x47: {  	_ =	swait.ge [sflag:s12], $0x1000  }
0x48: {  	[sflag:s12] =	ssyncset.done $0x0  }
0x49: {  	[sflag:s12] =	ssyncadd.s32 $0xFFFFF000  }
0x4a: {  	[bflag:$0x0] =	sbarrier.arrive $0xFFFF  }
0x4b: {  	_ =	sdelay $0x7ff  }
0x4c: {  	_ =	sdelay $0x7ff  }
0x4d: {  	_ =	sdelay $0x601  }
0x4e: {  	[bflag:$0x0] =	sbarrier.arrive $0xFFFF  }
0x4f: {  	[tilespmem:s17], [sflag:$0x2] =	stream.linear.gather [spmem:s6], $0x4F00, $0x38;
	[tilespmem:$0xFE00] =	vst v63  }
0x50: {  	_ =	swait.ge [sflag:s12], $0x4F00  }
0x51: {  	[sflag:s12] =	ssyncset.done $0x0  }
0x52: {  	[sflag:s12] =	ssyncadd.s32 $0xFFFFB100  }
0x53: {  	[hbm4b:s18+s3] =	stream.linear.scatter [tilespmem:s17], [sflag:$0x2], $0x4F00, $0x38;
	[tilespmem:$0xFE00] =	vst v63  }
0x54: {  	_ =	swait.ge [sflag:s12], $0x4F00  }
0x55: {  	[sflag:s12] =	ssyncset.done $0x0  }
0x56: {  	[sflag:s12] =	ssyncadd.s32 $0xFFFFB100  }
0x57: {  	[tilespmem:s17], [sflag:$0x2] =	stream.linear.gather [hbm4b:s18+s3], $0x4F00, $0x38;
	[tilespmem:$0xFE00] =	vst v63  }
0x58: {  	_ =	swait.ge [sflag:s12], $0x4F00  }
0x59: {  	[sflag:s12] =	ssyncset.done $0x0  }
0x5a: {  	[sflag:s12] =	ssyncadd.s32 $0xFFFFB100  }
0x5b: {  	[bflag:$0x0] =	sbarrier.arrive $0xFFFF  }
0x5c: {  	_ =	sdelay $0x7ff  }
0x5d: {  	_ =	sdelay $0x7ff  }
0x5e: {  	_ =	sdelay $0x7ff  }
0x5f: {  	_ =	sdelay $0x7ff  }
0x60: {  	_ =	sdelay $0x7ff  }
0x61: {  	_ =	sdelay $0x7ff  }
0x62: {  	_ =	sdelay $0x7ff  }
0x63: {  	_ =	sdelay $0x7ff  }
0x64: {  	_ =	sdelay $0x7ff  }
0x65: {  	_ =	sdelay $0x7ff  }
0x66: {  	_ =	sdelay $0x7ff  }
0x67: {  	s19 =	sadd.s32 $0x1, s19;
	_ =	sdelay $0x7ff  }
0x68: {  	p0 =	sne.s32 s19, s9;
	_ =	sdelay $0x7ff  }
.Ltmp1:
0x69: {  	_ =	sdelay $0x7ff;
	(pc) =	sbr.rel @p0 .LBB2_1-.Ltmp1, $3  }
0x6a: {  	_ =	sdelay $0x7ff  }
0x6b: {  	_ =	sdelay $0xe  }
0x6c: {  	[bflag:$0x0] =	sbarrier.arrive $0xFFFF;
	_ =	sdelay $0x1  }
0x6d: {  	_ =	sfence.sel $0x180000  }
0x6e: {  	[bflag:$0x0] =	sbarrier.arrive $0xFFFF  }
0x6f: {  	p0 =	sne.s32 s0, $0x0;
	_ =	strace $0x90000056  }
0x70: {  	s0 =	sadd.s32 @!p0 $0x100000, s1;
	[bflag:$0x2] =	sbarrier.arrive $0xFFFF  }
0x71: {  	[sflag:s0] =	ssyncadd.tile.s32 @!p0 $0x1;
	_ =	shalt  }
.Lfunc_end2:
_tile_overlayer_lowered:
.L_overlay_start_2:
0x72: {  	(tag) =	ssettag $0x2  }
0x73: {  	s0 =	rddreg [dreg:$0x0];
	s2 =	stileid.u32  }
0x74: {  	s1 =	rddreg [dreg:$0x1];
	p0 =	sne.s32 s2, $0x0  }
0x75: {  	s3 =	rddreg [dreg:$0x2];
	[bflag:$0x3] =	sbarrier.arrive $0xFFFF;
	s2 =	simm.s32 @!p0 $0x1C02  }
0x76: {  	[timem:s3], [sflag:s2] =	dma.local @!p0 [hbm:s0], s1  }
0x77: {  	s0 =	simm.s32 @!p0 $0x2  }
0x78: {  	_ =	swait.ge @!p0 [sflag:s0], s1  }
0x79: {  	s1 =	ssub.s32 @!p0 $0x0, s1;
	[sflag:s0] =	ssyncset.done @!p0 $0x0  }
0x7a: {  	[sflag:s0] =	ssyncadd.s32 @!p0 s1  }
0x7b: {  	[bflag:$0x3] =	sbarrier.arrive $0xFFFF  }
0x7c: {  	_ =	shalt  }

// kernel: kernel.33.cloned.1.call-start
scs
__scs_entry_jumppad:
0x0: {  	(pc) =	sbr.rel $0x88, $3  }
0x1: {  	(tag) =	ssettag $0x0;
	lr =	simm.s32 $0x1  }
0x2: {  	[smem:$0x3F91] =	sst lr;
	_ =	strace $0xD0000000  }
0x3: {  	_ = 	snop  }
0x4: {  	_ = 	snop  }
0x5: {  	_ = 	snop  }
0x6: {  	_ = 	snop  }
0x7: {  	_ = 	snop  }
__scs_overlays_trampoline_lowered:
0x8: {  	[smem:$0x3FA0] =	sst s0  }
0x9: {  	[smem:$0x3FA1] =	sst s1  }
0xa: {  	[smem:$0x3FA2] =	sst s2  }
0xb: {  	[smem:$0x3FA3] =	sst s3  }
0xc: {  	[smem:$0x3FA4] =	sst s4  }
0xd: {  	[smem:$0x3FA5] =	sst s5  }
0xe: {  	[smem:$0x3FA6] =	sst s6  }
0xf: {  	[smem:$0x3FA7] =	sst s7  }
0x10: {  	[smem:$0x3FA8] =	sst s8  }
0x11: {  	[smem:$0x3FA9] =	sst s9;
	s0 =	simm.s32 @!p0 $0x0  }
0x12: {  	s1 =	sld [smem:$0x3F8F];
	s0 =	simm.s32 @p0 $0x1  }
0x13: {  	[smem:$0x3FAA] =	sst s0;
	s0 =	simm.s32 @!p1 $0x0  }
0x14: {  	s2 =	sld [smem:$0x3F8E];
	s0 =	simm.s32 @p1 $0x1  }
0x15: {  	[smem:$0x3FAB] =	sst s0;
	s0 =	simm.s32 @!p2 $0x0  }
0x16: {  	s3 =	sld [smem:$0x3FDB];
	s0 =	simm.s32 @p2 $0x1  }
0x17: {  	s4 =	simm.s32 $0x1BF5;
	[smem:$0x3FAD] =	sst s0  }
0x18: {  	s0 =	sld [smem:$0x3F90];
	_ =	swait.ge [sflag:s4], $0x0  }
0x19: {  	s7 =	sld [smem:$0x3F91]  }
0x1a: {  	s8 =	sadd.s32 $0xFFFFE003, lr  }
0x1b: {  	s9 =	sadd.s32 $0xFFFFFEF7, lr;
	s5 =	simm.s32 $0xFFFFFFFF;
	p2 =	slt.u32 s8, $0xFFFFF086  }
0x1c: {  	p1 =	slt.u32 s9, $0xF7A;
	s5 =	simm.s32 @!p2 $0x0  }
0x1d: {  	s5 =	simm.s32 @p1 $0x1;
	p0 =	seq.s32 s7, s2  }
0x1e: {  	s7 =	smul.u32 @!p0 $0xF7A, s2;
	p2 =	seq.s32 @!p0 s5, $0x0  }
0x1f: {  	s9 =	smul.u32 $0xF7A, s1;
	s8 =	simm.s32 @!p0 $0x1BF5;
	p2 =	por !p2, p0  }
0x20: {  	[sflag:s8] =	ssyncset.s32 @!p0 $0xFFFFF086;
	s6 =	sadd.s32 @!p0 s3, s7;
	s7 =	simm.s32 @!p0 $0x108  }
0x21: {  	s3 =	sadd.s32 s3, s9;
	s6 =	sadd.s32 @!p0 $0x88, s6;
	s7 =	simm.s32 @p2 $0x1082  }
0x22: {  	[simem:s7], [sflag:s8] =	dma.local @!p0 [hbm:s6], $0xF7A  }
0x23: {  	s9 =	sor.u32 $0xD0000000, s2;
	s6 =	simm.s32 $0x108;
	_ =	swait.ge @!p0 [sflag:s8], $0x0  }
0x24: {  	s3 =	sadd.s32 $0x88, s3;
	s6 =	simm.s32 @!p1 $0x1082;
	[sflag:s4] =	ssyncset.s32 $0xFFFFF086  }
0x25: {  	[simem:s6], [sflag:s4] =	dma.local [hbm:s3], $0xF7A  }
0x26: {  	[smem:$0x3F91] =	sst s1;
	(tag) =	ssettag s2;
	_ =	strace s9  }
0x27: {  	s1 =	sld [smem:$0x3FA1]  }
0x28: {  	s2 =	sld [smem:$0x3FA2]  }
0x29: {  	s4 =	sld [smem:$0x3FA4]  }
0x2a: {  	p0 =	seq.s32 s5, $0x0;
	s5 =	sld [smem:$0x3FA5]  }
0x2b: {  	s6 =	sld [smem:$0x3FA6]  }
0x2c: {  	s7 =	sld [smem:$0x3FA7]  }
0x2d: {  	s3 =	simm.s32 $0x108;
	s8 =	sld [smem:$0x3FA8]  }
0x2e: {  	s3 =	simm.s32 @!p0 $0x1082;
	s9 =	sld [smem:$0x3FA9]  }
0x2f: {  	lr =	sadd.s32 s0, s3;
	s0 =	sld [smem:$0x3FA0]  }
0x30: {  	s3 =	sld [smem:$0x3FA3]  }
0x31: {  	[smem:$0x3FAC] =	sst s10  }
0x32: {  	s10 =	sld [smem:$0x3FAA];
	_ =	sdelay $0x3  }
0x33: {  	p0 =	seq.s32 s10, $0x1;
	s10 =	sld [smem:$0x3FAC];
	_ =	sdelay $0x3  }
0x34: {  	[smem:$0x3FAC] =	sst s10  }
0x35: {  	s10 =	sld [smem:$0x3FAB];
	_ =	sdelay $0x3  }
0x36: {  	p1 =	seq.s32 s10, $0x1;
	s10 =	sld [smem:$0x3FAC];
	_ =	sdelay $0x3  }
0x37: {  	[smem:$0x3FAC] =	sst s10  }
0x38: {  	s10 =	sld [smem:$0x3FAD]  }
0x39: {  	_ = 	snop;
	(pc) =	sbr.ind lr, $3  }
0x3a: {  	_ = 	snop  }
0x3b: {  	_ = 	snop  }
0x3c: {  	p2 =	seq.s32 s10, $0x1;
	s10 =	sld [smem:$0x3FAC]  }
0x3d: {  	_ =	shalt  }
0x3e: {  	_ =	shalt  }
0x3f: {  	_ =	shalt  }
0x40: {  	_ =	shalt  }
0x41: {  	_ =	shalt  }
0x42: {  	_ =	shalt  }
0x43: {  	_ =	shalt  }
0x44: {  	_ =	shalt  }
0x45: {  	_ =	shalt  }
0x46: {  	_ =	shalt  }
0x47: {  	_ =	shalt  }
0x48: {  	_ =	shalt  }
0x49: {  	_ =	shalt  }
0x4a: {  	_ =	shalt  }
0x4b: {  	_ =	shalt  }
0x4c: {  	_ =	shalt  }
0x4d: {  	_ =	shalt  }
0x4e: {  	_ =	shalt  }
0x4f: {  	_ =	shalt  }
0x50: {  	_ =	shalt  }
0x51: {  	_ =	shalt  }
0x52: {  	_ =	shalt  }
0x53: {  	_ =	shalt  }
0x54: {  	_ =	shalt  }
0x55: {  	_ =	shalt  }
0x56: {  	_ =	shalt  }
0x57: {  	_ =	shalt  }
0x58: {  	_ =	shalt  }
0x59: {  	_ =	shalt  }
0x5a: {  	_ =	shalt  }
0x5b: {  	_ =	shalt  }
0x5c: {  	_ =	shalt  }
0x5d: {  	_ =	shalt  }
0x5e: {  	_ =	shalt  }
0x5f: {  	_ =	shalt  }
0x60: {  	_ =	shalt  }
0x61: {  	_ =	shalt  }
0x62: {  	_ =	shalt  }
0x63: {  	_ =	shalt  }
0x64: {  	_ =	shalt  }
0x65: {  	_ =	shalt  }
0x66: {  	_ =	shalt  }
0x67: {  	_ =	shalt  }
0x68: {  	_ =	shalt  }
0x69: {  	_ =	shalt  }
0x6a: {  	_ =	shalt  }
0x6b: {  	_ =	shalt  }
0x6c: {  	_ =	shalt  }
0x6d: {  	_ =	shalt  }
0x6e: {  	_ =	shalt  }
0x6f: {  	_ =	shalt  }
0x70: {  	_ =	shalt  }
0x71: {  	_ =	shalt  }
0x72: {  	_ =	shalt  }
0x73: {  	_ =	shalt  }
0x74: {  	_ =	shalt  }
0x75: {  	_ =	shalt  }
0x76: {  	_ =	shalt  }
0x77: {  	_ =	shalt  }
0x78: {  	_ =	shalt  }
0x79: {  	_ =	shalt  }
0x7a: {  	_ =	shalt  }
0x7b: {  	_ =	shalt  }
0x7c: {  	_ =	shalt  }
0x7d: {  	_ =	shalt  }
0x7e: {  	_ =	shalt  }
0x7f: {  	_ =	shalt  }
0x80: {  	_ =	shalt  }
0x81: {  	_ =	shalt  }
0x82: {  	_ =	shalt  }
0x83: {  	_ =	shalt  }
0x84: {  	_ =	shalt  }
0x85: {  	_ =	shalt  }
0x86: {  	_ =	shalt  }
0x87: {  	_ =	shalt  }
.Lfunc_end0:
.L_simem_size_0:
called_computation.7_lowered:
.L_overlay_start_0:
0x88: {  	s2 =	sld [smem:$0x3FD9]  }
0x89: {  	s3 =	sld [smem:$0x3FFE];
	_ =	sdelay $0x1  }
0x8a: {  	s1 =	srdreg.scid  }
0x8b: {  	s0 =	sand.u32 $0x1, s1  }
0x8c: {  	s16 =	sshll.u32 s0, $0xA;
	s2 =	sadd.s32 s3, s2  }
0x8d: {  	s2 =	sadd.s32 s2, s16  }
0x8e: {  	[smem:$0x3FB8] =	sst s2  }
0x8f: {  	_ = 	snop  }
0x90: {  	(tm) =	ssettm $0x1  }
0x91: {  	s17 =	sld [smem:$0x3FFB];
	_ =	sdelay $0x3  }
0x92: {  	_ =	strace s17  }
0x93: {  	s2 =	sld [smem:$0x3FFC];
	_ =	sdelay $0x3  }
0x94: {  	_ =	strace s2  }
0x95: {  	s2 =	sld [smem:$0x3FFD];
	_ =	sdelay $0x3  }
0x96: {  	_ =	strace s2  }
0x97: {  	_ =	strace $0x8FFFFFFF  }
0x98: {  	s18 =	sld [smem:$0x3FDB];
	_ =	sdelay $0x1  }
0x99: {  	s19 =	simm.s32 $_scs_section_size  }
0x9a: {  	s4 =	simm.s32 $_size__tile_overlayer_lowered;
	s5 =	simm.s32 $_tile_overlayer_lowered  }
0x9b: {  	s22 =	simm.s32 $0x1BFF;
	s21 =	sshll.u32 s5, $0x1;
	s2 =	sadd.s32 s19, s18  }
0x9c: {  	s6 =	simm.s32 $0x0;
	s20 =	sshll.u32 s4, $0x1;
	s4 =	sadd.s32 s21, s2  }
0x9d: {  	[timem:s6], [sflag:s22] =	dma.local [hbm:s4], s20  }
0x9e: {  	_ =	swait.ge [sflag:s22], s20  }
0x9f: {  	s3 =	ssub.s32 $0x0, s20;
	[sflag:s22] =	ssyncset.done $0x0  }
0xa0: {  	[sflag:s22] =	ssyncadd.s32 s3;
	_ =	sdelay $0x1  }
0xa1: {  	s23 =	simm.s32 $0x1B8B  }
0xa2: {  	_ =	swait.ge [sflag:s23], $0x1  }
0xa3: {  	[sflag:s23] =	ssyncset.done $0x0  }
0xa4: {  	s25 =	simm.s32 $0x1B8E;
	s24 =	sld [smem:$0x3FFE];
	[sflag:s23] =	ssyncadd.s32 $0xFFFFFFFF  }
0xa5: {  	s26 =	simm.s32 $execute0_lowered;
	[smem:$0x3FD2] =	sst s25  }
0xa6: {  	s4 =	sshll.u32 s26, $0x1;
	_ =	strace $0x8000005B;
	[dreg:$0x1] =	wrdreg $0xFFFFFFFF  }
0xa7: {  	s28 =	simm.s32 $_size_execute0_lowered;
	s2 =	sadd.s32 s2, s4;
	[dreg:$0x0] =	wrdreg $0x0  }
0xa8: {  	s4 =	sshll.u32 s28, $0x1;
	[dreg:$0x2] =	wrdreg s2  }
0xa9: {  	[dreg:$0x3] =	wrdreg s4  }
0xaa: {  	[dreg:$0x4] =	wrdreg $0xC0  }
0xab: {  	_ =	task [dreg:s6], $0x5FFFF  }
0xac: {  	[dreg:$0x1] =	wrdreg $0xFFFFFFFF  }
0xad: {  	[dreg:$0x0] =	wrdreg $0x60  }
0xae: {  	[dreg:$0x2] =	wrdreg s24  }
0xaf: {  	[dreg:$0x3] =	wrdreg $0xAF000  }
0xb0: {  	[dreg:$0x4] =	wrdreg $0x9  }
0xb1: {  	_ =	task.clear_ibuf [dreg:s6], $0x5FFFF;
	_ =	strace $0x9000005B  }
0xb2: {  	s29 =	simm.s32 $0x9;
	_ =	strace $0x8000005D  }
0xb3: {  	_ =	swait.ge [sflag:s29], $0x1  }
0xb4: {  	[sflag:s29] =	ssyncadd.s32 $0xFFFFFFFF  }
0xb5: {  	_ =	strace $0x9000005D  }
0xb6: {  	_ =	sfence  }
0xb7: {  	s30 =	sld [smem:$0x0];
	_ =	sdelay $0x2  }
0xb8: {  	s31 =	sshll.u32 s1, $0xD;
	s1 =	sshrl.u32 s1, $0x2  }
0xb9: {  	s3 =	sand.u32 $0x4000, s31;
	s1 =	sadd.s32 s1, s30  }
0xba: {  	s0 =	sor.u32 s3, s0;
	s1 =	sshll.u32 s1, $0x11  }
0xbb: {  	s0 =	sor.u32 s1, s0  }
0xbc: {  	s0 =	sadd.s32 $0x8F2B, s0  }
0xbd: {  	[sflag:s0] =	ssyncadd.remote.s32 $0x1  }
0xbe: {  	_ =	sfence.sel $0xFFFF  }
0xbf: {  	[dreg:$0x0] =	wrdreg $0xFFFFFFFF;
	(pc) =	sbr.abs _section_cstart, $3  }
0xc0: {  	[dreg:$0x1] =	wrdreg $0xFFFFFFFF  }
0xc1: {  	_ =	task.clear_ibuf [dreg:s6], $0x2FFFF;
	_ =	strace $0x9FFFFFFF  }
0xc2: {  	(tm) =	ssettm $0x7FFFFFFF  }
0xc3: {  	_ =	shalt  }
tec
execute0_lowered:
.L_overlay_start_1:
0x0: {  	(tag) =	ssettag $0x1  }
0x1: {  	s6 =	rddreg [dreg:$0x0];
	s1 =	srdreg.scid  }
0x2: {  	s0 =	stileid.u32;
	s2 =	rddreg [dreg:$0x1];
	s3 =	simm.s32 $0x0  }
0x3: {  	s13 =	simm.s32 $0x2800;
	s14 =	simm.s32 $0x80;
	s15 =	simm.s32 $0x5000  }
0x4: {  	s16 =	simm.s32 $0x1;
	s5 =	sand.u32 $0x1, s1;
	s1 =	rddreg [dreg:$0x2]  }
0x5: {  	s17 =	simm.s32 $0x6000;
	s4 =	sshll.u32 s0, $0x1;
	[smem:$0x7FF] =	sst s3  }
0x6: {  	s10 =	smul.u32 $0x4F00, s0;
	s31 =	sshll.u32 s0, $0x6;
	s4 =	sor.u32 s5, s4  }
0x7: {  	_ =	strace $0x8000005C;
	s8 =	smul.u32 $0x9E00, s5;
	s29 =	ssub.s32 $0x2, s5  }
0x8: {  	s5 =	sadd.s32 $0x10C00, s6;
	s7 =	smul.u32 $0x500, s4;
	s4 =	sadd.s32 $0x38E00, s6  }
0x9: {  	s30 =	sshrl.u32 s29, $0x1;
	s19 =	sshrl.u32 s10, $0x3;
	s11 =	sadd.s32 s8, s6  }
0xa: {  	s12 =	ssub.s32 s29, s30;
	s9 =	sadd.s32 s7, s6;
	s6 =	sadd.s32 s10, s2  }
0xb: {  	s18 =	sadd.s32 $0x42C00, s11;
	s10 =	sor.u32 $0x1C02, s31;
	s7 =	sadd.s32 $0x6C00, s9  }
0xc: {  	s8 =	sadd.s32 $0xB8800, s9;
	s9 =	smax.u32 s12, $0x1;
	s11 =	sshrl.u32 s6, $0x3  }
0xd: {  	s12 =	simm.s32 $0x2;
	s18 =	sadd.s32 s19, s18;
	s19 =	simm.s32 $0x0  }
.LBB2_1:
0xe: {  	[bflag:$0x0] =	sbarrier.arrive $0xFFFF  }
0xf: {  	_ =	sdelay $0x7ff  }
0x10: {  	_ =	sdelay $0x7ff  }
0x11: {  	_ =	sdelay $0x7ff  }
0x12: {  	_ =	sdelay $0x7ff  }
0x13: {  	_ =	sdelay $0x7ff  }
0x14: {  	_ =	sdelay $0x7ff  }
0x15: {  	_ =	sdelay $0x7ff  }
0x16: {  	_ =	sdelay $0x7ff  }
0x17: {  	_ =	sdelay $0x7ff  }
0x18: {  	_ =	sdelay $0x7ff  }
0x19: {  	_ =	sdelay $0x7ff  }
0x1a: {  	_ =	sdelay $0x7ff  }
0x1b: {  	_ =	sdelay $0x7ff  }
0x1c: {  	_ =	sdelay $0x7ff  }
0x1d: {  	_ =	sdelay $0x7ff  }
0x1e: {  	_ =	sdelay $0xe  }
0x1f: {  	[bflag:$0x0] =	sbarrier.arrive $0xFFFF  }
0x20: {  	[spmem:s11], [sflag:s10] =	dma.local [hbm:s5], $0x9E0  }
0x21: {  	_ =	swait.ge [sflag:s12], $0x9E0  }
0x22: {  	[sflag:s12] =	ssyncset.done $0x0  }
0x23: {  	[sflag:s12] =	ssyncadd.s32 $0xFFFFF620  }
0x24: {  	[tilespmem:s3], [sflag:$0x2] =	stream.linear.gather [hbm4b:s7+s3], $0x2800, $0x38;
	[tilespmem:$0xFE00] =	vst v63  }
0x25: {  	_ =	swait.ge [sflag:s12], $0x2800  }
0x26: {  	[sflag:s12] =	ssyncset.done $0x0  }
0x27: {  	[sflag:s12] =	ssyncadd.s32 $0xFFFFD800  }
0x28: {  	[tilespmem:s13], [sflag:$0x2] =	stream.linear.gather [hbm4b:s8+s3], $0x2800, $0x38;
	[tilespmem:$0xFE00] =	vst v63  }
0x29: {  	_ =	swait.ge [sflag:s12], $0x2800  }
0x2a: {  	[sflag:s12] =	ssyncset.done $0x0  }
0x2b: {  	[sflag:s12] =	ssyncadd.s32 $0xFFFFD800  }
0x2c: {  	[bflag:$0x0] =	sbarrier.arrive $0xFFFF  }
0x2d: {  	_ =	sdelay $0x7ff  }
0x2e: {  	_ =	sdelay $0x7ff  }
0x2f: {  	_ =	sdelay $0x601  }
0x30: {  	s20 =	simm.s32 $0x0;
	[bflag:$0x0] =	sbarrier.arrive $0xFFFF  }
0x31: {  	[tilespmem:s15], [sflag:$0x1] =	stream.indirect.gather [hbm4b:s4+s14], $0x20, s20, s14, $0xb8;
	[tilespmem:$0xFE00] =	vst v63  }
0x32: {  	_ =	swait.ge [sflag:s16], $0x1000  }
0x33: {  	[sflag:s16] =	ssyncset.done $0x0  }
0x34: {  	s31 =	simm.s32 $0x2800;
	[sflag:s16] =	ssyncadd.s32 $0xFFFFF000  }
0x35: {  	[spmem:s2] =	stream.indirect.scatter.add.f32 [tilespmem:s15], [sflag:$0x2], $0x20, s31, s14, $0xb8;
	[tilespmem:$0xFE00] =	vst v63  }
0x36: {  	_ =	swait.ge [sflag:s12], $0x1000  }
0x37: {  	s21 =	simm.s32 $0x400;
	s20 =	simm.s32 $0x200;
	[sflag:s12] =	ssyncset.done $0x0  }
.LBB2_2:
0x38: {  	s22 =	sshra.s32 s20, $0x2  }
0x39: {  	[sflag:s12] =	ssyncadd.s32 $0xFFFFF000;
	s20 =	smov.u32 s21;
	s23 =	sadd.s32 $0x200, s21  }
0x3a: {  	[tilespmem:s15], [sflag:$0x1] =	stream.indirect.gather [hbm4b:s4+s14], $0x20, s22, s14, $0xb8;
	[tilespmem:$0xFE00] =	vst v63  }
0x3b: {  	p0 =	sne.s32 s21, $0x9E00;
	_ =	swait.ge [sflag:s16], $0x1000  }
.Ltmp0:
0x3c: {  	[sflag:s16] =	ssyncset.done $0x0;
	(pc) =	sbr.rel @p0 .LBB2_2-.Ltmp0, $4  }
0x3d: {  	s21 =	sadd.s32 $0x2800, s22;
	[sflag:s16] =	ssyncadd.s32 $0xFFFFF000  }
0x3e: {  	[spmem:s2] =	stream.indirect.scatter.add.f32 [tilespmem:s15], [sflag:$0x2], $0x20, s21, s14, $0xb8;
	[tilespmem:$0xFE00] =	vst v63  }
0x3f: {  	_ =	swait.ge [sflag:s12], $0x1000  }
0x40: {  	s21 =	smov.u32 s23;
	[sflag:s12] =	ssyncset.done $0x0  }
0x41: {  	s20 =	sshra.s32 s20, $0x2;
	[sflag:s12] =	ssyncadd.s32 $0xFFFFF000  }
0x42: {  	[tilespmem:s15], [sflag:$0x1] =	stream.indirect.gather [hbm4b:s4+s14], $0x20, s20, s14, $0xb8;
	[tilespmem:$0xFE00] =	vst v63  }
0x43: {  	_ =	swait.ge [sflag:s16], $0x1000  }
0x44: {  	[sflag:s16] =	ssyncset.done $0x0  }
0x45: {  	s20 =	sadd.s32 $0x2800, s20;
	[sflag:s16] =	ssyncadd.s32 $0xFFFFF000  }
0x46: {  	[spmem:s2] =	stream.indirect.scatter.add.f32 [tilespmem:s15], [sflag:$0x2], $0x20, s20, s14, $0xb8;
	[tilespmem:$0xFE00] =	vst v63  }
0x47: {  	_ =	swait.ge [sflag:s12], $0x1000  }
0x48: {  	[sflag:s12] =	ssyncset.done $0x0  }
0x49: {  	[sflag:s12] =	ssyncadd.s32 $0xFFFFF000  }
0x4a: {  	[bflag:$0x0] =	sbarrier.arrive $0xFFFF  }
0x4b: {  	_ =	sdelay $0x7ff  }
0x4c: {  	_ =	sdelay $0x7ff  }
0x4d: {  	_ =	sdelay $0x601  }
0x4e: {  	[bflag:$0x0] =	sbarrier.arrive $0xFFFF  }
0x4f: {  	[tilespmem:s17], [sflag:$0x2] =	stream.linear.gather [spmem:s6], $0x4F00, $0x38;
	[tilespmem:$0xFE00] =	vst v63  }
0x50: {  	_ =	swait.ge [sflag:s12], $0x4F00  }
0x51: {  	[sflag:s12] =	ssyncset.done $0x0  }
0x52: {  	[sflag:s12] =	ssyncadd.s32 $0xFFFFB100  }
0x53: {  	[hbm4b:s18+s3] =	stream.linear.scatter [tilespmem:s17], [sflag:$0x2], $0x4F00, $0x38;
	[tilespmem:$0xFE00] =	vst v63  }
0x54: {  	_ =	swait.ge [sflag:s12], $0x4F00  }
0x55: {  	[sflag:s12] =	ssyncset.done $0x0  }
0x56: {  	[sflag:s12] =	ssyncadd.s32 $0xFFFFB100  }
0x57: {  	[tilespmem:s17], [sflag:$0x2] =	stream.linear.gather [hbm4b:s18+s3], $0x4F00, $0x38;
	[tilespmem:$0xFE00] =	vst v63  }
0x58: {  	_ =	swait.ge [sflag:s12], $0x4F00  }
0x59: {  	[sflag:s12] =	ssyncset.done $0x0  }
0x5a: {  	[sflag:s12] =	ssyncadd.s32 $0xFFFFB100  }
0x5b: {  	[bflag:$0x0] =	sbarrier.arrive $0xFFFF  }
0x5c: {  	_ =	sdelay $0x7ff  }
0x5d: {  	_ =	sdelay $0x7ff  }
0x5e: {  	_ =	sdelay $0x7ff  }
0x5f: {  	_ =	sdelay $0x7ff  }
0x60: {  	_ =	sdelay $0x7ff  }
0x61: {  	_ =	sdelay $0x7ff  }
0x62: {  	_ =	sdelay $0x7ff  }
0x63: {  	_ =	sdelay $0x7ff  }
0x64: {  	_ =	sdelay $0x7ff  }
0x65: {  	_ =	sdelay $0x7ff  }
0x66: {  	_ =	sdelay $0x7ff  }
0x67: {  	s19 =	sadd.s32 $0x1, s19;
	_ =	sdelay $0x7ff  }
0x68: {  	p0 =	sne.s32 s19, s9;
	_ =	sdelay $0x7ff  }
.Ltmp1:
0x69: {  	_ =	sdelay $0x7ff;
	(pc) =	sbr.rel @p0 .LBB2_1-.Ltmp1, $3  }
0x6a: {  	_ =	sdelay $0x7ff  }
0x6b: {  	_ =	sdelay $0xe  }
0x6c: {  	[bflag:$0x0] =	sbarrier.arrive $0xFFFF;
	_ =	sdelay $0x1  }
0x6d: {  	_ =	sfence.sel $0x180000  }
0x6e: {  	[bflag:$0x0] =	sbarrier.arrive $0xFFFF  }
0x6f: {  	p0 =	sne.s32 s0, $0x0;
	_ =	strace $0x9000005C  }
0x70: {  	s0 =	sadd.s32 @!p0 $0x100000, s1;
	[bflag:$0x2] =	sbarrier.arrive $0xFFFF  }
0x71: {  	[sflag:s0] =	ssyncadd.tile.s32 @!p0 $0x1;
	_ =	shalt  }
.Lfunc_end2:
_tile_overlayer_lowered:
.L_overlay_start_2:
0x72: {  	(tag) =	ssettag $0x2  }
0x73: {  	s0 =	rddreg [dreg:$0x0];
	s2 =	stileid.u32  }
0x74: {  	s1 =	rddreg [dreg:$0x1];
	p0 =	sne.s32 s2, $0x0  }
0x75: {  	s3 =	rddreg [dreg:$0x2];
	[bflag:$0x3] =	sbarrier.arrive $0xFFFF;
	s2 =	simm.s32 @!p0 $0x1C02  }
0x76: {  	[timem:s3], [sflag:s2] =	dma.local @!p0 [hbm:s0], s1  }
0x77: {  	s0 =	simm.s32 @!p0 $0x2  }
0x78: {  	_ =	swait.ge @!p0 [sflag:s0], s1  }
0x79: {  	s1 =	ssub.s32 @!p0 $0x0, s1;
	[sflag:s0] =	ssyncset.done @!p0 $0x0  }
0x7a: {  	[sflag:s0] =	ssyncadd.s32 @!p0 s1  }
0x7b: {  	[bflag:$0x3] =	sbarrier.arrive $0xFFFF  }
0x7c: {  	_ =	shalt  }

// kernel: kernel.36.cloned.1.call-start
scs
__scs_entry_jumppad:
0x0: {  	(pc) =	sbr.rel $0x88, $3  }
0x1: {  	(tag) =	ssettag $0x0;
	lr =	simm.s32 $0x1  }
0x2: {  	[smem:$0x3F91] =	sst lr;
	_ =	strace $0xD0000000  }
0x3: {  	_ = 	snop  }
0x4: {  	_ = 	snop  }
0x5: {  	_ = 	snop  }
0x6: {  	_ = 	snop  }
0x7: {  	_ = 	snop  }
__scs_overlays_trampoline_lowered:
0x8: {  	[smem:$0x3FA0] =	sst s0  }
0x9: {  	[smem:$0x3FA1] =	sst s1  }
0xa: {  	[smem:$0x3FA2] =	sst s2  }
0xb: {  	[smem:$0x3FA3] =	sst s3  }
0xc: {  	[smem:$0x3FA4] =	sst s4  }
0xd: {  	[smem:$0x3FA5] =	sst s5  }
0xe: {  	[smem:$0x3FA6] =	sst s6  }
0xf: {  	[smem:$0x3FA7] =	sst s7  }
0x10: {  	[smem:$0x3FA8] =	sst s8  }
0x11: {  	[smem:$0x3FA9] =	sst s9;
	s0 =	simm.s32 @!p0 $0x0  }
0x12: {  	s1 =	sld [smem:$0x3F8F];
	s0 =	simm.s32 @p0 $0x1  }
0x13: {  	[smem:$0x3FAA] =	sst s0;
	s0 =	simm.s32 @!p1 $0x0  }
0x14: {  	s2 =	sld [smem:$0x3F8E];
	s0 =	simm.s32 @p1 $0x1  }
0x15: {  	[smem:$0x3FAB] =	sst s0;
	s0 =	simm.s32 @!p2 $0x0  }
0x16: {  	s3 =	sld [smem:$0x3FDB];
	s0 =	simm.s32 @p2 $0x1  }
0x17: {  	s4 =	simm.s32 $0x1BF5;
	[smem:$0x3FAD] =	sst s0  }
0x18: {  	s0 =	sld [smem:$0x3F90];
	_ =	swait.ge [sflag:s4], $0x0  }
0x19: {  	s7 =	sld [smem:$0x3F91]  }
0x1a: {  	s8 =	sadd.s32 $0xFFFFE003, lr  }
0x1b: {  	s9 =	sadd.s32 $0xFFFFFEF7, lr;
	s5 =	simm.s32 $0xFFFFFFFF;
	p2 =	slt.u32 s8, $0xFFFFF086  }
0x1c: {  	p1 =	slt.u32 s9, $0xF7A;
	s5 =	simm.s32 @!p2 $0x0  }
0x1d: {  	s5 =	simm.s32 @p1 $0x1;
	p0 =	seq.s32 s7, s2  }
0x1e: {  	s7 =	smul.u32 @!p0 $0xF7A, s2;
	p2 =	seq.s32 @!p0 s5, $0x0  }
0x1f: {  	s9 =	smul.u32 $0xF7A, s1;
	s8 =	simm.s32 @!p0 $0x1BF5;
	p2 =	por !p2, p0  }
0x20: {  	[sflag:s8] =	ssyncset.s32 @!p0 $0xFFFFF086;
	s6 =	sadd.s32 @!p0 s3, s7;
	s7 =	simm.s32 @!p0 $0x108  }
0x21: {  	s3 =	sadd.s32 s3, s9;
	s6 =	sadd.s32 @!p0 $0x88, s6;
	s7 =	simm.s32 @p2 $0x1082  }
0x22: {  	[simem:s7], [sflag:s8] =	dma.local @!p0 [hbm:s6], $0xF7A  }
0x23: {  	s9 =	sor.u32 $0xD0000000, s2;
	s6 =	simm.s32 $0x108;
	_ =	swait.ge @!p0 [sflag:s8], $0x0  }
0x24: {  	s3 =	sadd.s32 $0x88, s3;
	s6 =	simm.s32 @!p1 $0x1082;
	[sflag:s4] =	ssyncset.s32 $0xFFFFF086  }
0x25: {  	[simem:s6], [sflag:s4] =	dma.local [hbm:s3], $0xF7A  }
0x26: {  	[smem:$0x3F91] =	sst s1;
	(tag) =	ssettag s2;
	_ =	strace s9  }
0x27: {  	s1 =	sld [smem:$0x3FA1]  }
0x28: {  	s2 =	sld [smem:$0x3FA2]  }
0x29: {  	s4 =	sld [smem:$0x3FA4]  }
0x2a: {  	p0 =	seq.s32 s5, $0x0;
	s5 =	sld [smem:$0x3FA5]  }
0x2b: {  	s6 =	sld [smem:$0x3FA6]  }
0x2c: {  	s7 =	sld [smem:$0x3FA7]  }
0x2d: {  	s3 =	simm.s32 $0x108;
	s8 =	sld [smem:$0x3FA8]  }
0x2e: {  	s3 =	simm.s32 @!p0 $0x1082;
	s9 =	sld [smem:$0x3FA9]  }
0x2f: {  	lr =	sadd.s32 s0, s3;
	s0 =	sld [smem:$0x3FA0]  }
0x30: {  	s3 =	sld [smem:$0x3FA3]  }
0x31: {  	[smem:$0x3FAC] =	sst s10  }
0x32: {  	s10 =	sld [smem:$0x3FAA];
	_ =	sdelay $0x3  }
0x33: {  	p0 =	seq.s32 s10, $0x1;
	s10 =	sld [smem:$0x3FAC];
	_ =	sdelay $0x3  }
0x34: {  	[smem:$0x3FAC] =	sst s10  }
0x35: {  	s10 =	sld [smem:$0x3FAB];
	_ =	sdelay $0x3  }
0x36: {  	p1 =	seq.s32 s10, $0x1;
	s10 =	sld [smem:$0x3FAC];
	_ =	sdelay $0x3  }
0x37: {  	[smem:$0x3FAC] =	sst s10  }
0x38: {  	s10 =	sld [smem:$0x3FAD]  }
0x39: {  	_ = 	snop;
	(pc) =	sbr.ind lr, $3  }
0x3a: {  	_ = 	snop  }
0x3b: {  	_ = 	snop  }
0x3c: {  	p2 =	seq.s32 s10, $0x1;
	s10 =	sld [smem:$0x3FAC]  }
0x3d: {  	_ =	shalt  }
0x3e: {  	_ =	shalt  }
0x3f: {  	_ =	shalt  }
0x40: {  	_ =	shalt  }
0x41: {  	_ =	shalt  }
0x42: {  	_ =	shalt  }
0x43: {  	_ =	shalt  }
0x44: {  	_ =	shalt  }
0x45: {  	_ =	shalt  }
0x46: {  	_ =	shalt  }
0x47: {  	_ =	shalt  }
0x48: {  	_ =	shalt  }
0x49: {  	_ =	shalt  }
0x4a: {  	_ =	shalt  }
0x4b: {  	_ =	shalt  }
0x4c: {  	_ =	shalt  }
0x4d: {  	_ =	shalt  }
0x4e: {  	_ =	shalt  }
0x4f: {  	_ =	shalt  }
0x50: {  	_ =	shalt  }
0x51: {  	_ =	shalt  }
0x52: {  	_ =	shalt  }
0x53: {  	_ =	shalt  }
0x54: {  	_ =	shalt  }
0x55: {  	_ =	shalt  }
0x56: {  	_ =	shalt  }
0x57: {  	_ =	shalt  }
0x58: {  	_ =	shalt  }
0x59: {  	_ =	shalt  }
0x5a: {  	_ =	shalt  }
0x5b: {  	_ =	shalt  }
0x5c: {  	_ =	shalt  }
0x5d: {  	_ =	shalt  }
0x5e: {  	_ =	shalt  }
0x5f: {  	_ =	shalt  }
0x60: {  	_ =	shalt  }
0x61: {  	_ =	shalt  }
0x62: {  	_ =	shalt  }
0x63: {  	_ =	shalt  }
0x64: {  	_ =	shalt  }
0x65: {  	_ =	shalt  }
0x66: {  	_ =	shalt  }
0x67: {  	_ =	shalt  }
0x68: {  	_ =	shalt  }
0x69: {  	_ =	shalt  }
0x6a: {  	_ =	shalt  }
0x6b: {  	_ =	shalt  }
0x6c: {  	_ =	shalt  }
0x6d: {  	_ =	shalt  }
0x6e: {  	_ =	shalt  }
0x6f: {  	_ =	shalt  }
0x70: {  	_ =	shalt  }
0x71: {  	_ =	shalt  }
0x72: {  	_ =	shalt  }
0x73: {  	_ =	shalt  }
0x74: {  	_ =	shalt  }
0x75: {  	_ =	shalt  }
0x76: {  	_ =	shalt  }
0x77: {  	_ =	shalt  }
0x78: {  	_ =	shalt  }
0x79: {  	_ =	shalt  }
0x7a: {  	_ =	shalt  }
0x7b: {  	_ =	shalt  }
0x7c: {  	_ =	shalt  }
0x7d: {  	_ =	shalt  }
0x7e: {  	_ =	shalt  }
0x7f: {  	_ =	shalt  }
0x80: {  	_ =	shalt  }
0x81: {  	_ =	shalt  }
0x82: {  	_ =	shalt  }
0x83: {  	_ =	shalt  }
0x84: {  	_ =	shalt  }
0x85: {  	_ =	shalt  }
0x86: {  	_ =	shalt  }
0x87: {  	_ =	shalt  }
.Lfunc_end0:
.L_simem_size_0:
called_computation.8_lowered:
.L_overlay_start_0:
0x88: {  	s2 =	sld [smem:$0x3FD9]  }
0x89: {  	s3 =	sld [smem:$0x3FFE];
	_ =	sdelay $0x1  }
0x8a: {  	s1 =	srdreg.scid  }
0x8b: {  	s0 =	sand.u32 $0x1, s1  }
0x8c: {  	s16 =	sshll.u32 s0, $0xA;
	s2 =	sadd.s32 s3, s2  }
0x8d: {  	s2 =	sadd.s32 s2, s16  }
0x8e: {  	[smem:$0x3FB8] =	sst s2  }
0x8f: {  	_ = 	snop  }
0x90: {  	(tm) =	ssettm $0x1  }
0x91: {  	s17 =	sld [smem:$0x3FFB];
	_ =	sdelay $0x3  }
0x92: {  	_ =	strace s17  }
0x93: {  	s2 =	sld [smem:$0x3FFC];
	_ =	sdelay $0x3  }
0x94: {  	_ =	strace s2  }
0x95: {  	s2 =	sld [smem:$0x3FFD];
	_ =	sdelay $0x3  }
0x96: {  	_ =	strace s2  }
0x97: {  	_ =	strace $0x8FFFFFFF  }
0x98: {  	s18 =	sld [smem:$0x3FDB];
	_ =	sdelay $0x1  }
0x99: {  	s19 =	simm.s32 $_scs_section_size  }
0x9a: {  	s4 =	simm.s32 $_size__tile_overlayer_lowered;
	s5 =	simm.s32 $_tile_overlayer_lowered  }
0x9b: {  	s22 =	simm.s32 $0x1BFF;
	s21 =	sshll.u32 s5, $0x1;
	s2 =	sadd.s32 s19, s18  }
0x9c: {  	s6 =	simm.s32 $0x0;
	s20 =	sshll.u32 s4, $0x1;
	s4 =	sadd.s32 s21, s2  }
0x9d: {  	[timem:s6], [sflag:s22] =	dma.local [hbm:s4], s20  }
0x9e: {  	_ =	swait.ge [sflag:s22], s20  }
0x9f: {  	s3 =	ssub.s32 $0x0, s20;
	[sflag:s22] =	ssyncset.done $0x0  }
0xa0: {  	[sflag:s22] =	ssyncadd.s32 s3;
	_ =	sdelay $0x1  }
0xa1: {  	s23 =	simm.s32 $0x1B8B  }
0xa2: {  	_ =	swait.ge [sflag:s23], $0x1  }
0xa3: {  	[sflag:s23] =	ssyncset.done $0x0  }
0xa4: {  	s25 =	simm.s32 $0x1B8E;
	s24 =	sld [smem:$0x3FFE];
	[sflag:s23] =	ssyncadd.s32 $0xFFFFFFFF  }
0xa5: {  	s26 =	simm.s32 $execute0_lowered;
	[smem:$0x3FD2] =	sst s25  }
0xa6: {  	s4 =	sshll.u32 s26, $0x1;
	_ =	strace $0x8000005E;
	[dreg:$0x1] =	wrdreg $0xFFFFFFFF  }
0xa7: {  	s28 =	simm.s32 $_size_execute0_lowered;
	s2 =	sadd.s32 s2, s4;
	[dreg:$0x0] =	wrdreg $0x0  }
0xa8: {  	s4 =	sshll.u32 s28, $0x1;
	[dreg:$0x2] =	wrdreg s2  }
0xa9: {  	[dreg:$0x3] =	wrdreg s4  }
0xaa: {  	[dreg:$0x4] =	wrdreg $0xC0  }
0xab: {  	_ =	task [dreg:s6], $0x5FFFF  }
0xac: {  	[dreg:$0x1] =	wrdreg $0xFFFFFFFF  }
0xad: {  	[dreg:$0x0] =	wrdreg $0x60  }
0xae: {  	[dreg:$0x2] =	wrdreg s24  }
0xaf: {  	[dreg:$0x3] =	wrdreg $0xAF000  }
0xb0: {  	[dreg:$0x4] =	wrdreg $0x9  }
0xb1: {  	_ =	task.clear_ibuf [dreg:s6], $0x5FFFF;
	_ =	strace $0x9000005E  }
0xb2: {  	s29 =	simm.s32 $0x9;
	_ =	strace $0x80000060  }
0xb3: {  	_ =	swait.ge [sflag:s29], $0x1  }
0xb4: {  	[sflag:s29] =	ssyncadd.s32 $0xFFFFFFFF  }
0xb5: {  	_ =	strace $0x90000060  }
0xb6: {  	_ =	sfence  }
0xb7: {  	s30 =	sld [smem:$0x0];
	_ =	sdelay $0x2  }
0xb8: {  	s31 =	sshll.u32 s1, $0xD;
	s1 =	sshrl.u32 s1, $0x2  }
0xb9: {  	s3 =	sand.u32 $0x4000, s31;
	s1 =	sadd.s32 s1, s30  }
0xba: {  	s0 =	sor.u32 s3, s0;
	s1 =	sshll.u32 s1, $0x11  }
0xbb: {  	s0 =	sor.u32 s1, s0  }
0xbc: {  	s0 =	sadd.s32 $0x8F2B, s0  }
0xbd: {  	[sflag:s0] =	ssyncadd.remote.s32 $0x1  }
0xbe: {  	_ =	sfence.sel $0xFFFF  }
0xbf: {  	[dreg:$0x0] =	wrdreg $0xFFFFFFFF;
	(pc) =	sbr.abs _section_cstart, $3  }
0xc0: {  	[dreg:$0x1] =	wrdreg $0xFFFFFFFF  }
0xc1: {  	_ =	task.clear_ibuf [dreg:s6], $0x2FFFF;
	_ =	strace $0x9FFFFFFF  }
0xc2: {  	(tm) =	ssettm $0x7FFFFFFF  }
0xc3: {  	_ =	shalt  }
tec
execute0_lowered:
.L_overlay_start_1:
0x0: {  	(tag) =	ssettag $0x1  }
0x1: {  	s6 =	rddreg [dreg:$0x0];
	s1 =	srdreg.scid  }
0x2: {  	s0 =	stileid.u32;
	s2 =	rddreg [dreg:$0x1];
	s3 =	simm.s32 $0x0  }
0x3: {  	s13 =	simm.s32 $0x2800;
	s14 =	simm.s32 $0x80;
	s15 =	simm.s32 $0x5000  }
0x4: {  	s16 =	simm.s32 $0x1;
	s5 =	sand.u32 $0x1, s1;
	s1 =	rddreg [dreg:$0x2]  }
0x5: {  	s17 =	simm.s32 $0x6000;
	s4 =	sshll.u32 s0, $0x1;
	[smem:$0x7FF] =	sst s3  }
0x6: {  	s10 =	smul.u32 $0x4F00, s0;
	s31 =	sshll.u32 s0, $0x6;
	s4 =	sor.u32 s5, s4  }
0x7: {  	_ =	strace $0x8000005F;
	s8 =	smul.u32 $0x9E00, s5;
	s29 =	ssub.s32 $0x2, s5  }
0x8: {  	s5 =	sadd.s32 $0x10C00, s6;
	s7 =	smul.u32 $0x500, s4;
	s4 =	sadd.s32 $0x38E00, s6  }
0x9: {  	s30 =	sshrl.u32 s29, $0x1;
	s19 =	sshrl.u32 s10, $0x3;
	s11 =	sadd.s32 s8, s6  }
0xa: {  	s12 =	ssub.s32 s29, s30;
	s9 =	sadd.s32 s7, s6;
	s6 =	sadd.s32 s10, s2  }
0xb: {  	s18 =	sadd.s32 $0x42C00, s11;
	s10 =	sor.u32 $0x1C02, s31;
	s7 =	sadd.s32 $0x6C00, s9  }
0xc: {  	s8 =	sadd.s32 $0xB8800, s9;
	s9 =	smax.u32 s12, $0x1;
	s11 =	sshrl.u32 s6, $0x3  }
0xd: {  	s12 =	simm.s32 $0x2;
	s18 =	sadd.s32 s19, s18;
	s19 =	simm.s32 $0x0  }
.LBB2_1:
0xe: {  	[bflag:$0x0] =	sbarrier.arrive $0xFFFF  }
0xf: {  	_ =	sdelay $0x7ff  }
0x10: {  	_ =	sdelay $0x7ff  }
0x11: {  	_ =	sdelay $0x7ff  }
0x12: {  	_ =	sdelay $0x7ff  }
0x13: {  	_ =	sdelay $0x7ff  }
0x14: {  	_ =	sdelay $0x7ff  }
0x15: {  	_ =	sdelay $0x7ff  }
0x16: {  	_ =	sdelay $0x7ff  }
0x17: {  	_ =	sdelay $0x7ff  }
0x18: {  	_ =	sdelay $0x7ff  }
0x19: {  	_ =	sdelay $0x7ff  }
0x1a: {  	_ =	sdelay $0x7ff  }
0x1b: {  	_ =	sdelay $0x7ff  }
0x1c: {  	_ =	sdelay $0x7ff  }
0x1d: {  	_ =	sdelay $0x7ff  }
0x1e: {  	_ =	sdelay $0xe  }
0x1f: {  	[bflag:$0x0] =	sbarrier.arrive $0xFFFF  }
0x20: {  	[spmem:s11], [sflag:s10] =	dma.local [hbm:s5], $0x9E0  }
0x21: {  	_ =	swait.ge [sflag:s12], $0x9E0  }
0x22: {  	[sflag:s12] =	ssyncset.done $0x0  }
0x23: {  	[sflag:s12] =	ssyncadd.s32 $0xFFFFF620  }
0x24: {  	[tilespmem:s3], [sflag:$0x2] =	stream.linear.gather [hbm4b:s7+s3], $0x2800, $0x38;
	[tilespmem:$0xFE00] =	vst v63  }
0x25: {  	_ =	swait.ge [sflag:s12], $0x2800  }
0x26: {  	[sflag:s12] =	ssyncset.done $0x0  }
0x27: {  	[sflag:s12] =	ssyncadd.s32 $0xFFFFD800  }
0x28: {  	[tilespmem:s13], [sflag:$0x2] =	stream.linear.gather [hbm4b:s8+s3], $0x2800, $0x38;
	[tilespmem:$0xFE00] =	vst v63  }
0x29: {  	_ =	swait.ge [sflag:s12], $0x2800  }
0x2a: {  	[sflag:s12] =	ssyncset.done $0x0  }
0x2b: {  	[sflag:s12] =	ssyncadd.s32 $0xFFFFD800  }
0x2c: {  	[bflag:$0x0] =	sbarrier.arrive $0xFFFF  }
0x2d: {  	_ =	sdelay $0x7ff  }
0x2e: {  	_ =	sdelay $0x7ff  }
0x2f: {  	_ =	sdelay $0x601  }
0x30: {  	s20 =	simm.s32 $0x0;
	[bflag:$0x0] =	sbarrier.arrive $0xFFFF  }
0x31: {  	[tilespmem:s15], [sflag:$0x1] =	stream.indirect.gather [hbm4b:s4+s14], $0x20, s20, s14, $0xb8;
	[tilespmem:$0xFE00] =	vst v63  }
0x32: {  	_ =	swait.ge [sflag:s16], $0x1000  }
0x33: {  	[sflag:s16] =	ssyncset.done $0x0  }
0x34: {  	s31 =	simm.s32 $0x2800;
	[sflag:s16] =	ssyncadd.s32 $0xFFFFF000  }
0x35: {  	[spmem:s2] =	stream.indirect.scatter.add.f32 [tilespmem:s15], [sflag:$0x2], $0x20, s31, s14, $0xb8;
	[tilespmem:$0xFE00] =	vst v63  }
0x36: {  	_ =	swait.ge [sflag:s12], $0x1000  }
0x37: {  	s21 =	simm.s32 $0x400;
	s20 =	simm.s32 $0x200;
	[sflag:s12] =	ssyncset.done $0x0  }
.LBB2_2:
0x38: {  	s22 =	sshra.s32 s20, $0x2  }
0x39: {  	[sflag:s12] =	ssyncadd.s32 $0xFFFFF000;
	s20 =	smov.u32 s21;
	s23 =	sadd.s32 $0x200, s21  }
0x3a: {  	[tilespmem:s15], [sflag:$0x1] =	stream.indirect.gather [hbm4b:s4+s14], $0x20, s22, s14, $0xb8;
	[tilespmem:$0xFE00] =	vst v63  }
0x3b: {  	p0 =	sne.s32 s21, $0x9E00;
	_ =	swait.ge [sflag:s16], $0x1000  }
.Ltmp0:
0x3c: {  	[sflag:s16] =	ssyncset.done $0x0;
	(pc) =	sbr.rel @p0 .LBB2_2-.Ltmp0, $4  }
0x3d: {  	s21 =	sadd.s32 $0x2800, s22;
	[sflag:s16] =	ssyncadd.s32 $0xFFFFF000  }
0x3e: {  	[spmem:s2] =	stream.indirect.scatter.add.f32 [tilespmem:s15], [sflag:$0x2], $0x20, s21, s14, $0xb8;
	[tilespmem:$0xFE00] =	vst v63  }
0x3f: {  	_ =	swait.ge [sflag:s12], $0x1000  }
0x40: {  	s21 =	smov.u32 s23;
	[sflag:s12] =	ssyncset.done $0x0  }
0x41: {  	s20 =	sshra.s32 s20, $0x2;
	[sflag:s12] =	ssyncadd.s32 $0xFFFFF000  }
0x42: {  	[tilespmem:s15], [sflag:$0x1] =	stream.indirect.gather [hbm4b:s4+s14], $0x20, s20, s14, $0xb8;
	[tilespmem:$0xFE00] =	vst v63  }
0x43: {  	_ =	swait.ge [sflag:s16], $0x1000  }
0x44: {  	[sflag:s16] =	ssyncset.done $0x0  }
0x45: {  	s20 =	sadd.s32 $0x2800, s20;
	[sflag:s16] =	ssyncadd.s32 $0xFFFFF000  }
0x46: {  	[spmem:s2] =	stream.indirect.scatter.add.f32 [tilespmem:s15], [sflag:$0x2], $0x20, s20, s14, $0xb8;
	[tilespmem:$0xFE00] =	vst v63  }
0x47: {  	_ =	swait.ge [sflag:s12], $0x1000  }
0x48: {  	[sflag:s12] =	ssyncset.done $0x0  }
0x49: {  	[sflag:s12] =	ssyncadd.s32 $0xFFFFF000  }
0x4a: {  	[bflag:$0x0] =	sbarrier.arrive $0xFFFF  }
0x4b: {  	_ =	sdelay $0x7ff  }
0x4c: {  	_ =	sdelay $0x7ff  }
0x4d: {  	_ =	sdelay $0x601  }
0x4e: {  	[bflag:$0x0] =	sbarrier.arrive $0xFFFF  }
0x4f: {  	[tilespmem:s17], [sflag:$0x2] =	stream.linear.gather [spmem:s6], $0x4F00, $0x38;
	[tilespmem:$0xFE00] =	vst v63  }
0x50: {  	_ =	swait.ge [sflag:s12], $0x4F00  }
0x51: {  	[sflag:s12] =	ssyncset.done $0x0  }
0x52: {  	[sflag:s12] =	ssyncadd.s32 $0xFFFFB100  }
0x53: {  	[hbm4b:s18+s3] =	stream.linear.scatter [tilespmem:s17], [sflag:$0x2], $0x4F00, $0x38;
	[tilespmem:$0xFE00] =	vst v63  }
0x54: {  	_ =	swait.ge [sflag:s12], $0x4F00  }
0x55: {  	[sflag:s12] =	ssyncset.done $0x0  }
0x56: {  	[sflag:s12] =	ssyncadd.s32 $0xFFFFB100  }
0x57: {  	[tilespmem:s17], [sflag:$0x2] =	stream.linear.gather [hbm4b:s18+s3], $0x4F00, $0x38;
	[tilespmem:$0xFE00] =	vst v63  }
0x58: {  	_ =	swait.ge [sflag:s12], $0x4F00  }
0x59: {  	[sflag:s12] =	ssyncset.done $0x0  }
0x5a: {  	[sflag:s12] =	ssyncadd.s32 $0xFFFFB100  }
0x5b: {  	[bflag:$0x0] =	sbarrier.arrive $0xFFFF  }
0x5c: {  	_ =	sdelay $0x7ff  }
0x5d: {  	_ =	sdelay $0x7ff  }
0x5e: {  	_ =	sdelay $0x7ff  }
0x5f: {  	_ =	sdelay $0x7ff  }
0x60: {  	_ =	sdelay $0x7ff  }
0x61: {  	_ =	sdelay $0x7ff  }
0x62: {  	_ =	sdelay $0x7ff  }
0x63: {  	_ =	sdelay $0x7ff  }
0x64: {  	_ =	sdelay $0x7ff  }
0x65: {  	_ =	sdelay $0x7ff  }
0x66: {  	_ =	sdelay $0x7ff  }
0x67: {  	s19 =	sadd.s32 $0x1, s19;
	_ =	sdelay $0x7ff  }
0x68: {  	p0 =	sne.s32 s19, s9;
	_ =	sdelay $0x7ff  }
.Ltmp1:
0x69: {  	_ =	sdelay $0x7ff;
	(pc) =	sbr.rel @p0 .LBB2_1-.Ltmp1, $3  }
0x6a: {  	_ =	sdelay $0x7ff  }
0x6b: {  	_ =	sdelay $0xe  }
0x6c: {  	[bflag:$0x0] =	sbarrier.arrive $0xFFFF;
	_ =	sdelay $0x1  }
0x6d: {  	_ =	sfence.sel $0x180000  }
0x6e: {  	[bflag:$0x0] =	sbarrier.arrive $0xFFFF  }
0x6f: {  	p0 =	sne.s32 s0, $0x0;
	_ =	strace $0x9000005F  }
0x70: {  	s0 =	sadd.s32 @!p0 $0x100000, s1;
	[bflag:$0x2] =	sbarrier.arrive $0xFFFF  }
0x71: {  	[sflag:s0] =	ssyncadd.tile.s32 @!p0 $0x1;
	_ =	shalt  }
.Lfunc_end2:
_tile_overlayer_lowered:
.L_overlay_start_2:
0x72: {  	(tag) =	ssettag $0x2  }
0x73: {  	s0 =	rddreg [dreg:$0x0];
	s2 =	stileid.u32  }
0x74: {  	s1 =	rddreg [dreg:$0x1];
	p0 =	sne.s32 s2, $0x0  }
0x75: {  	s3 =	rddreg [dreg:$0x2];
	[bflag:$0x3] =	sbarrier.arrive $0xFFFF;
	s2 =	simm.s32 @!p0 $0x1C02  }
0x76: {  	[timem:s3], [sflag:s2] =	dma.local @!p0 [hbm:s0], s1  }
0x77: {  	s0 =	simm.s32 @!p0 $0x2  }
0x78: {  	_ =	swait.ge @!p0 [sflag:s0], s1  }
0x79: {  	s1 =	ssub.s32 @!p0 $0x0, s1;
	[sflag:s0] =	ssyncset.done @!p0 $0x0  }
0x7a: {  	[sflag:s0] =	ssyncadd.s32 @!p0 s1  }
0x7b: {  	[bflag:$0x3] =	sbarrier.arrive $0xFFFF  }
0x7c: {  	_ =	shalt  }

// kernel: kernel.39.cloned.1.call-start
scs
__scs_entry_jumppad:
0x0: {  	(pc) =	sbr.rel $0x88, $3  }
0x1: {  	(tag) =	ssettag $0x0;
	lr =	simm.s32 $0x1  }
0x2: {  	[smem:$0x3F91] =	sst lr;
	_ =	strace $0xD0000000  }
0x3: {  	_ = 	snop  }
0x4: {  	_ = 	snop  }
0x5: {  	_ = 	snop  }
0x6: {  	_ = 	snop  }
0x7: {  	_ = 	snop  }
__scs_overlays_trampoline_lowered:
0x8: {  	[smem:$0x3FA0] =	sst s0  }
0x9: {  	[smem:$0x3FA1] =	sst s1  }
0xa: {  	[smem:$0x3FA2] =	sst s2  }
0xb: {  	[smem:$0x3FA3] =	sst s3  }
0xc: {  	[smem:$0x3FA4] =	sst s4  }
0xd: {  	[smem:$0x3FA5] =	sst s5  }
0xe: {  	[smem:$0x3FA6] =	sst s6  }
0xf: {  	[smem:$0x3FA7] =	sst s7  }
0x10: {  	[smem:$0x3FA8] =	sst s8  }
0x11: {  	[smem:$0x3FA9] =	sst s9;
	s0 =	simm.s32 @!p0 $0x0  }
0x12: {  	s1 =	sld [smem:$0x3F8F];
	s0 =	simm.s32 @p0 $0x1  }
0x13: {  	[smem:$0x3FAA] =	sst s0;
	s0 =	simm.s32 @!p1 $0x0  }
0x14: {  	s2 =	sld [smem:$0x3F8E];
	s0 =	simm.s32 @p1 $0x1  }
0x15: {  	[smem:$0x3FAB] =	sst s0;
	s0 =	simm.s32 @!p2 $0x0  }
0x16: {  	s3 =	sld [smem:$0x3FDB];
	s0 =	simm.s32 @p2 $0x1  }
0x17: {  	s4 =	simm.s32 $0x1BF5;
	[smem:$0x3FAD] =	sst s0  }
0x18: {  	s0 =	sld [smem:$0x3F90];
	_ =	swait.ge [sflag:s4], $0x0  }
0x19: {  	s7 =	sld [smem:$0x3F91]  }
0x1a: {  	s8 =	sadd.s32 $0xFFFFE003, lr  }
0x1b: {  	s9 =	sadd.s32 $0xFFFFFEF7, lr;
	s5 =	simm.s32 $0xFFFFFFFF;
	p2 =	slt.u32 s8, $0xFFFFF086  }
0x1c: {  	p1 =	slt.u32 s9, $0xF7A;
	s5 =	simm.s32 @!p2 $0x0  }
0x1d: {  	s5 =	simm.s32 @p1 $0x1;
	p0 =	seq.s32 s7, s2  }
0x1e: {  	s7 =	smul.u32 @!p0 $0xF7A, s2;
	p2 =	seq.s32 @!p0 s5, $0x0  }
0x1f: {  	s9 =	smul.u32 $0xF7A, s1;
	s8 =	simm.s32 @!p0 $0x1BF5;
	p2 =	por !p2, p0  }
0x20: {  	[sflag:s8] =	ssyncset.s32 @!p0 $0xFFFFF086;
	s6 =	sadd.s32 @!p0 s3, s7;
	s7 =	simm.s32 @!p0 $0x108  }
0x21: {  	s3 =	sadd.s32 s3, s9;
	s6 =	sadd.s32 @!p0 $0x88, s6;
	s7 =	simm.s32 @p2 $0x1082  }
0x22: {  	[simem:s7], [sflag:s8] =	dma.local @!p0 [hbm:s6], $0xF7A  }
0x23: {  	s9 =	sor.u32 $0xD0000000, s2;
	s6 =	simm.s32 $0x108;
	_ =	swait.ge @!p0 [sflag:s8], $0x0  }
0x24: {  	s3 =	sadd.s32 $0x88, s3;
	s6 =	simm.s32 @!p1 $0x1082;
	[sflag:s4] =	ssyncset.s32 $0xFFFFF086  }
0x25: {  	[simem:s6], [sflag:s4] =	dma.local [hbm:s3], $0xF7A  }
0x26: {  	[smem:$0x3F91] =	sst s1;
	(tag) =	ssettag s2;
	_ =	strace s9  }
0x27: {  	s1 =	sld [smem:$0x3FA1]  }
0x28: {  	s2 =	sld [smem:$0x3FA2]  }
0x29: {  	s4 =	sld [smem:$0x3FA4]  }
0x2a: {  	p0 =	seq.s32 s5, $0x0;
	s5 =	sld [smem:$0x3FA5]  }
0x2b: {  	s6 =	sld [smem:$0x3FA6]  }
0x2c: {  	s7 =	sld [smem:$0x3FA7]  }
0x2d: {  	s3 =	simm.s32 $0x108;
	s8 =	sld [smem:$0x3FA8]  }
0x2e: {  	s3 =	simm.s32 @!p0 $0x1082;
	s9 =	sld [smem:$0x3FA9]  }
0x2f: {  	lr =	sadd.s32 s0, s3;
	s0 =	sld [smem:$0x3FA0]  }
0x30: {  	s3 =	sld [smem:$0x3FA3]  }
0x31: {  	[smem:$0x3FAC] =	sst s10  }
0x32: {  	s10 =	sld [smem:$0x3FAA];
	_ =	sdelay $0x3  }
0x33: {  	p0 =	seq.s32 s10, $0x1;
	s10 =	sld [smem:$0x3FAC];
	_ =	sdelay $0x3  }
0x34: {  	[smem:$0x3FAC] =	sst s10  }
0x35: {  	s10 =	sld [smem:$0x3FAB];
	_ =	sdelay $0x3  }
0x36: {  	p1 =	seq.s32 s10, $0x1;
	s10 =	sld [smem:$0x3FAC];
	_ =	sdelay $0x3  }
0x37: {  	[smem:$0x3FAC] =	sst s10  }
0x38: {  	s10 =	sld [smem:$0x3FAD]  }
0x39: {  	_ = 	snop;
	(pc) =	sbr.ind lr, $3  }
0x3a: {  	_ = 	snop  }
0x3b: {  	_ = 	snop  }
0x3c: {  	p2 =	seq.s32 s10, $0x1;
	s10 =	sld [smem:$0x3FAC]  }
0x3d: {  	_ =	shalt  }
0x3e: {  	_ =	shalt  }
0x3f: {  	_ =	shalt  }
0x40: {  	_ =	shalt  }
0x41: {  	_ =	shalt  }
0x42: {  	_ =	shalt  }
0x43: {  	_ =	shalt  }
0x44: {  	_ =	shalt  }
0x45: {  	_ =	shalt  }
0x46: {  	_ =	shalt  }
0x47: {  	_ =	shalt  }
0x48: {  	_ =	shalt  }
0x49: {  	_ =	shalt  }
0x4a: {  	_ =	shalt  }
0x4b: {  	_ =	shalt  }
0x4c: {  	_ =	shalt  }
0x4d: {  	_ =	shalt  }
0x4e: {  	_ =	shalt  }
0x4f: {  	_ =	shalt  }
0x50: {  	_ =	shalt  }
0x51: {  	_ =	shalt  }
0x52: {  	_ =	shalt  }
0x53: {  	_ =	shalt  }
0x54: {  	_ =	shalt  }
0x55: {  	_ =	shalt  }
0x56: {  	_ =	shalt  }
0x57: {  	_ =	shalt  }
0x58: {  	_ =	shalt  }
0x59: {  	_ =	shalt  }
0x5a: {  	_ =	shalt  }
0x5b: {  	_ =	shalt  }
0x5c: {  	_ =	shalt  }
0x5d: {  	_ =	shalt  }
0x5e: {  	_ =	shalt  }
0x5f: {  	_ =	shalt  }
0x60: {  	_ =	shalt  }
0x61: {  	_ =	shalt  }
0x62: {  	_ =	shalt  }
0x63: {  	_ =	shalt  }
0x64: {  	_ =	shalt  }
0x65: {  	_ =	shalt  }
0x66: {  	_ =	shalt  }
0x67: {  	_ =	shalt  }
0x68: {  	_ =	shalt  }
0x69: {  	_ =	shalt  }
0x6a: {  	_ =	shalt  }
0x6b: {  	_ =	shalt  }
0x6c: {  	_ =	shalt  }
0x6d: {  	_ =	shalt  }
0x6e: {  	_ =	shalt  }
0x6f: {  	_ =	shalt  }
0x70: {  	_ =	shalt  }
0x71: {  	_ =	shalt  }
0x72: {  	_ =	shalt  }
0x73: {  	_ =	shalt  }
0x74: {  	_ =	shalt  }
0x75: {  	_ =	shalt  }
0x76: {  	_ =	shalt  }
0x77: {  	_ =	shalt  }
0x78: {  	_ =	shalt  }
0x79: {  	_ =	shalt  }
0x7a: {  	_ =	shalt  }
0x7b: {  	_ =	shalt  }
0x7c: {  	_ =	shalt  }
0x7d: {  	_ =	shalt  }
0x7e: {  	_ =	shalt  }
0x7f: {  	_ =	shalt  }
0x80: {  	_ =	shalt  }
0x81: {  	_ =	shalt  }
0x82: {  	_ =	shalt  }
0x83: {  	_ =	shalt  }
0x84: {  	_ =	shalt  }
0x85: {  	_ =	shalt  }
0x86: {  	_ =	shalt  }
0x87: {  	_ =	shalt  }
.Lfunc_end0:
.L_simem_size_0:
called_computation.9_lowered:
.L_overlay_start_0:
0x88: {  	s2 =	sld [smem:$0x3FD9]  }
0x89: {  	s3 =	sld [smem:$0x3FFE];
	_ =	sdelay $0x1  }
0x8a: {  	s1 =	srdreg.scid  }
0x8b: {  	s0 =	sand.u32 $0x1, s1  }
0x8c: {  	s16 =	sshll.u32 s0, $0xA;
	s2 =	sadd.s32 s3, s2  }
0x8d: {  	s2 =	sadd.s32 s2, s16  }
0x8e: {  	[smem:$0x3FB8] =	sst s2  }
0x8f: {  	_ = 	snop  }
0x90: {  	(tm) =	ssettm $0x1  }
0x91: {  	s17 =	sld [smem:$0x3FFB];
	_ =	sdelay $0x3  }
0x92: {  	_ =	strace s17  }
0x93: {  	s2 =	sld [smem:$0x3FFC];
	_ =	sdelay $0x3  }
0x94: {  	_ =	strace s2  }
0x95: {  	s2 =	sld [smem:$0x3FFD];
	_ =	sdelay $0x3  }
0x96: {  	_ =	strace s2  }
0x97: {  	_ =	strace $0x8FFFFFFF  }
0x98: {  	s18 =	sld [smem:$0x3FDB];
	_ =	sdelay $0x1  }
0x99: {  	s19 =	simm.s32 $_scs_section_size  }
0x9a: {  	s4 =	simm.s32 $_size__tile_overlayer_lowered;
	s5 =	simm.s32 $_tile_overlayer_lowered  }
0x9b: {  	s22 =	simm.s32 $0x1BFF;
	s21 =	sshll.u32 s5, $0x1;
	s2 =	sadd.s32 s19, s18  }
0x9c: {  	s6 =	simm.s32 $0x0;
	s20 =	sshll.u32 s4, $0x1;
	s4 =	sadd.s32 s21, s2  }
0x9d: {  	[timem:s6], [sflag:s22] =	dma.local [hbm:s4], s20  }
0x9e: {  	_ =	swait.ge [sflag:s22], s20  }
0x9f: {  	s3 =	ssub.s32 $0x0, s20;
	[sflag:s22] =	ssyncset.done $0x0  }
0xa0: {  	[sflag:s22] =	ssyncadd.s32 s3;
	_ =	sdelay $0x1  }
0xa1: {  	s23 =	simm.s32 $0x1B8B  }
0xa2: {  	_ =	swait.ge [sflag:s23], $0x1  }
0xa3: {  	[sflag:s23] =	ssyncset.done $0x0  }
0xa4: {  	s25 =	simm.s32 $0x1B8E;
	s24 =	sld [smem:$0x3FFE];
	[sflag:s23] =	ssyncadd.s32 $0xFFFFFFFF  }
0xa5: {  	s26 =	simm.s32 $execute0_lowered;
	[smem:$0x3FD2] =	sst s25  }
0xa6: {  	s4 =	sshll.u32 s26, $0x1;
	_ =	strace $0x80000061;
	[dreg:$0x1] =	wrdreg $0xFFFFFFFF  }
0xa7: {  	s28 =	simm.s32 $_size_execute0_lowered;
	s2 =	sadd.s32 s2, s4;
	[dreg:$0x0] =	wrdreg $0x0  }
0xa8: {  	s4 =	sshll.u32 s28, $0x1;
	[dreg:$0x2] =	wrdreg s2  }
0xa9: {  	[dreg:$0x3] =	wrdreg s4  }
0xaa: {  	[dreg:$0x4] =	wrdreg $0xC0  }
0xab: {  	_ =	task [dreg:s6], $0x5FFFF  }
0xac: {  	[dreg:$0x1] =	wrdreg $0xFFFFFFFF  }
0xad: {  	[dreg:$0x0] =	wrdreg $0x60  }
0xae: {  	[dreg:$0x2] =	wrdreg s24  }
0xaf: {  	[dreg:$0x3] =	wrdreg $0xAF000  }
0xb0: {  	[dreg:$0x4] =	wrdreg $0x9  }
0xb1: {  	_ =	task.clear_ibuf [dreg:s6], $0x5FFFF;
	_ =	strace $0x90000061  }
0xb2: {  	s29 =	simm.s32 $0x9;
	_ =	strace $0x80000063  }
0xb3: {  	_ =	swait.ge [sflag:s29], $0x1  }
0xb4: {  	[sflag:s29] =	ssyncadd.s32 $0xFFFFFFFF  }
0xb5: {  	_ =	strace $0x90000063  }
0xb6: {  	_ =	sfence  }
0xb7: {  	s30 =	sld [smem:$0x0];
	_ =	sdelay $0x2  }
0xb8: {  	s31 =	sshll.u32 s1, $0xD;
	s1 =	sshrl.u32 s1, $0x2  }
0xb9: {  	s3 =	sand.u32 $0x4000, s31;
	s1 =	sadd.s32 s1, s30  }
0xba: {  	s0 =	sor.u32 s3, s0;
	s1 =	sshll.u32 s1, $0x11  }
0xbb: {  	s0 =	sor.u32 s1, s0  }
0xbc: {  	s0 =	sadd.s32 $0x8F2B, s0  }
0xbd: {  	[sflag:s0] =	ssyncadd.remote.s32 $0x1  }
0xbe: {  	_ =	sfence.sel $0xFFFF  }
0xbf: {  	[dreg:$0x0] =	wrdreg $0xFFFFFFFF;
	(pc) =	sbr.abs _section_cstart, $3  }
0xc0: {  	[dreg:$0x1] =	wrdreg $0xFFFFFFFF  }
0xc1: {  	_ =	task.clear_ibuf [dreg:s6], $0x2FFFF;
	_ =	strace $0x9FFFFFFF  }
0xc2: {  	(tm) =	ssettm $0x7FFFFFFF  }
0xc3: {  	_ =	shalt  }
tec
execute0_lowered:
.L_overlay_start_1:
0x0: {  	(tag) =	ssettag $0x1  }
0x1: {  	s6 =	rddreg [dreg:$0x0];
	s1 =	srdreg.scid  }
0x2: {  	s0 =	stileid.u32;
	s2 =	rddreg [dreg:$0x1];
	s3 =	simm.s32 $0x0  }
0x3: {  	s13 =	simm.s32 $0x2800;
	s14 =	simm.s32 $0x80;
	s15 =	simm.s32 $0x5000  }
0x4: {  	s16 =	simm.s32 $0x1;
	s5 =	sand.u32 $0x1, s1;
	s1 =	rddreg [dreg:$0x2]  }
0x5: {  	s17 =	simm.s32 $0x6000;
	s4 =	sshll.u32 s0, $0x1;
	[smem:$0x7FF] =	sst s3  }
0x6: {  	s10 =	smul.u32 $0x4F00, s0;
	s31 =	sshll.u32 s0, $0x6;
	s4 =	sor.u32 s5, s4  }
0x7: {  	_ =	strace $0x80000062;
	s8 =	smul.u32 $0x9E00, s5;
	s29 =	ssub.s32 $0x2, s5  }
0x8: {  	s5 =	sadd.s32 $0x10C00, s6;
	s7 =	smul.u32 $0x500, s4;
	s4 =	sadd.s32 $0x60600, s6  }
0x9: {  	s30 =	sshrl.u32 s29, $0x1;
	s19 =	sshrl.u32 s10, $0x3;
	s11 =	sadd.s32 s8, s6  }
0xa: {  	s12 =	ssub.s32 s29, s30;
	s9 =	sadd.s32 s7, s6;
	s6 =	sadd.s32 s10, s2  }
0xb: {  	s18 =	sadd.s32 $0x6A400, s11;
	s10 =	sor.u32 $0x1C02, s31;
	s7 =	sadd.s32 $0x6C00, s9  }
0xc: {  	s8 =	sadd.s32 $0xB8800, s9;
	s9 =	smax.u32 s12, $0x1;
	s11 =	sshrl.u32 s6, $0x3  }
0xd: {  	s12 =	simm.s32 $0x2;
	s18 =	sadd.s32 s19, s18;
	s19 =	simm.s32 $0x0  }
.LBB2_1:
0xe: {  	[bflag:$0x0] =	sbarrier.arrive $0xFFFF  }
0xf: {  	_ =	sdelay $0x7ff  }
0x10: {  	_ =	sdelay $0x7ff  }
0x11: {  	_ =	sdelay $0x7ff  }
0x12: {  	_ =	sdelay $0x7ff  }
0x13: {  	_ =	sdelay $0x7ff  }
0x14: {  	_ =	sdelay $0x7ff  }
0x15: {  	_ =	sdelay $0x7ff  }
0x16: {  	_ =	sdelay $0x7ff  }
0x17: {  	_ =	sdelay $0x7ff  }
0x18: {  	_ =	sdelay $0x7ff  }
0x19: {  	_ =	sdelay $0x7ff  }
0x1a: {  	_ =	sdelay $0x7ff  }
0x1b: {  	_ =	sdelay $0x7ff  }
0x1c: {  	_ =	sdelay $0x7ff  }
0x1d: {  	_ =	sdelay $0x7ff  }
0x1e: {  	_ =	sdelay $0xe  }
0x1f: {  	[bflag:$0x0] =	sbarrier.arrive $0xFFFF  }
0x20: {  	[spmem:s11], [sflag:s10] =	dma.local [hbm:s5], $0x9E0  }
0x21: {  	_ =	swait.ge [sflag:s12], $0x9E0  }
0x22: {  	[sflag:s12] =	ssyncset.done $0x0  }
0x23: {  	[sflag:s12] =	ssyncadd.s32 $0xFFFFF620  }
0x24: {  	[tilespmem:s3], [sflag:$0x2] =	stream.linear.gather [hbm4b:s7+s3], $0x2800, $0x38;
	[tilespmem:$0xFE00] =	vst v63  }
0x25: {  	_ =	swait.ge [sflag:s12], $0x2800  }
0x26: {  	[sflag:s12] =	ssyncset.done $0x0  }
0x27: {  	[sflag:s12] =	ssyncadd.s32 $0xFFFFD800  }
0x28: {  	[tilespmem:s13], [sflag:$0x2] =	stream.linear.gather [hbm4b:s8+s3], $0x2800, $0x38;
	[tilespmem:$0xFE00] =	vst v63  }
0x29: {  	_ =	swait.ge [sflag:s12], $0x2800  }
0x2a: {  	[sflag:s12] =	ssyncset.done $0x0  }
0x2b: {  	[sflag:s12] =	ssyncadd.s32 $0xFFFFD800  }
0x2c: {  	[bflag:$0x0] =	sbarrier.arrive $0xFFFF  }
0x2d: {  	_ =	sdelay $0x7ff  }
0x2e: {  	_ =	sdelay $0x7ff  }
0x2f: {  	_ =	sdelay $0x601  }
0x30: {  	s20 =	simm.s32 $0x0;
	[bflag:$0x0] =	sbarrier.arrive $0xFFFF  }
0x31: {  	[tilespmem:s15], [sflag:$0x1] =	stream.indirect.gather [hbm4b:s4+s14], $0x20, s20, s14, $0xb8;
	[tilespmem:$0xFE00] =	vst v63  }
0x32: {  	_ =	swait.ge [sflag:s16], $0x1000  }
0x33: {  	[sflag:s16] =	ssyncset.done $0x0  }
0x34: {  	s31 =	simm.s32 $0x2800;
	[sflag:s16] =	ssyncadd.s32 $0xFFFFF000  }
0x35: {  	[spmem:s2] =	stream.indirect.scatter.add.f32 [tilespmem:s15], [sflag:$0x2], $0x20, s31, s14, $0xb8;
	[tilespmem:$0xFE00] =	vst v63  }
0x36: {  	_ =	swait.ge [sflag:s12], $0x1000  }
0x37: {  	s21 =	simm.s32 $0x400;
	s20 =	simm.s32 $0x200;
	[sflag:s12] =	ssyncset.done $0x0  }
.LBB2_2:
0x38: {  	s22 =	sshra.s32 s20, $0x2  }
0x39: {  	[sflag:s12] =	ssyncadd.s32 $0xFFFFF000;
	s20 =	smov.u32 s21;
	s23 =	sadd.s32 $0x200, s21  }
0x3a: {  	[tilespmem:s15], [sflag:$0x1] =	stream.indirect.gather [hbm4b:s4+s14], $0x20, s22, s14, $0xb8;
	[tilespmem:$0xFE00] =	vst v63  }
0x3b: {  	p0 =	sne.s32 s21, $0x9E00;
	_ =	swait.ge [sflag:s16], $0x1000  }
.Ltmp0:
0x3c: {  	[sflag:s16] =	ssyncset.done $0x0;
	(pc) =	sbr.rel @p0 .LBB2_2-.Ltmp0, $4  }
0x3d: {  	s21 =	sadd.s32 $0x2800, s22;
	[sflag:s16] =	ssyncadd.s32 $0xFFFFF000  }
0x3e: {  	[spmem:s2] =	stream.indirect.scatter.add.f32 [tilespmem:s15], [sflag:$0x2], $0x20, s21, s14, $0xb8;
	[tilespmem:$0xFE00] =	vst v63  }
0x3f: {  	_ =	swait.ge [sflag:s12], $0x1000  }
0x40: {  	s21 =	smov.u32 s23;
	[sflag:s12] =	ssyncset.done $0x0  }
0x41: {  	s20 =	sshra.s32 s20, $0x2;
	[sflag:s12] =	ssyncadd.s32 $0xFFFFF000  }
0x42: {  	[tilespmem:s15], [sflag:$0x1] =	stream.indirect.gather [hbm4b:s4+s14], $0x20, s20, s14, $0xb8;
	[tilespmem:$0xFE00] =	vst v63  }
0x43: {  	_ =	swait.ge [sflag:s16], $0x1000  }
0x44: {  	[sflag:s16] =	ssyncset.done $0x0  }
0x45: {  	s20 =	sadd.s32 $0x2800, s20;
	[sflag:s16] =	ssyncadd.s32 $0xFFFFF000  }
0x46: {  	[spmem:s2] =	stream.indirect.scatter.add.f32 [tilespmem:s15], [sflag:$0x2], $0x20, s20, s14, $0xb8;
	[tilespmem:$0xFE00] =	vst v63  }
0x47: {  	_ =	swait.ge [sflag:s12], $0x1000  }
0x48: {  	[sflag:s12] =	ssyncset.done $0x0  }
0x49: {  	[sflag:s12] =	ssyncadd.s32 $0xFFFFF000  }
0x4a: {  	[bflag:$0x0] =	sbarrier.arrive $0xFFFF  }
0x4b: {  	_ =	sdelay $0x7ff  }
0x4c: {  	_ =	sdelay $0x7ff  }
0x4d: {  	_ =	sdelay $0x601  }
0x4e: {  	[bflag:$0x0] =	sbarrier.arrive $0xFFFF  }
0x4f: {  	[tilespmem:s17], [sflag:$0x2] =	stream.linear.gather [spmem:s6], $0x4F00, $0x38;
	[tilespmem:$0xFE00] =	vst v63  }
0x50: {  	_ =	swait.ge [sflag:s12], $0x4F00  }
0x51: {  	[sflag:s12] =	ssyncset.done $0x0  }
0x52: {  	[sflag:s12] =	ssyncadd.s32 $0xFFFFB100  }
0x53: {  	[hbm4b:s18+s3] =	stream.linear.scatter [tilespmem:s17], [sflag:$0x2], $0x4F00, $0x38;
	[tilespmem:$0xFE00] =	vst v63  }
0x54: {  	_ =	swait.ge [sflag:s12], $0x4F00  }
0x55: {  	[sflag:s12] =	ssyncset.done $0x0  }
0x56: {  	[sflag:s12] =	ssyncadd.s32 $0xFFFFB100  }
0x57: {  	[tilespmem:s17], [sflag:$0x2] =	stream.linear.gather [hbm4b:s18+s3], $0x4F00, $0x38;
	[tilespmem:$0xFE00] =	vst v63  }
0x58: {  	_ =	swait.ge [sflag:s12], $0x4F00  }
0x59: {  	[sflag:s12] =	ssyncset.done $0x0  }
0x5a: {  	[sflag:s12] =	ssyncadd.s32 $0xFFFFB100  }
0x5b: {  	[bflag:$0x0] =	sbarrier.arrive $0xFFFF  }
0x5c: {  	_ =	sdelay $0x7ff  }
0x5d: {  	_ =	sdelay $0x7ff  }
0x5e: {  	_ =	sdelay $0x7ff  }
0x5f: {  	_ =	sdelay $0x7ff  }
0x60: {  	_ =	sdelay $0x7ff  }
0x61: {  	_ =	sdelay $0x7ff  }
0x62: {  	_ =	sdelay $0x7ff  }
0x63: {  	_ =	sdelay $0x7ff  }
0x64: {  	_ =	sdelay $0x7ff  }
0x65: {  	_ =	sdelay $0x7ff  }
0x66: {  	_ =	sdelay $0x7ff  }
0x67: {  	s19 =	sadd.s32 $0x1, s19;
	_ =	sdelay $0x7ff  }
0x68: {  	p0 =	sne.s32 s19, s9;
	_ =	sdelay $0x7ff  }
.Ltmp1:
0x69: {  	_ =	sdelay $0x7ff;
	(pc) =	sbr.rel @p0 .LBB2_1-.Ltmp1, $3  }
0x6a: {  	_ =	sdelay $0x7ff  }
0x6b: {  	_ =	sdelay $0xe  }
0x6c: {  	[bflag:$0x0] =	sbarrier.arrive $0xFFFF;
	_ =	sdelay $0x1  }
0x6d: {  	_ =	sfence.sel $0x180000  }
0x6e: {  	[bflag:$0x0] =	sbarrier.arrive $0xFFFF  }
0x6f: {  	p0 =	sne.s32 s0, $0x0;
	_ =	strace $0x90000062  }
0x70: {  	s0 =	sadd.s32 @!p0 $0x100000, s1;
	[bflag:$0x2] =	sbarrier.arrive $0xFFFF  }
0x71: {  	[sflag:s0] =	ssyncadd.tile.s32 @!p0 $0x1;
	_ =	shalt  }
.Lfunc_end2:
_tile_overlayer_lowered:
.L_overlay_start_2:
0x72: {  	(tag) =	ssettag $0x2  }
0x73: {  	s0 =	rddreg [dreg:$0x0];
	s2 =	stileid.u32  }
0x74: {  	s1 =	rddreg [dreg:$0x1];
	p0 =	sne.s32 s2, $0x0  }
0x75: {  	s3 =	rddreg [dreg:$0x2];
	[bflag:$0x3] =	sbarrier.arrive $0xFFFF;
	s2 =	simm.s32 @!p0 $0x1C02  }
0x76: {  	[timem:s3], [sflag:s2] =	dma.local @!p0 [hbm:s0], s1  }
0x77: {  	s0 =	simm.s32 @!p0 $0x2  }
0x78: {  	_ =	swait.ge @!p0 [sflag:s0], s1  }
0x79: {  	s1 =	ssub.s32 @!p0 $0x0, s1;
	[sflag:s0] =	ssyncset.done @!p0 $0x0  }
0x7a: {  	[sflag:s0] =	ssyncadd.s32 @!p0 s1  }
0x7b: {  	[bflag:$0x3] =	sbarrier.arrive $0xFFFF  }
0x7c: {  	_ =	shalt  }

// kernel: kernel.42.cloned.1.call-start
scs
__scs_entry_jumppad:
0x0: {  	(pc) =	sbr.rel $0x88, $3  }
0x1: {  	(tag) =	ssettag $0x0;
	lr =	simm.s32 $0x1  }
0x2: {  	[smem:$0x3F91] =	sst lr;
	_ =	strace $0xD0000000  }
0x3: {  	_ = 	snop  }
0x4: {  	_ = 	snop  }
0x5: {  	_ = 	snop  }
0x6: {  	_ = 	snop  }
0x7: {  	_ = 	snop  }
__scs_overlays_trampoline_lowered:
0x8: {  	[smem:$0x3FA0] =	sst s0  }
0x9: {  	[smem:$0x3FA1] =	sst s1  }
0xa: {  	[smem:$0x3FA2] =	sst s2  }
0xb: {  	[smem:$0x3FA3] =	sst s3  }
0xc: {  	[smem:$0x3FA4] =	sst s4  }
0xd: {  	[smem:$0x3FA5] =	sst s5  }
0xe: {  	[smem:$0x3FA6] =	sst s6  }
0xf: {  	[smem:$0x3FA7] =	sst s7  }
0x10: {  	[smem:$0x3FA8] =	sst s8  }
0x11: {  	[smem:$0x3FA9] =	sst s9;
	s0 =	simm.s32 @!p0 $0x0  }
0x12: {  	s1 =	sld [smem:$0x3F8F];
	s0 =	simm.s32 @p0 $0x1  }
0x13: {  	[smem:$0x3FAA] =	sst s0;
	s0 =	simm.s32 @!p1 $0x0  }
0x14: {  	s2 =	sld [smem:$0x3F8E];
	s0 =	simm.s32 @p1 $0x1  }
0x15: {  	[smem:$0x3FAB] =	sst s0;
	s0 =	simm.s32 @!p2 $0x0  }
0x16: {  	s3 =	sld [smem:$0x3FDB];
	s0 =	simm.s32 @p2 $0x1  }
0x17: {  	s4 =	simm.s32 $0x1BF5;
	[smem:$0x3FAD] =	sst s0  }
0x18: {  	s0 =	sld [smem:$0x3F90];
	_ =	swait.ge [sflag:s4], $0x0  }
0x19: {  	s7 =	sld [smem:$0x3F91]  }
0x1a: {  	s8 =	sadd.s32 $0xFFFFE003, lr  }
0x1b: {  	s9 =	sadd.s32 $0xFFFFFEF7, lr;
	s5 =	simm.s32 $0xFFFFFFFF;
	p2 =	slt.u32 s8, $0xFFFFF086  }
0x1c: {  	p1 =	slt.u32 s9, $0xF7A;
	s5 =	simm.s32 @!p2 $0x0  }
0x1d: {  	s5 =	simm.s32 @p1 $0x1;
	p0 =	seq.s32 s7, s2  }
0x1e: {  	s7 =	smul.u32 @!p0 $0xF7A, s2;
	p2 =	seq.s32 @!p0 s5, $0x0  }
0x1f: {  	s9 =	smul.u32 $0xF7A, s1;
	s8 =	simm.s32 @!p0 $0x1BF5;
	p2 =	por !p2, p0  }
0x20: {  	[sflag:s8] =	ssyncset.s32 @!p0 $0xFFFFF086;
	s6 =	sadd.s32 @!p0 s3, s7;
	s7 =	simm.s32 @!p0 $0x108  }
0x21: {  	s3 =	sadd.s32 s3, s9;
	s6 =	sadd.s32 @!p0 $0x88, s6;
	s7 =	simm.s32 @p2 $0x1082  }
0x22: {  	[simem:s7], [sflag:s8] =	dma.local @!p0 [hbm:s6], $0xF7A  }
0x23: {  	s9 =	sor.u32 $0xD0000000, s2;
	s6 =	simm.s32 $0x108;
	_ =	swait.ge @!p0 [sflag:s8], $0x0  }
0x24: {  	s3 =	sadd.s32 $0x88, s3;
	s6 =	simm.s32 @!p1 $0x1082;
	[sflag:s4] =	ssyncset.s32 $0xFFFFF086  }
0x25: {  	[simem:s6], [sflag:s4] =	dma.local [hbm:s3], $0xF7A  }
0x26: {  	[smem:$0x3F91] =	sst s1;
	(tag) =	ssettag s2;
	_ =	strace s9  }
0x27: {  	s1 =	sld [smem:$0x3FA1]  }
0x28: {  	s2 =	sld [smem:$0x3FA2]  }
0x29: {  	s4 =	sld [smem:$0x3FA4]  }
0x2a: {  	p0 =	seq.s32 s5, $0x0;
	s5 =	sld [smem:$0x3FA5]  }
0x2b: {  	s6 =	sld [smem:$0x3FA6]  }
0x2c: {  	s7 =	sld [smem:$0x3FA7]  }
0x2d: {  	s3 =	simm.s32 $0x108;
	s8 =	sld [smem:$0x3FA8]  }
0x2e: {  	s3 =	simm.s32 @!p0 $0x1082;
	s9 =	sld [smem:$0x3FA9]  }
0x2f: {  	lr =	sadd.s32 s0, s3;
	s0 =	sld [smem:$0x3FA0]  }
0x30: {  	s3 =	sld [smem:$0x3FA3]  }
0x31: {  	[smem:$0x3FAC] =	sst s10  }
0x32: {  	s10 =	sld [smem:$0x3FAA];
	_ =	sdelay $0x3  }
0x33: {  	p0 =	seq.s32 s10, $0x1;
	s10 =	sld [smem:$0x3FAC];
	_ =	sdelay $0x3  }
0x34: {  	[smem:$0x3FAC] =	sst s10  }
0x35: {  	s10 =	sld [smem:$0x3FAB];
	_ =	sdelay $0x3  }
0x36: {  	p1 =	seq.s32 s10, $0x1;
	s10 =	sld [smem:$0x3FAC];
	_ =	sdelay $0x3  }
0x37: {  	[smem:$0x3FAC] =	sst s10  }
0x38: {  	s10 =	sld [smem:$0x3FAD]  }
0x39: {  	_ = 	snop;
	(pc) =	sbr.ind lr, $3  }
0x3a: {  	_ = 	snop  }
0x3b: {  	_ = 	snop  }
0x3c: {  	p2 =	seq.s32 s10, $0x1;
	s10 =	sld [smem:$0x3FAC]  }
0x3d: {  	_ =	shalt  }
0x3e: {  	_ =	shalt  }
0x3f: {  	_ =	shalt  }
0x40: {  	_ =	shalt  }
0x41: {  	_ =	shalt  }
0x42: {  	_ =	shalt  }
0x43: {  	_ =	shalt  }
0x44: {  	_ =	shalt  }
0x45: {  	_ =	shalt  }
0x46: {  	_ =	shalt  }
0x47: {  	_ =	shalt  }
0x48: {  	_ =	shalt  }
0x49: {  	_ =	shalt  }
0x4a: {  	_ =	shalt  }
0x4b: {  	_ =	shalt  }
0x4c: {  	_ =	shalt  }
0x4d: {  	_ =	shalt  }
0x4e: {  	_ =	shalt  }
0x4f: {  	_ =	shalt  }
0x50: {  	_ =	shalt  }
0x51: {  	_ =	shalt  }
0x52: {  	_ =	shalt  }
0x53: {  	_ =	shalt  }
0x54: {  	_ =	shalt  }
0x55: {  	_ =	shalt  }
0x56: {  	_ =	shalt  }
0x57: {  	_ =	shalt  }
0x58: {  	_ =	shalt  }
0x59: {  	_ =	shalt  }
0x5a: {  	_ =	shalt  }
0x5b: {  	_ =	shalt  }
0x5c: {  	_ =	shalt  }
0x5d: {  	_ =	shalt  }
0x5e: {  	_ =	shalt  }
0x5f: {  	_ =	shalt  }
0x60: {  	_ =	shalt  }
0x61: {  	_ =	shalt  }
0x62: {  	_ =	shalt  }
0x63: {  	_ =	shalt  }
0x64: {  	_ =	shalt  }
0x65: {  	_ =	shalt  }
0x66: {  	_ =	shalt  }
0x67: {  	_ =	shalt  }
0x68: {  	_ =	shalt  }
0x69: {  	_ =	shalt  }
0x6a: {  	_ =	shalt  }
0x6b: {  	_ =	shalt  }
0x6c: {  	_ =	shalt  }
0x6d: {  	_ =	shalt  }
0x6e: {  	_ =	shalt  }
0x6f: {  	_ =	shalt  }
0x70: {  	_ =	shalt  }
0x71: {  	_ =	shalt  }
0x72: {  	_ =	shalt  }
0x73: {  	_ =	shalt  }
0x74: {  	_ =	shalt  }
0x75: {  	_ =	shalt  }
0x76: {  	_ =	shalt  }
0x77: {  	_ =	shalt  }
0x78: {  	_ =	shalt  }
0x79: {  	_ =	shalt  }
0x7a: {  	_ =	shalt  }
0x7b: {  	_ =	shalt  }
0x7c: {  	_ =	shalt  }
0x7d: {  	_ =	shalt  }
0x7e: {  	_ =	shalt  }
0x7f: {  	_ =	shalt  }
0x80: {  	_ =	shalt  }
0x81: {  	_ =	shalt  }
0x82: {  	_ =	shalt  }
0x83: {  	_ =	shalt  }
0x84: {  	_ =	shalt  }
0x85: {  	_ =	shalt  }
0x86: {  	_ =	shalt  }
0x87: {  	_ =	shalt  }
.Lfunc_end0:
.L_simem_size_0:
called_computation.10_lowered:
.L_overlay_start_0:
0x88: {  	s2 =	sld [smem:$0x3FD9]  }
0x89: {  	s3 =	sld [smem:$0x3FFE];
	_ =	sdelay $0x1  }
0x8a: {  	s1 =	srdreg.scid  }
0x8b: {  	s0 =	sand.u32 $0x1, s1  }
0x8c: {  	s16 =	sshll.u32 s0, $0xA;
	s2 =	sadd.s32 s3, s2  }
0x8d: {  	s2 =	sadd.s32 s2, s16  }
0x8e: {  	[smem:$0x3FB8] =	sst s2  }
0x8f: {  	_ = 	snop  }
0x90: {  	(tm) =	ssettm $0x1  }
0x91: {  	s17 =	sld [smem:$0x3FFB];
	_ =	sdelay $0x3  }
0x92: {  	_ =	strace s17  }
0x93: {  	s2 =	sld [smem:$0x3FFC];
	_ =	sdelay $0x3  }
0x94: {  	_ =	strace s2  }
0x95: {  	s2 =	sld [smem:$0x3FFD];
	_ =	sdelay $0x3  }
0x96: {  	_ =	strace s2  }
0x97: {  	_ =	strace $0x8FFFFFFF  }
0x98: {  	s18 =	sld [smem:$0x3FDB];
	_ =	sdelay $0x1  }
0x99: {  	s19 =	simm.s32 $_scs_section_size  }
0x9a: {  	s4 =	simm.s32 $_size__tile_overlayer_lowered;
	s5 =	simm.s32 $_tile_overlayer_lowered  }
0x9b: {  	s22 =	simm.s32 $0x1BFF;
	s21 =	sshll.u32 s5, $0x1;
	s2 =	sadd.s32 s19, s18  }
0x9c: {  	s6 =	simm.s32 $0x0;
	s20 =	sshll.u32 s4, $0x1;
	s4 =	sadd.s32 s21, s2  }
0x9d: {  	[timem:s6], [sflag:s22] =	dma.local [hbm:s4], s20  }
0x9e: {  	_ =	swait.ge [sflag:s22], s20  }
0x9f: {  	s3 =	ssub.s32 $0x0, s20;
	[sflag:s22] =	ssyncset.done $0x0  }
0xa0: {  	[sflag:s22] =	ssyncadd.s32 s3;
	_ =	sdelay $0x1  }
0xa1: {  	s23 =	simm.s32 $0x1B8B  }
0xa2: {  	_ =	swait.ge [sflag:s23], $0x1  }
0xa3: {  	[sflag:s23] =	ssyncset.done $0x0  }
0xa4: {  	s25 =	simm.s32 $0x1B8E;
	s24 =	sld [smem:$0x3FFE];
	[sflag:s23] =	ssyncadd.s32 $0xFFFFFFFF  }
0xa5: {  	s26 =	simm.s32 $execute0_lowered;
	[smem:$0x3FD2] =	sst s25  }
0xa6: {  	s4 =	sshll.u32 s26, $0x1;
	_ =	strace $0x80000064;
	[dreg:$0x1] =	wrdreg $0xFFFFFFFF  }
0xa7: {  	s28 =	simm.s32 $_size_execute0_lowered;
	s2 =	sadd.s32 s2, s4;
	[dreg:$0x0] =	wrdreg $0x0  }
0xa8: {  	s4 =	sshll.u32 s28, $0x1;
	[dreg:$0x2] =	wrdreg s2  }
0xa9: {  	[dreg:$0x3] =	wrdreg s4  }
0xaa: {  	[dreg:$0x4] =	wrdreg $0xC0  }
0xab: {  	_ =	task [dreg:s6], $0x5FFFF  }
0xac: {  	[dreg:$0x1] =	wrdreg $0xFFFFFFFF  }
0xad: {  	[dreg:$0x0] =	wrdreg $0x60  }
0xae: {  	[dreg:$0x2] =	wrdreg s24  }
0xaf: {  	[dreg:$0x3] =	wrdreg $0x9  }
0xb0: {  	_ =	task.clear_ibuf [dreg:s6], $0x4FFFF;
	_ =	strace $0x90000064  }
0xb1: {  	s29 =	simm.s32 $0x9;
	_ =	strace $0x80000066  }
0xb2: {  	_ =	swait.ge [sflag:s29], $0x1  }
0xb3: {  	[sflag:s29] =	ssyncadd.s32 $0xFFFFFFFF  }
0xb4: {  	_ =	strace $0x90000066  }
0xb5: {  	_ =	sfence  }
0xb6: {  	s30 =	sld [smem:$0x0];
	_ =	sdelay $0x2  }
0xb7: {  	s31 =	sshll.u32 s1, $0xD;
	s1 =	sshrl.u32 s1, $0x2  }
0xb8: {  	s3 =	sand.u32 $0x4000, s31;
	s1 =	sadd.s32 s1, s30  }
0xb9: {  	s0 =	sor.u32 s3, s0;
	s1 =	sshll.u32 s1, $0x11  }
0xba: {  	s0 =	sor.u32 s1, s0  }
0xbb: {  	s0 =	sadd.s32 $0x8F2B, s0  }
0xbc: {  	[sflag:s0] =	ssyncadd.remote.s32 $0x1  }
0xbd: {  	_ =	sfence.sel $0xFFFF  }
0xbe: {  	[dreg:$0x0] =	wrdreg $0xFFFFFFFF;
	(pc) =	sbr.abs _section_cstart, $3  }
0xbf: {  	[dreg:$0x1] =	wrdreg $0xFFFFFFFF  }
0xc0: {  	_ =	task.clear_ibuf [dreg:s6], $0x2FFFF;
	_ =	strace $0x9FFFFFFF  }
0xc1: {  	(tm) =	ssettm $0x7FFFFFFF  }
tec
execute0_lowered:
.L_overlay_start_1:
0x0: {  	(tag) =	ssettag $0x1  }
0x1: {  	s8 =	rddreg [dreg:$0x0];
	s1 =	simm.s32 $0x0  }
0x2: {  	[smem:$0x7FF] =	sst s1  }
0x3: {  	s0 =	rddreg [dreg:$0x1];
	_ =	strace $0x80000065  }
0x4: {  	[bflag:$0x0] =	sbarrier.arrive $0xFFFF  }
0x5: {  	_ =	sdelay $0x7ff  }
0x6: {  	_ =	sdelay $0x7ff  }
0x7: {  	_ =	sdelay $0x7ff  }
0x8: {  	s3 =	srdreg.scid;
	_ =	sdelay $0x7ff  }
0x9: {  	s2 =	stileid.u32;
	s9 =	sand.u32 $0x1, s3;
	_ =	sdelay $0x7ff  }
0xa: {  	s30 =	sshll.u32 s2, $0x7;
	s4 =	sshll.u32 s9, $0x6;
	_ =	sdelay $0x7ff  }
0xb: {  	s6 =	sor.u32 s4, s30;
	_ =	sdelay $0x7ff  }
0xc: {  	s3 =	sshrl.u32 s6, $0x3;
	_ =	sdelay $0x7ff  }
0xd: {  	s3 =	sadd.s32 s3, s8;
	_ =	sdelay $0x7  }
0xe: {  	s4 =	simm.s32 $0x2;
	s3 =	sadd.s32 $0x26E00, s3;
	[bflag:$0x0] =	sbarrier.arrive $0xFFFF  }
0xf: {  	[tilespmem:s1], [sflag:$0x2] =	stream.linear.gather [hbm4b:s3+s1], $0x40, $0x38;
	[tilespmem:$0x1A40] =	vst v63  }
0x10: {  	_ =	swait.ge [sflag:s4], $0x40  }
0x11: {  	s7 =	simm.s32 $0x1;
	s5 =	sadd.s32 $0x6C00, s8;
	[sflag:s4] =	ssyncset.done $0x0  }
0x12: {  	s10 =	smul.u32 $0xD, s6;
	s6 =	simm.s32 $0x40;
	[sflag:s4] =	ssyncadd.s32 $0xFFFFFFC0  }
0x13: {  	[tilespmem:s6], [sflag:$0x1] =	stream.indirect.gather [hbm4b:s5+s6], $0x68, s1, s6, $0xb8;
	[tilespmem:$0x1A40] =	vst v63  }
0x14: {  	_ =	swait.ge [sflag:s7], $0x1A00  }
0x15: {  	s8 =	sadd.s32 s10, s8;
	[sflag:s7] =	ssyncset.done $0x0  }
0x16: {  	s8 =	sadd.s32 $0x27000, s8;
	[sflag:s7] =	ssyncadd.s32 $0xFFFFE600  }
0x17: {  	[hbm4b:s8+s1] =	stream.linear.scatter [tilespmem:s6], [sflag:$0x2], $0x1A00, $0x38;
	[tilespmem:$0x1A40] =	vst v63  }
0x18: {  	_ =	swait.ge [sflag:s4], $0x1A00  }
0x19: {  	[sflag:s4] =	ssyncset.done $0x0  }
0x1a: {  	[sflag:s4] =	ssyncadd.s32 $0xFFFFE600  }
0x1b: {  	[tilespmem:s6], [sflag:$0x2] =	stream.linear.gather [hbm4b:s8+s1], $0x1A00, $0x38;
	[tilespmem:$0x1A40] =	vst v63  }
0x1c: {  	_ =	swait.ge [sflag:s4], $0x1A00  }
0x1d: {  	[sflag:s4] =	ssyncset.done $0x0  }
0x1e: {  	[sflag:s4] =	ssyncadd.s32 $0xFFFFE600  }
0x1f: {  	[bflag:$0x0] =	sbarrier.arrive $0xFFFF  }
0x20: {  	_ =	sdelay $0x7ff  }
0x21: {  	_ =	sdelay $0x7ff  }
0x22: {  	_ =	sdelay $0x7ff  }
0x23: {  	_ =	sdelay $0x7ff  }
0x24: {  	_ =	sdelay $0x7ff  }
0x25: {  	_ =	sdelay $0x7ff  }
0x26: {  	s9 =	ssub.s32 $0x2, s9;
	_ =	sdelay $0x7ff  }
0x27: {  	s31 =	sshrl.u32 s9, $0x1;
	_ =	sdelay $0x7ff  }
0x28: {  	s9 =	ssub.s32 s9, s31;
	_ =	sdelay $0x7ff  }
0x29: {  	s9 =	smax.u32 s9, $0x1;
	_ =	sdelay $0x7ff  }
0x2a: {  	p0 =	sne.s32 s9, $0x1;
	_ =	sdelay $0x7ff  }
.Ltmp0:
0x2b: {  	_ =	sdelay $0x7ff;
	(pc) =	sbr.rel @!p0 .LBB2_2-.Ltmp0, $4  }
0x2c: {  	_ =	sdelay $0x7ff  }
0x2d: {  	_ =	sdelay $0x7ff  }
0x2e: {  	_ =	sdelay $0x7ff  }
0x2f: {  	s9 =	sadd.s32 $0xFFFFFFFF, s9;
	_ =	sdelay $0xe  }
.LBB2_1:
0x30: {  	p0 =	sne.s32 s9, $0x1;
	s9 =	sadd.s32 $0xFFFFFFFF, s9;
	[bflag:$0x0] =	sbarrier.arrive $0xFFFF  }
0x31: {  	[bflag:$0x0] =	sbarrier.arrive $0xFFFF  }
0x32: {  	_ =	sdelay $0x7ff  }
0x33: {  	_ =	sdelay $0x7ff  }
0x34: {  	_ =	sdelay $0x7ff  }
0x35: {  	_ =	sdelay $0x7ff  }
0x36: {  	_ =	sdelay $0x7ff  }
0x37: {  	_ =	sdelay $0x7ff  }
0x38: {  	_ =	sdelay $0x7ff  }
0x39: {  	_ =	sdelay $0x7ff  }
0x3a: {  	_ =	sdelay $0x7  }
0x3b: {  	[bflag:$0x0] =	sbarrier.arrive $0xFFFF  }
0x3c: {  	[tilespmem:s1], [sflag:$0x2] =	stream.linear.gather [hbm4b:s3+s1], $0x40, $0x38;
	[tilespmem:$0x1A40] =	vst v63  }
0x3d: {  	_ =	swait.ge [sflag:s4], $0x40  }
0x3e: {  	[sflag:s4] =	ssyncset.done $0x0  }
0x3f: {  	[sflag:s4] =	ssyncadd.s32 $0xFFFFFFC0  }
0x40: {  	[tilespmem:s6], [sflag:$0x1] =	stream.indirect.gather [hbm4b:s5+s6], $0x68, s1, s6, $0xb8;
	[tilespmem:$0x1A40] =	vst v63  }
0x41: {  	_ =	swait.ge [sflag:s7], $0x1A00  }
0x42: {  	[sflag:s7] =	ssyncset.done $0x0  }
0x43: {  	[sflag:s7] =	ssyncadd.s32 $0xFFFFE600  }
0x44: {  	[hbm4b:s8+s1] =	stream.linear.scatter [tilespmem:s6], [sflag:$0x2], $0x1A00, $0x38;
	[tilespmem:$0x1A40] =	vst v63  }
0x45: {  	_ =	swait.ge [sflag:s4], $0x1A00  }
0x46: {  	[sflag:s4] =	ssyncset.done $0x0  }
0x47: {  	[sflag:s4] =	ssyncadd.s32 $0xFFFFE600  }
0x48: {  	[tilespmem:s6], [sflag:$0x2] =	stream.linear.gather [hbm4b:s8+s1], $0x1A00, $0x38;
	[tilespmem:$0x1A40] =	vst v63  }
0x49: {  	_ =	swait.ge [sflag:s4], $0x1A00  }
0x4a: {  	[sflag:s4] =	ssyncset.done $0x0  }
0x4b: {  	[sflag:s4] =	ssyncadd.s32 $0xFFFFE600  }
0x4c: {  	[bflag:$0x0] =	sbarrier.arrive $0xFFFF  }
0x4d: {  	_ =	sdelay $0x7ff  }
0x4e: {  	_ =	sdelay $0x7ff  }
0x4f: {  	_ =	sdelay $0x7ff  }
0x50: {  	_ =	sdelay $0x7ff  }
0x51: {  	_ =	sdelay $0x7ff  }
0x52: {  	_ =	sdelay $0x7ff  }
0x53: {  	_ =	sdelay $0x7ff  }
0x54: {  	_ =	sdelay $0x7ff  }
0x55: {  	_ =	sdelay $0x7ff  }
0x56: {  	_ =	sdelay $0x7ff  }
0x57: {  	_ =	sdelay $0x7ff  }
.Ltmp1:
0x58: {  	_ =	sdelay $0x7ff;
	(pc) =	sbr.rel @p0 .LBB2_1-.Ltmp1, $4  }
0x59: {  	_ =	sdelay $0x7ff  }
0x5a: {  	_ =	sdelay $0x7ff  }
0x5b: {  	_ =	sdelay $0x7ff  }
0x5c: {  	_ =	sdelay $0xe  }
.LBB2_2:
0x5d: {  	[bflag:$0x0] =	sbarrier.arrive $0xFFFF  }
0x5e: {  	_ =	sfence.sel $0x180000  }
0x5f: {  	[bflag:$0x0] =	sbarrier.arrive $0xFFFF  }
0x60: {  	p0 =	sne.s32 s2, $0x0;
	_ =	strace $0x90000065  }
0x61: {  	s0 =	sadd.s32 @!p0 $0x100000, s0;
	[bflag:$0x2] =	sbarrier.arrive $0xFFFF  }
0x62: {  	[sflag:s0] =	ssyncadd.tile.s32 @!p0 $0x1;
	_ =	shalt  }
.Lfunc_end2:
_tile_overlayer_lowered:
.L_overlay_start_2:
0x63: {  	(tag) =	ssettag $0x2  }
0x64: {  	s0 =	rddreg [dreg:$0x0];
	s2 =	stileid.u32  }
0x65: {  	s1 =	rddreg [dreg:$0x1];
	p0 =	sne.s32 s2, $0x0  }
0x66: {  	s3 =	rddreg [dreg:$0x2];
	[bflag:$0x3] =	sbarrier.arrive $0xFFFF;
	s2 =	simm.s32 @!p0 $0x1C02  }
0x67: {  	[timem:s3], [sflag:s2] =	dma.local @!p0 [hbm:s0], s1  }
0x68: {  	s0 =	simm.s32 @!p0 $0x2  }
0x69: {  	_ =	swait.ge @!p0 [sflag:s0], s1  }
0x6a: {  	s1 =	ssub.s32 @!p0 $0x0, s1;
	[sflag:s0] =	ssyncset.done @!p0 $0x0  }
0x6b: {  	[sflag:s0] =	ssyncadd.s32 @!p0 s1  }
0x6c: {  	[bflag:$0x3] =	sbarrier.arrive $0xFFFF  }
0x6d: {  	_ =	shalt  }

</sc_bundles>
